<compile_context>
chip_gen: v7x
topology: tpu7x:2x2x1
jax: 0.10.2.dev20260603
libtpu: 0.0.44.dev20260713+nightly
codegen_flags: <defaults>
</compile_context>

<pallas_src>
import functools

import jax
import jax.numpy as jnp
from jax import lax
from jax.experimental import pallas as pl
from jax.experimental.pallas import tpu as pltpu
from jax.experimental.pallas import tpu_sc as plsc

N = 10000
E = 320000
F_IN = 128
HID = 128
CLS = 16

NC = 2
NS = 16
NW = NC * NS
EPW = E // NW
RPT = N // NS
ZR = 25

BC = 2000
NCC = EPW // BC
B3 = 100
CN3 = EPW // B3
PH3 = 4
CPP3 = CN3 // PH3

_MESH = plsc.VectorSubcoreMesh(core_axis_name="c", subcore_axis_name="s")
_SC_PARAMS = pltpu.CompilerParams(use_tc_tiling_on_sc=False)


def _zero_fill(buf, nrows, ncol):
    def body(i, _):
        for k in range(ncol // 16):
            buf[i, pl.ds(k * 16, 16)] = jnp.zeros((16,), jnp.float32)
        return 0
    lax.fori_loop(0, nrows, body, 0)


@functools.partial(
    pl.kernel,
    out_type=jax.ShapeDtypeStruct((NC, N, 16), jnp.float32),
    mesh=_MESH,
    compiler_params=_SC_PARAMS,
    scratch_types=[
        pltpu.VMEM_SHARED((N, 16), jnp.float32),
        pltpu.VMEM((NCC, BC), jnp.int32),
        pltpu.VMEM((BC, 16), jnp.float32),
        pltpu.VMEM((RPT, 16), jnp.float32),
        pltpu.SemaphoreType.DMA,
    ],
)
def _deg_kernel(dst_hbm, out_hbm, acc, dstv, ones, zbuf, sem):
    c = lax.axis_index("c")
    s = lax.axis_index("s")
    wid = c * NS + s

    def fill_ones(i, _):
        for k in range(4):
            ones[i * 4 + k, :] = jnp.ones((16,), jnp.float32)
        return 0
    lax.fori_loop(0, BC // 4, fill_ones, 0)
    def fill_zero(i, _):
        for k in range(5):
            zbuf[i * 5 + k, :] = jnp.zeros((16,), jnp.float32)
        return 0
    lax.fori_loop(0, RPT // 5, fill_zero, 0)

    pltpu.sync_copy(dst_hbm.at[wid], dstv)
    pltpu.sync_copy(zbuf, acc.at[pl.ds(s * RPT, RPT)])
    plsc.subcore_barrier()

    def chunk(i, _):
        pltpu.async_copy(ones, acc.at[dstv.at[i]], sem, add=True)
        return 0
    lax.fori_loop(0, NCC, chunk, 0)
    def drain(i, _):
        pltpu.make_async_copy(ones, acc.at[dstv.at[i]], sem).wait()
        return 0
    lax.fori_loop(0, NCC, drain, 0)
    plsc.subcore_barrier()

    pltpu.sync_copy(acc.at[pl.ds(s * RPT, RPT)],
                    out_hbm.at[c].at[pl.ds(s * RPT, RPT)])


def _make_prop(F, CB, CN, PH):
    CPP = CN // PH

    @functools.partial(
        pl.kernel,
        out_type=jax.ShapeDtypeStruct((NC, N, F), jnp.float32),
        mesh=_MESH,
        compiler_params=_SC_PARAMS,
        scratch_types=[
            pltpu.VMEM_SHARED((N, F), jnp.float32),
            pltpu.VMEM((CPP, CB), jnp.int32),
            pltpu.VMEM((CPP, CB), jnp.int32),
            pltpu.VMEM((CB, F), jnp.float32),
            pltpu.VMEM((CB, F), jnp.float32),
            pltpu.VMEM((CB, F), jnp.float32),
            pltpu.VMEM((ZR, F), jnp.float32),
            pltpu.SemaphoreType.DMA,
            pltpu.SemaphoreType.DMA,
            pltpu.SemaphoreType.DMA,
            pltpu.SemaphoreType.DMA,
            pltpu.SemaphoreType.DMA,
            pltpu.SemaphoreType.DMA,
        ],
    )
    def _prop(src_hbm, dst_hbm, hs_hbm, out_hbm, acc, srcv, dstv,
              r0, r1, r2, zbuf, g0, g1, g2, s0, s1, s2):
        c = lax.axis_index("c")
        s = lax.axis_index("s")
        wid = c * NS + s
        rows = [r0, r1, r2]
        gsem = [g0, g1, g2]
        ssem = [s0, s1, s2]

        _zero_fill(zbuf, ZR, F)
        def zinit(r, _):
            pltpu.async_copy(zbuf, acc.at[pl.ds(s * RPT + r * ZR, ZR)], g0)
            return 0
        lax.fori_loop(0, RPT // ZR, zinit, 0)
        def zdrain(r, _):
            pltpu.make_async_copy(
                zbuf, acc.at[pl.ds(s * RPT + r * ZR, ZR)], g0).wait()
            return 0
        lax.fori_loop(0, RPT // ZR, zdrain, 0)

        for ph in range(PH):
            if PH == 1:
                pltpu.sync_copy(src_hbm.at[wid], srcv)
                pltpu.sync_copy(dst_hbm.at[wid], dstv)
            else:
                pltpu.sync_copy(src_hbm.at[wid].at[pl.ds(ph * CPP, CPP)],
                                srcv)
                pltpu.sync_copy(dst_hbm.at[wid].at[pl.ds(ph * CPP, CPP)],
                                dstv)
            if ph == 0:
                plsc.subcore_barrier()

            pltpu.async_copy(hs_hbm.at[srcv.at[0]], r0, g0)
            pltpu.async_copy(hs_hbm.at[srcv.at[1]], r1, g1)

            def chunk_step(i, k):
                pltpu.make_async_copy(hs_hbm.at[srcv.at[i]], rows[k],
                                      gsem[k]).wait()
                pltpu.async_copy(rows[k], acc.at[dstv.at[i]], ssem[k],
                                 add=True)
                j = i + 2
                m = (k + 2) % 3

                @pl.when(j < CPP)
                def _():
                    @pl.when(i >= 1)
                    def _():
                        pltpu.make_async_copy(rows[m],
                                              acc.at[dstv.at[i - 1]],
                                              ssem[m]).wait()
                    pltpu.async_copy(hs_hbm.at[srcv.at[j]], rows[m], gsem[m])

            def triple(t, _):
                for k in range(3):
                    chunk_step(3 * t + k, k)
                return 0
            lax.fori_loop(0, CPP // 3, triple, 0)
            for k in range(CPP - (CPP // 3) * 3):
                chunk_step((CPP // 3) * 3 + k, k)

            for back in range(3):
                i = CPP - 3 + back
                pltpu.make_async_copy(rows[i % 3], acc.at[dstv.at[i]],
                                      ssem[i % 3]).wait()

        plsc.subcore_barrier()
        pltpu.sync_copy(acc.at[pl.ds(s * RPT, RPT)],
                        out_hbm.at[c].at[pl.ds(s * RPT, RPT)])

    return _prop


_prop_hid = _make_prop(HID, B3, CN3, PH3)
_prop_cls = _make_prop(CLS, BC, NCC, 1)


def _tc1_body(degp_ref, x_ref, w1_ref, dinv_ref, hs1_ref):
    deg = (jnp.max(degp_ref[0], axis=1, keepdims=True)
           + jnp.max(degp_ref[1], axis=1, keepdims=True) + 1.0)
    dinv = lax.rsqrt(deg)
    dinv_ref[...] = dinv
    h = jnp.dot(x_ref[...], w1_ref[...], preferred_element_type=jnp.float32)
    hs1_ref[...] = h * dinv


def _tc2_body(accp_ref, hs1_ref, dinv_ref, w2_ref, b1_ref, hs2_ref):
    dinv = dinv_ref[...]
    out1 = dinv * (accp_ref[0] + accp_ref[1] + hs1_ref[...]) + b1_ref[...]
    z = jnp.maximum(out1, 0.0)
    h2 = jnp.dot(z, w2_ref[...], preferred_element_type=jnp.float32)
    hs2_ref[...] = h2 * dinv


def _tc3_body(accp_ref, hs2_ref, dinv_ref, b2_ref, out_ref):
    logits = (dinv_ref[...] * (accp_ref[0] + accp_ref[1] + hs2_ref[...])
              + b2_ref[...])
    m = jnp.max(logits, axis=1, keepdims=True)
    lse = jnp.log(jnp.sum(jnp.exp(logits - m), axis=1, keepdims=True))
    out_ref[...] = logits - m - lse


_G = 2
_BN = N // _G

_tc1 = pl.pallas_call(
    _tc1_body,
    grid=(_G,),
    in_specs=[
        pl.BlockSpec((NC, _BN, 16), lambda i: (0, i, 0)),
        pl.BlockSpec((_BN, F_IN), lambda i: (i, 0)),
        pl.BlockSpec((F_IN, HID), lambda i: (0, 0)),
    ],
    out_specs=[
        pl.BlockSpec((_BN, 1), lambda i: (i, 0)),
        pl.BlockSpec((_BN, HID), lambda i: (i, 0)),
    ],
    out_shape=[
        jax.ShapeDtypeStruct((N, 1), jnp.float32),
        jax.ShapeDtypeStruct((N, HID), jnp.float32),
    ],
)

_tc2 = pl.pallas_call(
    _tc2_body,
    grid=(_G,),
    in_specs=[
        pl.BlockSpec((NC, _BN, HID), lambda i: (0, i, 0)),
        pl.BlockSpec((_BN, HID), lambda i: (i, 0)),
        pl.BlockSpec((_BN, 1), lambda i: (i, 0)),
        pl.BlockSpec((HID, CLS), lambda i: (0, 0)),
        pl.BlockSpec((1, HID), lambda i: (0, 0)),
    ],
    out_specs=pl.BlockSpec((_BN, CLS), lambda i: (i, 0)),
    out_shape=jax.ShapeDtypeStruct((N, CLS), jnp.float32),
)

_tc3 = pl.pallas_call(
    _tc3_body,
    grid=(_G,),
    in_specs=[
        pl.BlockSpec((NC, _BN, CLS), lambda i: (0, i, 0)),
        pl.BlockSpec((_BN, CLS), lambda i: (i, 0)),
        pl.BlockSpec((_BN, 1), lambda i: (i, 0)),
        pl.BlockSpec((1, CLS), lambda i: (0, 0)),
    ],
    out_specs=pl.BlockSpec((_BN, CLS), lambda i: (i, 0)),
    out_shape=jax.ShapeDtypeStruct((N, CLS), jnp.float32),
)


@jax.jit
def kernel(x, edge_index, W1, b1, W2, b2):
    srch = edge_index[0].reshape(NW, CN3, B3)
    dsth = edge_index[1].reshape(NW, CN3, B3)
    srcc = edge_index[0].reshape(NW, NCC, BC)
    dstc = edge_index[1].reshape(NW, NCC, BC)
    b1r = b1.reshape(1, HID)
    b2r = b2.reshape(1, CLS)

    degp = _deg_kernel(dstc)
    dinv, hs1 = _tc1(degp, x, W1)
    acc1 = _prop_hid(srch, dsth, hs1)
    hs2 = _tc2(acc1, hs1, dinv, W2, b1r)
    acc2 = _prop_cls(srcc, dstc, hs2)
    return _tc3(acc2, hs2, dinv, b2r)

# --- scband reference (transcript-rebuilt; emitter-appended) ---
"""Pipeline reference for scband-gcn-net-56891136803140 (READ-ONLY COPY).

The authoritative reference and input builder live on the scoring server;
editing this copy changes nothing except your own understanding.
"""

import jax, jax.numpy as jnp
import numpy as np

N = 10000
E = 320000
F_IN = 128
HID = 128
CLS = 16


def gcn_conv(x, edge_index, W, b):
    # Faithful PyG GCNConv: add self-loops, symmetric deg^{-1/2} normalization,
    # linear transform, scatter-add aggregation, bias.
    n = x.shape[0]
    loop = jnp.arange(n, dtype=edge_index.dtype)
    src = jnp.concatenate([edge_index[0], loop])
    dst = jnp.concatenate([edge_index[1], loop])
    ones = jnp.ones(src.shape[0], dtype=x.dtype)
    deg = jnp.zeros(n, dtype=x.dtype).at[dst].add(ones)
    dinv = jnp.where(deg > 0, 1.0 / jnp.sqrt(deg), 0.0)
    norm = dinv[src] * dinv[dst]
    h = x @ W
    msg = h[src] * norm[:, None]
    out = jnp.zeros((n, W.shape[1]), dtype=x.dtype).at[dst].add(msg)
    return out + b


def setup_inputs(seed: int = 0):
    key = jax.random.key(seed)
    k1, k2, k3, k4 = jax.random.split(key, 4)
    x = jax.random.normal(k1, (N, F_IN), dtype=jnp.float32)
    edge_index = jax.random.randint(k2, (2, E), 0, N, dtype=jnp.int32)
    W1 = jax.random.normal(k3, (F_IN, HID), dtype=jnp.float32) * (1.0 / np.sqrt(F_IN))
    b1 = jnp.zeros((HID,), dtype=jnp.float32)
    W2 = jax.random.normal(k4, (HID, CLS), dtype=jnp.float32) * (1.0 / np.sqrt(HID))
    b2 = jnp.zeros((CLS,), dtype=jnp.float32)
    return {"x": x, "edge_index": edge_index, "W1": W1, "b1": b1, "W2": W2, "b2": b2}


def reference(x, edge_index, W1, b1, W2, b2):
    h = jax.nn.relu(gcn_conv(x, edge_index, W1, b1))
    # F.dropout(training=self.training): identity in eval mode
    out = gcn_conv(h, edge_index, W2, b2)
    return jax.nn.log_softmax(out, axis=1)

if __name__ == "__main__":
    import jax
    _d = setup_inputs()
    print(jax.jit(kernel)(*tuple(_d.values())))

</pallas_src>

<mosaic_0001>
#map = affine_map<(d0, d1) -> (0, 0, 0)>
module attributes {stable_mosaic.version = 14 : i64} {
  func.func @_deg_kernel(%arg0: i32, %arg1: i32, %arg2: memref<32x5x2000xi32, #tpu.memory_space<hbm>>, %arg3: memref<2x10000x16xf32, #tpu.memory_space<hbm>>, %arg4: memref<10000x16xf32, #tpu.memory_space<vmem_shared>>, %arg5: memref<5x2000xi32, #tpu.memory_space<vmem>>, %arg6: memref<2000x16xf32, #tpu.memory_space<vmem>>, %arg7: memref<625x16xf32, #tpu.memory_space<vmem>>, %arg8: memref<!tpu.dma_semaphore, #tpu.memory_space<semaphore_mem>>) attributes {dimension_semantics = [#tpu.dimension_semantics<core_parallel>, #tpu.dimension_semantics<subcore_parallel>], iteration_bounds = array<i64: 2, 16>, scalar_prefetch = 0 : i64, scratch_operands = 5 : i64, tpu.core_type = #tpu.core_type<sc_vector_subcore>, window_params = [{transform_indices = #map}, {transform_indices = #map}]} {
    %mul3A = arith.constant 16 : i32
    %mul3A_0 = arith.muli %arg0, %mul3A : i32
    %add3A = arith.addi %mul3A_0, %arg1 : i32
    %scan3A = arith.constant 0 : i32
    %scan3A_1 = arith.constant 0 : i32
    %scan3A_2 = arith.constant 500 : i32
    %scan3A_3 = arith.addi %scan3A_1, %scan3A_2 : i32
    %scan3A_4 = arith.constant 1 : i32
    %scan3A_5 = scf.for %scan3A_35 = %scan3A_1 to %scan3A_3 step %scan3A_4 iter_args(%scan3A_36 = %scan3A) -> (i32)  : i32 {
      %broadcast_in_dim3A = arith.constant 1.000000e+00 : f32
      %broadcast_in_dim3A_37 = vector.broadcast %broadcast_in_dim3A : f32 to vector<16xf32>
      %mul3A_38 = arith.constant 4 : i32
      %mul3A_39 = arith.muli %scan3A_35, %mul3A_38 : i32
      %add3A_40 = arith.constant 0 : i32
      %add3A_41 = arith.addi %mul3A_39, %add3A_40 : i32
      %swap3A = arith.index_cast %add3A_41 : i32 to index
      %swap3A_42 = arith.constant 0 : index
      %swap3A_43 = tpu.vector_load %arg6[%swap3A, %swap3A_42] {strides = array<i32>} : memref<2000x16xf32, #tpu.memory_space<vmem>>, vector<1x16xf32>,
      %swap3A_44 = vector.shape_cast %swap3A_43 : vector<1x16xf32> to vector<16xf32>
      %swap3A_45 = vector.shape_cast %broadcast_in_dim3A_37 : vector<16xf32> to vector<1x16xf32>
      tpu.vector_store %arg6[%swap3A, %swap3A_42], %swap3A_45 {strides = array<i32>} : memref<2000x16xf32, #tpu.memory_space<vmem>>, vector<1x16xf32>,
      %broadcast_in_dim3A_46 = arith.constant 1.000000e+00 : f32
      %broadcast_in_dim3A_47 = vector.broadcast %broadcast_in_dim3A_46 : f32 to vector<16xf32>
      %mul3A_48 = arith.constant 4 : i32
      %mul3A_49 = arith.muli %scan3A_35, %mul3A_48 : i32
      %add3A_50 = arith.constant 1 : i32
      %add3A_51 = arith.addi %mul3A_49, %add3A_50 : i32
      %swap3A_52 = arith.index_cast %add3A_51 : i32 to index
      %swap3A_53 = arith.constant 0 : index
      %swap3A_54 = tpu.vector_load %arg6[%swap3A_52, %swap3A_53] {strides = array<i32>} : memref<2000x16xf32, #tpu.memory_space<vmem>>, vector<1x16xf32>,
      %swap3A_55 = vector.shape_cast %swap3A_54 : vector<1x16xf32> to vector<16xf32>
      %swap3A_56 = vector.shape_cast %broadcast_in_dim3A_47 : vector<16xf32> to vector<1x16xf32>
      tpu.vector_store %arg6[%swap3A_52, %swap3A_53], %swap3A_56 {strides = array<i32>} : memref<2000x16xf32, #tpu.memory_space<vmem>>, vector<1x16xf32>,
      %broadcast_in_dim3A_57 = arith.constant 1.000000e+00 : f32
      %broadcast_in_dim3A_58 = vector.broadcast %broadcast_in_dim3A_57 : f32 to vector<16xf32>
      %mul3A_59 = arith.constant 4 : i32
      %mul3A_60 = arith.muli %scan3A_35, %mul3A_59 : i32
      %add3A_61 = arith.constant 2 : i32
      %add3A_62 = arith.addi %mul3A_60, %add3A_61 : i32
      %swap3A_63 = arith.index_cast %add3A_62 : i32 to index
      %swap3A_64 = arith.constant 0 : index
      %swap3A_65 = tpu.vector_load %arg6[%swap3A_63, %swap3A_64] {strides = array<i32>} : memref<2000x16xf32, #tpu.memory_space<vmem>>, vector<1x16xf32>,
      %swap3A_66 = vector.shape_cast %swap3A_65 : vector<1x16xf32> to vector<16xf32>
      %swap3A_67 = vector.shape_cast %broadcast_in_dim3A_58 : vector<16xf32> to vector<1x16xf32>
      tpu.vector_store %arg6[%swap3A_63, %swap3A_64], %swap3A_67 {strides = array<i32>} : memref<2000x16xf32, #tpu.memory_space<vmem>>, vector<1x16xf32>,
      %broadcast_in_dim3A_68 = arith.constant 1.000000e+00 : f32
      %broadcast_in_dim3A_69 = vector.broadcast %broadcast_in_dim3A_68 : f32 to vector<16xf32>
      %mul3A_70 = arith.constant 4 : i32
      %mul3A_71 = arith.muli %scan3A_35, %mul3A_70 : i32
      %add3A_72 = arith.constant 3 : i32
      %add3A_73 = arith.addi %mul3A_71, %add3A_72 : i32
      %swap3A_74 = arith.index_cast %add3A_73 : i32 to index
      %swap3A_75 = arith.constant 0 : index
      %swap3A_76 = tpu.vector_load %arg6[%swap3A_74, %swap3A_75] {strides = array<i32>} : memref<2000x16xf32, #tpu.memory_space<vmem>>, vector<1x16xf32>,
      %swap3A_77 = vector.shape_cast %swap3A_76 : vector<1x16xf32> to vector<16xf32>
      %swap3A_78 = vector.shape_cast %broadcast_in_dim3A_69 : vector<16xf32> to vector<1x16xf32>
      tpu.vector_store %arg6[%swap3A_74, %swap3A_75], %swap3A_78 {strides = array<i32>} : memref<2000x16xf32, #tpu.memory_space<vmem>>, vector<1x16xf32>,
      %scan3A_79 = arith.constant 0 : i32
      scf.yield %scan3A_79 : i32
    }
    %scan3A_6 = arith.constant 500 : i32
    %scan3A_7 = arith.constant 0 : i32
    %scan3A_8 = arith.constant 0 : i32
    %scan3A_9 = arith.constant 125 : i32
    %scan3A_10 = arith.addi %scan3A_8, %scan3A_9 : i32
    %scan3A_11 = arith.constant 1 : i32
    %scan3A_12 = scf.for %scan3A_35 = %scan3A_8 to %scan3A_10 step %scan3A_11 iter_args(%scan3A_36 = %scan3A_7) -> (i32)  : i32 {
      %broadcast_in_dim3A = arith.constant 0.000000e+00 : f32
      %broadcast_in_dim3A_37 = vector.broadcast %broadcast_in_dim3A : f32 to vector<16xf32>
      %mul3A_38 = arith.constant 5 : i32
      %mul3A_39 = arith.muli %scan3A_35, %mul3A_38 : i32
      %add3A_40 = arith.constant 0 : i32
      %add3A_41 = arith.addi %mul3A_39, %add3A_40 : i32
      %swap3A = arith.index_cast %add3A_41 : i32 to index
      %swap3A_42 = arith.constant 0 : index
      %swap3A_43 = tpu.vector_load %arg7[%swap3A, %swap3A_42] {strides = array<i32>} : memref<625x16xf32, #tpu.memory_space<vmem>>, vector<1x16xf32>,
      %swap3A_44 = vector.shape_cast %swap3A_43 : vector<1x16xf32> to vector<16xf32>
      %swap3A_45 = vector.shape_cast %broadcast_in_dim3A_37 : vector<16xf32> to vector<1x16xf32>
      tpu.vector_store %arg7[%swap3A, %swap3A_42], %swap3A_45 {strides = array<i32>} : memref<625x16xf32, #tpu.memory_space<vmem>>, vector<1x16xf32>,
      %broadcast_in_dim3A_46 = arith.constant 0.000000e+00 : f32
      %broadcast_in_dim3A_47 = vector.broadcast %broadcast_in_dim3A_46 : f32 to vector<16xf32>
      %mul3A_48 = arith.constant 5 : i32
      %mul3A_49 = arith.muli %scan3A_35, %mul3A_48 : i32
      %add3A_50 = arith.constant 1 : i32
      %add3A_51 = arith.addi %mul3A_49, %add3A_50 : i32
      %swap3A_52 = arith.index_cast %add3A_51 : i32 to index
      %swap3A_53 = arith.constant 0 : index
      %swap3A_54 = tpu.vector_load %arg7[%swap3A_52, %swap3A_53] {strides = array<i32>} : memref<625x16xf32, #tpu.memory_space<vmem>>, vector<1x16xf32>,
      %swap3A_55 = vector.shape_cast %swap3A_54 : vector<1x16xf32> to vector<16xf32>
      %swap3A_56 = vector.shape_cast %broadcast_in_dim3A_47 : vector<16xf32> to vector<1x16xf32>
      tpu.vector_store %arg7[%swap3A_52, %swap3A_53], %swap3A_56 {strides = array<i32>} : memref<625x16xf32, #tpu.memory_space<vmem>>, vector<1x16xf32>,
      %broadcast_in_dim3A_57 = arith.constant 0.000000e+00 : f32
      %broadcast_in_dim3A_58 = vector.broadcast %broadcast_in_dim3A_57 : f32 to vector<16xf32>
      %mul3A_59 = arith.constant 5 : i32
      %mul3A_60 = arith.muli %scan3A_35, %mul3A_59 : i32
      %add3A_61 = arith.constant 2 : i32
      %add3A_62 = arith.addi %mul3A_60, %add3A_61 : i32
      %swap3A_63 = arith.index_cast %add3A_62 : i32 to index
      %swap3A_64 = arith.constant 0 : index
      %swap3A_65 = tpu.vector_load %arg7[%swap3A_63, %swap3A_64] {strides = array<i32>} : memref<625x16xf32, #tpu.memory_space<vmem>>, vector<1x16xf32>,
      %swap3A_66 = vector.shape_cast %swap3A_65 : vector<1x16xf32> to vector<16xf32>
      %swap3A_67 = vector.shape_cast %broadcast_in_dim3A_58 : vector<16xf32> to vector<1x16xf32>
      tpu.vector_store %arg7[%swap3A_63, %swap3A_64], %swap3A_67 {strides = array<i32>} : memref<625x16xf32, #tpu.memory_space<vmem>>, vector<1x16xf32>,
      %broadcast_in_dim3A_68 = arith.constant 0.000000e+00 : f32
      %broadcast_in_dim3A_69 = vector.broadcast %broadcast_in_dim3A_68 : f32 to vector<16xf32>
      %mul3A_70 = arith.constant 5 : i32
      %mul3A_71 = arith.muli %scan3A_35, %mul3A_70 : i32
      %add3A_72 = arith.constant 3 : i32
      %add3A_73 = arith.addi %mul3A_71, %add3A_72 : i32
      %swap3A_74 = arith.index_cast %add3A_73 : i32 to index
      %swap3A_75 = arith.constant 0 : index
      %swap3A_76 = tpu.vector_load %arg7[%swap3A_74, %swap3A_75] {strides = array<i32>} : memref<625x16xf32, #tpu.memory_space<vmem>>, vector<1x16xf32>,
      %swap3A_77 = vector.shape_cast %swap3A_76 : vector<1x16xf32> to vector<16xf32>
      %swap3A_78 = vector.shape_cast %broadcast_in_dim3A_69 : vector<16xf32> to vector<1x16xf32>
      tpu.vector_store %arg7[%swap3A_74, %swap3A_75], %swap3A_78 {strides = array<i32>} : memref<625x16xf32, #tpu.memory_space<vmem>>, vector<1x16xf32>,
      %broadcast_in_dim3A_79 = arith.constant 0.000000e+00 : f32
      %broadcast_in_dim3A_80 = vector.broadcast %broadcast_in_dim3A_79 : f32 to vector<16xf32>
      %mul3A_81 = arith.constant 5 : i32
      %mul3A_82 = arith.muli %scan3A_35, %mul3A_81 : i32
      %add3A_83 = arith.constant 4 : i32
      %add3A_84 = arith.addi %mul3A_82, %add3A_83 : i32
      %swap3A_85 = arith.index_cast %add3A_84 : i32 to index
      %swap3A_86 = arith.constant 0 : index
      %swap3A_87 = tpu.vector_load %arg7[%swap3A_85, %swap3A_86] {strides = array<i32>} : memref<625x16xf32, #tpu.memory_space<vmem>>, vector<1x16xf32>,
      %swap3A_88 = vector.shape_cast %swap3A_87 : vector<1x16xf32> to vector<16xf32>
      %swap3A_89 = vector.shape_cast %broadcast_in_dim3A_80 : vector<16xf32> to vector<1x16xf32>
      tpu.vector_store %arg7[%swap3A_85, %swap3A_86], %swap3A_89 {strides = array<i32>} : memref<625x16xf32, #tpu.memory_space<vmem>>, vector<1x16xf32>,
      %scan3A_90 = arith.constant 0 : i32
      scf.yield %scan3A_90 : i32
    }
    %scan3A_13 = arith.constant 125 : i32
    "tpu.region"() ({
      %run_scoped3A = tpu.sem_alloc : memref<!tpu.dma_semaphore, #tpu.memory_space<semaphore_mem>>
      %dma_start3A = arith.constant 0 : i32
      %dma_start3A_35 = arith.constant 0 : i32
      %dma_start3A_36 = tpu.memref_slice %arg2[%add3A, %dma_start3A, %dma_start3A_35] : memref<32x5x2000xi32, #tpu.memory_space<hbm>> -> memref<1x5x2000xi32, #tpu.memory_space<hbm>>
      %dma_start3A_37 = tpu.memref_squeeze %dma_start3A_36 : memref<1x5x2000xi32, #tpu.memory_space<hbm>> -> memref<5x2000xi32, #tpu.memory_space<hbm>>
      %dma_start3A_38 = arith.constant 0 : i32
      %dma_start3A_39 = arith.constant 0 : i32
      %dma_start3A_40 = tpu.memref_slice %arg2[%add3A, %dma_start3A_38, %dma_start3A_39] : memref<32x5x2000xi32, #tpu.memory_space<hbm>> -> memref<1x5x2000xi32, #tpu.memory_space<hbm>>
      %dma_start3A_41 = tpu.memref_squeeze %dma_start3A_40 : memref<1x5x2000xi32, #tpu.memory_space<hbm>> -> memref<5x2000xi32, #tpu.memory_space<hbm>>
      tpu.enqueue_dma source(%dma_start3A_41 : memref<5x2000xi32, #tpu.memory_space<hbm>>) target(%arg5 : memref<5x2000xi32, #tpu.memory_space<vmem>>) target_semaphore(%run_scoped3A : memref<!tpu.dma_semaphore, #tpu.memory_space<semaphore_mem>>)
      %dma_wait3A = arith.constant 0 : i32
      %dma_wait3A_42 = arith.constant 0 : i32
      %dma_wait3A_43 = tpu.memref_slice %arg2[%add3A, %dma_wait3A, %dma_wait3A_42] : memref<32x5x2000xi32, #tpu.memory_space<hbm>> -> memref<1x5x2000xi32, #tpu.memory_space<hbm>>
      %dma_wait3A_44 = tpu.memref_squeeze %dma_wait3A_43 : memref<1x5x2000xi32, #tpu.memory_space<hbm>> -> memref<5x2000xi32, #tpu.memory_space<hbm>>
      %dma_wait3A_45 = arith.constant 0 : i32
      %dma_wait3A_46 = arith.constant 0 : i32
      %dma_wait3A_47 = tpu.memref_slice %arg2[%add3A, %dma_wait3A_45, %dma_wait3A_46] : memref<32x5x2000xi32, #tpu.memory_space<hbm>> -> memref<1x5x2000xi32, #tpu.memory_space<hbm>>
      %dma_wait3A_48 = tpu.memref_squeeze %dma_wait3A_47 : memref<1x5x2000xi32, #tpu.memory_space<hbm>> -> memref<5x2000xi32, #tpu.memory_space<hbm>>
      tpu.wait_dma2 semaphore(%run_scoped3A : memref<!tpu.dma_semaphore, #tpu.memory_space<semaphore_mem>>) src(%dma_wait3A_48 : memref<5x2000xi32, #tpu.memory_space<hbm>>) dst(%arg5 : memref<5x2000xi32, #tpu.memory_space<vmem>>)
      tpu.yield
    }) : () -> ()
    %mul3A_14 = arith.constant 625 : i32
    %mul3A_15 = arith.muli %arg1, %mul3A_14 : i32
    "tpu.region"() ({
      %run_scoped3A = tpu.sem_alloc : memref<!tpu.dma_semaphore, #tpu.memory_space<semaphore_mem>>
      %dma_start3A = arith.constant 0 : i32
      %dma_start3A_35 = tpu.memref_slice %arg4[%mul3A_15, %dma_start3A] : memref<10000x16xf32, #tpu.memory_space<vmem_shared>> -> memref<625x16xf32, #tpu.memory_space<vmem_shared>>
      %dma_start3A_36 = arith.constant 0 : i32
      %dma_start3A_37 = tpu.memref_slice %arg4[%mul3A_15, %dma_start3A_36] : memref<10000x16xf32, #tpu.memory_space<vmem_shared>> -> memref<625x16xf32, #tpu.memory_space<vmem_shared>>
      tpu.enqueue_dma source(%arg7 : memref<625x16xf32, #tpu.memory_space<vmem>>) target(%dma_start3A_37 : memref<625x16xf32, #tpu.memory_space<vmem_shared>>) target_semaphore(%run_scoped3A : memref<!tpu.dma_semaphore, #tpu.memory_space<semaphore_mem>>)
      %dma_wait3A = arith.constant 0 : i32
      %dma_wait3A_38 = tpu.memref_slice %arg4[%mul3A_15, %dma_wait3A] : memref<10000x16xf32, #tpu.memory_space<vmem_shared>> -> memref<625x16xf32, #tpu.memory_space<vmem_shared>>
      %dma_wait3A_39 = arith.constant 0 : i32
      %dma_wait3A_40 = tpu.memref_slice %arg4[%mul3A_15, %dma_wait3A_39] : memref<10000x16xf32, #tpu.memory_space<vmem_shared>> -> memref<625x16xf32, #tpu.memory_space<vmem_shared>>
      tpu.wait_dma2 semaphore(%run_scoped3A : memref<!tpu.dma_semaphore, #tpu.memory_space<semaphore_mem>>) src(%arg7 : memref<625x16xf32, #tpu.memory_space<vmem>>) dst(%dma_wait3A_40 : memref<625x16xf32, #tpu.memory_space<vmem_shared>>)
      tpu.yield
    }) : () -> ()
    %barrier3A = arith.constant 0 : index
    tpu.barrier barrier_id(%barrier3A)
    %scan3A_16 = arith.constant 0 : i32
    %scan3A_17 = arith.constant 0 : i32
    %scan3A_18 = arith.constant 5 : i32
    %scan3A_19 = arith.addi %scan3A_17, %scan3A_18 : i32
    %scan3A_20 = arith.constant 1 : i32
    %scan3A_21 = scf.for %scan3A_35 = %scan3A_17 to %scan3A_19 step %scan3A_20 iter_args(%scan3A_36 = %scan3A_16) -> (i32)  : i32 {
      %dma_start3A = arith.constant 0 : i32
      %dma_start3A_37 = tpu.memref_slice %arg5[%scan3A_35, %dma_start3A] : memref<5x2000xi32, #tpu.memory_space<vmem>> -> memref<1x2000xi32, #tpu.memory_space<vmem>>
      %dma_start3A_38 = tpu.memref_squeeze %dma_start3A_37 : memref<1x2000xi32, #tpu.memory_space<vmem>> -> memref<2000xi32, #tpu.memory_space<vmem>>
      %dma_start3A_39 = arith.constant 0 : i32
      %dma_start3A_40 = arith.constant 0 : i32
      %dma_start3A_41 = tpu.memref_slice %arg4[%dma_start3A_39, %dma_start3A_40] : memref<10000x16xf32, #tpu.memory_space<vmem_shared>> -> memref<10000x16xf32, #tpu.memory_space<vmem_shared>>
      tpu.enqueue_indirect_dma source(%arg6 : memref<2000x16xf32, #tpu.memory_space<vmem>>) target(%dma_start3A_41 : memref<10000x16xf32, #tpu.memory_space<vmem_shared>>) offsets(%dma_start3A_38 : memref<2000xi32, #tpu.memory_space<vmem>>) semaphore(%arg8 : memref<!tpu.dma_semaphore, #tpu.memory_space<semaphore_mem>>) {add = true}
      %scan3A_42 = arith.constant 0 : i32
      scf.yield %scan3A_42 : i32
    }
    %scan3A_22 = arith.constant 5 : i32
    %scan3A_23 = arith.constant 0 : i32
    %scan3A_24 = arith.constant 0 : i32
    %scan3A_25 = arith.constant 5 : i32
    %scan3A_26 = arith.addi %scan3A_24, %scan3A_25 : i32
    %scan3A_27 = arith.constant 1 : i32
    %scan3A_28 = scf.for %scan3A_35 = %scan3A_24 to %scan3A_26 step %scan3A_27 iter_args(%scan3A_36 = %scan3A_23) -> (i32)  : i32 {
      %dma_wait3A = arith.constant 0 : i32
      %dma_wait3A_37 = tpu.memref_slice %arg5[%scan3A_35, %dma_wait3A] : memref<5x2000xi32, #tpu.memory_space<vmem>> -> memref<1x2000xi32, #tpu.memory_space<vmem>>
      %dma_wait3A_38 = tpu.memref_squeeze %dma_wait3A_37 : memref<1x2000xi32, #tpu.memory_space<vmem>> -> memref<2000xi32, #tpu.memory_space<vmem>>
      %dma_wait3A_39 = arith.constant 0 : i32
      %dma_wait3A_40 = arith.constant 0 : i32
      %dma_wait3A_41 = tpu.memref_slice %arg4[%dma_wait3A_39, %dma_wait3A_40] : memref<10000x16xf32, #tpu.memory_space<vmem_shared>> -> memref<10000x16xf32, #tpu.memory_space<vmem_shared>>
      tpu.wait_indirect_dma semaphore(%arg8 : memref<!tpu.dma_semaphore, #tpu.memory_space<semaphore_mem>>) src(%arg6 : memref<2000x16xf32, #tpu.memory_space<vmem>>) dst(%dma_wait3A_41 : memref<10000x16xf32, #tpu.memory_space<vmem_shared>>)
      %scan3A_42 = arith.constant 0 : i32
      scf.yield %scan3A_42 : i32
    }
    %scan3A_29 = arith.constant 5 : i32
    %barrier3A_30 = arith.constant 0 : index
    tpu.barrier barrier_id(%barrier3A_30)
    %mul3A_31 = arith.constant 625 : i32
    %mul3A_32 = arith.muli %arg1, %mul3A_31 : i32
    %mul3A_33 = arith.constant 625 : i32
    %mul3A_34 = arith.muli %arg1, %mul3A_33 : i32
    "tpu.region"() ({
      %run_scoped3A = tpu.sem_alloc : memref<!tpu.dma_semaphore, #tpu.memory_space<semaphore_mem>>
      %dma_start3A = arith.constant 0 : i32
      %dma_start3A_35 = arith.constant 0 : i32
      %dma_start3A_36 = tpu.memref_slice %arg3[%arg0, %dma_start3A, %dma_start3A_35] : memref<2x10000x16xf32, #tpu.memory_space<hbm>> -> memref<1x10000x16xf32, #tpu.memory_space<hbm>>
      %dma_start3A_37 = tpu.memref_squeeze %dma_start3A_36 : memref<1x10000x16xf32, #tpu.memory_space<hbm>> -> memref<10000x16xf32, #tpu.memory_space<hbm>>
      %dma_start3A_38 = arith.constant 0 : i32
      %dma_start3A_39 = tpu.memref_slice %dma_start3A_37[%mul3A_34, %dma_start3A_38] : memref<10000x16xf32, #tpu.memory_space<hbm>> -> memref<625x16xf32, #tpu.memory_space<hbm>>
      %dma_start3A_40 = arith.constant 0 : i32
      %dma_start3A_41 = tpu.memref_slice %arg4[%mul3A_32, %dma_start3A_40] : memref<10000x16xf32, #tpu.memory_space<vmem_shared>> -> memref<625x16xf32, #tpu.memory_space<vmem_shared>>
      tpu.enqueue_dma source(%dma_start3A_41 : memref<625x16xf32, #tpu.memory_space<vmem_shared>>) target(%dma_start3A_39 : memref<625x16xf32, #tpu.memory_space<hbm>>) target_semaphore(%run_scoped3A : memref<!tpu.dma_semaphore, #tpu.memory_space<semaphore_mem>>)
      %dma_wait3A = arith.constant 0 : i32
      %dma_wait3A_42 = arith.constant 0 : i32
      %dma_wait3A_43 = tpu.memref_slice %arg3[%arg0, %dma_wait3A, %dma_wait3A_42] : memref<2x10000x16xf32, #tpu.memory_space<hbm>> -> memref<1x10000x16xf32, #tpu.memory_space<hbm>>
      %dma_wait3A_44 = tpu.memref_squeeze %dma_wait3A_43 : memref<1x10000x16xf32, #tpu.memory_space<hbm>> -> memref<10000x16xf32, #tpu.memory_space<hbm>>
      %dma_wait3A_45 = arith.constant 0 : i32
      %dma_wait3A_46 = tpu.memref_slice %dma_wait3A_44[%mul3A_34, %dma_wait3A_45] : memref<10000x16xf32, #tpu.memory_space<hbm>> -> memref<625x16xf32, #tpu.memory_space<hbm>>
      %dma_wait3A_47 = arith.constant 0 : i32
      %dma_wait3A_48 = tpu.memref_slice %arg4[%mul3A_32, %dma_wait3A_47] : memref<10000x16xf32, #tpu.memory_space<vmem_shared>> -> memref<625x16xf32, #tpu.memory_space<vmem_shared>>
      tpu.wait_dma2 semaphore(%run_scoped3A : memref<!tpu.dma_semaphore, #tpu.memory_space<semaphore_mem>>) src(%dma_wait3A_48 : memref<625x16xf32, #tpu.memory_space<vmem_shared>>) dst(%dma_wait3A_46 : memref<625x16xf32, #tpu.memory_space<hbm>>)
      tpu.yield
    }) : () -> ()
    return
  }
}

#map = affine_map<(d0, d1) -> (0, 0, 0)>
#map1 = affine_map<(d0, d1) -> (0, 0)>
module attributes {stable_mosaic.version = 14 : i64} {
  func.func @_prop(%arg0: i32, %arg1: i32, %arg2: memref<32x5x2000xi32, #tpu.memory_space<hbm>>, %arg3: memref<32x5x2000xi32, #tpu.memory_space<hbm>>, %arg4: memref<10000x16xf32, #tpu.memory_space<hbm>>, %arg5: memref<2x10000x16xf32, #tpu.memory_space<hbm>>, %arg6: memref<10000x16xf32, #tpu.memory_space<vmem_shared>>, %arg7: memref<5x2000xi32, #tpu.memory_space<vmem>>, %arg8: memref<5x2000xi32, #tpu.memory_space<vmem>>, %arg9: memref<2000x16xf32, #tpu.memory_space<vmem>>, %arg10: memref<2000x16xf32, #tpu.memory_space<vmem>>, %arg11: memref<2000x16xf32, #tpu.memory_space<vmem>>, %arg12: memref<25x16xf32, #tpu.memory_space<vmem>>, %arg13: memref<!tpu.dma_semaphore, #tpu.memory_space<semaphore_mem>>, %arg14: memref<!tpu.dma_semaphore, #tpu.memory_space<semaphore_mem>>, %arg15: memref<!tpu.dma_semaphore, #tpu.memory_space<semaphore_mem>>, %arg16: memref<!tpu.dma_semaphore, #tpu.memory_space<semaphore_mem>>, %arg17: memref<!tpu.dma_semaphore, #tpu.memory_space<semaphore_mem>>, %arg18: memref<!tpu.dma_semaphore, #tpu.memory_space<semaphore_mem>>) attributes {dimension_semantics = [#tpu.dimension_semantics<core_parallel>, #tpu.dimension_semantics<subcore_parallel>], iteration_bounds = array<i64: 2, 16>, scalar_prefetch = 0 : i64, scratch_operands = 13 : i64, tpu.core_type = #tpu.core_type<sc_vector_subcore>, window_params = [{transform_indices = #map}, {transform_indices = #map}, {transform_indices = #map1}, {transform_indices = #map}]} {
    %mul3A = arith.constant 16 : i32
    %mul3A_0 = arith.muli %arg0, %mul3A : i32
    %add3A = arith.addi %mul3A_0, %arg1 : i32
    %scan3A = arith.constant 0 : i32
    %scan3A_1 = arith.constant 0 : i32
    %scan3A_2 = arith.constant 25 : i32
    %scan3A_3 = arith.addi %scan3A_1, %scan3A_2 : i32
    %scan3A_4 = arith.constant 1 : i32
    %scan3A_5 = scf.for %scan3A_157 = %scan3A_1 to %scan3A_3 step %scan3A_4 iter_args(%scan3A_158 = %scan3A) -> (i32)  : i32 {
      %broadcast_in_dim3A = arith.constant 0.000000e+00 : f32
      %broadcast_in_dim3A_159 = vector.broadcast %broadcast_in_dim3A : f32 to vector<16xf32>
      %swap3A = arith.index_cast %scan3A_157 : i32 to index
      %swap3A_160 = arith.constant 0 : index
      %swap3A_161 = tpu.vector_load %arg12[%swap3A, %swap3A_160] {strides = array<i32>} : memref<25x16xf32, #tpu.memory_space<vmem>>, vector<1x16xf32>,
      %swap3A_162 = vector.shape_cast %swap3A_161 : vector<1x16xf32> to vector<16xf32>
      %swap3A_163 = vector.shape_cast %broadcast_in_dim3A_159 : vector<16xf32> to vector<1x16xf32>
      tpu.vector_store %arg12[%swap3A, %swap3A_160], %swap3A_163 {strides = array<i32>} : memref<25x16xf32, #tpu.memory_space<vmem>>, vector<1x16xf32>,
      %scan3A_164 = arith.constant 0 : i32
      scf.yield %scan3A_164 : i32
    }
    %scan3A_6 = arith.constant 25 : i32
    %scan3A_7 = arith.constant 0 : i32
    %scan3A_8 = arith.constant 0 : i32
    %scan3A_9 = arith.constant 25 : i32
    %scan3A_10 = arith.addi %scan3A_8, %scan3A_9 : i32
    %scan3A_11 = arith.constant 1 : i32
    %scan3A_12 = scf.for %scan3A_157 = %scan3A_8 to %scan3A_10 step %scan3A_11 iter_args(%scan3A_158 = %scan3A_7) -> (i32)  : i32 {
      %mul3A_159 = arith.constant 625 : i32
      %mul3A_160 = arith.muli %arg1, %mul3A_159 : i32
      %mul3A_161 = arith.constant 25 : i32
      %mul3A_162 = arith.muli %scan3A_157, %mul3A_161 : i32
      %add3A_163 = arith.addi %mul3A_160, %mul3A_162 : i32
      %dma_start3A_164 = arith.constant 0 : i32
      %dma_start3A_165 = tpu.memref_slice %arg6[%add3A_163, %dma_start3A_164] : memref<10000x16xf32, #tpu.memory_space<vmem_shared>> -> memref<25x16xf32, #tpu.memory_space<vmem_shared>>
      %dma_start3A_166 = arith.constant 0 : i32
      %dma_start3A_167 = tpu.memref_slice %arg6[%add3A_163, %dma_start3A_166] : memref<10000x16xf32, #tpu.memory_space<vmem_shared>> -> memref<25x16xf32, #tpu.memory_space<vmem_shared>>
      tpu.enqueue_dma source(%arg12 : memref<25x16xf32, #tpu.memory_space<vmem>>) target(%dma_start3A_167 : memref<25x16xf32, #tpu.memory_space<vmem_shared>>) target_semaphore(%arg13 : memref<!tpu.dma_semaphore, #tpu.memory_space<semaphore_mem>>)
      %scan3A_168 = arith.constant 0 : i32
      scf.yield %scan3A_168 : i32
    }
    %scan3A_13 = arith.constant 25 : i32
    %scan3A_14 = arith.constant 0 : i32
    %scan3A_15 = arith.constant 0 : i32
    %scan3A_16 = arith.constant 25 : i32
    %scan3A_17 = arith.addi %scan3A_15, %scan3A_16 : i32
    %scan3A_18 = arith.constant 1 : i32
    %scan3A_19 = scf.for %scan3A_157 = %scan3A_15 to %scan3A_17 step %scan3A_18 iter_args(%scan3A_158 = %scan3A_14) -> (i32)  : i32 {
      %mul3A_159 = arith.constant 625 : i32
      %mul3A_160 = arith.muli %arg1, %mul3A_159 : i32
      %mul3A_161 = arith.constant 25 : i32
      %mul3A_162 = arith.muli %scan3A_157, %mul3A_161 : i32
      %add3A_163 = arith.addi %mul3A_160, %mul3A_162 : i32
      %dma_wait3A_164 = arith.constant 0 : i32
      %dma_wait3A_165 = tpu.memref_slice %arg6[%add3A_163, %dma_wait3A_164] : memref<10000x16xf32, #tpu.memory_space<vmem_shared>> -> memref<25x16xf32, #tpu.memory_space<vmem_shared>>
      %dma_wait3A_166 = arith.constant 0 : i32
      %dma_wait3A_167 = tpu.memref_slice %arg6[%add3A_163, %dma_wait3A_166] : memref<10000x16xf32, #tpu.memory_space<vmem_shared>> -> memref<25x16xf32, #tpu.memory_space<vmem_shared>>
      tpu.wait_dma2 semaphore(%arg13 : memref<!tpu.dma_semaphore, #tpu.memory_space<semaphore_mem>>) src(%arg12 : memref<25x16xf32, #tpu.memory_space<vmem>>) dst(%dma_wait3A_167 : memref<25x16xf32, #tpu.memory_space<vmem_shared>>)
      %scan3A_168 = arith.constant 0 : i32
      scf.yield %scan3A_168 : i32
    }
    %scan3A_20 = arith.constant 25 : i32
    "tpu.region"() ({
      %run_scoped3A = tpu.sem_alloc : memref<!tpu.dma_semaphore, #tpu.memory_space<semaphore_mem>>
      %dma_start3A_157 = arith.constant 0 : i32
      %dma_start3A_158 = arith.constant 0 : i32
      %dma_start3A_159 = tpu.memref_slice %arg2[%add3A, %dma_start3A_157, %dma_start3A_158] : memref<32x5x2000xi32, #tpu.memory_space<hbm>> -> memref<1x5x2000xi32, #tpu.memory_space<hbm>>
      %dma_start3A_160 = tpu.memref_squeeze %dma_start3A_159 : memref<1x5x2000xi32, #tpu.memory_space<hbm>> -> memref<5x2000xi32, #tpu.memory_space<hbm>>
      %dma_start3A_161 = arith.constant 0 : i32
      %dma_start3A_162 = arith.constant 0 : i32
      %dma_start3A_163 = tpu.memref_slice %arg2[%add3A, %dma_start3A_161, %dma_start3A_162] : memref<32x5x2000xi32, #tpu.memory_space<hbm>> -> memref<1x5x2000xi32, #tpu.memory_space<hbm>>
      %dma_start3A_164 = tpu.memref_squeeze %dma_start3A_163 : memref<1x5x2000xi32, #tpu.memory_space<hbm>> -> memref<5x2000xi32, #tpu.memory_space<hbm>>
      tpu.enqueue_dma source(%dma_start3A_164 : memref<5x2000xi32, #tpu.memory_space<hbm>>) target(%arg7 : memref<5x2000xi32, #tpu.memory_space<vmem>>) target_semaphore(%run_scoped3A : memref<!tpu.dma_semaphore, #tpu.memory_space<semaphore_mem>>)
      %dma_wait3A_165 = arith.constant 0 : i32
      %dma_wait3A_166 = arith.constant 0 : i32
      %dma_wait3A_167 = tpu.memref_slice %arg2[%add3A, %dma_wait3A_165, %dma_wait3A_166] : memref<32x5x2000xi32, #tpu.memory_space<hbm>> -> memref<1x5x2000xi32, #tpu.memory_space<hbm>>
      %dma_wait3A_168 = tpu.memref_squeeze %dma_wait3A_167 : memref<1x5x2000xi32, #tpu.memory_space<hbm>> -> memref<5x2000xi32, #tpu.memory_space<hbm>>
      %dma_wait3A_169 = arith.constant 0 : i32
      %dma_wait3A_170 = arith.constant 0 : i32
      %dma_wait3A_171 = tpu.memref_slice %arg2[%add3A, %dma_wait3A_169, %dma_wait3A_170] : memref<32x5x2000xi32, #tpu.memory_space<hbm>> -> memref<1x5x2000xi32, #tpu.memory_space<hbm>>
      %dma_wait3A_172 = tpu.memref_squeeze %dma_wait3A_171 : memref<1x5x2000xi32, #tpu.memory_space<hbm>> -> memref<5x2000xi32, #tpu.memory_space<hbm>>
      tpu.wait_dma2 semaphore(%run_scoped3A : memref<!tpu.dma_semaphore, #tpu.memory_space<semaphore_mem>>) src(%dma_wait3A_172 : memref<5x2000xi32, #tpu.memory_space<hbm>>) dst(%arg7 : memref<5x2000xi32, #tpu.memory_space<vmem>>)
      tpu.yield
    }) : () -> ()
    "tpu.region"() ({
      %run_scoped3A = tpu.sem_alloc : memref<!tpu.dma_semaphore, #tpu.memory_space<semaphore_mem>>
      %dma_start3A_157 = arith.constant 0 : i32
      %dma_start3A_158 = arith.constant 0 : i32
      %dma_start3A_159 = tpu.memref_slice %arg3[%add3A, %dma_start3A_157, %dma_start3A_158] : memref<32x5x2000xi32, #tpu.memory_space<hbm>> -> memref<1x5x2000xi32, #tpu.memory_space<hbm>>
      %dma_start3A_160 = tpu.memref_squeeze %dma_start3A_159 : memref<1x5x2000xi32, #tpu.memory_space<hbm>> -> memref<5x2000xi32, #tpu.memory_space<hbm>>
      %dma_start3A_161 = arith.constant 0 : i32
      %dma_start3A_162 = arith.constant 0 : i32
      %dma_start3A_163 = tpu.memref_slice %arg3[%add3A, %dma_start3A_161, %dma_start3A_162] : memref<32x5x2000xi32, #tpu.memory_space<hbm>> -> memref<1x5x2000xi32, #tpu.memory_space<hbm>>
      %dma_start3A_164 = tpu.memref_squeeze %dma_start3A_163 : memref<1x5x2000xi32, #tpu.memory_space<hbm>> -> memref<5x2000xi32, #tpu.memory_space<hbm>>
      tpu.enqueue_dma source(%dma_start3A_164 : memref<5x2000xi32, #tpu.memory_space<hbm>>) target(%arg8 : memref<5x2000xi32, #tpu.memory_space<vmem>>) target_semaphore(%run_scoped3A : memref<!tpu.dma_semaphore, #tpu.memory_space<semaphore_mem>>)
      %dma_wait3A_165 = arith.constant 0 : i32
      %dma_wait3A_166 = arith.constant 0 : i32
      %dma_wait3A_167 = tpu.memref_slice %arg3[%add3A, %dma_wait3A_165, %dma_wait3A_166] : memref<32x5x2000xi32, #tpu.memory_space<hbm>> -> memref<1x5x2000xi32, #tpu.memory_space<hbm>>
      %dma_wait3A_168 = tpu.memref_squeeze %dma_wait3A_167 : memref<1x5x2000xi32, #tpu.memory_space<hbm>> -> memref<5x2000xi32, #tpu.memory_space<hbm>>
      %dma_wait3A_169 = arith.constant 0 : i32
      %dma_wait3A_170 = arith.constant 0 : i32
      %dma_wait3A_171 = tpu.memref_slice %arg3[%add3A, %dma_wait3A_169, %dma_wait3A_170] : memref<32x5x2000xi32, #tpu.memory_space<hbm>> -> memref<1x5x2000xi32, #tpu.memory_space<hbm>>
      %dma_wait3A_172 = tpu.memref_squeeze %dma_wait3A_171 : memref<1x5x2000xi32, #tpu.memory_space<hbm>> -> memref<5x2000xi32, #tpu.memory_space<hbm>>
      tpu.wait_dma2 semaphore(%run_scoped3A : memref<!tpu.dma_semaphore, #tpu.memory_space<semaphore_mem>>) src(%dma_wait3A_172 : memref<5x2000xi32, #tpu.memory_space<hbm>>) dst(%arg8 : memref<5x2000xi32, #tpu.memory_space<vmem>>)
      tpu.yield
    }) : () -> ()
    %barrier3A = arith.constant 0 : index
    tpu.barrier barrier_id(%barrier3A)
    %dma_start3A = arith.constant 0 : i32
    %dma_start3A_21 = arith.constant 0 : i32
    %dma_start3A_22 = tpu.memref_slice %arg7[%dma_start3A, %dma_start3A_21] : memref<5x2000xi32, #tpu.memory_space<vmem>> -> memref<1x2000xi32, #tpu.memory_space<vmem>>
    %dma_start3A_23 = tpu.memref_squeeze %dma_start3A_22 : memref<1x2000xi32, #tpu.memory_space<vmem>> -> memref<2000xi32, #tpu.memory_space<vmem>>
    %dma_start3A_24 = arith.constant 0 : i32
    %dma_start3A_25 = arith.constant 0 : i32
    %dma_start3A_26 = tpu.memref_slice %arg4[%dma_start3A_24, %dma_start3A_25] : memref<10000x16xf32, #tpu.memory_space<hbm>> -> memref<10000x16xf32, #tpu.memory_space<hbm>>
    tpu.enqueue_indirect_dma source(%dma_start3A_26 : memref<10000x16xf32, #tpu.memory_space<hbm>>) target(%arg9 : memref<2000x16xf32, #tpu.memory_space<vmem>>) offsets(%dma_start3A_23 : memref<2000xi32, #tpu.memory_space<vmem>>) semaphore(%arg13 : memref<!tpu.dma_semaphore, #tpu.memory_space<semaphore_mem>>)
    %dma_start3A_27 = arith.constant 1 : i32
    %dma_start3A_28 = arith.constant 0 : i32
    %dma_start3A_29 = tpu.memref_slice %arg7[%dma_start3A_27, %dma_start3A_28] : memref<5x2000xi32, #tpu.memory_space<vmem>> -> memref<1x2000xi32, #tpu.memory_space<vmem>>
    %dma_start3A_30 = tpu.memref_squeeze %dma_start3A_29 : memref<1x2000xi32, #tpu.memory_space<vmem>> -> memref<2000xi32, #tpu.memory_space<vmem>>
    %dma_start3A_31 = arith.constant 0 : i32
    %dma_start3A_32 = arith.constant 0 : i32
    %dma_start3A_33 = tpu.memref_slice %arg4[%dma_start3A_31, %dma_start3A_32] : memref<10000x16xf32, #tpu.memory_space<hbm>> -> memref<10000x16xf32, #tpu.memory_space<hbm>>
    tpu.enqueue_indirect_dma source(%dma_start3A_33 : memref<10000x16xf32, #tpu.memory_space<hbm>>) target(%arg10 : memref<2000x16xf32, #tpu.memory_space<vmem>>) offsets(%dma_start3A_30 : memref<2000xi32, #tpu.memory_space<vmem>>) semaphore(%arg14 : memref<!tpu.dma_semaphore, #tpu.memory_space<semaphore_mem>>)
    %scan3A_34 = arith.constant 0 : i32
    %scan3A_35 = arith.constant 0 : i32
    %mul3A_36 = arith.constant 3 : i32
    %mul3A_37 = arith.muli %mul3A_36, %scan3A_35 : i32
    %add3A_38 = arith.constant 0 : i32
    %add3A_39 = arith.addi %mul3A_37, %add3A_38 : i32
    %dma_wait3A = arith.constant 0 : i32
    %dma_wait3A_40 = tpu.memref_slice %arg7[%add3A_39, %dma_wait3A] : memref<5x2000xi32, #tpu.memory_space<vmem>> -> memref<1x2000xi32, #tpu.memory_space<vmem>>
    %dma_wait3A_41 = tpu.memref_squeeze %dma_wait3A_40 : memref<1x2000xi32, #tpu.memory_space<vmem>> -> memref<2000xi32, #tpu.memory_space<vmem>>
    %dma_wait3A_42 = arith.constant 0 : i32
    %dma_wait3A_43 = arith.constant 0 : i32
    %dma_wait3A_44 = tpu.memref_slice %arg4[%dma_wait3A_42, %dma_wait3A_43] : memref<10000x16xf32, #tpu.memory_space<hbm>> -> memref<10000x16xf32, #tpu.memory_space<hbm>>
    tpu.wait_indirect_dma semaphore(%arg13 : memref<!tpu.dma_semaphore, #tpu.memory_space<semaphore_mem>>) src(%dma_wait3A_44 : memref<10000x16xf32, #tpu.memory_space<hbm>>) dst(%arg9 : memref<2000x16xf32, #tpu.memory_space<vmem>>)
    %dma_start3A_45 = arith.constant 0 : i32
    %dma_start3A_46 = tpu.memref_slice %arg8[%add3A_39, %dma_start3A_45] : memref<5x2000xi32, #tpu.memory_space<vmem>> -> memref<1x2000xi32, #tpu.memory_space<vmem>>
    %dma_start3A_47 = tpu.memref_squeeze %dma_start3A_46 : memref<1x2000xi32, #tpu.memory_space<vmem>> -> memref<2000xi32, #tpu.memory_space<vmem>>
    %dma_start3A_48 = arith.constant 0 : i32
    %dma_start3A_49 = arith.constant 0 : i32
    %dma_start3A_50 = tpu.memref_slice %arg6[%dma_start3A_48, %dma_start3A_49] : memref<10000x16xf32, #tpu.memory_space<vmem_shared>> -> memref<10000x16xf32, #tpu.memory_space<vmem_shared>>
    tpu.enqueue_indirect_dma source(%arg9 : memref<2000x16xf32, #tpu.memory_space<vmem>>) target(%dma_start3A_50 : memref<10000x16xf32, #tpu.memory_space<vmem_shared>>) offsets(%dma_start3A_47 : memref<2000xi32, #tpu.memory_space<vmem>>) semaphore(%arg16 : memref<!tpu.dma_semaphore, #tpu.memory_space<semaphore_mem>>) {add = true}
    %add3A_51 = arith.constant 2 : i32
    %add3A_52 = arith.addi %add3A_39, %add3A_51 : i32
    %lt3A = arith.constant 5 : i32
    %lt3A_53 = arith.cmpi slt, %add3A_52, %lt3A : i32
    %convert_element_type3A = arith.extui %lt3A_53 : i1 to i32
    %cond3A = arith.constant 0 : i32
    %cond3A_54 = arith.cmpi ne, %convert_element_type3A, %cond3A : i32
    scf.if %cond3A_54 {
      %ge3A = arith.constant 1 : i32
      %ge3A_157 = arith.cmpi sge, %add3A_39, %ge3A : i32
      %convert_element_type3A_158 = arith.extui %ge3A_157 : i1 to i32
      %cond3A_159 = arith.constant 0 : i32
      %cond3A_160 = arith.cmpi ne, %convert_element_type3A_158, %cond3A_159 : i32
      scf.if %cond3A_160 {
        %sub3A = arith.constant 1 : i32
        %sub3A_167 = arith.subi %add3A_39, %sub3A : i32
        %dma_wait3A_168 = arith.constant 0 : i32
        %dma_wait3A_169 = tpu.memref_slice %arg8[%sub3A_167, %dma_wait3A_168] : memref<5x2000xi32, #tpu.memory_space<vmem>> -> memref<1x2000xi32, #tpu.memory_space<vmem>>
        %dma_wait3A_170 = tpu.memref_squeeze %dma_wait3A_169 : memref<1x2000xi32, #tpu.memory_space<vmem>> -> memref<2000xi32, #tpu.memory_space<vmem>>
        %dma_wait3A_171 = arith.constant 0 : i32
        %dma_wait3A_172 = arith.constant 0 : i32
        %dma_wait3A_173 = tpu.memref_slice %arg6[%dma_wait3A_171, %dma_wait3A_172] : memref<10000x16xf32, #tpu.memory_space<vmem_shared>> -> memref<10000x16xf32, #tpu.memory_space<vmem_shared>>
        tpu.wait_indirect_dma semaphore(%arg18 : memref<!tpu.dma_semaphore, #tpu.memory_space<semaphore_mem>>) src(%arg11 : memref<2000x16xf32, #tpu.memory_space<vmem>>) dst(%dma_wait3A_173 : memref<10000x16xf32, #tpu.memory_space<vmem_shared>>)
      } else {
      }
      %dma_start3A_161 = arith.constant 0 : i32
      %dma_start3A_162 = tpu.memref_slice %arg7[%add3A_52, %dma_start3A_161] : memref<5x2000xi32, #tpu.memory_space<vmem>> -> memref<1x2000xi32, #tpu.memory_space<vmem>>
      %dma_start3A_163 = tpu.memref_squeeze %dma_start3A_162 : memref<1x2000xi32, #tpu.memory_space<vmem>> -> memref<2000xi32, #tpu.memory_space<vmem>>
      %dma_start3A_164 = arith.constant 0 : i32
      %dma_start3A_165 = arith.constant 0 : i32
      %dma_start3A_166 = tpu.memref_slice %arg4[%dma_start3A_164, %dma_start3A_165] : memref<10000x16xf32, #tpu.memory_space<hbm>> -> memref<10000x16xf32, #tpu.memory_space<hbm>>
      tpu.enqueue_indirect_dma source(%dma_start3A_166 : memref<10000x16xf32, #tpu.memory_space<hbm>>) target(%arg11 : memref<2000x16xf32, #tpu.memory_space<vmem>>) offsets(%dma_start3A_163 : memref<2000xi32, #tpu.memory_space<vmem>>) semaphore(%arg15 : memref<!tpu.dma_semaphore, #tpu.memory_space<semaphore_mem>>)
    } else {
    }
    %mul3A_55 = arith.constant 3 : i32
    %mul3A_56 = arith.muli %mul3A_55, %scan3A_35 : i32
    %add3A_57 = arith.constant 1 : i32
    %add3A_58 = arith.addi %mul3A_56, %add3A_57 : i32
    %dma_wait3A_59 = arith.constant 0 : i32
    %dma_wait3A_60 = tpu.memref_slice %arg7[%add3A_58, %dma_wait3A_59] : memref<5x2000xi32, #tpu.memory_space<vmem>> -> memref<1x2000xi32, #tpu.memory_space<vmem>>
    %dma_wait3A_61 = tpu.memref_squeeze %dma_wait3A_60 : memref<1x2000xi32, #tpu.memory_space<vmem>> -> memref<2000xi32, #tpu.memory_space<vmem>>
    %dma_wait3A_62 = arith.constant 0 : i32
    %dma_wait3A_63 = arith.constant 0 : i32
    %dma_wait3A_64 = tpu.memref_slice %arg4[%dma_wait3A_62, %dma_wait3A_63] : memref<10000x16xf32, #tpu.memory_space<hbm>> -> memref<10000x16xf32, #tpu.memory_space<hbm>>
    tpu.wait_indirect_dma semaphore(%arg14 : memref<!tpu.dma_semaphore, #tpu.memory_space<semaphore_mem>>) src(%dma_wait3A_64 : memref<10000x16xf32, #tpu.memory_space<hbm>>) dst(%arg10 : memref<2000x16xf32, #tpu.memory_space<vmem>>)
    %dma_start3A_65 = arith.constant 0 : i32
    %dma_start3A_66 = tpu.memref_slice %arg8[%add3A_58, %dma_start3A_65] : memref<5x2000xi32, #tpu.memory_space<vmem>> -> memref<1x2000xi32, #tpu.memory_space<vmem>>
    %dma_start3A_67 = tpu.memref_squeeze %dma_start3A_66 : memref<1x2000xi32, #tpu.memory_space<vmem>> -> memref<2000xi32, #tpu.memory_space<vmem>>
    %dma_start3A_68 = arith.constant 0 : i32
    %dma_start3A_69 = arith.constant 0 : i32
    %dma_start3A_70 = tpu.memref_slice %arg6[%dma_start3A_68, %dma_start3A_69] : memref<10000x16xf32, #tpu.memory_space<vmem_shared>> -> memref<10000x16xf32, #tpu.memory_space<vmem_shared>>
    tpu.enqueue_indirect_dma source(%arg10 : memref<2000x16xf32, #tpu.memory_space<vmem>>) target(%dma_start3A_70 : memref<10000x16xf32, #tpu.memory_space<vmem_shared>>) offsets(%dma_start3A_67 : memref<2000xi32, #tpu.memory_space<vmem>>) semaphore(%arg17 : memref<!tpu.dma_semaphore, #tpu.memory_space<semaphore_mem>>) {add = true}
    %add3A_71 = arith.constant 2 : i32
    %add3A_72 = arith.addi %add3A_58, %add3A_71 : i32
    %lt3A_73 = arith.constant 5 : i32
    %lt3A_74 = arith.cmpi slt, %add3A_72, %lt3A_73 : i32
    %convert_element_type3A_75 = arith.extui %lt3A_74 : i1 to i32
    %cond3A_76 = arith.constant 0 : i32
    %cond3A_77 = arith.cmpi ne, %convert_element_type3A_75, %cond3A_76 : i32
    scf.if %cond3A_77 {
      %ge3A = arith.constant 1 : i32
      %ge3A_157 = arith.cmpi sge, %add3A_58, %ge3A : i32
      %convert_element_type3A_158 = arith.extui %ge3A_157 : i1 to i32
      %cond3A_159 = arith.constant 0 : i32
      %cond3A_160 = arith.cmpi ne, %convert_element_type3A_158, %cond3A_159 : i32
      scf.if %cond3A_160 {
        %sub3A = arith.constant 1 : i32
        %sub3A_167 = arith.subi %add3A_58, %sub3A : i32
        %dma_wait3A_168 = arith.constant 0 : i32
        %dma_wait3A_169 = tpu.memref_slice %arg8[%sub3A_167, %dma_wait3A_168] : memref<5x2000xi32, #tpu.memory_space<vmem>> -> memref<1x2000xi32, #tpu.memory_space<vmem>>
        %dma_wait3A_170 = tpu.memref_squeeze %dma_wait3A_169 : memref<1x2000xi32, #tpu.memory_space<vmem>> -> memref<2000xi32, #tpu.memory_space<vmem>>
        %dma_wait3A_171 = arith.constant 0 : i32
        %dma_wait3A_172 = arith.constant 0 : i32
        %dma_wait3A_173 = tpu.memref_slice %arg6[%dma_wait3A_171, %dma_wait3A_172] : memref<10000x16xf32, #tpu.memory_space<vmem_shared>> -> memref<10000x16xf32, #tpu.memory_space<vmem_shared>>
        tpu.wait_indirect_dma semaphore(%arg16 : memref<!tpu.dma_semaphore, #tpu.memory_space<semaphore_mem>>) src(%arg9 : memref<2000x16xf32, #tpu.memory_space<vmem>>) dst(%dma_wait3A_173 : memref<10000x16xf32, #tpu.memory_space<vmem_shared>>)
      } else {
      }
      %dma_start3A_161 = arith.constant 0 : i32
      %dma_start3A_162 = tpu.memref_slice %arg7[%add3A_72, %dma_start3A_161] : memref<5x2000xi32, #tpu.memory_space<vmem>> -> memref<1x2000xi32, #tpu.memory_space<vmem>>
      %dma_start3A_163 = tpu.memref_squeeze %dma_start3A_162 : memref<1x2000xi32, #tpu.memory_space<vmem>> -> memref<2000xi32, #tpu.memory_space<vmem>>
      %dma_start3A_164 = arith.constant 0 : i32
      %dma_start3A_165 = arith.constant 0 : i32
      %dma_start3A_166 = tpu.memref_slice %arg4[%dma_start3A_164, %dma_start3A_165] : memref<10000x16xf32, #tpu.memory_space<hbm>> -> memref<10000x16xf32, #tpu.memory_space<hbm>>
      tpu.enqueue_indirect_dma source(%dma_start3A_166 : memref<10000x16xf32, #tpu.memory_space<hbm>>) target(%arg9 : memref<2000x16xf32, #tpu.memory_space<vmem>>) offsets(%dma_start3A_163 : memref<2000xi32, #tpu.memory_space<vmem>>) semaphore(%arg13 : memref<!tpu.dma_semaphore, #tpu.memory_space<semaphore_mem>>)
    } else {
    }
    %mul3A_78 = arith.constant 3 : i32
    %mul3A_79 = arith.muli %mul3A_78, %scan3A_35 : i32
    %add3A_80 = arith.constant 2 : i32
    %add3A_81 = arith.addi %mul3A_79, %add3A_80 : i32
    %dma_wait3A_82 = arith.constant 0 : i32
    %dma_wait3A_83 = tpu.memref_slice %arg7[%add3A_81, %dma_wait3A_82] : memref<5x2000xi32, #tpu.memory_space<vmem>> -> memref<1x2000xi32, #tpu.memory_space<vmem>>
    %dma_wait3A_84 = tpu.memref_squeeze %dma_wait3A_83 : memref<1x2000xi32, #tpu.memory_space<vmem>> -> memref<2000xi32, #tpu.memory_space<vmem>>
    %dma_wait3A_85 = arith.constant 0 : i32
    %dma_wait3A_86 = arith.constant 0 : i32
    %dma_wait3A_87 = tpu.memref_slice %arg4[%dma_wait3A_85, %dma_wait3A_86] : memref<10000x16xf32, #tpu.memory_space<hbm>> -> memref<10000x16xf32, #tpu.memory_space<hbm>>
    tpu.wait_indirect_dma semaphore(%arg15 : memref<!tpu.dma_semaphore, #tpu.memory_space<semaphore_mem>>) src(%dma_wait3A_87 : memref<10000x16xf32, #tpu.memory_space<hbm>>) dst(%arg11 : memref<2000x16xf32, #tpu.memory_space<vmem>>)
    %dma_start3A_88 = arith.constant 0 : i32
    %dma_start3A_89 = tpu.memref_slice %arg8[%add3A_81, %dma_start3A_88] : memref<5x2000xi32, #tpu.memory_space<vmem>> -> memref<1x2000xi32, #tpu.memory_space<vmem>>
    %dma_start3A_90 = tpu.memref_squeeze %dma_start3A_89 : memref<1x2000xi32, #tpu.memory_space<vmem>> -> memref<2000xi32, #tpu.memory_space<vmem>>
    %dma_start3A_91 = arith.constant 0 : i32
    %dma_start3A_92 = arith.constant 0 : i32
    %dma_start3A_93 = tpu.memref_slice %arg6[%dma_start3A_91, %dma_start3A_92] : memref<10000x16xf32, #tpu.memory_space<vmem_shared>> -> memref<10000x16xf32, #tpu.memory_space<vmem_shared>>
    tpu.enqueue_indirect_dma source(%arg11 : memref<2000x16xf32, #tpu.memory_space<vmem>>) target(%dma_start3A_93 : memref<10000x16xf32, #tpu.memory_space<vmem_shared>>) offsets(%dma_start3A_90 : memref<2000xi32, #tpu.memory_space<vmem>>) semaphore(%arg18 : memref<!tpu.dma_semaphore, #tpu.memory_space<semaphore_mem>>) {add = true}
    %add3A_94 = arith.constant 2 : i32
    %add3A_95 = arith.addi %add3A_81, %add3A_94 : i32
    %lt3A_96 = arith.constant 5 : i32
    %lt3A_97 = arith.cmpi slt, %add3A_95, %lt3A_96 : i32
    %convert_element_type3A_98 = arith.extui %lt3A_97 : i1 to i32
    %cond3A_99 = arith.constant 0 : i32
    %cond3A_100 = arith.cmpi ne, %convert_element_type3A_98, %cond3A_99 : i32
    scf.if %cond3A_100 {
      %ge3A = arith.constant 1 : i32
      %ge3A_157 = arith.cmpi sge, %add3A_81, %ge3A : i32
      %convert_element_type3A_158 = arith.extui %ge3A_157 : i1 to i32
      %cond3A_159 = arith.constant 0 : i32
      %cond3A_160 = arith.cmpi ne, %convert_element_type3A_158, %cond3A_159 : i32
      scf.if %cond3A_160 {
        %sub3A = arith.constant 1 : i32
        %sub3A_167 = arith.subi %add3A_81, %sub3A : i32
        %dma_wait3A_168 = arith.constant 0 : i32
        %dma_wait3A_169 = tpu.memref_slice %arg8[%sub3A_167, %dma_wait3A_168] : memref<5x2000xi32, #tpu.memory_space<vmem>> -> memref<1x2000xi32, #tpu.memory_space<vmem>>
        %dma_wait3A_170 = tpu.memref_squeeze %dma_wait3A_169 : memref<1x2000xi32, #tpu.memory_space<vmem>> -> memref<2000xi32, #tpu.memory_space<vmem>>
        %dma_wait3A_171 = arith.constant 0 : i32
        %dma_wait3A_172 = arith.constant 0 : i32
        %dma_wait3A_173 = tpu.memref_slice %arg6[%dma_wait3A_171, %dma_wait3A_172] : memref<10000x16xf32, #tpu.memory_space<vmem_shared>> -> memref<10000x16xf32, #tpu.memory_space<vmem_shared>>
        tpu.wait_indirect_dma semaphore(%arg17 : memref<!tpu.dma_semaphore, #tpu.memory_space<semaphore_mem>>) src(%arg10 : memref<2000x16xf32, #tpu.memory_space<vmem>>) dst(%dma_wait3A_173 : memref<10000x16xf32, #tpu.memory_space<vmem_shared>>)
      } else {
      }
      %dma_start3A_161 = arith.constant 0 : i32
      %dma_start3A_162 = tpu.memref_slice %arg7[%add3A_95, %dma_start3A_161] : memref<5x2000xi32, #tpu.memory_space<vmem>> -> memref<1x2000xi32, #tpu.memory_space<vmem>>
      %dma_start3A_163 = tpu.memref_squeeze %dma_start3A_162 : memref<1x2000xi32, #tpu.memory_space<vmem>> -> memref<2000xi32, #tpu.memory_space<vmem>>
      %dma_start3A_164 = arith.constant 0 : i32
      %dma_start3A_165 = arith.constant 0 : i32
      %dma_start3A_166 = tpu.memref_slice %arg4[%dma_start3A_164, %dma_start3A_165] : memref<10000x16xf32, #tpu.memory_space<hbm>> -> memref<10000x16xf32, #tpu.memory_space<hbm>>
      tpu.enqueue_indirect_dma source(%dma_start3A_166 : memref<10000x16xf32, #tpu.memory_space<hbm>>) target(%arg10 : memref<2000x16xf32, #tpu.memory_space<vmem>>) offsets(%dma_start3A_163 : memref<2000xi32, #tpu.memory_space<vmem>>) semaphore(%arg14 : memref<!tpu.dma_semaphore, #tpu.memory_space<semaphore_mem>>)
    } else {
    }
    %scan3A_101 = arith.constant 0 : i32
    %scan3A_102 = arith.constant 1 : i32
    %dma_wait3A_103 = arith.constant 3 : i32
    %dma_wait3A_104 = arith.constant 0 : i32
    %dma_wait3A_105 = tpu.memref_slice %arg7[%dma_wait3A_103, %dma_wait3A_104] : memref<5x2000xi32, #tpu.memory_space<vmem>> -> memref<1x2000xi32, #tpu.memory_space<vmem>>
    %dma_wait3A_106 = tpu.memref_squeeze %dma_wait3A_105 : memref<1x2000xi32, #tpu.memory_space<vmem>> -> memref<2000xi32, #tpu.memory_space<vmem>>
    %dma_wait3A_107 = arith.constant 0 : i32
    %dma_wait3A_108 = arith.constant 0 : i32
    %dma_wait3A_109 = tpu.memref_slice %arg4[%dma_wait3A_107, %dma_wait3A_108] : memref<10000x16xf32, #tpu.memory_space<hbm>> -> memref<10000x16xf32, #tpu.memory_space<hbm>>
    tpu.wait_indirect_dma semaphore(%arg13 : memref<!tpu.dma_semaphore, #tpu.memory_space<semaphore_mem>>) src(%dma_wait3A_109 : memref<10000x16xf32, #tpu.memory_space<hbm>>) dst(%arg9 : memref<2000x16xf32, #tpu.memory_space<vmem>>)
    %dma_start3A_110 = arith.constant 3 : i32
    %dma_start3A_111 = arith.constant 0 : i32
    %dma_start3A_112 = tpu.memref_slice %arg8[%dma_start3A_110, %dma_start3A_111] : memref<5x2000xi32, #tpu.memory_space<vmem>> -> memref<1x2000xi32, #tpu.memory_space<vmem>>
    %dma_start3A_113 = tpu.memref_squeeze %dma_start3A_112 : memref<1x2000xi32, #tpu.memory_space<vmem>> -> memref<2000xi32, #tpu.memory_space<vmem>>
    %dma_start3A_114 = arith.constant 0 : i32
    %dma_start3A_115 = arith.constant 0 : i32
    %dma_start3A_116 = tpu.memref_slice %arg6[%dma_start3A_114, %dma_start3A_115] : memref<10000x16xf32, #tpu.memory_space<vmem_shared>> -> memref<10000x16xf32, #tpu.memory_space<vmem_shared>>
    tpu.enqueue_indirect_dma source(%arg9 : memref<2000x16xf32, #tpu.memory_space<vmem>>) target(%dma_start3A_116 : memref<10000x16xf32, #tpu.memory_space<vmem_shared>>) offsets(%dma_start3A_113 : memref<2000xi32, #tpu.memory_space<vmem>>) semaphore(%arg16 : memref<!tpu.dma_semaphore, #tpu.memory_space<semaphore_mem>>) {add = true}
    %dma_wait3A_117 = arith.constant 4 : i32
    %dma_wait3A_118 = arith.constant 0 : i32
    %dma_wait3A_119 = tpu.memref_slice %arg7[%dma_wait3A_117, %dma_wait3A_118] : memref<5x2000xi32, #tpu.memory_space<vmem>> -> memref<1x2000xi32, #tpu.memory_space<vmem>>
    %dma_wait3A_120 = tpu.memref_squeeze %dma_wait3A_119 : memref<1x2000xi32, #tpu.memory_space<vmem>> -> memref<2000xi32, #tpu.memory_space<vmem>>
    %dma_wait3A_121 = arith.constant 0 : i32
    %dma_wait3A_122 = arith.constant 0 : i32
    %dma_wait3A_123 = tpu.memref_slice %arg4[%dma_wait3A_121, %dma_wait3A_122] : memref<10000x16xf32, #tpu.memory_space<hbm>> -> memref<10000x16xf32, #tpu.memory_space<hbm>>
    tpu.wait_indirect_dma semaphore(%arg14 : memref<!tpu.dma_semaphore, #tpu.memory_space<semaphore_mem>>) src(%dma_wait3A_123 : memref<10000x16xf32, #tpu.memory_space<hbm>>) dst(%arg10 : memref<2000x16xf32, #tpu.memory_space<vmem>>)
    %dma_start3A_124 = arith.constant 4 : i32
    %dma_start3A_125 = arith.constant 0 : i32
    %dma_start3A_126 = tpu.memref_slice %arg8[%dma_start3A_124, %dma_start3A_125] : memref<5x2000xi32, #tpu.memory_space<vmem>> -> memref<1x2000xi32, #tpu.memory_space<vmem>>
    %dma_start3A_127 = tpu.memref_squeeze %dma_start3A_126 : memref<1x2000xi32, #tpu.memory_space<vmem>> -> memref<2000xi32, #tpu.memory_space<vmem>>
    %dma_start3A_128 = arith.constant 0 : i32
    %dma_start3A_129 = arith.constant 0 : i32
    %dma_start3A_130 = tpu.memref_slice %arg6[%dma_start3A_128, %dma_start3A_129] : memref<10000x16xf32, #tpu.memory_space<vmem_shared>> -> memref<10000x16xf32, #tpu.memory_space<vmem_shared>>
    tpu.enqueue_indirect_dma source(%arg10 : memref<2000x16xf32, #tpu.memory_space<vmem>>) target(%dma_start3A_130 : memref<10000x16xf32, #tpu.memory_space<vmem_shared>>) offsets(%dma_start3A_127 : memref<2000xi32, #tpu.memory_space<vmem>>) semaphore(%arg17 : memref<!tpu.dma_semaphore, #tpu.memory_space<semaphore_mem>>) {add = true}
    %dma_wait3A_131 = arith.constant 2 : i32
    %dma_wait3A_132 = arith.constant 0 : i32
    %dma_wait3A_133 = tpu.memref_slice %arg8[%dma_wait3A_131, %dma_wait3A_132] : memref<5x2000xi32, #tpu.memory_space<vmem>> -> memref<1x2000xi32, #tpu.memory_space<vmem>>
    %dma_wait3A_134 = tpu.memref_squeeze %dma_wait3A_133 : memref<1x2000xi32, #tpu.memory_space<vmem>> -> memref<2000xi32, #tpu.memory_space<vmem>>
    %dma_wait3A_135 = arith.constant 0 : i32
    %dma_wait3A_136 = arith.constant 0 : i32
    %dma_wait3A_137 = tpu.memref_slice %arg6[%dma_wait3A_135, %dma_wait3A_136] : memref<10000x16xf32, #tpu.memory_space<vmem_shared>> -> memref<10000x16xf32, #tpu.memory_space<vmem_shared>>
    tpu.wait_indirect_dma semaphore(%arg18 : memref<!tpu.dma_semaphore, #tpu.memory_space<semaphore_mem>>) src(%arg11 : memref<2000x16xf32, #tpu.memory_space<vmem>>) dst(%dma_wait3A_137 : memref<10000x16xf32, #tpu.memory_space<vmem_shared>>)
    %dma_wait3A_138 = arith.constant 3 : i32
    %dma_wait3A_139 = arith.constant 0 : i32
    %dma_wait3A_140 = tpu.memref_slice %arg8[%dma_wait3A_138, %dma_wait3A_139] : memref<5x2000xi32, #tpu.memory_space<vmem>> -> memref<1x2000xi32, #tpu.memory_space<vmem>>
    %dma_wait3A_141 = tpu.memref_squeeze %dma_wait3A_140 : memref<1x2000xi32, #tpu.memory_space<vmem>> -> memref<2000xi32, #tpu.memory_space<vmem>>
    %dma_wait3A_142 = arith.constant 0 : i32
    %dma_wait3A_143 = arith.constant 0 : i32
    %dma_wait3A_144 = tpu.memref_slice %arg6[%dma_wait3A_142, %dma_wait3A_143] : memref<10000x16xf32, #tpu.memory_space<vmem_shared>> -> memref<10000x16xf32, #tpu.memory_space<vmem_shared>>
    tpu.wait_indirect_dma semaphore(%arg16 : memref<!tpu.dma_semaphore, #tpu.memory_space<semaphore_mem>>) src(%arg9 : memref<2000x16xf32, #tpu.memory_space<vmem>>) dst(%dma_wait3A_144 : memref<10000x16xf32, #tpu.memory_space<vmem_shared>>)
    %dma_wait3A_145 = arith.constant 4 : i32
    %dma_wait3A_146 = arith.constant 0 : i32
    %dma_wait3A_147 = tpu.memref_slice %arg8[%dma_wait3A_145, %dma_wait3A_146] : memref<5x2000xi32, #tpu.memory_space<vmem>> -> memref<1x2000xi32, #tpu.memory_space<vmem>>
    %dma_wait3A_148 = tpu.memref_squeeze %dma_wait3A_147 : memref<1x2000xi32, #tpu.memory_space<vmem>> -> memref<2000xi32, #tpu.memory_space<vmem>>
    %dma_wait3A_149 = arith.constant 0 : i32
    %dma_wait3A_150 = arith.constant 0 : i32
    %dma_wait3A_151 = tpu.memref_slice %arg6[%dma_wait3A_149, %dma_wait3A_150] : memref<10000x16xf32, #tpu.memory_space<vmem_shared>> -> memref<10000x16xf32, #tpu.memory_space<vmem_shared>>
    tpu.wait_indirect_dma semaphore(%arg17 : memref<!tpu.dma_semaphore, #tpu.memory_space<semaphore_mem>>) src(%arg10 : memref<2000x16xf32, #tpu.memory_space<vmem>>) dst(%dma_wait3A_151 : memref<10000x16xf32, #tpu.memory_space<vmem_shared>>)
    %barrier3A_152 = arith.constant 0 : index
    tpu.barrier barrier_id(%barrier3A_152)
    %mul3A_153 = arith.constant 625 : i32
    %mul3A_154 = arith.muli %arg1, %mul3A_153 : i32
    %mul3A_155 = arith.constant 625 : i32
    %mul3A_156 = arith.muli %arg1, %mul3A_155 : i32
    "tpu.region"() ({
      %run_scoped3A = tpu.sem_alloc : memref<!tpu.dma_semaphore, #tpu.memory_space<semaphore_mem>>
      %dma_start3A_157 = arith.constant 0 : i32
      %dma_start3A_158 = arith.constant 0 : i32
      %dma_start3A_159 = tpu.memref_slice %arg5[%arg0, %dma_start3A_157, %dma_start3A_158] : memref<2x10000x16xf32, #tpu.memory_space<hbm>> -> memref<1x10000x16xf32, #tpu.memory_space<hbm>>
      %dma_start3A_160 = tpu.memref_squeeze %dma_start3A_159 : memref<1x10000x16xf32, #tpu.memory_space<hbm>> -> memref<10000x16xf32, #tpu.memory_space<hbm>>
      %dma_start3A_161 = arith.constant 0 : i32
      %dma_start3A_162 = tpu.memref_slice %dma_start3A_160[%mul3A_156, %dma_start3A_161] : memref<10000x16xf32, #tpu.memory_space<hbm>> -> memref<625x16xf32, #tpu.memory_space<hbm>>
      %dma_start3A_163 = arith.constant 0 : i32
      %dma_start3A_164 = tpu.memref_slice %arg6[%mul3A_154, %dma_start3A_163] : memref<10000x16xf32, #tpu.memory_space<vmem_shared>> -> memref<625x16xf32, #tpu.memory_space<vmem_shared>>
      tpu.enqueue_dma source(%dma_start3A_164 : memref<625x16xf32, #tpu.memory_space<vmem_shared>>) target(%dma_start3A_162 : memref<625x16xf32, #tpu.memory_space<hbm>>) target_semaphore(%run_scoped3A : memref<!tpu.dma_semaphore, #tpu.memory_space<semaphore_mem>>)
      %dma_wait3A_165 = arith.constant 0 : i32
      %dma_wait3A_166 = arith.constant 0 : i32
      %dma_wait3A_167 = tpu.memref_slice %arg5[%arg0, %dma_wait3A_165, %dma_wait3A_166] : memref<2x10000x16xf32, #tpu.memory_space<hbm>> -> memref<1x10000x16xf32, #tpu.memory_space<hbm>>
      %dma_wait3A_168 = tpu.memref_squeeze %dma_wait3A_167 : memref<1x10000x16xf32, #tpu.memory_space<hbm>> -> memref<10000x16xf32, #tpu.memory_space<hbm>>
      %dma_wait3A_169 = arith.constant 0 : i32
      %dma_wait3A_170 = tpu.memref_slice %dma_wait3A_168[%mul3A_156, %dma_wait3A_169] : memref<10000x16xf32, #tpu.memory_space<hbm>> -> memref<625x16xf32, #tpu.memory_space<hbm>>
      %dma_wait3A_171 = arith.constant 0 : i32
      %dma_wait3A_172 = tpu.memref_slice %arg6[%mul3A_154, %dma_wait3A_171] : memref<10000x16xf32, #tpu.memory_space<vmem_shared>> -> memref<625x16xf32, #tpu.memory_space<vmem_shared>>
      tpu.wait_dma2 semaphore(%run_scoped3A : memref<!tpu.dma_semaphore, #tpu.memory_space<semaphore_mem>>) src(%dma_wait3A_172 : memref<625x16xf32, #tpu.memory_space<vmem_shared>>) dst(%dma_wait3A_170 : memref<625x16xf32, #tpu.memory_space<hbm>>)
      tpu.yield
    }) : () -> ()
    return
  }
}

#map = affine_map<(d0, d1) -> (0, 0, 0)>
#map1 = affine_map<(d0, d1) -> (0, 0)>
module attributes {stable_mosaic.version = 14 : i64} {
  func.func @_prop(%arg0: i32, %arg1: i32, %arg2: memref<32x100x100xi32, #tpu.memory_space<hbm>>, %arg3: memref<32x100x100xi32, #tpu.memory_space<hbm>>, %arg4: memref<10000x128xf32, #tpu.memory_space<hbm>>, %arg5: memref<2x10000x128xf32, #tpu.memory_space<hbm>>, %arg6: memref<10000x128xf32, #tpu.memory_space<vmem_shared>>, %arg7: memref<25x100xi32, #tpu.memory_space<vmem>>, %arg8: memref<25x100xi32, #tpu.memory_space<vmem>>, %arg9: memref<100x128xf32, #tpu.memory_space<vmem>>, %arg10: memref<100x128xf32, #tpu.memory_space<vmem>>, %arg11: memref<100x128xf32, #tpu.memory_space<vmem>>, %arg12: memref<25x128xf32, #tpu.memory_space<vmem>>, %arg13: memref<!tpu.dma_semaphore, #tpu.memory_space<semaphore_mem>>, %arg14: memref<!tpu.dma_semaphore, #tpu.memory_space<semaphore_mem>>, %arg15: memref<!tpu.dma_semaphore, #tpu.memory_space<semaphore_mem>>, %arg16: memref<!tpu.dma_semaphore, #tpu.memory_space<semaphore_mem>>, %arg17: memref<!tpu.dma_semaphore, #tpu.memory_space<semaphore_mem>>, %arg18: memref<!tpu.dma_semaphore, #tpu.memory_space<semaphore_mem>>) attributes {dimension_semantics = [#tpu.dimension_semantics<core_parallel>, #tpu.dimension_semantics<subcore_parallel>], iteration_bounds = array<i64: 2, 16>, scalar_prefetch = 0 : i64, scratch_operands = 13 : i64, tpu.core_type = #tpu.core_type<sc_vector_subcore>, window_params = [{transform_indices = #map}, {transform_indices = #map}, {transform_indices = #map1}, {transform_indices = #map}]} {
    %mul3A = arith.constant 16 : i32
    %mul3A_0 = arith.muli %arg0, %mul3A : i32
    %add3A = arith.addi %mul3A_0, %arg1 : i32
    %scan3A = arith.constant 0 : i32
    %scan3A_1 = arith.constant 0 : i32
    %scan3A_2 = arith.constant 25 : i32
    %scan3A_3 = arith.addi %scan3A_1, %scan3A_2 : i32
    %scan3A_4 = arith.constant 1 : i32
    %scan3A_5 = scf.for %scan3A_248 = %scan3A_1 to %scan3A_3 step %scan3A_4 iter_args(%scan3A_249 = %scan3A) -> (i32)  : i32 {
      %broadcast_in_dim3A = arith.constant 0.000000e+00 : f32
      %broadcast_in_dim3A_250 = vector.broadcast %broadcast_in_dim3A : f32 to vector<16xf32>
      %swap3A = arith.index_cast %scan3A_248 : i32 to index
      %swap3A_251 = arith.constant 0 : index
      %swap3A_252 = tpu.vector_load %arg12[%swap3A, %swap3A_251] {strides = array<i32>} : memref<25x128xf32, #tpu.memory_space<vmem>>, vector<1x16xf32>,
      %swap3A_253 = vector.shape_cast %swap3A_252 : vector<1x16xf32> to vector<16xf32>
      %swap3A_254 = vector.shape_cast %broadcast_in_dim3A_250 : vector<16xf32> to vector<1x16xf32>
      tpu.vector_store %arg12[%swap3A, %swap3A_251], %swap3A_254 {strides = array<i32>} : memref<25x128xf32, #tpu.memory_space<vmem>>, vector<1x16xf32>,
      %broadcast_in_dim3A_255 = arith.constant 0.000000e+00 : f32
      %broadcast_in_dim3A_256 = vector.broadcast %broadcast_in_dim3A_255 : f32 to vector<16xf32>
      %swap3A_257 = arith.index_cast %scan3A_248 : i32 to index
      %swap3A_258 = arith.constant 16 : index
      %swap3A_259 = tpu.vector_load %arg12[%swap3A_257, %swap3A_258] {strides = array<i32>} : memref<25x128xf32, #tpu.memory_space<vmem>>, vector<1x16xf32>,
      %swap3A_260 = vector.shape_cast %swap3A_259 : vector<1x16xf32> to vector<16xf32>
      %swap3A_261 = vector.shape_cast %broadcast_in_dim3A_256 : vector<16xf32> to vector<1x16xf32>
      tpu.vector_store %arg12[%swap3A_257, %swap3A_258], %swap3A_261 {strides = array<i32>} : memref<25x128xf32, #tpu.memory_space<vmem>>, vector<1x16xf32>,
      %broadcast_in_dim3A_262 = arith.constant 0.000000e+00 : f32
      %broadcast_in_dim3A_263 = vector.broadcast %broadcast_in_dim3A_262 : f32 to vector<16xf32>
      %swap3A_264 = arith.index_cast %scan3A_248 : i32 to index
      %swap3A_265 = arith.constant 32 : index
      %swap3A_266 = tpu.vector_load %arg12[%swap3A_264, %swap3A_265] {strides = array<i32>} : memref<25x128xf32, #tpu.memory_space<vmem>>, vector<1x16xf32>,
      %swap3A_267 = vector.shape_cast %swap3A_266 : vector<1x16xf32> to vector<16xf32>
      %swap3A_268 = vector.shape_cast %broadcast_in_dim3A_263 : vector<16xf32> to vector<1x16xf32>
      tpu.vector_store %arg12[%swap3A_264, %swap3A_265], %swap3A_268 {strides = array<i32>} : memref<25x128xf32, #tpu.memory_space<vmem>>, vector<1x16xf32>,
      %broadcast_in_dim3A_269 = arith.constant 0.000000e+00 : f32
      %broadcast_in_dim3A_270 = vector.broadcast %broadcast_in_dim3A_269 : f32 to vector<16xf32>
      %swap3A_271 = arith.index_cast %scan3A_248 : i32 to index
      %swap3A_272 = arith.constant 48 : index
      %swap3A_273 = tpu.vector_load %arg12[%swap3A_271, %swap3A_272] {strides = array<i32>} : memref<25x128xf32, #tpu.memory_space<vmem>>, vector<1x16xf32>,
      %swap3A_274 = vector.shape_cast %swap3A_273 : vector<1x16xf32> to vector<16xf32>
      %swap3A_275 = vector.shape_cast %broadcast_in_dim3A_270 : vector<16xf32> to vector<1x16xf32>
      tpu.vector_store %arg12[%swap3A_271, %swap3A_272], %swap3A_275 {strides = array<i32>} : memref<25x128xf32, #tpu.memory_space<vmem>>, vector<1x16xf32>,
      %broadcast_in_dim3A_276 = arith.constant 0.000000e+00 : f32
      %broadcast_in_dim3A_277 = vector.broadcast %broadcast_in_dim3A_276 : f32 to vector<16xf32>
      %swap3A_278 = arith.index_cast %scan3A_248 : i32 to index
      %swap3A_279 = arith.constant 64 : index
      %swap3A_280 = tpu.vector_load %arg12[%swap3A_278, %swap3A_279] {strides = array<i32>} : memref<25x128xf32, #tpu.memory_space<vmem>>, vector<1x16xf32>,
      %swap3A_281 = vector.shape_cast %swap3A_280 : vector<1x16xf32> to vector<16xf32>
      %swap3A_282 = vector.shape_cast %broadcast_in_dim3A_277 : vector<16xf32> to vector<1x16xf32>
      tpu.vector_store %arg12[%swap3A_278, %swap3A_279], %swap3A_282 {strides = array<i32>} : memref<25x128xf32, #tpu.memory_space<vmem>>, vector<1x16xf32>,
      %broadcast_in_dim3A_283 = arith.constant 0.000000e+00 : f32
      %broadcast_in_dim3A_284 = vector.broadcast %broadcast_in_dim3A_283 : f32 to vector<16xf32>
      %swap3A_285 = arith.index_cast %scan3A_248 : i32 to index
      %swap3A_286 = arith.constant 80 : index
      %swap3A_287 = tpu.vector_load %arg12[%swap3A_285, %swap3A_286] {strides = array<i32>} : memref<25x128xf32, #tpu.memory_space<vmem>>, vector<1x16xf32>,
      %swap3A_288 = vector.shape_cast %swap3A_287 : vector<1x16xf32> to vector<16xf32>
      %swap3A_289 = vector.shape_cast %broadcast_in_dim3A_284 : vector<16xf32> to vector<1x16xf32>
      tpu.vector_store %arg12[%swap3A_285, %swap3A_286], %swap3A_289 {strides = array<i32>} : memref<25x128xf32, #tpu.memory_space<vmem>>, vector<1x16xf32>,
      %broadcast_in_dim3A_290 = arith.constant 0.000000e+00 : f32
      %broadcast_in_dim3A_291 = vector.broadcast %broadcast_in_dim3A_290 : f32 to vector<16xf32>
      %swap3A_292 = arith.index_cast %scan3A_248 : i32 to index
      %swap3A_293 = arith.constant 96 : index
      %swap3A_294 = tpu.vector_load %arg12[%swap3A_292, %swap3A_293] {strides = array<i32>} : memref<25x128xf32, #tpu.memory_space<vmem>>, vector<1x16xf32>,
      %swap3A_295 = vector.shape_cast %swap3A_294 : vector<1x16xf32> to vector<16xf32>
      %swap3A_296 = vector.shape_cast %broadcast_in_dim3A_291 : vector<16xf32> to vector<1x16xf32>
      tpu.vector_store %arg12[%swap3A_292, %swap3A_293], %swap3A_296 {strides = array<i32>} : memref<25x128xf32, #tpu.memory_space<vmem>>, vector<1x16xf32>,
      %broadcast_in_dim3A_297 = arith.constant 0.000000e+00 : f32
      %broadcast_in_dim3A_298 = vector.broadcast %broadcast_in_dim3A_297 : f32 to vector<16xf32>
      %swap3A_299 = arith.index_cast %scan3A_248 : i32 to index
      %swap3A_300 = arith.constant 112 : index
      %swap3A_301 = tpu.vector_load %arg12[%swap3A_299, %swap3A_300] {strides = array<i32>} : memref<25x128xf32, #tpu.memory_space<vmem>>, vector<1x16xf32>,
      %swap3A_302 = vector.shape_cast %swap3A_301 : vector<1x16xf32> to vector<16xf32>
      %swap3A_303 = vector.shape_cast %broadcast_in_dim3A_298 : vector<16xf32> to vector<1x16xf32>
      tpu.vector_store %arg12[%swap3A_299, %swap3A_300], %swap3A_303 {strides = array<i32>} : memref<25x128xf32, #tpu.memory_space<vmem>>, vector<1x16xf32>,
      %scan3A_304 = arith.constant 0 : i32
      scf.yield %scan3A_304 : i32
    }
    %scan3A_6 = arith.constant 25 : i32
    %scan3A_7 = arith.constant 0 : i32
    %scan3A_8 = arith.constant 0 : i32
    %scan3A_9 = arith.constant 25 : i32
    %scan3A_10 = arith.addi %scan3A_8, %scan3A_9 : i32
    %scan3A_11 = arith.constant 1 : i32
    %scan3A_12 = scf.for %scan3A_248 = %scan3A_8 to %scan3A_10 step %scan3A_11 iter_args(%scan3A_249 = %scan3A_7) -> (i32)  : i32 {
      %mul3A_250 = arith.constant 625 : i32
      %mul3A_251 = arith.muli %arg1, %mul3A_250 : i32
      %mul3A_252 = arith.constant 25 : i32
      %mul3A_253 = arith.muli %scan3A_248, %mul3A_252 : i32
      %add3A_254 = arith.addi %mul3A_251, %mul3A_253 : i32
      %dma_start3A_255 = arith.constant 0 : i32
      %dma_start3A_256 = tpu.memref_slice %arg6[%add3A_254, %dma_start3A_255] : memref<10000x128xf32, #tpu.memory_space<vmem_shared>> -> memref<25x128xf32, #tpu.memory_space<vmem_shared>>
      %dma_start3A_257 = arith.constant 0 : i32
      %dma_start3A_258 = tpu.memref_slice %arg6[%add3A_254, %dma_start3A_257] : memref<10000x128xf32, #tpu.memory_space<vmem_shared>> -> memref<25x128xf32, #tpu.memory_space<vmem_shared>>
      tpu.enqueue_dma source(%arg12 : memref<25x128xf32, #tpu.memory_space<vmem>>) target(%dma_start3A_258 : memref<25x128xf32, #tpu.memory_space<vmem_shared>>) target_semaphore(%arg13 : memref<!tpu.dma_semaphore, #tpu.memory_space<semaphore_mem>>)
      %scan3A_259 = arith.constant 0 : i32
      scf.yield %scan3A_259 : i32
    }
    %scan3A_13 = arith.constant 25 : i32
    %scan3A_14 = arith.constant 0 : i32
    %scan3A_15 = arith.constant 0 : i32
    %scan3A_16 = arith.constant 25 : i32
    %scan3A_17 = arith.addi %scan3A_15, %scan3A_16 : i32
    %scan3A_18 = arith.constant 1 : i32
    %scan3A_19 = scf.for %scan3A_248 = %scan3A_15 to %scan3A_17 step %scan3A_18 iter_args(%scan3A_249 = %scan3A_14) -> (i32)  : i32 {
      %mul3A_250 = arith.constant 625 : i32
      %mul3A_251 = arith.muli %arg1, %mul3A_250 : i32
      %mul3A_252 = arith.constant 25 : i32
      %mul3A_253 = arith.muli %scan3A_248, %mul3A_252 : i32
      %add3A_254 = arith.addi %mul3A_251, %mul3A_253 : i32
      %dma_wait3A_255 = arith.constant 0 : i32
      %dma_wait3A_256 = tpu.memref_slice %arg6[%add3A_254, %dma_wait3A_255] : memref<10000x128xf32, #tpu.memory_space<vmem_shared>> -> memref<25x128xf32, #tpu.memory_space<vmem_shared>>
      %dma_wait3A_257 = arith.constant 0 : i32
      %dma_wait3A_258 = tpu.memref_slice %arg6[%add3A_254, %dma_wait3A_257] : memref<10000x128xf32, #tpu.memory_space<vmem_shared>> -> memref<25x128xf32, #tpu.memory_space<vmem_shared>>
      tpu.wait_dma2 semaphore(%arg13 : memref<!tpu.dma_semaphore, #tpu.memory_space<semaphore_mem>>) src(%arg12 : memref<25x128xf32, #tpu.memory_space<vmem>>) dst(%dma_wait3A_258 : memref<25x128xf32, #tpu.memory_space<vmem_shared>>)
      %scan3A_259 = arith.constant 0 : i32
      scf.yield %scan3A_259 : i32
    }
    %scan3A_20 = arith.constant 25 : i32
    "tpu.region"() ({
      %run_scoped3A = tpu.sem_alloc : memref<!tpu.dma_semaphore, #tpu.memory_space<semaphore_mem>>
      %dma_start3A_248 = arith.constant 0 : i32
      %dma_start3A_249 = arith.constant 0 : i32
      %dma_start3A_250 = tpu.memref_slice %arg2[%add3A, %dma_start3A_248, %dma_start3A_249] : memref<32x100x100xi32, #tpu.memory_space<hbm>> -> memref<1x100x100xi32, #tpu.memory_space<hbm>>
      %dma_start3A_251 = tpu.memref_squeeze %dma_start3A_250 : memref<1x100x100xi32, #tpu.memory_space<hbm>> -> memref<100x100xi32, #tpu.memory_space<hbm>>
      %dma_start3A_252 = arith.constant 0 : i32
      %dma_start3A_253 = arith.constant 0 : i32
      %dma_start3A_254 = tpu.memref_slice %dma_start3A_251[%dma_start3A_252, %dma_start3A_253] : memref<100x100xi32, #tpu.memory_space<hbm>> -> memref<25x100xi32, #tpu.memory_space<hbm>>
      %dma_start3A_255 = arith.constant 0 : i32
      %dma_start3A_256 = arith.constant 0 : i32
      %dma_start3A_257 = tpu.memref_slice %arg2[%add3A, %dma_start3A_255, %dma_start3A_256] : memref<32x100x100xi32, #tpu.memory_space<hbm>> -> memref<1x100x100xi32, #tpu.memory_space<hbm>>
      %dma_start3A_258 = tpu.memref_squeeze %dma_start3A_257 : memref<1x100x100xi32, #tpu.memory_space<hbm>> -> memref<100x100xi32, #tpu.memory_space<hbm>>
      %dma_start3A_259 = arith.constant 0 : i32
      %dma_start3A_260 = arith.constant 0 : i32
      %dma_start3A_261 = tpu.memref_slice %dma_start3A_258[%dma_start3A_259, %dma_start3A_260] : memref<100x100xi32, #tpu.memory_space<hbm>> -> memref<25x100xi32, #tpu.memory_space<hbm>>
      tpu.enqueue_dma source(%dma_start3A_261 : memref<25x100xi32, #tpu.memory_space<hbm>>) target(%arg7 : memref<25x100xi32, #tpu.memory_space<vmem>>) target_semaphore(%run_scoped3A : memref<!tpu.dma_semaphore, #tpu.memory_space<semaphore_mem>>)
      %dma_wait3A_262 = arith.constant 0 : i32
      %dma_wait3A_263 = arith.constant 0 : i32
      %dma_wait3A_264 = tpu.memref_slice %arg2[%add3A, %dma_wait3A_262, %dma_wait3A_263] : memref<32x100x100xi32, #tpu.memory_space<hbm>> -> memref<1x100x100xi32, #tpu.memory_space<hbm>>
      %dma_wait3A_265 = tpu.memref_squeeze %dma_wait3A_264 : memref<1x100x100xi32, #tpu.memory_space<hbm>> -> memref<100x100xi32, #tpu.memory_space<hbm>>
      %dma_wait3A_266 = arith.constant 0 : i32
      %dma_wait3A_267 = arith.constant 0 : i32
      %dma_wait3A_268 = tpu.memref_slice %dma_wait3A_265[%dma_wait3A_266, %dma_wait3A_267] : memref<100x100xi32, #tpu.memory_space<hbm>> -> memref<25x100xi32, #tpu.memory_space<hbm>>
      %dma_wait3A_269 = arith.constant 0 : i32
      %dma_wait3A_270 = arith.constant 0 : i32
      %dma_wait3A_271 = tpu.memref_slice %arg2[%add3A, %dma_wait3A_269, %dma_wait3A_270] : memref<32x100x100xi32, #tpu.memory_space<hbm>> -> memref<1x100x100xi32, #tpu.memory_space<hbm>>
      %dma_wait3A_272 = tpu.memref_squeeze %dma_wait3A_271 : memref<1x100x100xi32, #tpu.memory_space<hbm>> -> memref<100x100xi32, #tpu.memory_space<hbm>>
      %dma_wait3A_273 = arith.constant 0 : i32
      %dma_wait3A_274 = arith.constant 0 : i32
      %dma_wait3A_275 = tpu.memref_slice %dma_wait3A_272[%dma_wait3A_273, %dma_wait3A_274] : memref<100x100xi32, #tpu.memory_space<hbm>> -> memref<25x100xi32, #tpu.memory_space<hbm>>
      tpu.wait_dma2 semaphore(%run_scoped3A : memref<!tpu.dma_semaphore, #tpu.memory_space<semaphore_mem>>) src(%dma_wait3A_275 : memref<25x100xi32, #tpu.memory_space<hbm>>) dst(%arg7 : memref<25x100xi32, #tpu.memory_space<vmem>>)
      tpu.yield
    }) : () -> ()
    "tpu.region"() ({
      %run_scoped3A = tpu.sem_alloc : memref<!tpu.dma_semaphore, #tpu.memory_space<semaphore_mem>>
      %dma_start3A_248 = arith.constant 0 : i32
      %dma_start3A_249 = arith.constant 0 : i32
      %dma_start3A_250 = tpu.memref_slice %arg3[%add3A, %dma_start3A_248, %dma_start3A_249] : memref<32x100x100xi32, #tpu.memory_space<hbm>> -> memref<1x100x100xi32, #tpu.memory_space<hbm>>
      %dma_start3A_251 = tpu.memref_squeeze %dma_start3A_250 : memref<1x100x100xi32, #tpu.memory_space<hbm>> -> memref<100x100xi32, #tpu.memory_space<hbm>>
      %dma_start3A_252 = arith.constant 0 : i32
      %dma_start3A_253 = arith.constant 0 : i32
      %dma_start3A_254 = tpu.memref_slice %dma_start3A_251[%dma_start3A_252, %dma_start3A_253] : memref<100x100xi32, #tpu.memory_space<hbm>> -> memref<25x100xi32, #tpu.memory_space<hbm>>
      %dma_start3A_255 = arith.constant 0 : i32
      %dma_start3A_256 = arith.constant 0 : i32
      %dma_start3A_257 = tpu.memref_slice %arg3[%add3A, %dma_start3A_255, %dma_start3A_256] : memref<32x100x100xi32, #tpu.memory_space<hbm>> -> memref<1x100x100xi32, #tpu.memory_space<hbm>>
      %dma_start3A_258 = tpu.memref_squeeze %dma_start3A_257 : memref<1x100x100xi32, #tpu.memory_space<hbm>> -> memref<100x100xi32, #tpu.memory_space<hbm>>
      %dma_start3A_259 = arith.constant 0 : i32
      %dma_start3A_260 = arith.constant 0 : i32
      %dma_start3A_261 = tpu.memref_slice %dma_start3A_258[%dma_start3A_259, %dma_start3A_260] : memref<100x100xi32, #tpu.memory_space<hbm>> -> memref<25x100xi32, #tpu.memory_space<hbm>>
      tpu.enqueue_dma source(%dma_start3A_261 : memref<25x100xi32, #tpu.memory_space<hbm>>) target(%arg8 : memref<25x100xi32, #tpu.memory_space<vmem>>) target_semaphore(%run_scoped3A : memref<!tpu.dma_semaphore, #tpu.memory_space<semaphore_mem>>)
      %dma_wait3A_262 = arith.constant 0 : i32
      %dma_wait3A_263 = arith.constant 0 : i32
      %dma_wait3A_264 = tpu.memref_slice %arg3[%add3A, %dma_wait3A_262, %dma_wait3A_263] : memref<32x100x100xi32, #tpu.memory_space<hbm>> -> memref<1x100x100xi32, #tpu.memory_space<hbm>>
      %dma_wait3A_265 = tpu.memref_squeeze %dma_wait3A_264 : memref<1x100x100xi32, #tpu.memory_space<hbm>> -> memref<100x100xi32, #tpu.memory_space<hbm>>
      %dma_wait3A_266 = arith.constant 0 : i32
      %dma_wait3A_267 = arith.constant 0 : i32
      %dma_wait3A_268 = tpu.memref_slice %dma_wait3A_265[%dma_wait3A_266, %dma_wait3A_267] : memref<100x100xi32, #tpu.memory_space<hbm>> -> memref<25x100xi32, #tpu.memory_space<hbm>>
      %dma_wait3A_269 = arith.constant 0 : i32
      %dma_wait3A_270 = arith.constant 0 : i32
      %dma_wait3A_271 = tpu.memref_slice %arg3[%add3A, %dma_wait3A_269, %dma_wait3A_270] : memref<32x100x100xi32, #tpu.memory_space<hbm>> -> memref<1x100x100xi32, #tpu.memory_space<hbm>>
      %dma_wait3A_272 = tpu.memref_squeeze %dma_wait3A_271 : memref<1x100x100xi32, #tpu.memory_space<hbm>> -> memref<100x100xi32, #tpu.memory_space<hbm>>
      %dma_wait3A_273 = arith.constant 0 : i32
      %dma_wait3A_274 = arith.constant 0 : i32
      %dma_wait3A_275 = tpu.memref_slice %dma_wait3A_272[%dma_wait3A_273, %dma_wait3A_274] : memref<100x100xi32, #tpu.memory_space<hbm>> -> memref<25x100xi32, #tpu.memory_space<hbm>>
      tpu.wait_dma2 semaphore(%run_scoped3A : memref<!tpu.dma_semaphore, #tpu.memory_space<semaphore_mem>>) src(%dma_wait3A_275 : memref<25x100xi32, #tpu.memory_space<hbm>>) dst(%arg8 : memref<25x100xi32, #tpu.memory_space<vmem>>)
      tpu.yield
    }) : () -> ()
    %barrier3A = arith.constant 0 : index
    tpu.barrier barrier_id(%barrier3A)
    %dma_start3A = arith.constant 0 : i32
    %dma_start3A_21 = arith.constant 0 : i32
    %dma_start3A_22 = tpu.memref_slice %arg7[%dma_start3A, %dma_start3A_21] : memref<25x100xi32, #tpu.memory_space<vmem>> -> memref<1x100xi32, #tpu.memory_space<vmem>>
    %dma_start3A_23 = tpu.memref_squeeze %dma_start3A_22 : memref<1x100xi32, #tpu.memory_space<vmem>> -> memref<100xi32, #tpu.memory_space<vmem>>
    %dma_start3A_24 = arith.constant 0 : i32
    %dma_start3A_25 = arith.constant 0 : i32
    %dma_start3A_26 = tpu.memref_slice %arg4[%dma_start3A_24, %dma_start3A_25] : memref<10000x128xf32, #tpu.memory_space<hbm>> -> memref<10000x128xf32, #tpu.memory_space<hbm>>
    tpu.enqueue_indirect_dma source(%dma_start3A_26 : memref<10000x128xf32, #tpu.memory_space<hbm>>) target(%arg9 : memref<100x128xf32, #tpu.memory_space<vmem>>) offsets(%dma_start3A_23 : memref<100xi32, #tpu.memory_space<vmem>>) semaphore(%arg13 : memref<!tpu.dma_semaphore, #tpu.memory_space<semaphore_mem>>)
    %dma_start3A_27 = arith.constant 1 : i32
    %dma_start3A_28 = arith.constant 0 : i32
    %dma_start3A_29 = tpu.memref_slice %arg7[%dma_start3A_27, %dma_start3A_28] : memref<25x100xi32, #tpu.memory_space<vmem>> -> memref<1x100xi32, #tpu.memory_space<vmem>>
    %dma_start3A_30 = tpu.memref_squeeze %dma_start3A_29 : memref<1x100xi32, #tpu.memory_space<vmem>> -> memref<100xi32, #tpu.memory_space<vmem>>
    %dma_start3A_31 = arith.constant 0 : i32
    %dma_start3A_32 = arith.constant 0 : i32
    %dma_start3A_33 = tpu.memref_slice %arg4[%dma_start3A_31, %dma_start3A_32] : memref<10000x128xf32, #tpu.memory_space<hbm>> -> memref<10000x128xf32, #tpu.memory_space<hbm>>
    tpu.enqueue_indirect_dma source(%dma_start3A_33 : memref<10000x128xf32, #tpu.memory_space<hbm>>) target(%arg10 : memref<100x128xf32, #tpu.memory_space<vmem>>) offsets(%dma_start3A_30 : memref<100xi32, #tpu.memory_space<vmem>>) semaphore(%arg14 : memref<!tpu.dma_semaphore, #tpu.memory_space<semaphore_mem>>)
    %scan3A_34 = arith.constant 0 : i32
    %scan3A_35 = arith.constant 0 : i32
    %scan3A_36 = arith.constant 8 : i32
    %scan3A_37 = arith.addi %scan3A_35, %scan3A_36 : i32
    %scan3A_38 = arith.constant 1 : i32
    %scan3A_39 = scf.for %scan3A_248 = %scan3A_35 to %scan3A_37 step %scan3A_38 iter_args(%scan3A_249 = %scan3A_34) -> (i32)  : i32 {
      %mul3A_250 = arith.constant 3 : i32
      %mul3A_251 = arith.muli %mul3A_250, %scan3A_248 : i32
      %add3A_252 = arith.constant 0 : i32
      %add3A_253 = arith.addi %mul3A_251, %add3A_252 : i32
      %dma_wait3A_254 = arith.constant 0 : i32
      %dma_wait3A_255 = tpu.memref_slice %arg7[%add3A_253, %dma_wait3A_254] : memref<25x100xi32, #tpu.memory_space<vmem>> -> memref<1x100xi32, #tpu.memory_space<vmem>>
      %dma_wait3A_256 = tpu.memref_squeeze %dma_wait3A_255 : memref<1x100xi32, #tpu.memory_space<vmem>> -> memref<100xi32, #tpu.memory_space<vmem>>
      %dma_wait3A_257 = arith.constant 0 : i32
      %dma_wait3A_258 = arith.constant 0 : i32
      %dma_wait3A_259 = tpu.memref_slice %arg4[%dma_wait3A_257, %dma_wait3A_258] : memref<10000x128xf32, #tpu.memory_space<hbm>> -> memref<10000x128xf32, #tpu.memory_space<hbm>>
      tpu.wait_indirect_dma semaphore(%arg13 : memref<!tpu.dma_semaphore, #tpu.memory_space<semaphore_mem>>) src(%dma_wait3A_259 : memref<10000x128xf32, #tpu.memory_space<hbm>>) dst(%arg9 : memref<100x128xf32, #tpu.memory_space<vmem>>)
      %dma_start3A_260 = arith.constant 0 : i32
      %dma_start3A_261 = tpu.memref_slice %arg8[%add3A_253, %dma_start3A_260] : memref<25x100xi32, #tpu.memory_space<vmem>> -> memref<1x100xi32, #tpu.memory_space<vmem>>
      %dma_start3A_262 = tpu.memref_squeeze %dma_start3A_261 : memref<1x100xi32, #tpu.memory_space<vmem>> -> memref<100xi32, #tpu.memory_space<vmem>>
      %dma_start3A_263 = arith.constant 0 : i32
      %dma_start3A_264 = arith.constant 0 : i32
      %dma_start3A_265 = tpu.memref_slice %arg6[%dma_start3A_263, %dma_start3A_264] : memref<10000x128xf32, #tpu.memory_space<vmem_shared>> -> memref<10000x128xf32, #tpu.memory_space<vmem_shared>>
      tpu.enqueue_indirect_dma source(%arg9 : memref<100x128xf32, #tpu.memory_space<vmem>>) target(%dma_start3A_265 : memref<10000x128xf32, #tpu.memory_space<vmem_shared>>) offsets(%dma_start3A_262 : memref<100xi32, #tpu.memory_space<vmem>>) semaphore(%arg16 : memref<!tpu.dma_semaphore, #tpu.memory_space<semaphore_mem>>) {add = true}
      %add3A_266 = arith.constant 2 : i32
      %add3A_267 = arith.addi %add3A_253, %add3A_266 : i32
      %lt3A = arith.constant 25 : i32
      %lt3A_268 = arith.cmpi slt, %add3A_267, %lt3A : i32
      %convert_element_type3A = arith.extui %lt3A_268 : i1 to i32
      %cond3A = arith.constant 0 : i32
      %cond3A_269 = arith.cmpi ne, %convert_element_type3A, %cond3A : i32
      scf.if %cond3A_269 {
        %ge3A = arith.constant 1 : i32
        %ge3A_317 = arith.cmpi sge, %add3A_253, %ge3A : i32
        %convert_element_type3A_318 = arith.extui %ge3A_317 : i1 to i32
        %cond3A_319 = arith.constant 0 : i32
        %cond3A_320 = arith.cmpi ne, %convert_element_type3A_318, %cond3A_319 : i32
        scf.if %cond3A_320 {
          %sub3A = arith.constant 1 : i32
          %sub3A_327 = arith.subi %add3A_253, %sub3A : i32
          %dma_wait3A_328 = arith.constant 0 : i32
          %dma_wait3A_329 = tpu.memref_slice %arg8[%sub3A_327, %dma_wait3A_328] : memref<25x100xi32, #tpu.memory_space<vmem>> -> memref<1x100xi32, #tpu.memory_space<vmem>>
          %dma_wait3A_330 = tpu.memref_squeeze %dma_wait3A_329 : memref<1x100xi32, #tpu.memory_space<vmem>> -> memref<100xi32, #tpu.memory_space<vmem>>
          %dma_wait3A_331 = arith.constant 0 : i32
          %dma_wait3A_332 = arith.constant 0 : i32
          %dma_wait3A_333 = tpu.memref_slice %arg6[%dma_wait3A_331, %dma_wait3A_332] : memref<10000x128xf32, #tpu.memory_space<vmem_shared>> -> memref<10000x128xf32, #tpu.memory_space<vmem_shared>>
          tpu.wait_indirect_dma semaphore(%arg18 : memref<!tpu.dma_semaphore, #tpu.memory_space<semaphore_mem>>) src(%arg11 : memref<100x128xf32, #tpu.memory_space<vmem>>) dst(%dma_wait3A_333 : memref<10000x128xf32, #tpu.memory_space<vmem_shared>>)
        } else {
        }
        %dma_start3A_321 = arith.constant 0 : i32
        %dma_start3A_322 = tpu.memref_slice %arg7[%add3A_267, %dma_start3A_321] : memref<25x100xi32, #tpu.memory_space<vmem>> -> memref<1x100xi32, #tpu.memory_space<vmem>>
        %dma_start3A_323 = tpu.memref_squeeze %dma_start3A_322 : memref<1x100xi32, #tpu.memory_space<vmem>> -> memref<100xi32, #tpu.memory_space<vmem>>
        %dma_start3A_324 = arith.constant 0 : i32
        %dma_start3A_325 = arith.constant 0 : i32
        %dma_start3A_326 = tpu.memref_slice %arg4[%dma_start3A_324, %dma_start3A_325] : memref<10000x128xf32, #tpu.memory_space<hbm>> -> memref<10000x128xf32, #tpu.memory_space<hbm>>
        tpu.enqueue_indirect_dma source(%dma_start3A_326 : memref<10000x128xf32, #tpu.memory_space<hbm>>) target(%arg11 : memref<100x128xf32, #tpu.memory_space<vmem>>) offsets(%dma_start3A_323 : memref<100xi32, #tpu.memory_space<vmem>>) semaphore(%arg15 : memref<!tpu.dma_semaphore, #tpu.memory_space<semaphore_mem>>)
      } else {
      }
      %mul3A_270 = arith.constant 3 : i32
      %mul3A_271 = arith.muli %mul3A_270, %scan3A_248 : i32
      %add3A_272 = arith.constant 1 : i32
      %add3A_273 = arith.addi %mul3A_271, %add3A_272 : i32
      %dma_wait3A_274 = arith.constant 0 : i32
      %dma_wait3A_275 = tpu.memref_slice %arg7[%add3A_273, %dma_wait3A_274] : memref<25x100xi32, #tpu.memory_space<vmem>> -> memref<1x100xi32, #tpu.memory_space<vmem>>
      %dma_wait3A_276 = tpu.memref_squeeze %dma_wait3A_275 : memref<1x100xi32, #tpu.memory_space<vmem>> -> memref<100xi32, #tpu.memory_space<vmem>>
      %dma_wait3A_277 = arith.constant 0 : i32
      %dma_wait3A_278 = arith.constant 0 : i32
      %dma_wait3A_279 = tpu.memref_slice %arg4[%dma_wait3A_277, %dma_wait3A_278] : memref<10000x128xf32, #tpu.memory_space<hbm>> -> memref<10000x128xf32, #tpu.memory_space<hbm>>
      tpu.wait_indirect_dma semaphore(%arg14 : memref<!tpu.dma_semaphore, #tpu.memory_space<semaphore_mem>>) src(%dma_wait3A_279 : memref<10000x128xf32, #tpu.memory_space<hbm>>) dst(%arg10 : memref<100x128xf32, #tpu.memory_space<vmem>>)
      %dma_start3A_280 = arith.constant 0 : i32
      %dma_start3A_281 = tpu.memref_slice %arg8[%add3A_273, %dma_start3A_280] : memref<25x100xi32, #tpu.memory_space<vmem>> -> memref<1x100xi32, #tpu.memory_space<vmem>>
      %dma_start3A_282 = tpu.memref_squeeze %dma_start3A_281 : memref<1x100xi32, #tpu.memory_space<vmem>> -> memref<100xi32, #tpu.memory_space<vmem>>
      %dma_start3A_283 = arith.constant 0 : i32
      %dma_start3A_284 = arith.constant 0 : i32
      %dma_start3A_285 = tpu.memref_slice %arg6[%dma_start3A_283, %dma_start3A_284] : memref<10000x128xf32, #tpu.memory_space<vmem_shared>> -> memref<10000x128xf32, #tpu.memory_space<vmem_shared>>
      tpu.enqueue_indirect_dma source(%arg10 : memref<100x128xf32, #tpu.memory_space<vmem>>) target(%dma_start3A_285 : memref<10000x128xf32, #tpu.memory_space<vmem_shared>>) offsets(%dma_start3A_282 : memref<100xi32, #tpu.memory_space<vmem>>) semaphore(%arg17 : memref<!tpu.dma_semaphore, #tpu.memory_space<semaphore_mem>>) {add = true}
      %add3A_286 = arith.constant 2 : i32
      %add3A_287 = arith.addi %add3A_273, %add3A_286 : i32
      %lt3A_288 = arith.constant 25 : i32
      %lt3A_289 = arith.cmpi slt, %add3A_287, %lt3A_288 : i32
      %convert_element_type3A_290 = arith.extui %lt3A_289 : i1 to i32
      %cond3A_291 = arith.constant 0 : i32
      %cond3A_292 = arith.cmpi ne, %convert_element_type3A_290, %cond3A_291 : i32
      scf.if %cond3A_292 {
        %ge3A = arith.constant 1 : i32
        %ge3A_317 = arith.cmpi sge, %add3A_273, %ge3A : i32
        %convert_element_type3A_318 = arith.extui %ge3A_317 : i1 to i32
        %cond3A_319 = arith.constant 0 : i32
        %cond3A_320 = arith.cmpi ne, %convert_element_type3A_318, %cond3A_319 : i32
        scf.if %cond3A_320 {
          %sub3A = arith.constant 1 : i32
          %sub3A_327 = arith.subi %add3A_273, %sub3A : i32
          %dma_wait3A_328 = arith.constant 0 : i32
          %dma_wait3A_329 = tpu.memref_slice %arg8[%sub3A_327, %dma_wait3A_328] : memref<25x100xi32, #tpu.memory_space<vmem>> -> memref<1x100xi32, #tpu.memory_space<vmem>>
          %dma_wait3A_330 = tpu.memref_squeeze %dma_wait3A_329 : memref<1x100xi32, #tpu.memory_space<vmem>> -> memref<100xi32, #tpu.memory_space<vmem>>
          %dma_wait3A_331 = arith.constant 0 : i32
          %dma_wait3A_332 = arith.constant 0 : i32
          %dma_wait3A_333 = tpu.memref_slice %arg6[%dma_wait3A_331, %dma_wait3A_332] : memref<10000x128xf32, #tpu.memory_space<vmem_shared>> -> memref<10000x128xf32, #tpu.memory_space<vmem_shared>>
          tpu.wait_indirect_dma semaphore(%arg16 : memref<!tpu.dma_semaphore, #tpu.memory_space<semaphore_mem>>) src(%arg9 : memref<100x128xf32, #tpu.memory_space<vmem>>) dst(%dma_wait3A_333 : memref<10000x128xf32, #tpu.memory_space<vmem_shared>>)
        } else {
        }
        %dma_start3A_321 = arith.constant 0 : i32
        %dma_start3A_322 = tpu.memref_slice %arg7[%add3A_287, %dma_start3A_321] : memref<25x100xi32, #tpu.memory_space<vmem>> -> memref<1x100xi32, #tpu.memory_space<vmem>>
        %dma_start3A_323 = tpu.memref_squeeze %dma_start3A_322 : memref<1x100xi32, #tpu.memory_space<vmem>> -> memref<100xi32, #tpu.memory_space<vmem>>
        %dma_start3A_324 = arith.constant 0 : i32
        %dma_start3A_325 = arith.constant 0 : i32
        %dma_start3A_326 = tpu.memref_slice %arg4[%dma_start3A_324, %dma_start3A_325] : memref<10000x128xf32, #tpu.memory_space<hbm>> -> memref<10000x128xf32, #tpu.memory_space<hbm>>
        tpu.enqueue_indirect_dma source(%dma_start3A_326 : memref<10000x128xf32, #tpu.memory_space<hbm>>) target(%arg9 : memref<100x128xf32, #tpu.memory_space<vmem>>) offsets(%dma_start3A_323 : memref<100xi32, #tpu.memory_space<vmem>>) semaphore(%arg13 : memref<!tpu.dma_semaphore, #tpu.memory_space<semaphore_mem>>)
      } else {
      }
      %mul3A_293 = arith.constant 3 : i32
      %mul3A_294 = arith.muli %mul3A_293, %scan3A_248 : i32
      %add3A_295 = arith.constant 2 : i32
      %add3A_296 = arith.addi %mul3A_294, %add3A_295 : i32
      %dma_wait3A_297 = arith.constant 0 : i32
      %dma_wait3A_298 = tpu.memref_slice %arg7[%add3A_296, %dma_wait3A_297] : memref<25x100xi32, #tpu.memory_space<vmem>> -> memref<1x100xi32, #tpu.memory_space<vmem>>
      %dma_wait3A_299 = tpu.memref_squeeze %dma_wait3A_298 : memref<1x100xi32, #tpu.memory_space<vmem>> -> memref<100xi32, #tpu.memory_space<vmem>>
      %dma_wait3A_300 = arith.constant 0 : i32
      %dma_wait3A_301 = arith.constant 0 : i32
      %dma_wait3A_302 = tpu.memref_slice %arg4[%dma_wait3A_300, %dma_wait3A_301] : memref<10000x128xf32, #tpu.memory_space<hbm>> -> memref<10000x128xf32, #tpu.memory_space<hbm>>
      tpu.wait_indirect_dma semaphore(%arg15 : memref<!tpu.dma_semaphore, #tpu.memory_space<semaphore_mem>>) src(%dma_wait3A_302 : memref<10000x128xf32, #tpu.memory_space<hbm>>) dst(%arg11 : memref<100x128xf32, #tpu.memory_space<vmem>>)
      %dma_start3A_303 = arith.constant 0 : i32
      %dma_start3A_304 = tpu.memref_slice %arg8[%add3A_296, %dma_start3A_303] : memref<25x100xi32, #tpu.memory_space<vmem>> -> memref<1x100xi32, #tpu.memory_space<vmem>>
      %dma_start3A_305 = tpu.memref_squeeze %dma_start3A_304 : memref<1x100xi32, #tpu.memory_space<vmem>> -> memref<100xi32, #tpu.memory_space<vmem>>
      %dma_start3A_306 = arith.constant 0 : i32
      %dma_start3A_307 = arith.constant 0 : i32
      %dma_start3A_308 = tpu.memref_slice %arg6[%dma_start3A_306, %dma_start3A_307] : memref<10000x128xf32, #tpu.memory_space<vmem_shared>> -> memref<10000x128xf32, #tpu.memory_space<vmem_shared>>
      tpu.enqueue_indirect_dma source(%arg11 : memref<100x128xf32, #tpu.memory_space<vmem>>) target(%dma_start3A_308 : memref<10000x128xf32, #tpu.memory_space<vmem_shared>>) offsets(%dma_start3A_305 : memref<100xi32, #tpu.memory_space<vmem>>) semaphore(%arg18 : memref<!tpu.dma_semaphore, #tpu.memory_space<semaphore_mem>>) {add = true}
      %add3A_309 = arith.constant 2 : i32
      %add3A_310 = arith.addi %add3A_296, %add3A_309 : i32
      %lt3A_311 = arith.constant 25 : i32
      %lt3A_312 = arith.cmpi slt, %add3A_310, %lt3A_311 : i32
      %convert_element_type3A_313 = arith.extui %lt3A_312 : i1 to i32
      %cond3A_314 = arith.constant 0 : i32
      %cond3A_315 = arith.cmpi ne, %convert_element_type3A_313, %cond3A_314 : i32
      scf.if %cond3A_315 {
        %ge3A = arith.constant 1 : i32
        %ge3A_317 = arith.cmpi sge, %add3A_296, %ge3A : i32
        %convert_element_type3A_318 = arith.extui %ge3A_317 : i1 to i32
        %cond3A_319 = arith.constant 0 : i32
        %cond3A_320 = arith.cmpi ne, %convert_element_type3A_318, %cond3A_319 : i32
        scf.if %cond3A_320 {
          %sub3A = arith.constant 1 : i32
          %sub3A_327 = arith.subi %add3A_296, %sub3A : i32
          %dma_wait3A_328 = arith.constant 0 : i32
          %dma_wait3A_329 = tpu.memref_slice %arg8[%sub3A_327, %dma_wait3A_328] : memref<25x100xi32, #tpu.memory_space<vmem>> -> memref<1x100xi32, #tpu.memory_space<vmem>>
          %dma_wait3A_330 = tpu.memref_squeeze %dma_wait3A_329 : memref<1x100xi32, #tpu.memory_space<vmem>> -> memref<100xi32, #tpu.memory_space<vmem>>
          %dma_wait3A_331 = arith.constant 0 : i32
          %dma_wait3A_332 = arith.constant 0 : i32
          %dma_wait3A_333 = tpu.memref_slice %arg6[%dma_wait3A_331, %dma_wait3A_332] : memref<10000x128xf32, #tpu.memory_space<vmem_shared>> -> memref<10000x128xf32, #tpu.memory_space<vmem_shared>>
          tpu.wait_indirect_dma semaphore(%arg17 : memref<!tpu.dma_semaphore, #tpu.memory_space<semaphore_mem>>) src(%arg10 : memref<100x128xf32, #tpu.memory_space<vmem>>) dst(%dma_wait3A_333 : memref<10000x128xf32, #tpu.memory_space<vmem_shared>>)
        } else {
        }
        %dma_start3A_321 = arith.constant 0 : i32
        %dma_start3A_322 = tpu.memref_slice %arg7[%add3A_310, %dma_start3A_321] : memref<25x100xi32, #tpu.memory_space<vmem>> -> memref<1x100xi32, #tpu.memory_space<vmem>>
        %dma_start3A_323 = tpu.memref_squeeze %dma_start3A_322 : memref<1x100xi32, #tpu.memory_space<vmem>> -> memref<100xi32, #tpu.memory_space<vmem>>
        %dma_start3A_324 = arith.constant 0 : i32
        %dma_start3A_325 = arith.constant 0 : i32
        %dma_start3A_326 = tpu.memref_slice %arg4[%dma_start3A_324, %dma_start3A_325] : memref<10000x128xf32, #tpu.memory_space<hbm>> -> memref<10000x128xf32, #tpu.memory_space<hbm>>
        tpu.enqueue_indirect_dma source(%dma_start3A_326 : memref<10000x128xf32, #tpu.memory_space<hbm>>) target(%arg10 : memref<100x128xf32, #tpu.memory_space<vmem>>) offsets(%dma_start3A_323 : memref<100xi32, #tpu.memory_space<vmem>>) semaphore(%arg14 : memref<!tpu.dma_semaphore, #tpu.memory_space<semaphore_mem>>)
      } else {
      }
      %scan3A_316 = arith.constant 0 : i32
      scf.yield %scan3A_316 : i32
    }
    %scan3A_40 = arith.constant 8 : i32
    %dma_wait3A = arith.constant 24 : i32
    %dma_wait3A_41 = arith.constant 0 : i32
    %dma_wait3A_42 = tpu.memref_slice %arg7[%dma_wait3A, %dma_wait3A_41] : memref<25x100xi32, #tpu.memory_space<vmem>> -> memref<1x100xi32, #tpu.memory_space<vmem>>
    %dma_wait3A_43 = tpu.memref_squeeze %dma_wait3A_42 : memref<1x100xi32, #tpu.memory_space<vmem>> -> memref<100xi32, #tpu.memory_space<vmem>>
    %dma_wait3A_44 = arith.constant 0 : i32
    %dma_wait3A_45 = arith.constant 0 : i32
    %dma_wait3A_46 = tpu.memref_slice %arg4[%dma_wait3A_44, %dma_wait3A_45] : memref<10000x128xf32, #tpu.memory_space<hbm>> -> memref<10000x128xf32, #tpu.memory_space<hbm>>
    tpu.wait_indirect_dma semaphore(%arg13 : memref<!tpu.dma_semaphore, #tpu.memory_space<semaphore_mem>>) src(%dma_wait3A_46 : memref<10000x128xf32, #tpu.memory_space<hbm>>) dst(%arg9 : memref<100x128xf32, #tpu.memory_space<vmem>>)
    %dma_start3A_47 = arith.constant 24 : i32
    %dma_start3A_48 = arith.constant 0 : i32
    %dma_start3A_49 = tpu.memref_slice %arg8[%dma_start3A_47, %dma_start3A_48] : memref<25x100xi32, #tpu.memory_space<vmem>> -> memref<1x100xi32, #tpu.memory_space<vmem>>
    %dma_start3A_50 = tpu.memref_squeeze %dma_start3A_49 : memref<1x100xi32, #tpu.memory_space<vmem>> -> memref<100xi32, #tpu.memory_space<vmem>>
    %dma_start3A_51 = arith.constant 0 : i32
    %dma_start3A_52 = arith.constant 0 : i32
    %dma_start3A_53 = tpu.memref_slice %arg6[%dma_start3A_51, %dma_start3A_52] : memref<10000x128xf32, #tpu.memory_space<vmem_shared>> -> memref<10000x128xf32, #tpu.memory_space<vmem_shared>>
    tpu.enqueue_indirect_dma source(%arg9 : memref<100x128xf32, #tpu.memory_space<vmem>>) target(%dma_start3A_53 : memref<10000x128xf32, #tpu.memory_space<vmem_shared>>) offsets(%dma_start3A_50 : memref<100xi32, #tpu.memory_space<vmem>>) semaphore(%arg16 : memref<!tpu.dma_semaphore, #tpu.memory_space<semaphore_mem>>) {add = true}
    %dma_wait3A_54 = arith.constant 22 : i32
    %dma_wait3A_55 = arith.constant 0 : i32
    %dma_wait3A_56 = tpu.memref_slice %arg8[%dma_wait3A_54, %dma_wait3A_55] : memref<25x100xi32, #tpu.memory_space<vmem>> -> memref<1x100xi32, #tpu.memory_space<vmem>>
    %dma_wait3A_57 = tpu.memref_squeeze %dma_wait3A_56 : memref<1x100xi32, #tpu.memory_space<vmem>> -> memref<100xi32, #tpu.memory_space<vmem>>
    %dma_wait3A_58 = arith.constant 0 : i32
    %dma_wait3A_59 = arith.constant 0 : i32
    %dma_wait3A_60 = tpu.memref_slice %arg6[%dma_wait3A_58, %dma_wait3A_59] : memref<10000x128xf32, #tpu.memory_space<vmem_shared>> -> memref<10000x128xf32, #tpu.memory_space<vmem_shared>>
    tpu.wait_indirect_dma semaphore(%arg17 : memref<!tpu.dma_semaphore, #tpu.memory_space<semaphore_mem>>) src(%arg10 : memref<100x128xf32, #tpu.memory_space<vmem>>) dst(%dma_wait3A_60 : memref<10000x128xf32, #tpu.memory_space<vmem_shared>>)
    %dma_wait3A_61 = arith.constant 23 : i32
    %dma_wait3A_62 = arith.constant 0 : i32
    %dma_wait3A_63 = tpu.memref_slice %arg8[%dma_wait3A_61, %dma_wait3A_62] : memref<25x100xi32, #tpu.memory_space<vmem>> -> memref<1x100xi32, #tpu.memory_space<vmem>>
    %dma_wait3A_64 = tpu.memref_squeeze %dma_wait3A_63 : memref<1x100xi32, #tpu.memory_space<vmem>> -> memref<100xi32, #tpu.memory_space<vmem>>
    %dma_wait3A_65 = arith.constant 0 : i32
    %dma_wait3A_66 = arith.constant 0 : i32
    %dma_wait3A_67 = tpu.memref_slice %arg6[%dma_wait3A_65, %dma_wait3A_66] : memref<10000x128xf32, #tpu.memory_space<vmem_shared>> -> memref<10000x128xf32, #tpu.memory_space<vmem_shared>>
    tpu.wait_indirect_dma semaphore(%arg18 : memref<!tpu.dma_semaphore, #tpu.memory_space<semaphore_mem>>) src(%arg11 : memref<100x128xf32, #tpu.memory_space<vmem>>) dst(%dma_wait3A_67 : memref<10000x128xf32, #tpu.memory_space<vmem_shared>>)
    %dma_wait3A_68 = arith.constant 24 : i32
    %dma_wait3A_69 = arith.constant 0 : i32
    %dma_wait3A_70 = tpu.memref_slice %arg8[%dma_wait3A_68, %dma_wait3A_69] : memref<25x100xi32, #tpu.memory_space<vmem>> -> memref<1x100xi32, #tpu.memory_space<vmem>>
    %dma_wait3A_71 = tpu.memref_squeeze %dma_wait3A_70 : memref<1x100xi32, #tpu.memory_space<vmem>> -> memref<100xi32, #tpu.memory_space<vmem>>
    %dma_wait3A_72 = arith.constant 0 : i32
    %dma_wait3A_73 = arith.constant 0 : i32
    %dma_wait3A_74 = tpu.memref_slice %arg6[%dma_wait3A_72, %dma_wait3A_73] : memref<10000x128xf32, #tpu.memory_space<vmem_shared>> -> memref<10000x128xf32, #tpu.memory_space<vmem_shared>>
    tpu.wait_indirect_dma semaphore(%arg16 : memref<!tpu.dma_semaphore, #tpu.memory_space<semaphore_mem>>) src(%arg9 : memref<100x128xf32, #tpu.memory_space<vmem>>) dst(%dma_wait3A_74 : memref<10000x128xf32, #tpu.memory_space<vmem_shared>>)
    "tpu.region"() ({
      %run_scoped3A = tpu.sem_alloc : memref<!tpu.dma_semaphore, #tpu.memory_space<semaphore_mem>>
      %dma_start3A_248 = arith.constant 0 : i32
      %dma_start3A_249 = arith.constant 0 : i32
      %dma_start3A_250 = tpu.memref_slice %arg2[%add3A, %dma_start3A_248, %dma_start3A_249] : memref<32x100x100xi32, #tpu.memory_space<hbm>> -> memref<1x100x100xi32, #tpu.memory_space<hbm>>
      %dma_start3A_251 = tpu.memref_squeeze %dma_start3A_250 : memref<1x100x100xi32, #tpu.memory_space<hbm>> -> memref<100x100xi32, #tpu.memory_space<hbm>>
      %dma_start3A_252 = arith.constant 25 : i32
      %dma_start3A_253 = arith.constant 0 : i32
      %dma_start3A_254 = tpu.memref_slice %dma_start3A_251[%dma_start3A_252, %dma_start3A_253] : memref<100x100xi32, #tpu.memory_space<hbm>> -> memref<25x100xi32, #tpu.memory_space<hbm>>
      %dma_start3A_255 = arith.constant 0 : i32
      %dma_start3A_256 = arith.constant 0 : i32
      %dma_start3A_257 = tpu.memref_slice %arg2[%add3A, %dma_start3A_255, %dma_start3A_256] : memref<32x100x100xi32, #tpu.memory_space<hbm>> -> memref<1x100x100xi32, #tpu.memory_space<hbm>>
      %dma_start3A_258 = tpu.memref_squeeze %dma_start3A_257 : memref<1x100x100xi32, #tpu.memory_space<hbm>> -> memref<100x100xi32, #tpu.memory_space<hbm>>
      %dma_start3A_259 = arith.constant 25 : i32
      %dma_start3A_260 = arith.constant 0 : i32
      %dma_start3A_261 = tpu.memref_slice %dma_start3A_258[%dma_start3A_259, %dma_start3A_260] : memref<100x100xi32, #tpu.memory_space<hbm>> -> memref<25x100xi32, #tpu.memory_space<hbm>>
      tpu.enqueue_dma source(%dma_start3A_261 : memref<25x100xi32, #tpu.memory_space<hbm>>) target(%arg7 : memref<25x100xi32, #tpu.memory_space<vmem>>) target_semaphore(%run_scoped3A : memref<!tpu.dma_semaphore, #tpu.memory_space<semaphore_mem>>)
      %dma_wait3A_262 = arith.constant 0 : i32
      %dma_wait3A_263 = arith.constant 0 : i32
      %dma_wait3A_264 = tpu.memref_slice %arg2[%add3A, %dma_wait3A_262, %dma_wait3A_263] : memref<32x100x100xi32, #tpu.memory_space<hbm>> -> memref<1x100x100xi32, #tpu.memory_space<hbm>>
      %dma_wait3A_265 = tpu.memref_squeeze %dma_wait3A_264 : memref<1x100x100xi32, #tpu.memory_space<hbm>> -> memref<100x100xi32, #tpu.memory_space<hbm>>
      %dma_wait3A_266 = arith.constant 25 : i32
      %dma_wait3A_267 = arith.constant 0 : i32
      %dma_wait3A_268 = tpu.memref_slice %dma_wait3A_265[%dma_wait3A_266, %dma_wait3A_267] : memref<100x100xi32, #tpu.memory_space<hbm>> -> memref<25x100xi32, #tpu.memory_space<hbm>>
      %dma_wait3A_269 = arith.constant 0 : i32
      %dma_wait3A_270 = arith.constant 0 : i32
      %dma_wait3A_271 = tpu.memref_slice %arg2[%add3A, %dma_wait3A_269, %dma_wait3A_270] : memref<32x100x100xi32, #tpu.memory_space<hbm>> -> memref<1x100x100xi32, #tpu.memory_space<hbm>>
      %dma_wait3A_272 = tpu.memref_squeeze %dma_wait3A_271 : memref<1x100x100xi32, #tpu.memory_space<hbm>> -> memref<100x100xi32, #tpu.memory_space<hbm>>
      %dma_wait3A_273 = arith.constant 25 : i32
      %dma_wait3A_274 = arith.constant 0 : i32
      %dma_wait3A_275 = tpu.memref_slice %dma_wait3A_272[%dma_wait3A_273, %dma_wait3A_274] : memref<100x100xi32, #tpu.memory_space<hbm>> -> memref<25x100xi32, #tpu.memory_space<hbm>>
      tpu.wait_dma2 semaphore(%run_scoped3A : memref<!tpu.dma_semaphore, #tpu.memory_space<semaphore_mem>>) src(%dma_wait3A_275 : memref<25x100xi32, #tpu.memory_space<hbm>>) dst(%arg7 : memref<25x100xi32, #tpu.memory_space<vmem>>)
      tpu.yield
    }) : () -> ()
    "tpu.region"() ({
      %run_scoped3A = tpu.sem_alloc : memref<!tpu.dma_semaphore, #tpu.memory_space<semaphore_mem>>
      %dma_start3A_248 = arith.constant 0 : i32
      %dma_start3A_249 = arith.constant 0 : i32
      %dma_start3A_250 = tpu.memref_slice %arg3[%add3A, %dma_start3A_248, %dma_start3A_249] : memref<32x100x100xi32, #tpu.memory_space<hbm>> -> memref<1x100x100xi32, #tpu.memory_space<hbm>>
      %dma_start3A_251 = tpu.memref_squeeze %dma_start3A_250 : memref<1x100x100xi32, #tpu.memory_space<hbm>> -> memref<100x100xi32, #tpu.memory_space<hbm>>
      %dma_start3A_252 = arith.constant 25 : i32
      %dma_start3A_253 = arith.constant 0 : i32
      %dma_start3A_254 = tpu.memref_slice %dma_start3A_251[%dma_start3A_252, %dma_start3A_253] : memref<100x100xi32, #tpu.memory_space<hbm>> -> memref<25x100xi32, #tpu.memory_space<hbm>>
      %dma_start3A_255 = arith.constant 0 : i32
      %dma_start3A_256 = arith.constant 0 : i32
      %dma_start3A_257 = tpu.memref_slice %arg3[%add3A, %dma_start3A_255, %dma_start3A_256] : memref<32x100x100xi32, #tpu.memory_space<hbm>> -> memref<1x100x100xi32, #tpu.memory_space<hbm>>
      %dma_start3A_258 = tpu.memref_squeeze %dma_start3A_257 : memref<1x100x100xi32, #tpu.memory_space<hbm>> -> memref<100x100xi32, #tpu.memory_space<hbm>>
      %dma_start3A_259 = arith.constant 25 : i32
      %dma_start3A_260 = arith.constant 0 : i32
      %dma_start3A_261 = tpu.memref_slice %dma_start3A_258[%dma_start3A_259, %dma_start3A_260] : memref<100x100xi32, #tpu.memory_space<hbm>> -> memref<25x100xi32, #tpu.memory_space<hbm>>
      tpu.enqueue_dma source(%dma_start3A_261 : memref<25x100xi32, #tpu.memory_space<hbm>>) target(%arg8 : memref<25x100xi32, #tpu.memory_space<vmem>>) target_semaphore(%run_scoped3A : memref<!tpu.dma_semaphore, #tpu.memory_space<semaphore_mem>>)
      %dma_wait3A_262 = arith.constant 0 : i32
      %dma_wait3A_263 = arith.constant 0 : i32
      %dma_wait3A_264 = tpu.memref_slice %arg3[%add3A, %dma_wait3A_262, %dma_wait3A_263] : memref<32x100x100xi32, #tpu.memory_space<hbm>> -> memref<1x100x100xi32, #tpu.memory_space<hbm>>
      %dma_wait3A_265 = tpu.memref_squeeze %dma_wait3A_264 : memref<1x100x100xi32, #tpu.memory_space<hbm>> -> memref<100x100xi32, #tpu.memory_space<hbm>>
      %dma_wait3A_266 = arith.constant 25 : i32
      %dma_wait3A_267 = arith.constant 0 : i32
      %dma_wait3A_268 = tpu.memref_slice %dma_wait3A_265[%dma_wait3A_266, %dma_wait3A_267] : memref<100x100xi32, #tpu.memory_space<hbm>> -> memref<25x100xi32, #tpu.memory_space<hbm>>
      %dma_wait3A_269 = arith.constant 0 : i32
      %dma_wait3A_270 = arith.constant 0 : i32
      %dma_wait3A_271 = tpu.memref_slice %arg3[%add3A, %dma_wait3A_269, %dma_wait3A_270] : memref<32x100x100xi32, #tpu.memory_space<hbm>> -> memref<1x100x100xi32, #tpu.memory_space<hbm>>
      %dma_wait3A_272 = tpu.memref_squeeze %dma_wait3A_271 : memref<1x100x100xi32, #tpu.memory_space<hbm>> -> memref<100x100xi32, #tpu.memory_space<hbm>>
      %dma_wait3A_273 = arith.constant 25 : i32
      %dma_wait3A_274 = arith.constant 0 : i32
      %dma_wait3A_275 = tpu.memref_slice %dma_wait3A_272[%dma_wait3A_273, %dma_wait3A_274] : memref<100x100xi32, #tpu.memory_space<hbm>> -> memref<25x100xi32, #tpu.memory_space<hbm>>
      tpu.wait_dma2 semaphore(%run_scoped3A : memref<!tpu.dma_semaphore, #tpu.memory_space<semaphore_mem>>) src(%dma_wait3A_275 : memref<25x100xi32, #tpu.memory_space<hbm>>) dst(%arg8 : memref<25x100xi32, #tpu.memory_space<vmem>>)
      tpu.yield
    }) : () -> ()
    %dma_start3A_75 = arith.constant 0 : i32
    %dma_start3A_76 = arith.constant 0 : i32
    %dma_start3A_77 = tpu.memref_slice %arg7[%dma_start3A_75, %dma_start3A_76] : memref<25x100xi32, #tpu.memory_space<vmem>> -> memref<1x100xi32, #tpu.memory_space<vmem>>
    %dma_start3A_78 = tpu.memref_squeeze %dma_start3A_77 : memref<1x100xi32, #tpu.memory_space<vmem>> -> memref<100xi32, #tpu.memory_space<vmem>>
    %dma_start3A_79 = arith.constant 0 : i32
    %dma_start3A_80 = arith.constant 0 : i32
    %dma_start3A_81 = tpu.memref_slice %arg4[%dma_start3A_79, %dma_start3A_80] : memref<10000x128xf32, #tpu.memory_space<hbm>> -> memref<10000x128xf32, #tpu.memory_space<hbm>>
    tpu.enqueue_indirect_dma source(%dma_start3A_81 : memref<10000x128xf32, #tpu.memory_space<hbm>>) target(%arg9 : memref<100x128xf32, #tpu.memory_space<vmem>>) offsets(%dma_start3A_78 : memref<100xi32, #tpu.memory_space<vmem>>) semaphore(%arg13 : memref<!tpu.dma_semaphore, #tpu.memory_space<semaphore_mem>>)
    %dma_start3A_82 = arith.constant 1 : i32
    %dma_start3A_83 = arith.constant 0 : i32
    %dma_start3A_84 = tpu.memref_slice %arg7[%dma_start3A_82, %dma_start3A_83] : memref<25x100xi32, #tpu.memory_space<vmem>> -> memref<1x100xi32, #tpu.memory_space<vmem>>
    %dma_start3A_85 = tpu.memref_squeeze %dma_start3A_84 : memref<1x100xi32, #tpu.memory_space<vmem>> -> memref<100xi32, #tpu.memory_space<vmem>>
    %dma_start3A_86 = arith.constant 0 : i32
    %dma_start3A_87 = arith.constant 0 : i32
    %dma_start3A_88 = tpu.memref_slice %arg4[%dma_start3A_86, %dma_start3A_87] : memref<10000x128xf32, #tpu.memory_space<hbm>> -> memref<10000x128xf32, #tpu.memory_space<hbm>>
    tpu.enqueue_indirect_dma source(%dma_start3A_88 : memref<10000x128xf32, #tpu.memory_space<hbm>>) target(%arg10 : memref<100x128xf32, #tpu.memory_space<vmem>>) offsets(%dma_start3A_85 : memref<100xi32, #tpu.memory_space<vmem>>) semaphore(%arg14 : memref<!tpu.dma_semaphore, #tpu.memory_space<semaphore_mem>>)
    %scan3A_89 = arith.constant 0 : i32
    %scan3A_90 = arith.constant 0 : i32
    %scan3A_91 = arith.constant 8 : i32
    %scan3A_92 = arith.addi %scan3A_90, %scan3A_91 : i32
    %scan3A_93 = arith.constant 1 : i32
    %scan3A_94 = scf.for %scan3A_248 = %scan3A_90 to %scan3A_92 step %scan3A_93 iter_args(%scan3A_249 = %scan3A_89) -> (i32)  : i32 {
      %mul3A_250 = arith.constant 3 : i32
      %mul3A_251 = arith.muli %mul3A_250, %scan3A_248 : i32
      %add3A_252 = arith.constant 0 : i32
      %add3A_253 = arith.addi %mul3A_251, %add3A_252 : i32
      %dma_wait3A_254 = arith.constant 0 : i32
      %dma_wait3A_255 = tpu.memref_slice %arg7[%add3A_253, %dma_wait3A_254] : memref<25x100xi32, #tpu.memory_space<vmem>> -> memref<1x100xi32, #tpu.memory_space<vmem>>
      %dma_wait3A_256 = tpu.memref_squeeze %dma_wait3A_255 : memref<1x100xi32, #tpu.memory_space<vmem>> -> memref<100xi32, #tpu.memory_space<vmem>>
      %dma_wait3A_257 = arith.constant 0 : i32
      %dma_wait3A_258 = arith.constant 0 : i32
      %dma_wait3A_259 = tpu.memref_slice %arg4[%dma_wait3A_257, %dma_wait3A_258] : memref<10000x128xf32, #tpu.memory_space<hbm>> -> memref<10000x128xf32, #tpu.memory_space<hbm>>
      tpu.wait_indirect_dma semaphore(%arg13 : memref<!tpu.dma_semaphore, #tpu.memory_space<semaphore_mem>>) src(%dma_wait3A_259 : memref<10000x128xf32, #tpu.memory_space<hbm>>) dst(%arg9 : memref<100x128xf32, #tpu.memory_space<vmem>>)
      %dma_start3A_260 = arith.constant 0 : i32
      %dma_start3A_261 = tpu.memref_slice %arg8[%add3A_253, %dma_start3A_260] : memref<25x100xi32, #tpu.memory_space<vmem>> -> memref<1x100xi32, #tpu.memory_space<vmem>>
      %dma_start3A_262 = tpu.memref_squeeze %dma_start3A_261 : memref<1x100xi32, #tpu.memory_space<vmem>> -> memref<100xi32, #tpu.memory_space<vmem>>
      %dma_start3A_263 = arith.constant 0 : i32
      %dma_start3A_264 = arith.constant 0 : i32
      %dma_start3A_265 = tpu.memref_slice %arg6[%dma_start3A_263, %dma_start3A_264] : memref<10000x128xf32, #tpu.memory_space<vmem_shared>> -> memref<10000x128xf32, #tpu.memory_space<vmem_shared>>
      tpu.enqueue_indirect_dma source(%arg9 : memref<100x128xf32, #tpu.memory_space<vmem>>) target(%dma_start3A_265 : memref<10000x128xf32, #tpu.memory_space<vmem_shared>>) offsets(%dma_start3A_262 : memref<100xi32, #tpu.memory_space<vmem>>) semaphore(%arg16 : memref<!tpu.dma_semaphore, #tpu.memory_space<semaphore_mem>>) {add = true}
      %add3A_266 = arith.constant 2 : i32
      %add3A_267 = arith.addi %add3A_253, %add3A_266 : i32
      %lt3A = arith.constant 25 : i32
      %lt3A_268 = arith.cmpi slt, %add3A_267, %lt3A : i32
      %convert_element_type3A = arith.extui %lt3A_268 : i1 to i32
      %cond3A = arith.constant 0 : i32
      %cond3A_269 = arith.cmpi ne, %convert_element_type3A, %cond3A : i32
      scf.if %cond3A_269 {
        %ge3A = arith.constant 1 : i32
        %ge3A_317 = arith.cmpi sge, %add3A_253, %ge3A : i32
        %convert_element_type3A_318 = arith.extui %ge3A_317 : i1 to i32
        %cond3A_319 = arith.constant 0 : i32
        %cond3A_320 = arith.cmpi ne, %convert_element_type3A_318, %cond3A_319 : i32
        scf.if %cond3A_320 {
          %sub3A = arith.constant 1 : i32
          %sub3A_327 = arith.subi %add3A_253, %sub3A : i32
          %dma_wait3A_328 = arith.constant 0 : i32
          %dma_wait3A_329 = tpu.memref_slice %arg8[%sub3A_327, %dma_wait3A_328] : memref<25x100xi32, #tpu.memory_space<vmem>> -> memref<1x100xi32, #tpu.memory_space<vmem>>
          %dma_wait3A_330 = tpu.memref_squeeze %dma_wait3A_329 : memref<1x100xi32, #tpu.memory_space<vmem>> -> memref<100xi32, #tpu.memory_space<vmem>>
          %dma_wait3A_331 = arith.constant 0 : i32
          %dma_wait3A_332 = arith.constant 0 : i32
          %dma_wait3A_333 = tpu.memref_slice %arg6[%dma_wait3A_331, %dma_wait3A_332] : memref<10000x128xf32, #tpu.memory_space<vmem_shared>> -> memref<10000x128xf32, #tpu.memory_space<vmem_shared>>
          tpu.wait_indirect_dma semaphore(%arg18 : memref<!tpu.dma_semaphore, #tpu.memory_space<semaphore_mem>>) src(%arg11 : memref<100x128xf32, #tpu.memory_space<vmem>>) dst(%dma_wait3A_333 : memref<10000x128xf32, #tpu.memory_space<vmem_shared>>)
        } else {
        }
        %dma_start3A_321 = arith.constant 0 : i32
        %dma_start3A_322 = tpu.memref_slice %arg7[%add3A_267, %dma_start3A_321] : memref<25x100xi32, #tpu.memory_space<vmem>> -> memref<1x100xi32, #tpu.memory_space<vmem>>
        %dma_start3A_323 = tpu.memref_squeeze %dma_start3A_322 : memref<1x100xi32, #tpu.memory_space<vmem>> -> memref<100xi32, #tpu.memory_space<vmem>>
        %dma_start3A_324 = arith.constant 0 : i32
        %dma_start3A_325 = arith.constant 0 : i32
        %dma_start3A_326 = tpu.memref_slice %arg4[%dma_start3A_324, %dma_start3A_325] : memref<10000x128xf32, #tpu.memory_space<hbm>> -> memref<10000x128xf32, #tpu.memory_space<hbm>>
        tpu.enqueue_indirect_dma source(%dma_start3A_326 : memref<10000x128xf32, #tpu.memory_space<hbm>>) target(%arg11 : memref<100x128xf32, #tpu.memory_space<vmem>>) offsets(%dma_start3A_323 : memref<100xi32, #tpu.memory_space<vmem>>) semaphore(%arg15 : memref<!tpu.dma_semaphore, #tpu.memory_space<semaphore_mem>>)
      } else {
      }
      %mul3A_270 = arith.constant 3 : i32
      %mul3A_271 = arith.muli %mul3A_270, %scan3A_248 : i32
      %add3A_272 = arith.constant 1 : i32
      %add3A_273 = arith.addi %mul3A_271, %add3A_272 : i32
      %dma_wait3A_274 = arith.constant 0 : i32
      %dma_wait3A_275 = tpu.memref_slice %arg7[%add3A_273, %dma_wait3A_274] : memref<25x100xi32, #tpu.memory_space<vmem>> -> memref<1x100xi32, #tpu.memory_space<vmem>>
      %dma_wait3A_276 = tpu.memref_squeeze %dma_wait3A_275 : memref<1x100xi32, #tpu.memory_space<vmem>> -> memref<100xi32, #tpu.memory_space<vmem>>
      %dma_wait3A_277 = arith.constant 0 : i32
      %dma_wait3A_278 = arith.constant 0 : i32
      %dma_wait3A_279 = tpu.memref_slice %arg4[%dma_wait3A_277, %dma_wait3A_278] : memref<10000x128xf32, #tpu.memory_space<hbm>> -> memref<10000x128xf32, #tpu.memory_space<hbm>>
      tpu.wait_indirect_dma semaphore(%arg14 : memref<!tpu.dma_semaphore, #tpu.memory_space<semaphore_mem>>) src(%dma_wait3A_279 : memref<10000x128xf32, #tpu.memory_space<hbm>>) dst(%arg10 : memref<100x128xf32, #tpu.memory_space<vmem>>)
      %dma_start3A_280 = arith.constant 0 : i32
      %dma_start3A_281 = tpu.memref_slice %arg8[%add3A_273, %dma_start3A_280] : memref<25x100xi32, #tpu.memory_space<vmem>> -> memref<1x100xi32, #tpu.memory_space<vmem>>
      %dma_start3A_282 = tpu.memref_squeeze %dma_start3A_281 : memref<1x100xi32, #tpu.memory_space<vmem>> -> memref<100xi32, #tpu.memory_space<vmem>>
      %dma_start3A_283 = arith.constant 0 : i32
      %dma_start3A_284 = arith.constant 0 : i32
      %dma_start3A_285 = tpu.memref_slice %arg6[%dma_start3A_283, %dma_start3A_284] : memref<10000x128xf32, #tpu.memory_space<vmem_shared>> -> memref<10000x128xf32, #tpu.memory_space<vmem_shared>>
      tpu.enqueue_indirect_dma source(%arg10 : memref<100x128xf32, #tpu.memory_space<vmem>>) target(%dma_start3A_285 : memref<10000x128xf32, #tpu.memory_space<vmem_shared>>) offsets(%dma_start3A_282 : memref<100xi32, #tpu.memory_space<vmem>>) semaphore(%arg17 : memref<!tpu.dma_semaphore, #tpu.memory_space<semaphore_mem>>) {add = true}
      %add3A_286 = arith.constant 2 : i32
      %add3A_287 = arith.addi %add3A_273, %add3A_286 : i32
      %lt3A_288 = arith.constant 25 : i32
      %lt3A_289 = arith.cmpi slt, %add3A_287, %lt3A_288 : i32
      %convert_element_type3A_290 = arith.extui %lt3A_289 : i1 to i32
      %cond3A_291 = arith.constant 0 : i32
      %cond3A_292 = arith.cmpi ne, %convert_element_type3A_290, %cond3A_291 : i32
      scf.if %cond3A_292 {
        %ge3A = arith.constant 1 : i32
        %ge3A_317 = arith.cmpi sge, %add3A_273, %ge3A : i32
        %convert_element_type3A_318 = arith.extui %ge3A_317 : i1 to i32
        %cond3A_319 = arith.constant 0 : i32
        %cond3A_320 = arith.cmpi ne, %convert_element_type3A_318, %cond3A_319 : i32
        scf.if %cond3A_320 {
          %sub3A = arith.constant 1 : i32
          %sub3A_327 = arith.subi %add3A_273, %sub3A : i32
          %dma_wait3A_328 = arith.constant 0 : i32
          %dma_wait3A_329 = tpu.memref_slice %arg8[%sub3A_327, %dma_wait3A_328] : memref<25x100xi32, #tpu.memory_space<vmem>> -> memref<1x100xi32, #tpu.memory_space<vmem>>
          %dma_wait3A_330 = tpu.memref_squeeze %dma_wait3A_329 : memref<1x100xi32, #tpu.memory_space<vmem>> -> memref<100xi32, #tpu.memory_space<vmem>>
          %dma_wait3A_331 = arith.constant 0 : i32
          %dma_wait3A_332 = arith.constant 0 : i32
          %dma_wait3A_333 = tpu.memref_slice %arg6[%dma_wait3A_331, %dma_wait3A_332] : memref<10000x128xf32, #tpu.memory_space<vmem_shared>> -> memref<10000x128xf32, #tpu.memory_space<vmem_shared>>
          tpu.wait_indirect_dma semaphore(%arg16 : memref<!tpu.dma_semaphore, #tpu.memory_space<semaphore_mem>>) src(%arg9 : memref<100x128xf32, #tpu.memory_space<vmem>>) dst(%dma_wait3A_333 : memref<10000x128xf32, #tpu.memory_space<vmem_shared>>)
        } else {
        }
        %dma_start3A_321 = arith.constant 0 : i32
        %dma_start3A_322 = tpu.memref_slice %arg7[%add3A_287, %dma_start3A_321] : memref<25x100xi32, #tpu.memory_space<vmem>> -> memref<1x100xi32, #tpu.memory_space<vmem>>
        %dma_start3A_323 = tpu.memref_squeeze %dma_start3A_322 : memref<1x100xi32, #tpu.memory_space<vmem>> -> memref<100xi32, #tpu.memory_space<vmem>>
        %dma_start3A_324 = arith.constant 0 : i32
        %dma_start3A_325 = arith.constant 0 : i32
        %dma_start3A_326 = tpu.memref_slice %arg4[%dma_start3A_324, %dma_start3A_325] : memref<10000x128xf32, #tpu.memory_space<hbm>> -> memref<10000x128xf32, #tpu.memory_space<hbm>>
        tpu.enqueue_indirect_dma source(%dma_start3A_326 : memref<10000x128xf32, #tpu.memory_space<hbm>>) target(%arg9 : memref<100x128xf32, #tpu.memory_space<vmem>>) offsets(%dma_start3A_323 : memref<100xi32, #tpu.memory_space<vmem>>) semaphore(%arg13 : memref<!tpu.dma_semaphore, #tpu.memory_space<semaphore_mem>>)
      } else {
      }
      %mul3A_293 = arith.constant 3 : i32
      %mul3A_294 = arith.muli %mul3A_293, %scan3A_248 : i32
      %add3A_295 = arith.constant 2 : i32
      %add3A_296 = arith.addi %mul3A_294, %add3A_295 : i32
      %dma_wait3A_297 = arith.constant 0 : i32
      %dma_wait3A_298 = tpu.memref_slice %arg7[%add3A_296, %dma_wait3A_297] : memref<25x100xi32, #tpu.memory_space<vmem>> -> memref<1x100xi32, #tpu.memory_space<vmem>>
      %dma_wait3A_299 = tpu.memref_squeeze %dma_wait3A_298 : memref<1x100xi32, #tpu.memory_space<vmem>> -> memref<100xi32, #tpu.memory_space<vmem>>
      %dma_wait3A_300 = arith.constant 0 : i32
      %dma_wait3A_301 = arith.constant 0 : i32
      %dma_wait3A_302 = tpu.memref_slice %arg4[%dma_wait3A_300, %dma_wait3A_301] : memref<10000x128xf32, #tpu.memory_space<hbm>> -> memref<10000x128xf32, #tpu.memory_space<hbm>>
      tpu.wait_indirect_dma semaphore(%arg15 : memref<!tpu.dma_semaphore, #tpu.memory_space<semaphore_mem>>) src(%dma_wait3A_302 : memref<10000x128xf32, #tpu.memory_space<hbm>>) dst(%arg11 : memref<100x128xf32, #tpu.memory_space<vmem>>)
      %dma_start3A_303 = arith.constant 0 : i32
      %dma_start3A_304 = tpu.memref_slice %arg8[%add3A_296, %dma_start3A_303] : memref<25x100xi32, #tpu.memory_space<vmem>> -> memref<1x100xi32, #tpu.memory_space<vmem>>
      %dma_start3A_305 = tpu.memref_squeeze %dma_start3A_304 : memref<1x100xi32, #tpu.memory_space<vmem>> -> memref<100xi32, #tpu.memory_space<vmem>>
      %dma_start3A_306 = arith.constant 0 : i32
      %dma_start3A_307 = arith.constant 0 : i32
      %dma_start3A_308 = tpu.memref_slice %arg6[%dma_start3A_306, %dma_start3A_307] : memref<10000x128xf32, #tpu.memory_space<vmem_shared>> -> memref<10000x128xf32, #tpu.memory_space<vmem_shared>>
      tpu.enqueue_indirect_dma source(%arg11 : memref<100x128xf32, #tpu.memory_space<vmem>>) target(%dma_start3A_308 : memref<10000x128xf32, #tpu.memory_space<vmem_shared>>) offsets(%dma_start3A_305 : memref<100xi32, #tpu.memory_space<vmem>>) semaphore(%arg18 : memref<!tpu.dma_semaphore, #tpu.memory_space<semaphore_mem>>) {add = true}
      %add3A_309 = arith.constant 2 : i32
      %add3A_310 = arith.addi %add3A_296, %add3A_309 : i32
      %lt3A_311 = arith.constant 25 : i32
      %lt3A_312 = arith.cmpi slt, %add3A_310, %lt3A_311 : i32
      %convert_element_type3A_313 = arith.extui %lt3A_312 : i1 to i32
      %cond3A_314 = arith.constant 0 : i32
      %cond3A_315 = arith.cmpi ne, %convert_element_type3A_313, %cond3A_314 : i32
      scf.if %cond3A_315 {
        %ge3A = arith.constant 1 : i32
        %ge3A_317 = arith.cmpi sge, %add3A_296, %ge3A : i32
        %convert_element_type3A_318 = arith.extui %ge3A_317 : i1 to i32
        %cond3A_319 = arith.constant 0 : i32
        %cond3A_320 = arith.cmpi ne, %convert_element_type3A_318, %cond3A_319 : i32
        scf.if %cond3A_320 {
          %sub3A = arith.constant 1 : i32
          %sub3A_327 = arith.subi %add3A_296, %sub3A : i32
          %dma_wait3A_328 = arith.constant 0 : i32
          %dma_wait3A_329 = tpu.memref_slice %arg8[%sub3A_327, %dma_wait3A_328] : memref<25x100xi32, #tpu.memory_space<vmem>> -> memref<1x100xi32, #tpu.memory_space<vmem>>
          %dma_wait3A_330 = tpu.memref_squeeze %dma_wait3A_329 : memref<1x100xi32, #tpu.memory_space<vmem>> -> memref<100xi32, #tpu.memory_space<vmem>>
          %dma_wait3A_331 = arith.constant 0 : i32
          %dma_wait3A_332 = arith.constant 0 : i32
          %dma_wait3A_333 = tpu.memref_slice %arg6[%dma_wait3A_331, %dma_wait3A_332] : memref<10000x128xf32, #tpu.memory_space<vmem_shared>> -> memref<10000x128xf32, #tpu.memory_space<vmem_shared>>
          tpu.wait_indirect_dma semaphore(%arg17 : memref<!tpu.dma_semaphore, #tpu.memory_space<semaphore_mem>>) src(%arg10 : memref<100x128xf32, #tpu.memory_space<vmem>>) dst(%dma_wait3A_333 : memref<10000x128xf32, #tpu.memory_space<vmem_shared>>)
        } else {
        }
        %dma_start3A_321 = arith.constant 0 : i32
        %dma_start3A_322 = tpu.memref_slice %arg7[%add3A_310, %dma_start3A_321] : memref<25x100xi32, #tpu.memory_space<vmem>> -> memref<1x100xi32, #tpu.memory_space<vmem>>
        %dma_start3A_323 = tpu.memref_squeeze %dma_start3A_322 : memref<1x100xi32, #tpu.memory_space<vmem>> -> memref<100xi32, #tpu.memory_space<vmem>>
        %dma_start3A_324 = arith.constant 0 : i32
        %dma_start3A_325 = arith.constant 0 : i32
        %dma_start3A_326 = tpu.memref_slice %arg4[%dma_start3A_324, %dma_start3A_325] : memref<10000x128xf32, #tpu.memory_space<hbm>> -> memref<10000x128xf32, #tpu.memory_space<hbm>>
        tpu.enqueue_indirect_dma source(%dma_start3A_326 : memref<10000x128xf32, #tpu.memory_space<hbm>>) target(%arg10 : memref<100x128xf32, #tpu.memory_space<vmem>>) offsets(%dma_start3A_323 : memref<100xi32, #tpu.memory_space<vmem>>) semaphore(%arg14 : memref<!tpu.dma_semaphore, #tpu.memory_space<semaphore_mem>>)
      } else {
      }
      %scan3A_316 = arith.constant 0 : i32
      scf.yield %scan3A_316 : i32
    }
    %scan3A_95 = arith.constant 8 : i32
    %dma_wait3A_96 = arith.constant 24 : i32
    %dma_wait3A_97 = arith.constant 0 : i32
    %dma_wait3A_98 = tpu.memref_slice %arg7[%dma_wait3A_96, %dma_wait3A_97] : memref<25x100xi32, #tpu.memory_space<vmem>> -> memref<1x100xi32, #tpu.memory_space<vmem>>
    %dma_wait3A_99 = tpu.memref_squeeze %dma_wait3A_98 : memref<1x100xi32, #tpu.memory_space<vmem>> -> memref<100xi32, #tpu.memory_space<vmem>>
    %dma_wait3A_100 = arith.constant 0 : i32
    %dma_wait3A_101 = arith.constant 0 : i32
    %dma_wait3A_102 = tpu.memref_slice %arg4[%dma_wait3A_100, %dma_wait3A_101] : memref<10000x128xf32, #tpu.memory_space<hbm>> -> memref<10000x128xf32, #tpu.memory_space<hbm>>
    tpu.wait_indirect_dma semaphore(%arg13 : memref<!tpu.dma_semaphore, #tpu.memory_space<semaphore_mem>>) src(%dma_wait3A_102 : memref<10000x128xf32, #tpu.memory_space<hbm>>) dst(%arg9 : memref<100x128xf32, #tpu.memory_space<vmem>>)
    %dma_start3A_103 = arith.constant 24 : i32
    %dma_start3A_104 = arith.constant 0 : i32
    %dma_start3A_105 = tpu.memref_slice %arg8[%dma_start3A_103, %dma_start3A_104] : memref<25x100xi32, #tpu.memory_space<vmem>> -> memref<1x100xi32, #tpu.memory_space<vmem>>
    %dma_start3A_106 = tpu.memref_squeeze %dma_start3A_105 : memref<1x100xi32, #tpu.memory_space<vmem>> -> memref<100xi32, #tpu.memory_space<vmem>>
    %dma_start3A_107 = arith.constant 0 : i32
    %dma_start3A_108 = arith.constant 0 : i32
    %dma_start3A_109 = tpu.memref_slice %arg6[%dma_start3A_107, %dma_start3A_108] : memref<10000x128xf32, #tpu.memory_space<vmem_shared>> -> memref<10000x128xf32, #tpu.memory_space<vmem_shared>>
    tpu.enqueue_indirect_dma source(%arg9 : memref<100x128xf32, #tpu.memory_space<vmem>>) target(%dma_start3A_109 : memref<10000x128xf32, #tpu.memory_space<vmem_shared>>) offsets(%dma_start3A_106 : memref<100xi32, #tpu.memory_space<vmem>>) semaphore(%arg16 : memref<!tpu.dma_semaphore, #tpu.memory_space<semaphore_mem>>) {add = true}
    %dma_wait3A_110 = arith.constant 22 : i32
    %dma_wait3A_111 = arith.constant 0 : i32
    %dma_wait3A_112 = tpu.memref_slice %arg8[%dma_wait3A_110, %dma_wait3A_111] : memref<25x100xi32, #tpu.memory_space<vmem>> -> memref<1x100xi32, #tpu.memory_space<vmem>>
    %dma_wait3A_113 = tpu.memref_squeeze %dma_wait3A_112 : memref<1x100xi32, #tpu.memory_space<vmem>> -> memref<100xi32, #tpu.memory_space<vmem>>
    %dma_wait3A_114 = arith.constant 0 : i32
    %dma_wait3A_115 = arith.constant 0 : i32
    %dma_wait3A_116 = tpu.memref_slice %arg6[%dma_wait3A_114, %dma_wait3A_115] : memref<10000x128xf32, #tpu.memory_space<vmem_shared>> -> memref<10000x128xf32, #tpu.memory_space<vmem_shared>>
    tpu.wait_indirect_dma semaphore(%arg17 : memref<!tpu.dma_semaphore, #tpu.memory_space<semaphore_mem>>) src(%arg10 : memref<100x128xf32, #tpu.memory_space<vmem>>) dst(%dma_wait3A_116 : memref<10000x128xf32, #tpu.memory_space<vmem_shared>>)
    %dma_wait3A_117 = arith.constant 23 : i32
    %dma_wait3A_118 = arith.constant 0 : i32
    %dma_wait3A_119 = tpu.memref_slice %arg8[%dma_wait3A_117, %dma_wait3A_118] : memref<25x100xi32, #tpu.memory_space<vmem>> -> memref<1x100xi32, #tpu.memory_space<vmem>>
    %dma_wait3A_120 = tpu.memref_squeeze %dma_wait3A_119 : memref<1x100xi32, #tpu.memory_space<vmem>> -> memref<100xi32, #tpu.memory_space<vmem>>
    %dma_wait3A_121 = arith.constant 0 : i32
    %dma_wait3A_122 = arith.constant 0 : i32
    %dma_wait3A_123 = tpu.memref_slice %arg6[%dma_wait3A_121, %dma_wait3A_122] : memref<10000x128xf32, #tpu.memory_space<vmem_shared>> -> memref<10000x128xf32, #tpu.memory_space<vmem_shared>>
    tpu.wait_indirect_dma semaphore(%arg18 : memref<!tpu.dma_semaphore, #tpu.memory_space<semaphore_mem>>) src(%arg11 : memref<100x128xf32, #tpu.memory_space<vmem>>) dst(%dma_wait3A_123 : memref<10000x128xf32, #tpu.memory_space<vmem_shared>>)
    %dma_wait3A_124 = arith.constant 24 : i32
    %dma_wait3A_125 = arith.constant 0 : i32
    %dma_wait3A_126 = tpu.memref_slice %arg8[%dma_wait3A_124, %dma_wait3A_125] : memref<25x100xi32, #tpu.memory_space<vmem>> -> memref<1x100xi32, #tpu.memory_space<vmem>>
    %dma_wait3A_127 = tpu.memref_squeeze %dma_wait3A_126 : memref<1x100xi32, #tpu.memory_space<vmem>> -> memref<100xi32, #tpu.memory_space<vmem>>
    %dma_wait3A_128 = arith.constant 0 : i32
    %dma_wait3A_129 = arith.constant 0 : i32
    %dma_wait3A_130 = tpu.memref_slice %arg6[%dma_wait3A_128, %dma_wait3A_129] : memref<10000x128xf32, #tpu.memory_space<vmem_shared>> -> memref<10000x128xf32, #tpu.memory_space<vmem_shared>>
    tpu.wait_indirect_dma semaphore(%arg16 : memref<!tpu.dma_semaphore, #tpu.memory_space<semaphore_mem>>) src(%arg9 : memref<100x128xf32, #tpu.memory_space<vmem>>) dst(%dma_wait3A_130 : memref<10000x128xf32, #tpu.memory_space<vmem_shared>>)
    "tpu.region"() ({
      %run_scoped3A = tpu.sem_alloc : memref<!tpu.dma_semaphore, #tpu.memory_space<semaphore_mem>>
      %dma_start3A_248 = arith.constant 0 : i32
      %dma_start3A_249 = arith.constant 0 : i32
      %dma_start3A_250 = tpu.memref_slice %arg2[%add3A, %dma_start3A_248, %dma_start3A_249] : memref<32x100x100xi32, #tpu.memory_space<hbm>> -> memref<1x100x100xi32, #tpu.memory_space<hbm>>
      %dma_start3A_251 = tpu.memref_squeeze %dma_start3A_250 : memref<1x100x100xi32, #tpu.memory_space<hbm>> -> memref<100x100xi32, #tpu.memory_space<hbm>>
      %dma_start3A_252 = arith.constant 50 : i32
      %dma_start3A_253 = arith.constant 0 : i32
      %dma_start3A_254 = tpu.memref_slice %dma_start3A_251[%dma_start3A_252, %dma_start3A_253] : memref<100x100xi32, #tpu.memory_space<hbm>> -> memref<25x100xi32, #tpu.memory_space<hbm>>
      %dma_start3A_255 = arith.constant 0 : i32
      %dma_start3A_256 = arith.constant 0 : i32
      %dma_start3A_257 = tpu.memref_slice %arg2[%add3A, %dma_start3A_255, %dma_start3A_256] : memref<32x100x100xi32, #tpu.memory_space<hbm>> -> memref<1x100x100xi32, #tpu.memory_space<hbm>>
      %dma_start3A_258 = tpu.memref_squeeze %dma_start3A_257 : memref<1x100x100xi32, #tpu.memory_space<hbm>> -> memref<100x100xi32, #tpu.memory_space<hbm>>
      %dma_start3A_259 = arith.constant 50 : i32
      %dma_start3A_260 = arith.constant 0 : i32
      %dma_start3A_261 = tpu.memref_slice %dma_start3A_258[%dma_start3A_259, %dma_start3A_260] : memref<100x100xi32, #tpu.memory_space<hbm>> -> memref<25x100xi32, #tpu.memory_space<hbm>>
      tpu.enqueue_dma source(%dma_start3A_261 : memref<25x100xi32, #tpu.memory_space<hbm>>) target(%arg7 : memref<25x100xi32, #tpu.memory_space<vmem>>) target_semaphore(%run_scoped3A : memref<!tpu.dma_semaphore, #tpu.memory_space<semaphore_mem>>)
      %dma_wait3A_262 = arith.constant 0 : i32
      %dma_wait3A_263 = arith.constant 0 : i32
      %dma_wait3A_264 = tpu.memref_slice %arg2[%add3A, %dma_wait3A_262, %dma_wait3A_263] : memref<32x100x100xi32, #tpu.memory_space<hbm>> -> memref<1x100x100xi32, #tpu.memory_space<hbm>>
      %dma_wait3A_265 = tpu.memref_squeeze %dma_wait3A_264 : memref<1x100x100xi32, #tpu.memory_space<hbm>> -> memref<100x100xi32, #tpu.memory_space<hbm>>
      %dma_wait3A_266 = arith.constant 50 : i32
      %dma_wait3A_267 = arith.constant 0 : i32
      %dma_wait3A_268 = tpu.memref_slice %dma_wait3A_265[%dma_wait3A_266, %dma_wait3A_267] : memref<100x100xi32, #tpu.memory_space<hbm>> -> memref<25x100xi32, #tpu.memory_space<hbm>>
      %dma_wait3A_269 = arith.constant 0 : i32
      %dma_wait3A_270 = arith.constant 0 : i32
      %dma_wait3A_271 = tpu.memref_slice %arg2[%add3A, %dma_wait3A_269, %dma_wait3A_270] : memref<32x100x100xi32, #tpu.memory_space<hbm>> -> memref<1x100x100xi32, #tpu.memory_space<hbm>>
      %dma_wait3A_272 = tpu.memref_squeeze %dma_wait3A_271 : memref<1x100x100xi32, #tpu.memory_space<hbm>> -> memref<100x100xi32, #tpu.memory_space<hbm>>
      %dma_wait3A_273 = arith.constant 50 : i32
      %dma_wait3A_274 = arith.constant 0 : i32
      %dma_wait3A_275 = tpu.memref_slice %dma_wait3A_272[%dma_wait3A_273, %dma_wait3A_274] : memref<100x100xi32, #tpu.memory_space<hbm>> -> memref<25x100xi32, #tpu.memory_space<hbm>>
      tpu.wait_dma2 semaphore(%run_scoped3A : memref<!tpu.dma_semaphore, #tpu.memory_space<semaphore_mem>>) src(%dma_wait3A_275 : memref<25x100xi32, #tpu.memory_space<hbm>>) dst(%arg7 : memref<25x100xi32, #tpu.memory_space<vmem>>)
      tpu.yield
    }) : () -> ()
    "tpu.region"() ({
      %run_scoped3A = tpu.sem_alloc : memref<!tpu.dma_semaphore, #tpu.memory_space<semaphore_mem>>
      %dma_start3A_248 = arith.constant 0 : i32
      %dma_start3A_249 = arith.constant 0 : i32
      %dma_start3A_250 = tpu.memref_slice %arg3[%add3A, %dma_start3A_248, %dma_start3A_249] : memref<32x100x100xi32, #tpu.memory_space<hbm>> -> memref<1x100x100xi32, #tpu.memory_space<hbm>>
      %dma_start3A_251 = tpu.memref_squeeze %dma_start3A_250 : memref<1x100x100xi32, #tpu.memory_space<hbm>> -> memref<100x100xi32, #tpu.memory_space<hbm>>
      %dma_start3A_252 = arith.constant 50 : i32
      %dma_start3A_253 = arith.constant 0 : i32
      %dma_start3A_254 = tpu.memref_slice %dma_start3A_251[%dma_start3A_252, %dma_start3A_253] : memref<100x100xi32, #tpu.memory_space<hbm>> -> memref<25x100xi32, #tpu.memory_space<hbm>>
      %dma_start3A_255 = arith.constant 0 : i32
      %dma_start3A_256 = arith.constant 0 : i32
      %dma_start3A_257 = tpu.memref_slice %arg3[%add3A, %dma_start3A_255, %dma_start3A_256] : memref<32x100x100xi32, #tpu.memory_space<hbm>> -> memref<1x100x100xi32, #tpu.memory_space<hbm>>
      %dma_start3A_258 = tpu.memref_squeeze %dma_start3A_257 : memref<1x100x100xi32, #tpu.memory_space<hbm>> -> memref<100x100xi32, #tpu.memory_space<hbm>>
      %dma_start3A_259 = arith.constant 50 : i32
      %dma_start3A_260 = arith.constant 0 : i32
      %dma_start3A_261 = tpu.memref_slice %dma_start3A_258[%dma_start3A_259, %dma_start3A_260] : memref<100x100xi32, #tpu.memory_space<hbm>> -> memref<25x100xi32, #tpu.memory_space<hbm>>
      tpu.enqueue_dma source(%dma_start3A_261 : memref<25x100xi32, #tpu.memory_space<hbm>>) target(%arg8 : memref<25x100xi32, #tpu.memory_space<vmem>>) target_semaphore(%run_scoped3A : memref<!tpu.dma_semaphore, #tpu.memory_space<semaphore_mem>>)
      %dma_wait3A_262 = arith.constant 0 : i32
      %dma_wait3A_263 = arith.constant 0 : i32
      %dma_wait3A_264 = tpu.memref_slice %arg3[%add3A, %dma_wait3A_262, %dma_wait3A_263] : memref<32x100x100xi32, #tpu.memory_space<hbm>> -> memref<1x100x100xi32, #tpu.memory_space<hbm>>
      %dma_wait3A_265 = tpu.memref_squeeze %dma_wait3A_264 : memref<1x100x100xi32, #tpu.memory_space<hbm>> -> memref<100x100xi32, #tpu.memory_space<hbm>>
      %dma_wait3A_266 = arith.constant 50 : i32
      %dma_wait3A_267 = arith.constant 0 : i32
      %dma_wait3A_268 = tpu.memref_slice %dma_wait3A_265[%dma_wait3A_266, %dma_wait3A_267] : memref<100x100xi32, #tpu.memory_space<hbm>> -> memref<25x100xi32, #tpu.memory_space<hbm>>
      %dma_wait3A_269 = arith.constant 0 : i32
      %dma_wait3A_270 = arith.constant 0 : i32
      %dma_wait3A_271 = tpu.memref_slice %arg3[%add3A, %dma_wait3A_269, %dma_wait3A_270] : memref<32x100x100xi32, #tpu.memory_space<hbm>> -> memref<1x100x100xi32, #tpu.memory_space<hbm>>
      %dma_wait3A_272 = tpu.memref_squeeze %dma_wait3A_271 : memref<1x100x100xi32, #tpu.memory_space<hbm>> -> memref<100x100xi32, #tpu.memory_space<hbm>>
      %dma_wait3A_273 = arith.constant 50 : i32
      %dma_wait3A_274 = arith.constant 0 : i32
      %dma_wait3A_275 = tpu.memref_slice %dma_wait3A_272[%dma_wait3A_273, %dma_wait3A_274] : memref<100x100xi32, #tpu.memory_space<hbm>> -> memref<25x100xi32, #tpu.memory_space<hbm>>
      tpu.wait_dma2 semaphore(%run_scoped3A : memref<!tpu.dma_semaphore, #tpu.memory_space<semaphore_mem>>) src(%dma_wait3A_275 : memref<25x100xi32, #tpu.memory_space<hbm>>) dst(%arg8 : memref<25x100xi32, #tpu.memory_space<vmem>>)
      tpu.yield
    }) : () -> ()
    %dma_start3A_131 = arith.constant 0 : i32
    %dma_start3A_132 = arith.constant 0 : i32
    %dma_start3A_133 = tpu.memref_slice %arg7[%dma_start3A_131, %dma_start3A_132] : memref<25x100xi32, #tpu.memory_space<vmem>> -> memref<1x100xi32, #tpu.memory_space<vmem>>
    %dma_start3A_134 = tpu.memref_squeeze %dma_start3A_133 : memref<1x100xi32, #tpu.memory_space<vmem>> -> memref<100xi32, #tpu.memory_space<vmem>>
    %dma_start3A_135 = arith.constant 0 : i32
    %dma_start3A_136 = arith.constant 0 : i32
    %dma_start3A_137 = tpu.memref_slice %arg4[%dma_start3A_135, %dma_start3A_136] : memref<10000x128xf32, #tpu.memory_space<hbm>> -> memref<10000x128xf32, #tpu.memory_space<hbm>>
    tpu.enqueue_indirect_dma source(%dma_start3A_137 : memref<10000x128xf32, #tpu.memory_space<hbm>>) target(%arg9 : memref<100x128xf32, #tpu.memory_space<vmem>>) offsets(%dma_start3A_134 : memref<100xi32, #tpu.memory_space<vmem>>) semaphore(%arg13 : memref<!tpu.dma_semaphore, #tpu.memory_space<semaphore_mem>>)
    %dma_start3A_138 = arith.constant 1 : i32
    %dma_start3A_139 = arith.constant 0 : i32
    %dma_start3A_140 = tpu.memref_slice %arg7[%dma_start3A_138, %dma_start3A_139] : memref<25x100xi32, #tpu.memory_space<vmem>> -> memref<1x100xi32, #tpu.memory_space<vmem>>
    %dma_start3A_141 = tpu.memref_squeeze %dma_start3A_140 : memref<1x100xi32, #tpu.memory_space<vmem>> -> memref<100xi32, #tpu.memory_space<vmem>>
    %dma_start3A_142 = arith.constant 0 : i32
    %dma_start3A_143 = arith.constant 0 : i32
    %dma_start3A_144 = tpu.memref_slice %arg4[%dma_start3A_142, %dma_start3A_143] : memref<10000x128xf32, #tpu.memory_space<hbm>> -> memref<10000x128xf32, #tpu.memory_space<hbm>>
    tpu.enqueue_indirect_dma source(%dma_start3A_144 : memref<10000x128xf32, #tpu.memory_space<hbm>>) target(%arg10 : memref<100x128xf32, #tpu.memory_space<vmem>>) offsets(%dma_start3A_141 : memref<100xi32, #tpu.memory_space<vmem>>) semaphore(%arg14 : memref<!tpu.dma_semaphore, #tpu.memory_space<semaphore_mem>>)
    %scan3A_145 = arith.constant 0 : i32
    %scan3A_146 = arith.constant 0 : i32
    %scan3A_147 = arith.constant 8 : i32
    %scan3A_148 = arith.addi %scan3A_146, %scan3A_147 : i32
    %scan3A_149 = arith.constant 1 : i32
    %scan3A_150 = scf.for %scan3A_248 = %scan3A_146 to %scan3A_148 step %scan3A_149 iter_args(%scan3A_249 = %scan3A_145) -> (i32)  : i32 {
      %mul3A_250 = arith.constant 3 : i32
      %mul3A_251 = arith.muli %mul3A_250, %scan3A_248 : i32
      %add3A_252 = arith.constant 0 : i32
      %add3A_253 = arith.addi %mul3A_251, %add3A_252 : i32
      %dma_wait3A_254 = arith.constant 0 : i32
      %dma_wait3A_255 = tpu.memref_slice %arg7[%add3A_253, %dma_wait3A_254] : memref<25x100xi32, #tpu.memory_space<vmem>> -> memref<1x100xi32, #tpu.memory_space<vmem>>
      %dma_wait3A_256 = tpu.memref_squeeze %dma_wait3A_255 : memref<1x100xi32, #tpu.memory_space<vmem>> -> memref<100xi32, #tpu.memory_space<vmem>>
      %dma_wait3A_257 = arith.constant 0 : i32
      %dma_wait3A_258 = arith.constant 0 : i32
      %dma_wait3A_259 = tpu.memref_slice %arg4[%dma_wait3A_257, %dma_wait3A_258] : memref<10000x128xf32, #tpu.memory_space<hbm>> -> memref<10000x128xf32, #tpu.memory_space<hbm>>
      tpu.wait_indirect_dma semaphore(%arg13 : memref<!tpu.dma_semaphore, #tpu.memory_space<semaphore_mem>>) src(%dma_wait3A_259 : memref<10000x128xf32, #tpu.memory_space<hbm>>) dst(%arg9 : memref<100x128xf32, #tpu.memory_space<vmem>>)
      %dma_start3A_260 = arith.constant 0 : i32
      %dma_start3A_261 = tpu.memref_slice %arg8[%add3A_253, %dma_start3A_260] : memref<25x100xi32, #tpu.memory_space<vmem>> -> memref<1x100xi32, #tpu.memory_space<vmem>>
      %dma_start3A_262 = tpu.memref_squeeze %dma_start3A_261 : memref<1x100xi32, #tpu.memory_space<vmem>> -> memref<100xi32, #tpu.memory_space<vmem>>
      %dma_start3A_263 = arith.constant 0 : i32
      %dma_start3A_264 = arith.constant 0 : i32
      %dma_start3A_265 = tpu.memref_slice %arg6[%dma_start3A_263, %dma_start3A_264] : memref<10000x128xf32, #tpu.memory_space<vmem_shared>> -> memref<10000x128xf32, #tpu.memory_space<vmem_shared>>
      tpu.enqueue_indirect_dma source(%arg9 : memref<100x128xf32, #tpu.memory_space<vmem>>) target(%dma_start3A_265 : memref<10000x128xf32, #tpu.memory_space<vmem_shared>>) offsets(%dma_start3A_262 : memref<100xi32, #tpu.memory_space<vmem>>) semaphore(%arg16 : memref<!tpu.dma_semaphore, #tpu.memory_space<semaphore_mem>>) {add = true}
      %add3A_266 = arith.constant 2 : i32
      %add3A_267 = arith.addi %add3A_253, %add3A_266 : i32
      %lt3A = arith.constant 25 : i32
      %lt3A_268 = arith.cmpi slt, %add3A_267, %lt3A : i32
      %convert_element_type3A = arith.extui %lt3A_268 : i1 to i32
      %cond3A = arith.constant 0 : i32
      %cond3A_269 = arith.cmpi ne, %convert_element_type3A, %cond3A : i32
      scf.if %cond3A_269 {
        %ge3A = arith.constant 1 : i32
        %ge3A_317 = arith.cmpi sge, %add3A_253, %ge3A : i32
        %convert_element_type3A_318 = arith.extui %ge3A_317 : i1 to i32
        %cond3A_319 = arith.constant 0 : i32
        %cond3A_320 = arith.cmpi ne, %convert_element_type3A_318, %cond3A_319 : i32
        scf.if %cond3A_320 {
          %sub3A = arith.constant 1 : i32
          %sub3A_327 = arith.subi %add3A_253, %sub3A : i32
          %dma_wait3A_328 = arith.constant 0 : i32
          %dma_wait3A_329 = tpu.memref_slice %arg8[%sub3A_327, %dma_wait3A_328] : memref<25x100xi32, #tpu.memory_space<vmem>> -> memref<1x100xi32, #tpu.memory_space<vmem>>
          %dma_wait3A_330 = tpu.memref_squeeze %dma_wait3A_329 : memref<1x100xi32, #tpu.memory_space<vmem>> -> memref<100xi32, #tpu.memory_space<vmem>>
          %dma_wait3A_331 = arith.constant 0 : i32
          %dma_wait3A_332 = arith.constant 0 : i32
          %dma_wait3A_333 = tpu.memref_slice %arg6[%dma_wait3A_331, %dma_wait3A_332] : memref<10000x128xf32, #tpu.memory_space<vmem_shared>> -> memref<10000x128xf32, #tpu.memory_space<vmem_shared>>
          tpu.wait_indirect_dma semaphore(%arg18 : memref<!tpu.dma_semaphore, #tpu.memory_space<semaphore_mem>>) src(%arg11 : memref<100x128xf32, #tpu.memory_space<vmem>>) dst(%dma_wait3A_333 : memref<10000x128xf32, #tpu.memory_space<vmem_shared>>)
        } else {
        }
        %dma_start3A_321 = arith.constant 0 : i32
        %dma_start3A_322 = tpu.memref_slice %arg7[%add3A_267, %dma_start3A_321] : memref<25x100xi32, #tpu.memory_space<vmem>> -> memref<1x100xi32, #tpu.memory_space<vmem>>
        %dma_start3A_323 = tpu.memref_squeeze %dma_start3A_322 : memref<1x100xi32, #tpu.memory_space<vmem>> -> memref<100xi32, #tpu.memory_space<vmem>>
        %dma_start3A_324 = arith.constant 0 : i32
        %dma_start3A_325 = arith.constant 0 : i32
        %dma_start3A_326 = tpu.memref_slice %arg4[%dma_start3A_324, %dma_start3A_325] : memref<10000x128xf32, #tpu.memory_space<hbm>> -> memref<10000x128xf32, #tpu.memory_space<hbm>>
        tpu.enqueue_indirect_dma source(%dma_start3A_326 : memref<10000x128xf32, #tpu.memory_space<hbm>>) target(%arg11 : memref<100x128xf32, #tpu.memory_space<vmem>>) offsets(%dma_start3A_323 : memref<100xi32, #tpu.memory_space<vmem>>) semaphore(%arg15 : memref<!tpu.dma_semaphore, #tpu.memory_space<semaphore_mem>>)
      } else {
      }
      %mul3A_270 = arith.constant 3 : i32
      %mul3A_271 = arith.muli %mul3A_270, %scan3A_248 : i32
      %add3A_272 = arith.constant 1 : i32
      %add3A_273 = arith.addi %mul3A_271, %add3A_272 : i32
      %dma_wait3A_274 = arith.constant 0 : i32
      %dma_wait3A_275 = tpu.memref_slice %arg7[%add3A_273, %dma_wait3A_274] : memref<25x100xi32, #tpu.memory_space<vmem>> -> memref<1x100xi32, #tpu.memory_space<vmem>>
      %dma_wait3A_276 = tpu.memref_squeeze %dma_wait3A_275 : memref<1x100xi32, #tpu.memory_space<vmem>> -> memref<100xi32, #tpu.memory_space<vmem>>
      %dma_wait3A_277 = arith.constant 0 : i32
      %dma_wait3A_278 = arith.constant 0 : i32
      %dma_wait3A_279 = tpu.memref_slice %arg4[%dma_wait3A_277, %dma_wait3A_278] : memref<10000x128xf32, #tpu.memory_space<hbm>> -> memref<10000x128xf32, #tpu.memory_space<hbm>>
      tpu.wait_indirect_dma semaphore(%arg14 : memref<!tpu.dma_semaphore, #tpu.memory_space<semaphore_mem>>) src(%dma_wait3A_279 : memref<10000x128xf32, #tpu.memory_space<hbm>>) dst(%arg10 : memref<100x128xf32, #tpu.memory_space<vmem>>)
      %dma_start3A_280 = arith.constant 0 : i32
      %dma_start3A_281 = tpu.memref_slice %arg8[%add3A_273, %dma_start3A_280] : memref<25x100xi32, #tpu.memory_space<vmem>> -> memref<1x100xi32, #tpu.memory_space<vmem>>
      %dma_start3A_282 = tpu.memref_squeeze %dma_start3A_281 : memref<1x100xi32, #tpu.memory_space<vmem>> -> memref<100xi32, #tpu.memory_space<vmem>>
      %dma_start3A_283 = arith.constant 0 : i32
      %dma_start3A_284 = arith.constant 0 : i32
      %dma_start3A_285 = tpu.memref_slice %arg6[%dma_start3A_283, %dma_start3A_284] : memref<10000x128xf32, #tpu.memory_space<vmem_shared>> -> memref<10000x128xf32, #tpu.memory_space<vmem_shared>>
      tpu.enqueue_indirect_dma source(%arg10 : memref<100x128xf32, #tpu.memory_space<vmem>>) target(%dma_start3A_285 : memref<10000x128xf32, #tpu.memory_space<vmem_shared>>) offsets(%dma_start3A_282 : memref<100xi32, #tpu.memory_space<vmem>>) semaphore(%arg17 : memref<!tpu.dma_semaphore, #tpu.memory_space<semaphore_mem>>) {add = true}
      %add3A_286 = arith.constant 2 : i32
      %add3A_287 = arith.addi %add3A_273, %add3A_286 : i32
      %lt3A_288 = arith.constant 25 : i32
      %lt3A_289 = arith.cmpi slt, %add3A_287, %lt3A_288 : i32
      %convert_element_type3A_290 = arith.extui %lt3A_289 : i1 to i32
      %cond3A_291 = arith.constant 0 : i32
      %cond3A_292 = arith.cmpi ne, %convert_element_type3A_290, %cond3A_291 : i32
      scf.if %cond3A_292 {
        %ge3A = arith.constant 1 : i32
        %ge3A_317 = arith.cmpi sge, %add3A_273, %ge3A : i32
        %convert_element_type3A_318 = arith.extui %ge3A_317 : i1 to i32
        %cond3A_319 = arith.constant 0 : i32
        %cond3A_320 = arith.cmpi ne, %convert_element_type3A_318, %cond3A_319 : i32
        scf.if %cond3A_320 {
          %sub3A = arith.constant 1 : i32
          %sub3A_327 = arith.subi %add3A_273, %sub3A : i32
          %dma_wait3A_328 = arith.constant 0 : i32
          %dma_wait3A_329 = tpu.memref_slice %arg8[%sub3A_327, %dma_wait3A_328] : memref<25x100xi32, #tpu.memory_space<vmem>> -> memref<1x100xi32, #tpu.memory_space<vmem>>
          %dma_wait3A_330 = tpu.memref_squeeze %dma_wait3A_329 : memref<1x100xi32, #tpu.memory_space<vmem>> -> memref<100xi32, #tpu.memory_space<vmem>>
          %dma_wait3A_331 = arith.constant 0 : i32
          %dma_wait3A_332 = arith.constant 0 : i32
          %dma_wait3A_333 = tpu.memref_slice %arg6[%dma_wait3A_331, %dma_wait3A_332] : memref<10000x128xf32, #tpu.memory_space<vmem_shared>> -> memref<10000x128xf32, #tpu.memory_space<vmem_shared>>
          tpu.wait_indirect_dma semaphore(%arg16 : memref<!tpu.dma_semaphore, #tpu.memory_space<semaphore_mem>>) src(%arg9 : memref<100x128xf32, #tpu.memory_space<vmem>>) dst(%dma_wait3A_333 : memref<10000x128xf32, #tpu.memory_space<vmem_shared>>)
        } else {
        }
        %dma_start3A_321 = arith.constant 0 : i32
        %dma_start3A_322 = tpu.memref_slice %arg7[%add3A_287, %dma_start3A_321] : memref<25x100xi32, #tpu.memory_space<vmem>> -> memref<1x100xi32, #tpu.memory_space<vmem>>
        %dma_start3A_323 = tpu.memref_squeeze %dma_start3A_322 : memref<1x100xi32, #tpu.memory_space<vmem>> -> memref<100xi32, #tpu.memory_space<vmem>>
        %dma_start3A_324 = arith.constant 0 : i32
        %dma_start3A_325 = arith.constant 0 : i32
        %dma_start3A_326 = tpu.memref_slice %arg4[%dma_start3A_324, %dma_start3A_325] : memref<10000x128xf32, #tpu.memory_space<hbm>> -> memref<10000x128xf32, #tpu.memory_space<hbm>>
        tpu.enqueue_indirect_dma source(%dma_start3A_326 : memref<10000x128xf32, #tpu.memory_space<hbm>>) target(%arg9 : memref<100x128xf32, #tpu.memory_space<vmem>>) offsets(%dma_start3A_323 : memref<100xi32, #tpu.memory_space<vmem>>) semaphore(%arg13 : memref<!tpu.dma_semaphore, #tpu.memory_space<semaphore_mem>>)
      } else {
      }
      %mul3A_293 = arith.constant 3 : i32
      %mul3A_294 = arith.muli %mul3A_293, %scan3A_248 : i32
      %add3A_295 = arith.constant 2 : i32
      %add3A_296 = arith.addi %mul3A_294, %add3A_295 : i32
      %dma_wait3A_297 = arith.constant 0 : i32
      %dma_wait3A_298 = tpu.memref_slice %arg7[%add3A_296, %dma_wait3A_297] : memref<25x100xi32, #tpu.memory_space<vmem>> -> memref<1x100xi32, #tpu.memory_space<vmem>>
      %dma_wait3A_299 = tpu.memref_squeeze %dma_wait3A_298 : memref<1x100xi32, #tpu.memory_space<vmem>> -> memref<100xi32, #tpu.memory_space<vmem>>
      %dma_wait3A_300 = arith.constant 0 : i32
      %dma_wait3A_301 = arith.constant 0 : i32
      %dma_wait3A_302 = tpu.memref_slice %arg4[%dma_wait3A_300, %dma_wait3A_301] : memref<10000x128xf32, #tpu.memory_space<hbm>> -> memref<10000x128xf32, #tpu.memory_space<hbm>>
      tpu.wait_indirect_dma semaphore(%arg15 : memref<!tpu.dma_semaphore, #tpu.memory_space<semaphore_mem>>) src(%dma_wait3A_302 : memref<10000x128xf32, #tpu.memory_space<hbm>>) dst(%arg11 : memref<100x128xf32, #tpu.memory_space<vmem>>)
      %dma_start3A_303 = arith.constant 0 : i32
      %dma_start3A_304 = tpu.memref_slice %arg8[%add3A_296, %dma_start3A_303] : memref<25x100xi32, #tpu.memory_space<vmem>> -> memref<1x100xi32, #tpu.memory_space<vmem>>
      %dma_start3A_305 = tpu.memref_squeeze %dma_start3A_304 : memref<1x100xi32, #tpu.memory_space<vmem>> -> memref<100xi32, #tpu.memory_space<vmem>>
      %dma_start3A_306 = arith.constant 0 : i32
      %dma_start3A_307 = arith.constant 0 : i32
      %dma_start3A_308 = tpu.memref_slice %arg6[%dma_start3A_306, %dma_start3A_307] : memref<10000x128xf32, #tpu.memory_space<vmem_shared>> -> memref<10000x128xf32, #tpu.memory_space<vmem_shared>>
      tpu.enqueue_indirect_dma source(%arg11 : memref<100x128xf32, #tpu.memory_space<vmem>>) target(%dma_start3A_308 : memref<10000x128xf32, #tpu.memory_space<vmem_shared>>) offsets(%dma_start3A_305 : memref<100xi32, #tpu.memory_space<vmem>>) semaphore(%arg18 : memref<!tpu.dma_semaphore, #tpu.memory_space<semaphore_mem>>) {add = true}
      %add3A_309 = arith.constant 2 : i32
      %add3A_310 = arith.addi %add3A_296, %add3A_309 : i32
      %lt3A_311 = arith.constant 25 : i32
      %lt3A_312 = arith.cmpi slt, %add3A_310, %lt3A_311 : i32
      %convert_element_type3A_313 = arith.extui %lt3A_312 : i1 to i32
      %cond3A_314 = arith.constant 0 : i32
      %cond3A_315 = arith.cmpi ne, %convert_element_type3A_313, %cond3A_314 : i32
      scf.if %cond3A_315 {
        %ge3A = arith.constant 1 : i32
        %ge3A_317 = arith.cmpi sge, %add3A_296, %ge3A : i32
        %convert_element_type3A_318 = arith.extui %ge3A_317 : i1 to i32
        %cond3A_319 = arith.constant 0 : i32
        %cond3A_320 = arith.cmpi ne, %convert_element_type3A_318, %cond3A_319 : i32
        scf.if %cond3A_320 {
          %sub3A = arith.constant 1 : i32
          %sub3A_327 = arith.subi %add3A_296, %sub3A : i32
          %dma_wait3A_328 = arith.constant 0 : i32
          %dma_wait3A_329 = tpu.memref_slice %arg8[%sub3A_327, %dma_wait3A_328] : memref<25x100xi32, #tpu.memory_space<vmem>> -> memref<1x100xi32, #tpu.memory_space<vmem>>
          %dma_wait3A_330 = tpu.memref_squeeze %dma_wait3A_329 : memref<1x100xi32, #tpu.memory_space<vmem>> -> memref<100xi32, #tpu.memory_space<vmem>>
          %dma_wait3A_331 = arith.constant 0 : i32
          %dma_wait3A_332 = arith.constant 0 : i32
          %dma_wait3A_333 = tpu.memref_slice %arg6[%dma_wait3A_331, %dma_wait3A_332] : memref<10000x128xf32, #tpu.memory_space<vmem_shared>> -> memref<10000x128xf32, #tpu.memory_space<vmem_shared>>
          tpu.wait_indirect_dma semaphore(%arg17 : memref<!tpu.dma_semaphore, #tpu.memory_space<semaphore_mem>>) src(%arg10 : memref<100x128xf32, #tpu.memory_space<vmem>>) dst(%dma_wait3A_333 : memref<10000x128xf32, #tpu.memory_space<vmem_shared>>)
        } else {
        }
        %dma_start3A_321 = arith.constant 0 : i32
        %dma_start3A_322 = tpu.memref_slice %arg7[%add3A_310, %dma_start3A_321] : memref<25x100xi32, #tpu.memory_space<vmem>> -> memref<1x100xi32, #tpu.memory_space<vmem>>
        %dma_start3A_323 = tpu.memref_squeeze %dma_start3A_322 : memref<1x100xi32, #tpu.memory_space<vmem>> -> memref<100xi32, #tpu.memory_space<vmem>>
        %dma_start3A_324 = arith.constant 0 : i32
        %dma_start3A_325 = arith.constant 0 : i32
        %dma_start3A_326 = tpu.memref_slice %arg4[%dma_start3A_324, %dma_start3A_325] : memref<10000x128xf32, #tpu.memory_space<hbm>> -> memref<10000x128xf32, #tpu.memory_space<hbm>>
        tpu.enqueue_indirect_dma source(%dma_start3A_326 : memref<10000x128xf32, #tpu.memory_space<hbm>>) target(%arg10 : memref<100x128xf32, #tpu.memory_space<vmem>>) offsets(%dma_start3A_323 : memref<100xi32, #tpu.memory_space<vmem>>) semaphore(%arg14 : memref<!tpu.dma_semaphore, #tpu.memory_space<semaphore_mem>>)
      } else {
      }
      %scan3A_316 = arith.constant 0 : i32
      scf.yield %scan3A_316 : i32
    }
    %scan3A_151 = arith.constant 8 : i32
    %dma_wait3A_152 = arith.constant 24 : i32
    %dma_wait3A_153 = arith.constant 0 : i32
    %dma_wait3A_154 = tpu.memref_slice %arg7[%dma_wait3A_152, %dma_wait3A_153] : memref<25x100xi32, #tpu.memory_space<vmem>> -> memref<1x100xi32, #tpu.memory_space<vmem>>
    %dma_wait3A_155 = tpu.memref_squeeze %dma_wait3A_154 : memref<1x100xi32, #tpu.memory_space<vmem>> -> memref<100xi32, #tpu.memory_space<vmem>>
    %dma_wait3A_156 = arith.constant 0 : i32
    %dma_wait3A_157 = arith.constant 0 : i32
    %dma_wait3A_158 = tpu.memref_slice %arg4[%dma_wait3A_156, %dma_wait3A_157] : memref<10000x128xf32, #tpu.memory_space<hbm>> -> memref<10000x128xf32, #tpu.memory_space<hbm>>
    tpu.wait_indirect_dma semaphore(%arg13 : memref<!tpu.dma_semaphore, #tpu.memory_space<semaphore_mem>>) src(%dma_wait3A_158 : memref<10000x128xf32, #tpu.memory_space<hbm>>) dst(%arg9 : memref<100x128xf32, #tpu.memory_space<vmem>>)
    %dma_start3A_159 = arith.constant 24 : i32
    %dma_start3A_160 = arith.constant 0 : i32
    %dma_start3A_161 = tpu.memref_slice %arg8[%dma_start3A_159, %dma_start3A_160] : memref<25x100xi32, #tpu.memory_space<vmem>> -> memref<1x100xi32, #tpu.memory_space<vmem>>
    %dma_start3A_162 = tpu.memref_squeeze %dma_start3A_161 : memref<1x100xi32, #tpu.memory_space<vmem>> -> memref<100xi32, #tpu.memory_space<vmem>>
    %dma_start3A_163 = arith.constant 0 : i32
    %dma_start3A_164 = arith.constant 0 : i32
    %dma_start3A_165 = tpu.memref_slice %arg6[%dma_start3A_163, %dma_start3A_164] : memref<10000x128xf32, #tpu.memory_space<vmem_shared>> -> memref<10000x128xf32, #tpu.memory_space<vmem_shared>>
    tpu.enqueue_indirect_dma source(%arg9 : memref<100x128xf32, #tpu.memory_space<vmem>>) target(%dma_start3A_165 : memref<10000x128xf32, #tpu.memory_space<vmem_shared>>) offsets(%dma_start3A_162 : memref<100xi32, #tpu.memory_space<vmem>>) semaphore(%arg16 : memref<!tpu.dma_semaphore, #tpu.memory_space<semaphore_mem>>) {add = true}
    %dma_wait3A_166 = arith.constant 22 : i32
    %dma_wait3A_167 = arith.constant 0 : i32
    %dma_wait3A_168 = tpu.memref_slice %arg8[%dma_wait3A_166, %dma_wait3A_167] : memref<25x100xi32, #tpu.memory_space<vmem>> -> memref<1x100xi32, #tpu.memory_space<vmem>>
    %dma_wait3A_169 = tpu.memref_squeeze %dma_wait3A_168 : memref<1x100xi32, #tpu.memory_space<vmem>> -> memref<100xi32, #tpu.memory_space<vmem>>
    %dma_wait3A_170 = arith.constant 0 : i32
    %dma_wait3A_171 = arith.constant 0 : i32
    %dma_wait3A_172 = tpu.memref_slice %arg6[%dma_wait3A_170, %dma_wait3A_171] : memref<10000x128xf32, #tpu.memory_space<vmem_shared>> -> memref<10000x128xf32, #tpu.memory_space<vmem_shared>>
    tpu.wait_indirect_dma semaphore(%arg17 : memref<!tpu.dma_semaphore, #tpu.memory_space<semaphore_mem>>) src(%arg10 : memref<100x128xf32, #tpu.memory_space<vmem>>) dst(%dma_wait3A_172 : memref<10000x128xf32, #tpu.memory_space<vmem_shared>>)
    %dma_wait3A_173 = arith.constant 23 : i32
    %dma_wait3A_174 = arith.constant 0 : i32
    %dma_wait3A_175 = tpu.memref_slice %arg8[%dma_wait3A_173, %dma_wait3A_174] : memref<25x100xi32, #tpu.memory_space<vmem>> -> memref<1x100xi32, #tpu.memory_space<vmem>>
    %dma_wait3A_176 = tpu.memref_squeeze %dma_wait3A_175 : memref<1x100xi32, #tpu.memory_space<vmem>> -> memref<100xi32, #tpu.memory_space<vmem>>
    %dma_wait3A_177 = arith.constant 0 : i32
    %dma_wait3A_178 = arith.constant 0 : i32
    %dma_wait3A_179 = tpu.memref_slice %arg6[%dma_wait3A_177, %dma_wait3A_178] : memref<10000x128xf32, #tpu.memory_space<vmem_shared>> -> memref<10000x128xf32, #tpu.memory_space<vmem_shared>>
    tpu.wait_indirect_dma semaphore(%arg18 : memref<!tpu.dma_semaphore, #tpu.memory_space<semaphore_mem>>) src(%arg11 : memref<100x128xf32, #tpu.memory_space<vmem>>) dst(%dma_wait3A_179 : memref<10000x128xf32, #tpu.memory_space<vmem_shared>>)
    %dma_wait3A_180 = arith.constant 24 : i32
    %dma_wait3A_181 = arith.constant 0 : i32
    %dma_wait3A_182 = tpu.memref_slice %arg8[%dma_wait3A_180, %dma_wait3A_181] : memref<25x100xi32, #tpu.memory_space<vmem>> -> memref<1x100xi32, #tpu.memory_space<vmem>>
    %dma_wait3A_183 = tpu.memref_squeeze %dma_wait3A_182 : memref<1x100xi32, #tpu.memory_space<vmem>> -> memref<100xi32, #tpu.memory_space<vmem>>
    %dma_wait3A_184 = arith.constant 0 : i32
    %dma_wait3A_185 = arith.constant 0 : i32
    %dma_wait3A_186 = tpu.memref_slice %arg6[%dma_wait3A_184, %dma_wait3A_185] : memref<10000x128xf32, #tpu.memory_space<vmem_shared>> -> memref<10000x128xf32, #tpu.memory_space<vmem_shared>>
    tpu.wait_indirect_dma semaphore(%arg16 : memref<!tpu.dma_semaphore, #tpu.memory_space<semaphore_mem>>) src(%arg9 : memref<100x128xf32, #tpu.memory_space<vmem>>) dst(%dma_wait3A_186 : memref<10000x128xf32, #tpu.memory_space<vmem_shared>>)
    "tpu.region"() ({
      %run_scoped3A = tpu.sem_alloc : memref<!tpu.dma_semaphore, #tpu.memory_space<semaphore_mem>>
      %dma_start3A_248 = arith.constant 0 : i32
      %dma_start3A_249 = arith.constant 0 : i32
      %dma_start3A_250 = tpu.memref_slice %arg2[%add3A, %dma_start3A_248, %dma_start3A_249] : memref<32x100x100xi32, #tpu.memory_space<hbm>> -> memref<1x100x100xi32, #tpu.memory_space<hbm>>
      %dma_start3A_251 = tpu.memref_squeeze %dma_start3A_250 : memref<1x100x100xi32, #tpu.memory_space<hbm>> -> memref<100x100xi32, #tpu.memory_space<hbm>>
      %dma_start3A_252 = arith.constant 75 : i32
      %dma_start3A_253 = arith.constant 0 : i32
      %dma_start3A_254 = tpu.memref_slice %dma_start3A_251[%dma_start3A_252, %dma_start3A_253] : memref<100x100xi32, #tpu.memory_space<hbm>> -> memref<25x100xi32, #tpu.memory_space<hbm>>
      %dma_start3A_255 = arith.constant 0 : i32
      %dma_start3A_256 = arith.constant 0 : i32
      %dma_start3A_257 = tpu.memref_slice %arg2[%add3A, %dma_start3A_255, %dma_start3A_256] : memref<32x100x100xi32, #tpu.memory_space<hbm>> -> memref<1x100x100xi32, #tpu.memory_space<hbm>>
      %dma_start3A_258 = tpu.memref_squeeze %dma_start3A_257 : memref<1x100x100xi32, #tpu.memory_space<hbm>> -> memref<100x100xi32, #tpu.memory_space<hbm>>
      %dma_start3A_259 = arith.constant 75 : i32
      %dma_start3A_260 = arith.constant 0 : i32
      %dma_start3A_261 = tpu.memref_slice %dma_start3A_258[%dma_start3A_259, %dma_start3A_260] : memref<100x100xi32, #tpu.memory_space<hbm>> -> memref<25x100xi32, #tpu.memory_space<hbm>>
      tpu.enqueue_dma source(%dma_start3A_261 : memref<25x100xi32, #tpu.memory_space<hbm>>) target(%arg7 : memref<25x100xi32, #tpu.memory_space<vmem>>) target_semaphore(%run_scoped3A : memref<!tpu.dma_semaphore, #tpu.memory_space<semaphore_mem>>)
      %dma_wait3A_262 = arith.constant 0 : i32
      %dma_wait3A_263 = arith.constant 0 : i32
      %dma_wait3A_264 = tpu.memref_slice %arg2[%add3A, %dma_wait3A_262, %dma_wait3A_263] : memref<32x100x100xi32, #tpu.memory_space<hbm>> -> memref<1x100x100xi32, #tpu.memory_space<hbm>>
      %dma_wait3A_265 = tpu.memref_squeeze %dma_wait3A_264 : memref<1x100x100xi32, #tpu.memory_space<hbm>> -> memref<100x100xi32, #tpu.memory_space<hbm>>
      %dma_wait3A_266 = arith.constant 75 : i32
      %dma_wait3A_267 = arith.constant 0 : i32
      %dma_wait3A_268 = tpu.memref_slice %dma_wait3A_265[%dma_wait3A_266, %dma_wait3A_267] : memref<100x100xi32, #tpu.memory_space<hbm>> -> memref<25x100xi32, #tpu.memory_space<hbm>>
      %dma_wait3A_269 = arith.constant 0 : i32
      %dma_wait3A_270 = arith.constant 0 : i32
      %dma_wait3A_271 = tpu.memref_slice %arg2[%add3A, %dma_wait3A_269, %dma_wait3A_270] : memref<32x100x100xi32, #tpu.memory_space<hbm>> -> memref<1x100x100xi32, #tpu.memory_space<hbm>>
      %dma_wait3A_272 = tpu.memref_squeeze %dma_wait3A_271 : memref<1x100x100xi32, #tpu.memory_space<hbm>> -> memref<100x100xi32, #tpu.memory_space<hbm>>
      %dma_wait3A_273 = arith.constant 75 : i32
      %dma_wait3A_274 = arith.constant 0 : i32
      %dma_wait3A_275 = tpu.memref_slice %dma_wait3A_272[%dma_wait3A_273, %dma_wait3A_274] : memref<100x100xi32, #tpu.memory_space<hbm>> -> memref<25x100xi32, #tpu.memory_space<hbm>>
      tpu.wait_dma2 semaphore(%run_scoped3A : memref<!tpu.dma_semaphore, #tpu.memory_space<semaphore_mem>>) src(%dma_wait3A_275 : memref<25x100xi32, #tpu.memory_space<hbm>>) dst(%arg7 : memref<25x100xi32, #tpu.memory_space<vmem>>)
      tpu.yield
    }) : () -> ()
    "tpu.region"() ({
      %run_scoped3A = tpu.sem_alloc : memref<!tpu.dma_semaphore, #tpu.memory_space<semaphore_mem>>
      %dma_start3A_248 = arith.constant 0 : i32
      %dma_start3A_249 = arith.constant 0 : i32
      %dma_start3A_250 = tpu.memref_slice %arg3[%add3A, %dma_start3A_248, %dma_start3A_249] : memref<32x100x100xi32, #tpu.memory_space<hbm>> -> memref<1x100x100xi32, #tpu.memory_space<hbm>>
      %dma_start3A_251 = tpu.memref_squeeze %dma_start3A_250 : memref<1x100x100xi32, #tpu.memory_space<hbm>> -> memref<100x100xi32, #tpu.memory_space<hbm>>
      %dma_start3A_252 = arith.constant 75 : i32
      %dma_start3A_253 = arith.constant 0 : i32
      %dma_start3A_254 = tpu.memref_slice %dma_start3A_251[%dma_start3A_252, %dma_start3A_253] : memref<100x100xi32, #tpu.memory_space<hbm>> -> memref<25x100xi32, #tpu.memory_space<hbm>>
      %dma_start3A_255 = arith.constant 0 : i32
      %dma_start3A_256 = arith.constant 0 : i32
      %dma_start3A_257 = tpu.memref_slice %arg3[%add3A, %dma_start3A_255, %dma_start3A_256] : memref<32x100x100xi32, #tpu.memory_space<hbm>> -> memref<1x100x100xi32, #tpu.memory_space<hbm>>
      %dma_start3A_258 = tpu.memref_squeeze %dma_start3A_257 : memref<1x100x100xi32, #tpu.memory_space<hbm>> -> memref<100x100xi32, #tpu.memory_space<hbm>>
      %dma_start3A_259 = arith.constant 75 : i32
      %dma_start3A_260 = arith.constant 0 : i32
      %dma_start3A_261 = tpu.memref_slice %dma_start3A_258[%dma_start3A_259, %dma_start3A_260] : memref<100x100xi32, #tpu.memory_space<hbm>> -> memref<25x100xi32, #tpu.memory_space<hbm>>
      tpu.enqueue_dma source(%dma_start3A_261 : memref<25x100xi32, #tpu.memory_space<hbm>>) target(%arg8 : memref<25x100xi32, #tpu.memory_space<vmem>>) target_semaphore(%run_scoped3A : memref<!tpu.dma_semaphore, #tpu.memory_space<semaphore_mem>>)
      %dma_wait3A_262 = arith.constant 0 : i32
      %dma_wait3A_263 = arith.constant 0 : i32
      %dma_wait3A_264 = tpu.memref_slice %arg3[%add3A, %dma_wait3A_262, %dma_wait3A_263] : memref<32x100x100xi32, #tpu.memory_space<hbm>> -> memref<1x100x100xi32, #tpu.memory_space<hbm>>
      %dma_wait3A_265 = tpu.memref_squeeze %dma_wait3A_264 : memref<1x100x100xi32, #tpu.memory_space<hbm>> -> memref<100x100xi32, #tpu.memory_space<hbm>>
      %dma_wait3A_266 = arith.constant 75 : i32
      %dma_wait3A_267 = arith.constant 0 : i32
      %dma_wait3A_268 = tpu.memref_slice %dma_wait3A_265[%dma_wait3A_266, %dma_wait3A_267] : memref<100x100xi32, #tpu.memory_space<hbm>> -> memref<25x100xi32, #tpu.memory_space<hbm>>
      %dma_wait3A_269 = arith.constant 0 : i32
      %dma_wait3A_270 = arith.constant 0 : i32
      %dma_wait3A_271 = tpu.memref_slice %arg3[%add3A, %dma_wait3A_269, %dma_wait3A_270] : memref<32x100x100xi32, #tpu.memory_space<hbm>> -> memref<1x100x100xi32, #tpu.memory_space<hbm>>
      %dma_wait3A_272 = tpu.memref_squeeze %dma_wait3A_271 : memref<1x100x100xi32, #tpu.memory_space<hbm>> -> memref<100x100xi32, #tpu.memory_space<hbm>>
      %dma_wait3A_273 = arith.constant 75 : i32
      %dma_wait3A_274 = arith.constant 0 : i32
      %dma_wait3A_275 = tpu.memref_slice %dma_wait3A_272[%dma_wait3A_273, %dma_wait3A_274] : memref<100x100xi32, #tpu.memory_space<hbm>> -> memref<25x100xi32, #tpu.memory_space<hbm>>
      tpu.wait_dma2 semaphore(%run_scoped3A : memref<!tpu.dma_semaphore, #tpu.memory_space<semaphore_mem>>) src(%dma_wait3A_275 : memref<25x100xi32, #tpu.memory_space<hbm>>) dst(%arg8 : memref<25x100xi32, #tpu.memory_space<vmem>>)
      tpu.yield
    }) : () -> ()
    %dma_start3A_187 = arith.constant 0 : i32
    %dma_start3A_188 = arith.constant 0 : i32
    %dma_start3A_189 = tpu.memref_slice %arg7[%dma_start3A_187, %dma_start3A_188] : memref<25x100xi32, #tpu.memory_space<vmem>> -> memref<1x100xi32, #tpu.memory_space<vmem>>
    %dma_start3A_190 = tpu.memref_squeeze %dma_start3A_189 : memref<1x100xi32, #tpu.memory_space<vmem>> -> memref<100xi32, #tpu.memory_space<vmem>>
    %dma_start3A_191 = arith.constant 0 : i32
    %dma_start3A_192 = arith.constant 0 : i32
    %dma_start3A_193 = tpu.memref_slice %arg4[%dma_start3A_191, %dma_start3A_192] : memref<10000x128xf32, #tpu.memory_space<hbm>> -> memref<10000x128xf32, #tpu.memory_space<hbm>>
    tpu.enqueue_indirect_dma source(%dma_start3A_193 : memref<10000x128xf32, #tpu.memory_space<hbm>>) target(%arg9 : memref<100x128xf32, #tpu.memory_space<vmem>>) offsets(%dma_start3A_190 : memref<100xi32, #tpu.memory_space<vmem>>) semaphore(%arg13 : memref<!tpu.dma_semaphore, #tpu.memory_space<semaphore_mem>>)
    %dma_start3A_194 = arith.constant 1 : i32
    %dma_start3A_195 = arith.constant 0 : i32
    %dma_start3A_196 = tpu.memref_slice %arg7[%dma_start3A_194, %dma_start3A_195] : memref<25x100xi32, #tpu.memory_space<vmem>> -> memref<1x100xi32, #tpu.memory_space<vmem>>
    %dma_start3A_197 = tpu.memref_squeeze %dma_start3A_196 : memref<1x100xi32, #tpu.memory_space<vmem>> -> memref<100xi32, #tpu.memory_space<vmem>>
    %dma_start3A_198 = arith.constant 0 : i32
    %dma_start3A_199 = arith.constant 0 : i32
    %dma_start3A_200 = tpu.memref_slice %arg4[%dma_start3A_198, %dma_start3A_199] : memref<10000x128xf32, #tpu.memory_space<hbm>> -> memref<10000x128xf32, #tpu.memory_space<hbm>>
    tpu.enqueue_indirect_dma source(%dma_start3A_200 : memref<10000x128xf32, #tpu.memory_space<hbm>>) target(%arg10 : memref<100x128xf32, #tpu.memory_space<vmem>>) offsets(%dma_start3A_197 : memref<100xi32, #tpu.memory_space<vmem>>) semaphore(%arg14 : memref<!tpu.dma_semaphore, #tpu.memory_space<semaphore_mem>>)
    %scan3A_201 = arith.constant 0 : i32
    %scan3A_202 = arith.constant 0 : i32
    %scan3A_203 = arith.constant 8 : i32
    %scan3A_204 = arith.addi %scan3A_202, %scan3A_203 : i32
    %scan3A_205 = arith.constant 1 : i32
    %scan3A_206 = scf.for %scan3A_248 = %scan3A_202 to %scan3A_204 step %scan3A_205 iter_args(%scan3A_249 = %scan3A_201) -> (i32)  : i32 {
      %mul3A_250 = arith.constant 3 : i32
      %mul3A_251 = arith.muli %mul3A_250, %scan3A_248 : i32
      %add3A_252 = arith.constant 0 : i32
      %add3A_253 = arith.addi %mul3A_251, %add3A_252 : i32
      %dma_wait3A_254 = arith.constant 0 : i32
      %dma_wait3A_255 = tpu.memref_slice %arg7[%add3A_253, %dma_wait3A_254] : memref<25x100xi32, #tpu.memory_space<vmem>> -> memref<1x100xi32, #tpu.memory_space<vmem>>
      %dma_wait3A_256 = tpu.memref_squeeze %dma_wait3A_255 : memref<1x100xi32, #tpu.memory_space<vmem>> -> memref<100xi32, #tpu.memory_space<vmem>>
      %dma_wait3A_257 = arith.constant 0 : i32
      %dma_wait3A_258 = arith.constant 0 : i32
      %dma_wait3A_259 = tpu.memref_slice %arg4[%dma_wait3A_257, %dma_wait3A_258] : memref<10000x128xf32, #tpu.memory_space<hbm>> -> memref<10000x128xf32, #tpu.memory_space<hbm>>
      tpu.wait_indirect_dma semaphore(%arg13 : memref<!tpu.dma_semaphore, #tpu.memory_space<semaphore_mem>>) src(%dma_wait3A_259 : memref<10000x128xf32, #tpu.memory_space<hbm>>) dst(%arg9 : memref<100x128xf32, #tpu.memory_space<vmem>>)
      %dma_start3A_260 = arith.constant 0 : i32
      %dma_start3A_261 = tpu.memref_slice %arg8[%add3A_253, %dma_start3A_260] : memref<25x100xi32, #tpu.memory_space<vmem>> -> memref<1x100xi32, #tpu.memory_space<vmem>>
      %dma_start3A_262 = tpu.memref_squeeze %dma_start3A_261 : memref<1x100xi32, #tpu.memory_space<vmem>> -> memref<100xi32, #tpu.memory_space<vmem>>
      %dma_start3A_263 = arith.constant 0 : i32
      %dma_start3A_264 = arith.constant 0 : i32
      %dma_start3A_265 = tpu.memref_slice %arg6[%dma_start3A_263, %dma_start3A_264] : memref<10000x128xf32, #tpu.memory_space<vmem_shared>> -> memref<10000x128xf32, #tpu.memory_space<vmem_shared>>
      tpu.enqueue_indirect_dma source(%arg9 : memref<100x128xf32, #tpu.memory_space<vmem>>) target(%dma_start3A_265 : memref<10000x128xf32, #tpu.memory_space<vmem_shared>>) offsets(%dma_start3A_262 : memref<100xi32, #tpu.memory_space<vmem>>) semaphore(%arg16 : memref<!tpu.dma_semaphore, #tpu.memory_space<semaphore_mem>>) {add = true}
      %add3A_266 = arith.constant 2 : i32
      %add3A_267 = arith.addi %add3A_253, %add3A_266 : i32
      %lt3A = arith.constant 25 : i32
      %lt3A_268 = arith.cmpi slt, %add3A_267, %lt3A : i32
      %convert_element_type3A = arith.extui %lt3A_268 : i1 to i32
      %cond3A = arith.constant 0 : i32
      %cond3A_269 = arith.cmpi ne, %convert_element_type3A, %cond3A : i32
      scf.if %cond3A_269 {
        %ge3A = arith.constant 1 : i32
        %ge3A_317 = arith.cmpi sge, %add3A_253, %ge3A : i32
        %convert_element_type3A_318 = arith.extui %ge3A_317 : i1 to i32
        %cond3A_319 = arith.constant 0 : i32
        %cond3A_320 = arith.cmpi ne, %convert_element_type3A_318, %cond3A_319 : i32
        scf.if %cond3A_320 {
          %sub3A = arith.constant 1 : i32
          %sub3A_327 = arith.subi %add3A_253, %sub3A : i32
          %dma_wait3A_328 = arith.constant 0 : i32
          %dma_wait3A_329 = tpu.memref_slice %arg8[%sub3A_327, %dma_wait3A_328] : memref<25x100xi32, #tpu.memory_space<vmem>> -> memref<1x100xi32, #tpu.memory_space<vmem>>
          %dma_wait3A_330 = tpu.memref_squeeze %dma_wait3A_329 : memref<1x100xi32, #tpu.memory_space<vmem>> -> memref<100xi32, #tpu.memory_space<vmem>>
          %dma_wait3A_331 = arith.constant 0 : i32
          %dma_wait3A_332 = arith.constant 0 : i32
          %dma_wait3A_333 = tpu.memref_slice %arg6[%dma_wait3A_331, %dma_wait3A_332] : memref<10000x128xf32, #tpu.memory_space<vmem_shared>> -> memref<10000x128xf32, #tpu.memory_space<vmem_shared>>
          tpu.wait_indirect_dma semaphore(%arg18 : memref<!tpu.dma_semaphore, #tpu.memory_space<semaphore_mem>>) src(%arg11 : memref<100x128xf32, #tpu.memory_space<vmem>>) dst(%dma_wait3A_333 : memref<10000x128xf32, #tpu.memory_space<vmem_shared>>)
        } else {
        }
        %dma_start3A_321 = arith.constant 0 : i32
        %dma_start3A_322 = tpu.memref_slice %arg7[%add3A_267, %dma_start3A_321] : memref<25x100xi32, #tpu.memory_space<vmem>> -> memref<1x100xi32, #tpu.memory_space<vmem>>
        %dma_start3A_323 = tpu.memref_squeeze %dma_start3A_322 : memref<1x100xi32, #tpu.memory_space<vmem>> -> memref<100xi32, #tpu.memory_space<vmem>>
        %dma_start3A_324 = arith.constant 0 : i32
        %dma_start3A_325 = arith.constant 0 : i32
        %dma_start3A_326 = tpu.memref_slice %arg4[%dma_start3A_324, %dma_start3A_325] : memref<10000x128xf32, #tpu.memory_space<hbm>> -> memref<10000x128xf32, #tpu.memory_space<hbm>>
        tpu.enqueue_indirect_dma source(%dma_start3A_326 : memref<10000x128xf32, #tpu.memory_space<hbm>>) target(%arg11 : memref<100x128xf32, #tpu.memory_space<vmem>>) offsets(%dma_start3A_323 : memref<100xi32, #tpu.memory_space<vmem>>) semaphore(%arg15 : memref<!tpu.dma_semaphore, #tpu.memory_space<semaphore_mem>>)
      } else {
      }
      %mul3A_270 = arith.constant 3 : i32
      %mul3A_271 = arith.muli %mul3A_270, %scan3A_248 : i32
      %add3A_272 = arith.constant 1 : i32
      %add3A_273 = arith.addi %mul3A_271, %add3A_272 : i32
      %dma_wait3A_274 = arith.constant 0 : i32
      %dma_wait3A_275 = tpu.memref_slice %arg7[%add3A_273, %dma_wait3A_274] : memref<25x100xi32, #tpu.memory_space<vmem>> -> memref<1x100xi32, #tpu.memory_space<vmem>>
      %dma_wait3A_276 = tpu.memref_squeeze %dma_wait3A_275 : memref<1x100xi32, #tpu.memory_space<vmem>> -> memref<100xi32, #tpu.memory_space<vmem>>
      %dma_wait3A_277 = arith.constant 0 : i32
      %dma_wait3A_278 = arith.constant 0 : i32
      %dma_wait3A_279 = tpu.memref_slice %arg4[%dma_wait3A_277, %dma_wait3A_278] : memref<10000x128xf32, #tpu.memory_space<hbm>> -> memref<10000x128xf32, #tpu.memory_space<hbm>>
      tpu.wait_indirect_dma semaphore(%arg14 : memref<!tpu.dma_semaphore, #tpu.memory_space<semaphore_mem>>) src(%dma_wait3A_279 : memref<10000x128xf32, #tpu.memory_space<hbm>>) dst(%arg10 : memref<100x128xf32, #tpu.memory_space<vmem>>)
      %dma_start3A_280 = arith.constant 0 : i32
      %dma_start3A_281 = tpu.memref_slice %arg8[%add3A_273, %dma_start3A_280] : memref<25x100xi32, #tpu.memory_space<vmem>> -> memref<1x100xi32, #tpu.memory_space<vmem>>
      %dma_start3A_282 = tpu.memref_squeeze %dma_start3A_281 : memref<1x100xi32, #tpu.memory_space<vmem>> -> memref<100xi32, #tpu.memory_space<vmem>>
      %dma_start3A_283 = arith.constant 0 : i32
      %dma_start3A_284 = arith.constant 0 : i32
      %dma_start3A_285 = tpu.memref_slice %arg6[%dma_start3A_283, %dma_start3A_284] : memref<10000x128xf32, #tpu.memory_space<vmem_shared>> -> memref<10000x128xf32, #tpu.memory_space<vmem_shared>>
      tpu.enqueue_indirect_dma source(%arg10 : memref<100x128xf32, #tpu.memory_space<vmem>>) target(%dma_start3A_285 : memref<10000x128xf32, #tpu.memory_space<vmem_shared>>) offsets(%dma_start3A_282 : memref<100xi32, #tpu.memory_space<vmem>>) semaphore(%arg17 : memref<!tpu.dma_semaphore, #tpu.memory_space<semaphore_mem>>) {add = true}
      %add3A_286 = arith.constant 2 : i32
      %add3A_287 = arith.addi %add3A_273, %add3A_286 : i32
      %lt3A_288 = arith.constant 25 : i32
      %lt3A_289 = arith.cmpi slt, %add3A_287, %lt3A_288 : i32
      %convert_element_type3A_290 = arith.extui %lt3A_289 : i1 to i32
      %cond3A_291 = arith.constant 0 : i32
      %cond3A_292 = arith.cmpi ne, %convert_element_type3A_290, %cond3A_291 : i32
      scf.if %cond3A_292 {
        %ge3A = arith.constant 1 : i32
        %ge3A_317 = arith.cmpi sge, %add3A_273, %ge3A : i32
        %convert_element_type3A_318 = arith.extui %ge3A_317 : i1 to i32
        %cond3A_319 = arith.constant 0 : i32
        %cond3A_320 = arith.cmpi ne, %convert_element_type3A_318, %cond3A_319 : i32
        scf.if %cond3A_320 {
          %sub3A = arith.constant 1 : i32
          %sub3A_327 = arith.subi %add3A_273, %sub3A : i32
          %dma_wait3A_328 = arith.constant 0 : i32
          %dma_wait3A_329 = tpu.memref_slice %arg8[%sub3A_327, %dma_wait3A_328] : memref<25x100xi32, #tpu.memory_space<vmem>> -> memref<1x100xi32, #tpu.memory_space<vmem>>
          %dma_wait3A_330 = tpu.memref_squeeze %dma_wait3A_329 : memref<1x100xi32, #tpu.memory_space<vmem>> -> memref<100xi32, #tpu.memory_space<vmem>>
          %dma_wait3A_331 = arith.constant 0 : i32
          %dma_wait3A_332 = arith.constant 0 : i32
          %dma_wait3A_333 = tpu.memref_slice %arg6[%dma_wait3A_331, %dma_wait3A_332] : memref<10000x128xf32, #tpu.memory_space<vmem_shared>> -> memref<10000x128xf32, #tpu.memory_space<vmem_shared>>
          tpu.wait_indirect_dma semaphore(%arg16 : memref<!tpu.dma_semaphore, #tpu.memory_space<semaphore_mem>>) src(%arg9 : memref<100x128xf32, #tpu.memory_space<vmem>>) dst(%dma_wait3A_333 : memref<10000x128xf32, #tpu.memory_space<vmem_shared>>)
        } else {
        }
        %dma_start3A_321 = arith.constant 0 : i32
        %dma_start3A_322 = tpu.memref_slice %arg7[%add3A_287, %dma_start3A_321] : memref<25x100xi32, #tpu.memory_space<vmem>> -> memref<1x100xi32, #tpu.memory_space<vmem>>
        %dma_start3A_323 = tpu.memref_squeeze %dma_start3A_322 : memref<1x100xi32, #tpu.memory_space<vmem>> -> memref<100xi32, #tpu.memory_space<vmem>>
        %dma_start3A_324 = arith.constant 0 : i32
        %dma_start3A_325 = arith.constant 0 : i32
        %dma_start3A_326 = tpu.memref_slice %arg4[%dma_start3A_324, %dma_start3A_325] : memref<10000x128xf32, #tpu.memory_space<hbm>> -> memref<10000x128xf32, #tpu.memory_space<hbm>>
        tpu.enqueue_indirect_dma source(%dma_start3A_326 : memref<10000x128xf32, #tpu.memory_space<hbm>>) target(%arg9 : memref<100x128xf32, #tpu.memory_space<vmem>>) offsets(%dma_start3A_323 : memref<100xi32, #tpu.memory_space<vmem>>) semaphore(%arg13 : memref<!tpu.dma_semaphore, #tpu.memory_space<semaphore_mem>>)
      } else {
      }
      %mul3A_293 = arith.constant 3 : i32
      %mul3A_294 = arith.muli %mul3A_293, %scan3A_248 : i32
      %add3A_295 = arith.constant 2 : i32
      %add3A_296 = arith.addi %mul3A_294, %add3A_295 : i32
      %dma_wait3A_297 = arith.constant 0 : i32
      %dma_wait3A_298 = tpu.memref_slice %arg7[%add3A_296, %dma_wait3A_297] : memref<25x100xi32, #tpu.memory_space<vmem>> -> memref<1x100xi32, #tpu.memory_space<vmem>>
      %dma_wait3A_299 = tpu.memref_squeeze %dma_wait3A_298 : memref<1x100xi32, #tpu.memory_space<vmem>> -> memref<100xi32, #tpu.memory_space<vmem>>
      %dma_wait3A_300 = arith.constant 0 : i32
      %dma_wait3A_301 = arith.constant 0 : i32
      %dma_wait3A_302 = tpu.memref_slice %arg4[%dma_wait3A_300, %dma_wait3A_301] : memref<10000x128xf32, #tpu.memory_space<hbm>> -> memref<10000x128xf32, #tpu.memory_space<hbm>>
      tpu.wait_indirect_dma semaphore(%arg15 : memref<!tpu.dma_semaphore, #tpu.memory_space<semaphore_mem>>) src(%dma_wait3A_302 : memref<10000x128xf32, #tpu.memory_space<hbm>>) dst(%arg11 : memref<100x128xf32, #tpu.memory_space<vmem>>)
      %dma_start3A_303 = arith.constant 0 : i32
      %dma_start3A_304 = tpu.memref_slice %arg8[%add3A_296, %dma_start3A_303] : memref<25x100xi32, #tpu.memory_space<vmem>> -> memref<1x100xi32, #tpu.memory_space<vmem>>
      %dma_start3A_305 = tpu.memref_squeeze %dma_start3A_304 : memref<1x100xi32, #tpu.memory_space<vmem>> -> memref<100xi32, #tpu.memory_space<vmem>>
      %dma_start3A_306 = arith.constant 0 : i32
      %dma_start3A_307 = arith.constant 0 : i32
      %dma_start3A_308 = tpu.memref_slice %arg6[%dma_start3A_306, %dma_start3A_307] : memref<10000x128xf32, #tpu.memory_space<vmem_shared>> -> memref<10000x128xf32, #tpu.memory_space<vmem_shared>>
      tpu.enqueue_indirect_dma source(%arg11 : memref<100x128xf32, #tpu.memory_space<vmem>>) target(%dma_start3A_308 : memref<10000x128xf32, #tpu.memory_space<vmem_shared>>) offsets(%dma_start3A_305 : memref<100xi32, #tpu.memory_space<vmem>>) semaphore(%arg18 : memref<!tpu.dma_semaphore, #tpu.memory_space<semaphore_mem>>) {add = true}
      %add3A_309 = arith.constant 2 : i32
      %add3A_310 = arith.addi %add3A_296, %add3A_309 : i32
      %lt3A_311 = arith.constant 25 : i32
      %lt3A_312 = arith.cmpi slt, %add3A_310, %lt3A_311 : i32
      %convert_element_type3A_313 = arith.extui %lt3A_312 : i1 to i32
      %cond3A_314 = arith.constant 0 : i32
      %cond3A_315 = arith.cmpi ne, %convert_element_type3A_313, %cond3A_314 : i32
      scf.if %cond3A_315 {
        %ge3A = arith.constant 1 : i32
        %ge3A_317 = arith.cmpi sge, %add3A_296, %ge3A : i32
        %convert_element_type3A_318 = arith.extui %ge3A_317 : i1 to i32
        %cond3A_319 = arith.constant 0 : i32
        %cond3A_320 = arith.cmpi ne, %convert_element_type3A_318, %cond3A_319 : i32
        scf.if %cond3A_320 {
          %sub3A = arith.constant 1 : i32
          %sub3A_327 = arith.subi %add3A_296, %sub3A : i32
          %dma_wait3A_328 = arith.constant 0 : i32
          %dma_wait3A_329 = tpu.memref_slice %arg8[%sub3A_327, %dma_wait3A_328] : memref<25x100xi32, #tpu.memory_space<vmem>> -> memref<1x100xi32, #tpu.memory_space<vmem>>
          %dma_wait3A_330 = tpu.memref_squeeze %dma_wait3A_329 : memref<1x100xi32, #tpu.memory_space<vmem>> -> memref<100xi32, #tpu.memory_space<vmem>>
          %dma_wait3A_331 = arith.constant 0 : i32
          %dma_wait3A_332 = arith.constant 0 : i32
          %dma_wait3A_333 = tpu.memref_slice %arg6[%dma_wait3A_331, %dma_wait3A_332] : memref<10000x128xf32, #tpu.memory_space<vmem_shared>> -> memref<10000x128xf32, #tpu.memory_space<vmem_shared>>
          tpu.wait_indirect_dma semaphore(%arg17 : memref<!tpu.dma_semaphore, #tpu.memory_space<semaphore_mem>>) src(%arg10 : memref<100x128xf32, #tpu.memory_space<vmem>>) dst(%dma_wait3A_333 : memref<10000x128xf32, #tpu.memory_space<vmem_shared>>)
        } else {
        }
        %dma_start3A_321 = arith.constant 0 : i32
        %dma_start3A_322 = tpu.memref_slice %arg7[%add3A_310, %dma_start3A_321] : memref<25x100xi32, #tpu.memory_space<vmem>> -> memref<1x100xi32, #tpu.memory_space<vmem>>
        %dma_start3A_323 = tpu.memref_squeeze %dma_start3A_322 : memref<1x100xi32, #tpu.memory_space<vmem>> -> memref<100xi32, #tpu.memory_space<vmem>>
        %dma_start3A_324 = arith.constant 0 : i32
        %dma_start3A_325 = arith.constant 0 : i32
        %dma_start3A_326 = tpu.memref_slice %arg4[%dma_start3A_324, %dma_start3A_325] : memref<10000x128xf32, #tpu.memory_space<hbm>> -> memref<10000x128xf32, #tpu.memory_space<hbm>>
        tpu.enqueue_indirect_dma source(%dma_start3A_326 : memref<10000x128xf32, #tpu.memory_space<hbm>>) target(%arg10 : memref<100x128xf32, #tpu.memory_space<vmem>>) offsets(%dma_start3A_323 : memref<100xi32, #tpu.memory_space<vmem>>) semaphore(%arg14 : memref<!tpu.dma_semaphore, #tpu.memory_space<semaphore_mem>>)
      } else {
      }
      %scan3A_316 = arith.constant 0 : i32
      scf.yield %scan3A_316 : i32
    }
    %scan3A_207 = arith.constant 8 : i32
    %dma_wait3A_208 = arith.constant 24 : i32
    %dma_wait3A_209 = arith.constant 0 : i32
    %dma_wait3A_210 = tpu.memref_slice %arg7[%dma_wait3A_208, %dma_wait3A_209] : memref<25x100xi32, #tpu.memory_space<vmem>> -> memref<1x100xi32, #tpu.memory_space<vmem>>
    %dma_wait3A_211 = tpu.memref_squeeze %dma_wait3A_210 : memref<1x100xi32, #tpu.memory_space<vmem>> -> memref<100xi32, #tpu.memory_space<vmem>>
    %dma_wait3A_212 = arith.constant 0 : i32
    %dma_wait3A_213 = arith.constant 0 : i32
    %dma_wait3A_214 = tpu.memref_slice %arg4[%dma_wait3A_212, %dma_wait3A_213] : memref<10000x128xf32, #tpu.memory_space<hbm>> -> memref<10000x128xf32, #tpu.memory_space<hbm>>
    tpu.wait_indirect_dma semaphore(%arg13 : memref<!tpu.dma_semaphore, #tpu.memory_space<semaphore_mem>>) src(%dma_wait3A_214 : memref<10000x128xf32, #tpu.memory_space<hbm>>) dst(%arg9 : memref<100x128xf32, #tpu.memory_space<vmem>>)
    %dma_start3A_215 = arith.constant 24 : i32
    %dma_start3A_216 = arith.constant 0 : i32
    %dma_start3A_217 = tpu.memref_slice %arg8[%dma_start3A_215, %dma_start3A_216] : memref<25x100xi32, #tpu.memory_space<vmem>> -> memref<1x100xi32, #tpu.memory_space<vmem>>
    %dma_start3A_218 = tpu.memref_squeeze %dma_start3A_217 : memref<1x100xi32, #tpu.memory_space<vmem>> -> memref<100xi32, #tpu.memory_space<vmem>>
    %dma_start3A_219 = arith.constant 0 : i32
    %dma_start3A_220 = arith.constant 0 : i32
    %dma_start3A_221 = tpu.memref_slice %arg6[%dma_start3A_219, %dma_start3A_220] : memref<10000x128xf32, #tpu.memory_space<vmem_shared>> -> memref<10000x128xf32, #tpu.memory_space<vmem_shared>>
    tpu.enqueue_indirect_dma source(%arg9 : memref<100x128xf32, #tpu.memory_space<vmem>>) target(%dma_start3A_221 : memref<10000x128xf32, #tpu.memory_space<vmem_shared>>) offsets(%dma_start3A_218 : memref<100xi32, #tpu.memory_space<vmem>>) semaphore(%arg16 : memref<!tpu.dma_semaphore, #tpu.memory_space<semaphore_mem>>) {add = true}
    %dma_wait3A_222 = arith.constant 22 : i32
    %dma_wait3A_223 = arith.constant 0 : i32
    %dma_wait3A_224 = tpu.memref_slice %arg8[%dma_wait3A_222, %dma_wait3A_223] : memref<25x100xi32, #tpu.memory_space<vmem>> -> memref<1x100xi32, #tpu.memory_space<vmem>>
    %dma_wait3A_225 = tpu.memref_squeeze %dma_wait3A_224 : memref<1x100xi32, #tpu.memory_space<vmem>> -> memref<100xi32, #tpu.memory_space<vmem>>
    %dma_wait3A_226 = arith.constant 0 : i32
    %dma_wait3A_227 = arith.constant 0 : i32
    %dma_wait3A_228 = tpu.memref_slice %arg6[%dma_wait3A_226, %dma_wait3A_227] : memref<10000x128xf32, #tpu.memory_space<vmem_shared>> -> memref<10000x128xf32, #tpu.memory_space<vmem_shared>>
    tpu.wait_indirect_dma semaphore(%arg17 : memref<!tpu.dma_semaphore, #tpu.memory_space<semaphore_mem>>) src(%arg10 : memref<100x128xf32, #tpu.memory_space<vmem>>) dst(%dma_wait3A_228 : memref<10000x128xf32, #tpu.memory_space<vmem_shared>>)
    %dma_wait3A_229 = arith.constant 23 : i32
    %dma_wait3A_230 = arith.constant 0 : i32
    %dma_wait3A_231 = tpu.memref_slice %arg8[%dma_wait3A_229, %dma_wait3A_230] : memref<25x100xi32, #tpu.memory_space<vmem>> -> memref<1x100xi32, #tpu.memory_space<vmem>>
    %dma_wait3A_232 = tpu.memref_squeeze %dma_wait3A_231 : memref<1x100xi32, #tpu.memory_space<vmem>> -> memref<100xi32, #tpu.memory_space<vmem>>
    %dma_wait3A_233 = arith.constant 0 : i32
    %dma_wait3A_234 = arith.constant 0 : i32
    %dma_wait3A_235 = tpu.memref_slice %arg6[%dma_wait3A_233, %dma_wait3A_234] : memref<10000x128xf32, #tpu.memory_space<vmem_shared>> -> memref<10000x128xf32, #tpu.memory_space<vmem_shared>>
    tpu.wait_indirect_dma semaphore(%arg18 : memref<!tpu.dma_semaphore, #tpu.memory_space<semaphore_mem>>) src(%arg11 : memref<100x128xf32, #tpu.memory_space<vmem>>) dst(%dma_wait3A_235 : memref<10000x128xf32, #tpu.memory_space<vmem_shared>>)
    %dma_wait3A_236 = arith.constant 24 : i32
    %dma_wait3A_237 = arith.constant 0 : i32
    %dma_wait3A_238 = tpu.memref_slice %arg8[%dma_wait3A_236, %dma_wait3A_237] : memref<25x100xi32, #tpu.memory_space<vmem>> -> memref<1x100xi32, #tpu.memory_space<vmem>>
    %dma_wait3A_239 = tpu.memref_squeeze %dma_wait3A_238 : memref<1x100xi32, #tpu.memory_space<vmem>> -> memref<100xi32, #tpu.memory_space<vmem>>
    %dma_wait3A_240 = arith.constant 0 : i32
    %dma_wait3A_241 = arith.constant 0 : i32
    %dma_wait3A_242 = tpu.memref_slice %arg6[%dma_wait3A_240, %dma_wait3A_241] : memref<10000x128xf32, #tpu.memory_space<vmem_shared>> -> memref<10000x128xf32, #tpu.memory_space<vmem_shared>>
    tpu.wait_indirect_dma semaphore(%arg16 : memref<!tpu.dma_semaphore, #tpu.memory_space<semaphore_mem>>) src(%arg9 : memref<100x128xf32, #tpu.memory_space<vmem>>) dst(%dma_wait3A_242 : memref<10000x128xf32, #tpu.memory_space<vmem_shared>>)
    %barrier3A_243 = arith.constant 0 : index
    tpu.barrier barrier_id(%barrier3A_243)
    %mul3A_244 = arith.constant 625 : i32
    %mul3A_245 = arith.muli %arg1, %mul3A_244 : i32
    %mul3A_246 = arith.constant 625 : i32
    %mul3A_247 = arith.muli %arg1, %mul3A_246 : i32
    "tpu.region"() ({
      %run_scoped3A = tpu.sem_alloc : memref<!tpu.dma_semaphore, #tpu.memory_space<semaphore_mem>>
      %dma_start3A_248 = arith.constant 0 : i32
      %dma_start3A_249 = arith.constant 0 : i32
      %dma_start3A_250 = tpu.memref_slice %arg5[%arg0, %dma_start3A_248, %dma_start3A_249] : memref<2x10000x128xf32, #tpu.memory_space<hbm>> -> memref<1x10000x128xf32, #tpu.memory_space<hbm>>
      %dma_start3A_251 = tpu.memref_squeeze %dma_start3A_250 : memref<1x10000x128xf32, #tpu.memory_space<hbm>> -> memref<10000x128xf32, #tpu.memory_space<hbm>>
      %dma_start3A_252 = arith.constant 0 : i32
      %dma_start3A_253 = tpu.memref_slice %dma_start3A_251[%mul3A_247, %dma_start3A_252] : memref<10000x128xf32, #tpu.memory_space<hbm>> -> memref<625x128xf32, #tpu.memory_space<hbm>>
      %dma_start3A_254 = arith.constant 0 : i32
      %dma_start3A_255 = tpu.memref_slice %arg6[%mul3A_245, %dma_start3A_254] : memref<10000x128xf32, #tpu.memory_space<vmem_shared>> -> memref<625x128xf32, #tpu.memory_space<vmem_shared>>
      tpu.enqueue_dma source(%dma_start3A_255 : memref<625x128xf32, #tpu.memory_space<vmem_shared>>) target(%dma_start3A_253 : memref<625x128xf32, #tpu.memory_space<hbm>>) target_semaphore(%run_scoped3A : memref<!tpu.dma_semaphore, #tpu.memory_space<semaphore_mem>>)
      %dma_wait3A_256 = arith.constant 0 : i32
      %dma_wait3A_257 = arith.constant 0 : i32
      %dma_wait3A_258 = tpu.memref_slice %arg5[%arg0, %dma_wait3A_256, %dma_wait3A_257] : memref<2x10000x128xf32, #tpu.memory_space<hbm>> -> memref<1x10000x128xf32, #tpu.memory_space<hbm>>
      %dma_wait3A_259 = tpu.memref_squeeze %dma_wait3A_258 : memref<1x10000x128xf32, #tpu.memory_space<hbm>> -> memref<10000x128xf32, #tpu.memory_space<hbm>>
      %dma_wait3A_260 = arith.constant 0 : i32
      %dma_wait3A_261 = tpu.memref_slice %dma_wait3A_259[%mul3A_247, %dma_wait3A_260] : memref<10000x128xf32, #tpu.memory_space<hbm>> -> memref<625x128xf32, #tpu.memory_space<hbm>>
      %dma_wait3A_262 = arith.constant 0 : i32
      %dma_wait3A_263 = tpu.memref_slice %arg6[%mul3A_245, %dma_wait3A_262] : memref<10000x128xf32, #tpu.memory_space<vmem_shared>> -> memref<625x128xf32, #tpu.memory_space<vmem_shared>>
      tpu.wait_dma2 semaphore(%run_scoped3A : memref<!tpu.dma_semaphore, #tpu.memory_space<semaphore_mem>>) src(%dma_wait3A_263 : memref<625x128xf32, #tpu.memory_space<vmem_shared>>) dst(%dma_wait3A_261 : memref<625x128xf32, #tpu.memory_space<hbm>>)
      tpu.yield
    }) : () -> ()
    return
  }
}

module attributes {stable_mosaic.version = 14 : i64} {
  func.func @_tc1_body(%arg0: i32, %arg1: memref<2x5000x16xf32, #tpu.memory_space<vmem>>, %arg2: memref<5000x128xf32, #tpu.memory_space<vmem>>, %arg3: memref<128x128xf32, #tpu.memory_space<vmem>>, %arg4: memref<5000x1xf32, #tpu.memory_space<vmem>>, %arg5: memref<5000x128xf32, #tpu.memory_space<vmem>>) attributes {dimension_semantics = [#tpu.dimension_semantics<arbitrary>], iteration_bounds = array<i64: 2>, scalar_prefetch = 0 : i64, scratch_operands = 0 : i64, tpu.core_type = #tpu.core_type<tc>, window_params = [{transform_indices = @transform_0, window_bounds = array<i64: 2, 5000, 16>}, {transform_indices = @transform_1, window_bounds = array<i64: 5000, 128>}, {pipeline_mode = #tpu.pipeline_mode<synchronous>, transform_indices = @transform_2, window_bounds = array<i64: 128, 128>}, {transform_indices = @transform_3, window_bounds = array<i64: 5000, 1>}, {transform_indices = @transform_4, window_bounds = array<i64: 5000, 128>}]} {
    %get3A = arith.constant 0 : index
    %get3A_0 = arith.constant 0 : index
    %get3A_1 = arith.constant 0 : index
    %get3A_2 = vector.load %arg1[%get3A, %get3A_0, %get3A_1] : memref<2x5000x16xf32, #tpu.memory_space<vmem>>, vector<1x5000x16xf32>
    %get3A_3 = vector.shape_cast %get3A_2 : vector<1x5000x16xf32> to vector<5000x16xf32>
    %reduce_max3A = arith.constant dense<0xFF800000> : vector<5000xf32>
    %reduce_max3A_4 = vector.multi_reduction <maximumf>, %get3A_3, %reduce_max3A [1] : vector<5000x16xf32> to vector<5000xf32>
    %broadcast_in_dim3A = vector.shape_cast %reduce_max3A_4 : vector<5000xf32> to vector<5000x1xf32>
    %get3A_5 = arith.constant 1 : index
    %get3A_6 = arith.constant 0 : index
    %get3A_7 = arith.constant 0 : index
    %get3A_8 = vector.load %arg1[%get3A_5, %get3A_6, %get3A_7] : memref<2x5000x16xf32, #tpu.memory_space<vmem>>, vector<1x5000x16xf32>
    %get3A_9 = vector.shape_cast %get3A_8 : vector<1x5000x16xf32> to vector<5000x16xf32>
    %reduce_max3A_10 = arith.constant dense<0xFF800000> : vector<5000xf32>
    %reduce_max3A_11 = vector.multi_reduction <maximumf>, %get3A_9, %reduce_max3A_10 [1] : vector<5000x16xf32> to vector<5000xf32>
    %broadcast_in_dim3A_12 = vector.shape_cast %reduce_max3A_11 : vector<5000xf32> to vector<5000x1xf32>
    %add3A = arith.addf %broadcast_in_dim3A, %broadcast_in_dim3A_12 : vector<5000x1xf32>
    %add3A_13 = arith.constant 1.000000e+00 : f32
    %add3A_14 = vector.broadcast %add3A_13 : f32 to vector<5000x1xf32>
    %add3A_15 = arith.addf %add3A, %add3A_14 : vector<5000x1xf32>
    %rsqrt3A = math.rsqrt %add3A_15 : vector<5000x1xf32>
    %swap3A = arith.constant 0 : index
    %swap3A_16 = arith.constant 0 : index
    %swap3A_17 = vector.load %arg4[%swap3A, %swap3A_16] : memref<5000x1xf32, #tpu.memory_space<vmem>>, vector<5000x1xf32>
    tpu.vector_store %arg4[%swap3A, %swap3A_16], %rsqrt3A {strides = array<i32>} : memref<5000x1xf32, #tpu.memory_space<vmem>>, vector<5000x1xf32>,
    %get3A_18 = arith.constant 0 : index
    %get3A_19 = arith.constant 0 : index
    %get3A_20 = vector.load %arg2[%get3A_18, %get3A_19] : memref<5000x128xf32, #tpu.memory_space<vmem>>, vector<5000x128xf32>
    %get3A_21 = arith.constant 0 : index
    %get3A_22 = arith.constant 0 : index
    %get3A_23 = vector.load %arg3[%get3A_21, %get3A_22] : memref<128x128xf32, #tpu.memory_space<vmem>>, vector<128x128xf32>
    %dot_general3A = arith.constant dense<0.000000e+00> : vector<5000x128xf32>
    %dot_general3A_24 = tpu.matmul %get3A_20, %get3A_23, %dot_general3A {dimension_numbers = #tpu.dot_dimension_numbers<[1], [0], [0], [1], [0, 0, 1, 1], [], []>, transpose_lhs_hint = false} : vector<5000x128xf32>, vector<128x128xf32>, vector<5000x128xf32> -> vector<5000x128xf32>
    %mul3A = vector.broadcast %rsqrt3A : vector<5000x1xf32> to vector<5000x128xf32>
    %mul3A_25 = arith.mulf %dot_general3A_24, %mul3A : vector<5000x128xf32>
    %swap3A_26 = arith.constant 0 : index
    %swap3A_27 = arith.constant 0 : index
    %swap3A_28 = vector.load %arg5[%swap3A_26, %swap3A_27] : memref<5000x128xf32, #tpu.memory_space<vmem>>, vector<5000x128xf32>
    tpu.vector_store %arg5[%swap3A_26, %swap3A_27], %mul3A_25 {strides = array<i32>} : memref<5000x128xf32, #tpu.memory_space<vmem>>, vector<5000x128xf32>,
    return
  }
  func.func @transform_0(%arg0: i32) -> (i32, i32, i32) {
    %c0_i32 = arith.constant 0 : i32
    %c0_i32_0 = arith.constant 0 : i32
    %c0_i32_1 = arith.constant 0 : i32
    return %c0_i32, %arg0, %c0_i32_0 : i32, i32, i32
  }
  func.func @transform_1(%arg0: i32) -> (i32, i32) {
    %c0_i32 = arith.constant 0 : i32
    %c0_i32_0 = arith.constant 0 : i32
    return %arg0, %c0_i32 : i32, i32
  }
  func.func @transform_2(%arg0: i32) -> (i32, i32) {
    %c0_i32 = arith.constant 0 : i32
    %c0_i32_0 = arith.constant 0 : i32
    %c0_i32_1 = arith.constant 0 : i32
    return %c0_i32, %c0_i32_0 : i32, i32
  }
  func.func @transform_3(%arg0: i32) -> (i32, i32) {
    %c0_i32 = arith.constant 0 : i32
    %c0_i32_0 = arith.constant 0 : i32
    return %arg0, %c0_i32 : i32, i32
  }
  func.func @transform_4(%arg0: i32) -> (i32, i32) {
    %c0_i32 = arith.constant 0 : i32
    %c0_i32_0 = arith.constant 0 : i32
    return %arg0, %c0_i32 : i32, i32
  }
}

module attributes {stable_mosaic.version = 14 : i64} {
  func.func @_tc2_body(%arg0: i32, %arg1: memref<2x5000x128xf32, #tpu.memory_space<vmem>>, %arg2: memref<5000x128xf32, #tpu.memory_space<vmem>>, %arg3: memref<5000x1xf32, #tpu.memory_space<vmem>>, %arg4: memref<128x16xf32, #tpu.memory_space<vmem>>, %arg5: memref<1x128xf32, #tpu.memory_space<vmem>>, %arg6: memref<5000x16xf32, #tpu.memory_space<vmem>>) attributes {dimension_semantics = [#tpu.dimension_semantics<arbitrary>], iteration_bounds = array<i64: 2>, scalar_prefetch = 0 : i64, scratch_operands = 0 : i64, tpu.core_type = #tpu.core_type<tc>, window_params = [{transform_indices = @transform_0, window_bounds = array<i64: 2, 5000, 128>}, {transform_indices = @transform_1, window_bounds = array<i64: 5000, 128>}, {transform_indices = @transform_2, window_bounds = array<i64: 5000, 1>}, {pipeline_mode = #tpu.pipeline_mode<synchronous>, transform_indices = @transform_3, window_bounds = array<i64: 128, 16>}, {pipeline_mode = #tpu.pipeline_mode<synchronous>, transform_indices = @transform_4, window_bounds = array<i64: 1, 128>}, {transform_indices = @transform_5, window_bounds = array<i64: 5000, 16>}]} {
    %get3A = arith.constant 0 : index
    %get3A_0 = arith.constant 0 : index
    %get3A_1 = vector.load %arg3[%get3A, %get3A_0] : memref<5000x1xf32, #tpu.memory_space<vmem>>, vector<5000x1xf32>
    %get3A_2 = arith.constant 0 : index
    %get3A_3 = arith.constant 0 : index
    %get3A_4 = arith.constant 0 : index
    %get3A_5 = vector.load %arg1[%get3A_2, %get3A_3, %get3A_4] : memref<2x5000x128xf32, #tpu.memory_space<vmem>>, vector<1x5000x128xf32>
    %get3A_6 = vector.shape_cast %get3A_5 : vector<1x5000x128xf32> to vector<5000x128xf32>
    %get3A_7 = arith.constant 1 : index
    %get3A_8 = arith.constant 0 : index
    %get3A_9 = arith.constant 0 : index
    %get3A_10 = vector.load %arg1[%get3A_7, %get3A_8, %get3A_9] : memref<2x5000x128xf32, #tpu.memory_space<vmem>>, vector<1x5000x128xf32>
    %get3A_11 = vector.shape_cast %get3A_10 : vector<1x5000x128xf32> to vector<5000x128xf32>
    %add3A = arith.addf %get3A_6, %get3A_11 : vector<5000x128xf32>
    %get3A_12 = arith.constant 0 : index
    %get3A_13 = arith.constant 0 : index
    %get3A_14 = vector.load %arg2[%get3A_12, %get3A_13] : memref<5000x128xf32, #tpu.memory_space<vmem>>, vector<5000x128xf32>
    %add3A_15 = arith.addf %add3A, %get3A_14 : vector<5000x128xf32>
    %mul3A = vector.broadcast %get3A_1 : vector<5000x1xf32> to vector<5000x128xf32>
    %mul3A_16 = arith.mulf %mul3A, %add3A_15 : vector<5000x128xf32>
    %get3A_17 = arith.constant 0 : index
    %get3A_18 = arith.constant 0 : index
    %get3A_19 = vector.load %arg5[%get3A_17, %get3A_18] : memref<1x128xf32, #tpu.memory_space<vmem>>, vector<1x128xf32>
    %add3A_20 = vector.broadcast %get3A_19 : vector<1x128xf32> to vector<5000x128xf32>
    %add3A_21 = arith.addf %mul3A_16, %add3A_20 : vector<5000x128xf32>
    %max3A = arith.constant 0.000000e+00 : f32
    %max3A_22 = vector.broadcast %max3A : f32 to vector<5000x128xf32>
    %max3A_23 = arith.maximumf %add3A_21, %max3A_22 : vector<5000x128xf32>
    %get3A_24 = arith.constant 0 : index
    %get3A_25 = arith.constant 0 : index
    %get3A_26 = vector.load %arg4[%get3A_24, %get3A_25] : memref<128x16xf32, #tpu.memory_space<vmem>>, vector<128x16xf32>
    %dot_general3A = arith.constant dense<0.000000e+00> : vector<5000x16xf32>
    %dot_general3A_27 = tpu.matmul %max3A_23, %get3A_26, %dot_general3A {dimension_numbers = #tpu.dot_dimension_numbers<[1], [0], [0], [1], [0, 0, 1, 1], [], []>, transpose_lhs_hint = false} : vector<5000x128xf32>, vector<128x16xf32>, vector<5000x16xf32> -> vector<5000x16xf32>
    %mul3A_28 = vector.broadcast %get3A_1 : vector<5000x1xf32> to vector<5000x16xf32>
    %mul3A_29 = arith.mulf %dot_general3A_27, %mul3A_28 : vector<5000x16xf32>
    %swap3A = arith.constant 0 : index
    %swap3A_30 = arith.constant 0 : index
    %swap3A_31 = vector.load %arg6[%swap3A, %swap3A_30] : memref<5000x16xf32, #tpu.memory_space<vmem>>, vector<5000x16xf32>
    tpu.vector_store %arg6[%swap3A, %swap3A_30], %mul3A_29 {strides = array<i32>} : memref<5000x16xf32, #tpu.memory_space<vmem>>, vector<5000x16xf32>,
    return
  }
  func.func @transform_0(%arg0: i32) -> (i32, i32, i32) {
    %c0_i32 = arith.constant 0 : i32
    %c0_i32_0 = arith.constant 0 : i32
    %c0_i32_1 = arith.constant 0 : i32
    return %c0_i32, %arg0, %c0_i32_0 : i32, i32, i32
  }
  func.func @transform_1(%arg0: i32) -> (i32, i32) {
    %c0_i32 = arith.constant 0 : i32
    %c0_i32_0 = arith.constant 0 : i32
    return %arg0, %c0_i32 : i32, i32
  }
  func.func @transform_2(%arg0: i32) -> (i32, i32) {
    %c0_i32 = arith.constant 0 : i32
    %c0_i32_0 = arith.constant 0 : i32
    return %arg0, %c0_i32 : i32, i32
  }
  func.func @transform_3(%arg0: i32) -> (i32, i32) {
    %c0_i32 = arith.constant 0 : i32
    %c0_i32_0 = arith.constant 0 : i32
    %c0_i32_1 = arith.constant 0 : i32
    return %c0_i32, %c0_i32_0 : i32, i32
  }
  func.func @transform_4(%arg0: i32) -> (i32, i32) {
    %c0_i32 = arith.constant 0 : i32
    %c0_i32_0 = arith.constant 0 : i32
    %c0_i32_1 = arith.constant 0 : i32
    return %c0_i32, %c0_i32_0 : i32, i32
  }
  func.func @transform_5(%arg0: i32) -> (i32, i32) {
    %c0_i32 = arith.constant 0 : i32
    %c0_i32_0 = arith.constant 0 : i32
    return %arg0, %c0_i32 : i32, i32
  }
}

module attributes {stable_mosaic.version = 14 : i64} {
  func.func @_tc3_body(%arg0: i32, %arg1: memref<2x5000x16xf32, #tpu.memory_space<vmem>>, %arg2: memref<5000x16xf32, #tpu.memory_space<vmem>>, %arg3: memref<5000x1xf32, #tpu.memory_space<vmem>>, %arg4: memref<1x16xf32, #tpu.memory_space<vmem>>, %arg5: memref<5000x16xf32, #tpu.memory_space<vmem>>) attributes {dimension_semantics = [#tpu.dimension_semantics<arbitrary>], iteration_bounds = array<i64: 2>, scalar_prefetch = 0 : i64, scratch_operands = 0 : i64, tpu.core_type = #tpu.core_type<tc>, window_params = [{transform_indices = @transform_0, window_bounds = array<i64: 2, 5000, 16>}, {transform_indices = @transform_1, window_bounds = array<i64: 5000, 16>}, {transform_indices = @transform_2, window_bounds = array<i64: 5000, 1>}, {pipeline_mode = #tpu.pipeline_mode<synchronous>, transform_indices = @transform_3, window_bounds = array<i64: 1, 16>}, {transform_indices = @transform_4, window_bounds = array<i64: 5000, 16>}]} {
    %get3A = arith.constant 0 : index
    %get3A_0 = arith.constant 0 : index
    %get3A_1 = vector.load %arg3[%get3A, %get3A_0] : memref<5000x1xf32, #tpu.memory_space<vmem>>, vector<5000x1xf32>
    %get3A_2 = arith.constant 0 : index
    %get3A_3 = arith.constant 0 : index
    %get3A_4 = arith.constant 0 : index
    %get3A_5 = vector.load %arg1[%get3A_2, %get3A_3, %get3A_4] : memref<2x5000x16xf32, #tpu.memory_space<vmem>>, vector<1x5000x16xf32>
    %get3A_6 = vector.shape_cast %get3A_5 : vector<1x5000x16xf32> to vector<5000x16xf32>
    %get3A_7 = arith.constant 1 : index
    %get3A_8 = arith.constant 0 : index
    %get3A_9 = arith.constant 0 : index
    %get3A_10 = vector.load %arg1[%get3A_7, %get3A_8, %get3A_9] : memref<2x5000x16xf32, #tpu.memory_space<vmem>>, vector<1x5000x16xf32>
    %get3A_11 = vector.shape_cast %get3A_10 : vector<1x5000x16xf32> to vector<5000x16xf32>
    %add3A = arith.addf %get3A_6, %get3A_11 : vector<5000x16xf32>
    %get3A_12 = arith.constant 0 : index
    %get3A_13 = arith.constant 0 : index
    %get3A_14 = vector.load %arg2[%get3A_12, %get3A_13] : memref<5000x16xf32, #tpu.memory_space<vmem>>, vector<5000x16xf32>
    %add3A_15 = arith.addf %add3A, %get3A_14 : vector<5000x16xf32>
    %mul3A = vector.broadcast %get3A_1 : vector<5000x1xf32> to vector<5000x16xf32>
    %mul3A_16 = arith.mulf %mul3A, %add3A_15 : vector<5000x16xf32>
    %get3A_17 = arith.constant 0 : index
    %get3A_18 = arith.constant 0 : index
    %get3A_19 = vector.load %arg4[%get3A_17, %get3A_18] : memref<1x16xf32, #tpu.memory_space<vmem>>, vector<1x16xf32>
    %add3A_20 = vector.broadcast %get3A_19 : vector<1x16xf32> to vector<5000x16xf32>
    %add3A_21 = arith.addf %mul3A_16, %add3A_20 : vector<5000x16xf32>
    %reduce_max3A = arith.constant dense<0xFF800000> : vector<5000xf32>
    %reduce_max3A_22 = vector.multi_reduction <maximumf>, %add3A_21, %reduce_max3A [1] : vector<5000x16xf32> to vector<5000xf32>
    %broadcast_in_dim3A = vector.shape_cast %reduce_max3A_22 : vector<5000xf32> to vector<5000x1xf32>
    %sub3A = vector.broadcast %broadcast_in_dim3A : vector<5000x1xf32> to vector<5000x16xf32>
    %sub3A_23 = arith.subf %add3A_21, %sub3A : vector<5000x16xf32>
    %exp3A = math.exp %sub3A_23 : vector<5000x16xf32>
    %reduce_sum3A = arith.constant dense<0.000000e+00> : vector<5000xf32>
    %reduce_sum3A_24 = vector.multi_reduction <add>, %exp3A, %reduce_sum3A [1] : vector<5000x16xf32> to vector<5000xf32>
    %broadcast_in_dim3A_25 = vector.shape_cast %reduce_sum3A_24 : vector<5000xf32> to vector<5000x1xf32>
    %log3A = math.log %broadcast_in_dim3A_25 : vector<5000x1xf32>
    %sub3A_26 = vector.broadcast %broadcast_in_dim3A : vector<5000x1xf32> to vector<5000x16xf32>
    %sub3A_27 = arith.subf %add3A_21, %sub3A_26 : vector<5000x16xf32>
    %sub3A_28 = vector.broadcast %log3A : vector<5000x1xf32> to vector<5000x16xf32>
    %sub3A_29 = arith.subf %sub3A_27, %sub3A_28 : vector<5000x16xf32>
    %swap3A = arith.constant 0 : index
    %swap3A_30 = arith.constant 0 : index
    %swap3A_31 = vector.load %arg5[%swap3A, %swap3A_30] : memref<5000x16xf32, #tpu.memory_space<vmem>>, vector<5000x16xf32>
    tpu.vector_store %arg5[%swap3A, %swap3A_30], %sub3A_29 {strides = array<i32>} : memref<5000x16xf32, #tpu.memory_space<vmem>>, vector<5000x16xf32>,
    return
  }
  func.func @transform_0(%arg0: i32) -> (i32, i32, i32) {
    %c0_i32 = arith.constant 0 : i32
    %c0_i32_0 = arith.constant 0 : i32
    %c0_i32_1 = arith.constant 0 : i32
    return %c0_i32, %arg0, %c0_i32_0 : i32, i32, i32
  }
  func.func @transform_1(%arg0: i32) -> (i32, i32) {
    %c0_i32 = arith.constant 0 : i32
    %c0_i32_0 = arith.constant 0 : i32
    return %arg0, %c0_i32 : i32, i32
  }
  func.func @transform_2(%arg0: i32) -> (i32, i32) {
    %c0_i32 = arith.constant 0 : i32
    %c0_i32_0 = arith.constant 0 : i32
    return %arg0, %c0_i32 : i32, i32
  }
  func.func @transform_3(%arg0: i32) -> (i32, i32) {
    %c0_i32 = arith.constant 0 : i32
    %c0_i32_0 = arith.constant 0 : i32
    %c0_i32_1 = arith.constant 0 : i32
    return %c0_i32, %c0_i32_0 : i32, i32
  }
  func.func @transform_4(%arg0: i32) -> (i32, i32) {
    %c0_i32 = arith.constant 0 : i32
    %c0_i32_0 = arith.constant 0 : i32
    return %arg0, %c0_i32 : i32, i32
  }
}

</mosaic_0001>

<sc_bundles>
// kernel: kernel.11.cloned.1.call-start
scs
__scs_entry_jumppad:
0x0: {  	(pc) =	sbr.rel $0x88, $3  }
0x1: {  	(tag) =	ssettag $0x0;
	lr =	simm.s32 $0x1  }
0x2: {  	[smem:$0x3F9B] =	sst lr;
	_ =	strace $0xD0000000  }
0x3: {  	_ = 	snop  }
0x4: {  	_ = 	snop  }
0x5: {  	_ = 	snop  }
0x6: {  	_ = 	snop  }
0x7: {  	_ = 	snop  }
__scs_overlays_trampoline_lowered:
0x8: {  	[smem:$0x3FAA] =	sst s0  }
0x9: {  	[smem:$0x3FAB] =	sst s1  }
0xa: {  	[smem:$0x3FAC] =	sst s2  }
0xb: {  	[smem:$0x3FAD] =	sst s3  }
0xc: {  	[smem:$0x3FAE] =	sst s4  }
0xd: {  	[smem:$0x3FAF] =	sst s5  }
0xe: {  	[smem:$0x3FB0] =	sst s6  }
0xf: {  	[smem:$0x3FB1] =	sst s7  }
0x10: {  	[smem:$0x3FB2] =	sst s8  }
0x11: {  	[smem:$0x3FB3] =	sst s9;
	s0 =	simm.s32 @!p0 $0x0  }
0x12: {  	s1 =	sld [smem:$0x3F99];
	s0 =	simm.s32 @p0 $0x1  }
0x13: {  	[smem:$0x3FB4] =	sst s0;
	s0 =	simm.s32 @!p1 $0x0  }
0x14: {  	s2 =	sld [smem:$0x3F98];
	s0 =	simm.s32 @p1 $0x1  }
0x15: {  	[smem:$0x3FB5] =	sst s0;
	s0 =	simm.s32 @!p2 $0x0  }
0x16: {  	s3 =	sld [smem:$0x3FDB];
	s0 =	simm.s32 @p2 $0x1  }
0x17: {  	s4 =	simm.s32 $0x1BF5;
	[smem:$0x3FB7] =	sst s0  }
0x18: {  	s0 =	sld [smem:$0x3F9A];
	_ =	swait.ge [sflag:s4], $0x0  }
0x19: {  	s7 =	sld [smem:$0x3F9B]  }
0x1a: {  	s8 =	sadd.s32 $0xFFFFE003, lr  }
0x1b: {  	s9 =	sadd.s32 $0xFFFFFEF7, lr;
	s5 =	simm.s32 $0xFFFFFFFF;
	p2 =	slt.u32 s8, $0xFFFFF086  }
0x1c: {  	p1 =	slt.u32 s9, $0xF7A;
	s5 =	simm.s32 @!p2 $0x0  }
0x1d: {  	s5 =	simm.s32 @p1 $0x1;
	p0 =	seq.s32 s7, s2  }
0x1e: {  	s7 =	smul.u32 @!p0 $0xF7A, s2;
	p2 =	seq.s32 @!p0 s5, $0x0  }
0x1f: {  	s9 =	smul.u32 $0xF7A, s1;
	s8 =	simm.s32 @!p0 $0x1BF5;
	p2 =	por !p2, p0  }
0x20: {  	[sflag:s8] =	ssyncset.s32 @!p0 $0xFFFFF086;
	s6 =	sadd.s32 @!p0 s3, s7;
	s7 =	simm.s32 @!p0 $0x108  }
0x21: {  	s3 =	sadd.s32 s3, s9;
	s6 =	sadd.s32 @!p0 $0x88, s6;
	s7 =	simm.s32 @p2 $0x1082  }
0x22: {  	[simem:s7], [sflag:s8] =	dma.local @!p0 [hbm:s6], $0xF7A  }
0x23: {  	s9 =	sor.u32 $0xD0000000, s2;
	s6 =	simm.s32 $0x108;
	_ =	swait.ge @!p0 [sflag:s8], $0x0  }
0x24: {  	s3 =	sadd.s32 $0x88, s3;
	s6 =	simm.s32 @!p1 $0x1082;
	[sflag:s4] =	ssyncset.s32 $0xFFFFF086  }
0x25: {  	[simem:s6], [sflag:s4] =	dma.local [hbm:s3], $0xF7A  }
0x26: {  	[smem:$0x3F9B] =	sst s1;
	(tag) =	ssettag s2;
	_ =	strace s9  }
0x27: {  	s1 =	sld [smem:$0x3FAB]  }
0x28: {  	s2 =	sld [smem:$0x3FAC]  }
0x29: {  	s4 =	sld [smem:$0x3FAE]  }
0x2a: {  	p0 =	seq.s32 s5, $0x0;
	s5 =	sld [smem:$0x3FAF]  }
0x2b: {  	s6 =	sld [smem:$0x3FB0]  }
0x2c: {  	s7 =	sld [smem:$0x3FB1]  }
0x2d: {  	s3 =	simm.s32 $0x108;
	s8 =	sld [smem:$0x3FB2]  }
0x2e: {  	s3 =	simm.s32 @!p0 $0x1082;
	s9 =	sld [smem:$0x3FB3]  }
0x2f: {  	lr =	sadd.s32 s0, s3;
	s0 =	sld [smem:$0x3FAA]  }
0x30: {  	s3 =	sld [smem:$0x3FAD]  }
0x31: {  	[smem:$0x3FB6] =	sst s10  }
0x32: {  	s10 =	sld [smem:$0x3FB4];
	_ =	sdelay $0x3  }
0x33: {  	p0 =	seq.s32 s10, $0x1;
	s10 =	sld [smem:$0x3FB6];
	_ =	sdelay $0x3  }
0x34: {  	[smem:$0x3FB6] =	sst s10  }
0x35: {  	s10 =	sld [smem:$0x3FB5];
	_ =	sdelay $0x3  }
0x36: {  	p1 =	seq.s32 s10, $0x1;
	s10 =	sld [smem:$0x3FB6];
	_ =	sdelay $0x3  }
0x37: {  	[smem:$0x3FB6] =	sst s10  }
0x38: {  	s10 =	sld [smem:$0x3FB7]  }
0x39: {  	_ = 	snop;
	(pc) =	sbr.ind lr, $3  }
0x3a: {  	_ = 	snop  }
0x3b: {  	_ = 	snop  }
0x3c: {  	p2 =	seq.s32 s10, $0x1;
	s10 =	sld [smem:$0x3FB6]  }
0x3d: {  	_ =	shalt  }
0x3e: {  	_ =	shalt  }
0x3f: {  	_ =	shalt  }
0x40: {  	_ =	shalt  }
0x41: {  	_ =	shalt  }
0x42: {  	_ =	shalt  }
0x43: {  	_ =	shalt  }
0x44: {  	_ =	shalt  }
0x45: {  	_ =	shalt  }
0x46: {  	_ =	shalt  }
0x47: {  	_ =	shalt  }
0x48: {  	_ =	shalt  }
0x49: {  	_ =	shalt  }
0x4a: {  	_ =	shalt  }
0x4b: {  	_ =	shalt  }
0x4c: {  	_ =	shalt  }
0x4d: {  	_ =	shalt  }
0x4e: {  	_ =	shalt  }
0x4f: {  	_ =	shalt  }
0x50: {  	_ =	shalt  }
0x51: {  	_ =	shalt  }
0x52: {  	_ =	shalt  }
0x53: {  	_ =	shalt  }
0x54: {  	_ =	shalt  }
0x55: {  	_ =	shalt  }
0x56: {  	_ =	shalt  }
0x57: {  	_ =	shalt  }
0x58: {  	_ =	shalt  }
0x59: {  	_ =	shalt  }
0x5a: {  	_ =	shalt  }
0x5b: {  	_ =	shalt  }
0x5c: {  	_ =	shalt  }
0x5d: {  	_ =	shalt  }
0x5e: {  	_ =	shalt  }
0x5f: {  	_ =	shalt  }
0x60: {  	_ =	shalt  }
0x61: {  	_ =	shalt  }
0x62: {  	_ =	shalt  }
0x63: {  	_ =	shalt  }
0x64: {  	_ =	shalt  }
0x65: {  	_ =	shalt  }
0x66: {  	_ =	shalt  }
0x67: {  	_ =	shalt  }
0x68: {  	_ =	shalt  }
0x69: {  	_ =	shalt  }
0x6a: {  	_ =	shalt  }
0x6b: {  	_ =	shalt  }
0x6c: {  	_ =	shalt  }
0x6d: {  	_ =	shalt  }
0x6e: {  	_ =	shalt  }
0x6f: {  	_ =	shalt  }
0x70: {  	_ =	shalt  }
0x71: {  	_ =	shalt  }
0x72: {  	_ =	shalt  }
0x73: {  	_ =	shalt  }
0x74: {  	_ =	shalt  }
0x75: {  	_ =	shalt  }
0x76: {  	_ =	shalt  }
0x77: {  	_ =	shalt  }
0x78: {  	_ =	shalt  }
0x79: {  	_ =	shalt  }
0x7a: {  	_ =	shalt  }
0x7b: {  	_ =	shalt  }
0x7c: {  	_ =	shalt  }
0x7d: {  	_ =	shalt  }
0x7e: {  	_ =	shalt  }
0x7f: {  	_ =	shalt  }
0x80: {  	_ =	shalt  }
0x81: {  	_ =	shalt  }
0x82: {  	_ =	shalt  }
0x83: {  	_ =	shalt  }
0x84: {  	_ =	shalt  }
0x85: {  	_ =	shalt  }
0x86: {  	_ =	shalt  }
0x87: {  	_ =	shalt  }
.Lfunc_end0:
.L_simem_size_0:
called_computation.1_lowered:
.L_overlay_start_0:
0x88: {  	s2 =	sld [smem:$0x3FD9]  }
0x89: {  	s3 =	sld [smem:$0x3FFE];
	_ =	sdelay $0x1  }
0x8a: {  	s1 =	srdreg.scid  }
0x8b: {  	s0 =	sand.u32 $0x1, s1  }
0x8c: {  	s16 =	sshll.u32 s0, $0xA;
	s2 =	sadd.s32 s3, s2  }
0x8d: {  	s2 =	sadd.s32 s2, s16  }
0x8e: {  	[smem:$0x3FC2] =	sst s2  }
0x8f: {  	_ = 	snop  }
0x90: {  	(tm) =	ssettm $0x1  }
0x91: {  	s17 =	sld [smem:$0x3FFB];
	_ =	sdelay $0x3  }
0x92: {  	_ =	strace s17  }
0x93: {  	s2 =	sld [smem:$0x3FFC];
	_ =	sdelay $0x3  }
0x94: {  	_ =	strace s2  }
0x95: {  	s2 =	sld [smem:$0x3FFD];
	_ =	sdelay $0x3  }
0x96: {  	_ =	strace s2  }
0x97: {  	_ =	strace $0x8FFFFFFF  }
0x98: {  	s18 =	sld [smem:$0x3FDB];
	_ =	sdelay $0x1  }
0x99: {  	s19 =	simm.s32 $_scs_section_size  }
0x9a: {  	s4 =	simm.s32 $_size__tile_overlayer_lowered;
	s5 =	simm.s32 $_tile_overlayer_lowered  }
0x9b: {  	s22 =	simm.s32 $0x1BFF;
	s21 =	sshll.u32 s5, $0x1;
	s2 =	sadd.s32 s19, s18  }
0x9c: {  	s6 =	simm.s32 $0x0;
	s20 =	sshll.u32 s4, $0x1;
	s4 =	sadd.s32 s21, s2  }
0x9d: {  	[timem:s6], [sflag:s22] =	dma.local [hbm:s4], s20  }
0x9e: {  	_ =	swait.ge [sflag:s22], s20  }
0x9f: {  	s3 =	ssub.s32 $0x0, s20;
	[sflag:s22] =	ssyncset.done $0x0  }
0xa0: {  	[sflag:s22] =	ssyncadd.s32 s3;
	_ =	sdelay $0x1  }
0xa1: {  	s23 =	simm.s32 $0x1B8B  }
0xa2: {  	_ =	swait.ge [sflag:s23], $0x1  }
0xa3: {  	[sflag:s23] =	ssyncset.done $0x0  }
0xa4: {  	s25 =	simm.s32 $0x1B8E;
	s24 =	sld [smem:$0x3FFE];
	[sflag:s23] =	ssyncadd.s32 $0xFFFFFFFF  }
0xa5: {  	s26 =	simm.s32 $execute0_lowered;
	[smem:$0x3FD2] =	sst s25  }
0xa6: {  	s4 =	sshll.u32 s26, $0x1;
	_ =	strace $0x80000049;
	[dreg:$0x1] =	wrdreg $0xFFFFFFFF  }
0xa7: {  	s28 =	simm.s32 $_size_execute0_lowered;
	s2 =	sadd.s32 s2, s4;
	[dreg:$0x0] =	wrdreg $0x0  }
0xa8: {  	s4 =	sshll.u32 s28, $0x1;
	[dreg:$0x2] =	wrdreg s2  }
0xa9: {  	[dreg:$0x3] =	wrdreg s4  }
0xaa: {  	[dreg:$0x4] =	wrdreg $0xC0  }
0xab: {  	_ =	task [dreg:s6], $0x5FFFF  }
0xac: {  	[dreg:$0x1] =	wrdreg $0xFFFFFFFF  }
0xad: {  	[dreg:$0x0] =	wrdreg $0x60  }
0xae: {  	[dreg:$0x2] =	wrdreg s24  }
0xaf: {  	[dreg:$0x3] =	wrdreg $0x0  }
0xb0: {  	[dreg:$0x4] =	wrdreg $0x9  }
0xb1: {  	_ =	task.clear_ibuf [dreg:s6], $0x5FFFF;
	_ =	strace $0x90000049  }
0xb2: {  	s29 =	simm.s32 $0x9;
	_ =	strace $0x8000004B  }
0xb3: {  	_ =	swait.ge [sflag:s29], $0x1  }
0xb4: {  	[sflag:s29] =	ssyncadd.s32 $0xFFFFFFFF  }
0xb5: {  	_ =	strace $0x9000004B  }
0xb6: {  	_ =	sfence  }
0xb7: {  	s30 =	sld [smem:$0x0];
	_ =	sdelay $0x2  }
0xb8: {  	s31 =	sshll.u32 s1, $0xD;
	s1 =	sshrl.u32 s1, $0x2  }
0xb9: {  	s3 =	sand.u32 $0x4000, s31;
	s1 =	sadd.s32 s1, s30  }
0xba: {  	s0 =	sor.u32 s3, s0;
	s1 =	sshll.u32 s1, $0x11  }
0xbb: {  	s0 =	sor.u32 s1, s0  }
0xbc: {  	s0 =	sadd.s32 $0x8F2B, s0  }
0xbd: {  	[sflag:s0] =	ssyncadd.remote.s32 $0x1  }
0xbe: {  	_ =	sfence.sel $0xFFFF  }
0xbf: {  	[dreg:$0x0] =	wrdreg $0xFFFFFFFF;
	(pc) =	sbr.abs _section_cstart, $3  }
0xc0: {  	[dreg:$0x1] =	wrdreg $0xFFFFFFFF  }
0xc1: {  	_ =	task.clear_ibuf [dreg:s6], $0x2FFFF;
	_ =	strace $0x9FFFFFFF  }
0xc2: {  	(tm) =	ssettm $0x7FFFFFFF  }
0xc3: {  	_ =	shalt  }
tec
execute0_lowered:
.L_overlay_start_1:
0x0: {  	(tag) =	ssettag $0x1  }
0x1: {  	s0 =	srdreg.scid  }
0x2: {  	s1 =	rddreg [dreg:$0x0];
	s8 =	stileid.u32  }
0x3: {  	s2 =	rddreg [dreg:$0x1];
	s0 =	sand.u32 $0x1, s0;
	s7 =	smul.u32 $0x4E200, s8  }
0x4: {  	s4 =	sshll.u32 s0, $0x4;
	s5 =	smul.u32 $0x27100, s0;
	s0 =	ssub.s32 $0x2, s0  }
0x5: {  	s3 =	simm.s32 $0x0;
	s22 =	sshrl.u32 s0, $0x1;
	s7 =	sshrl.u32 s7, $0x2  }
0x6: {  	[smem:$0x7FF] =	sst s3;
	s0 =	ssub.s32 s0, s22;
	s7 =	sadd.s32 s7, s2  }
0x7: {  	_ =	strace $0x8000004A;
	s0 =	smax.u32 s0, $0x1;
	[dreg:$0x3] =	wrdreg s7  }
0x8: {  	s25 =	sadd.s32 $0xC80, s7;
	[dreg:$0x4] =	wrdreg s0  }
0x9: {  	s26 =	sadd.s32 $0x1900, s7;
	[dreg:$0x5] =	wrdreg s25  }
0xa: {  	s29 =	sadd.s32 $0x2580, s7;
	[dreg:$0x6] =	wrdreg s26  }
0xb: {  	s30 =	sadd.s32 $0x3200, s7;
	[dreg:$0x7] =	wrdreg s29  }
0xc: {  	s3 =	sadd.s32 $0x3E80, s7;
	[dreg:$0x8] =	wrdreg s30  }
0xd: {  	s10 =	sadd.s32 $0x6400, s7;
	[dreg:$0x9] =	wrdreg s3  }
0xe: {  	s11 =	sadd.s32 $0x7080, s7;
	[dreg:$0xc] =	wrdreg s10  }
0xf: {  	s28 =	simm.s32 $0x5;
	s12 =	sadd.s32 $0x7D00, s7;
	[dreg:$0xd] =	wrdreg s11  }
0x10: {  	s31 =	simm.s32 $0x6;
	s13 =	sadd.s32 $0x8980, s7;
	[dreg:$0xe] =	wrdreg s12  }
0x11: {  	s4 =	sor.u32 s8, s4;
	s14 =	sadd.s32 $0x9600, s7;
	[dreg:$0xf] =	wrdreg s13  }
0x12: {  	s8 =	smul.u32 $0x13880, s8;
	s15 =	sadd.s32 $0xA280, s7;
	[dreg:$0x10] =	wrdreg s14  }
0x13: {  	s4 =	smul.u32 $0x514, s4;
	s16 =	sadd.s32 $0xAF00, s7;
	[dreg:$0x11] =	wrdreg s15  }
0x14: {  	s9 =	sshrl.u32 s8, $0x3;
	s18 =	sadd.s32 $0xBB80, s7;
	[dreg:$0x12] =	wrdreg s16  }
0x15: {  	s8 =	sadd.s32 s8, s2;
	s20 =	sadd.s32 $0xC800, s7;
	[dreg:$0x14] =	wrdreg s18  }
0x16: {  	s21 =	sadd.s32 $0xD480, s7;
	s22 =	sadd.s32 $0xE100, s7;
	[dreg:$0x16] =	wrdreg s20  }
0x17: {  	s6 =	sadd.s32 s4, s1;
	s4 =	sadd.s32 $0x34600, s1;
	[dreg:$0x17] =	wrdreg s21  }
0x18: {  	s1 =	sadd.s32 s5, s1;
	s5 =	sadd.s32 $0x4B00, s7;
	[dreg:$0x18] =	wrdreg s22  }
0x19: {  	s19 =	sshrl.u32 s8, $0x3;
	s25 =	sadd.s32 $0x10680, s7;
	[dreg:$0xa] =	wrdreg s5  }
0x1a: {  	s26 =	sadd.s32 $0x11300, s7;
	s29 =	sadd.s32 $0x11F80, s7;
	[dreg:$0x15] =	wrdreg s19  }
0x1b: {  	s30 =	sadd.s32 $0x12C00, s7;
	s10 =	simm.s32 $0x1E2D0;
	[dreg:$0x1b] =	wrdreg s25  }
0x1c: {  	s11 =	simm.s32 $0x1;
	s13 =	simm.s32 $0x7;
	[dreg:$0x1c] =	wrdreg s26  }
0x1d: {  	s15 =	simm.s32 $0x64;
	s16 =	simm.s32 $0x14CD0;
	[dreg:$0x1d] =	wrdreg s29  }
0x1e: {  	s18 =	simm.s32 $0x17ED0;
	s23 =	sadd.s32 $0x2A200, s6;
	[dreg:$0x1e] =	wrdreg s30  }
0x1f: {  	s20 =	simm.s32 $0x1B0D0;
	s24 =	sadd.s32 $0x1FE00, s6;
	[dreg:$0x1f] =	wrdreg s23  }
0x20: {  	s1 =	sadd.s32 $0x5B800, s1;
	s6 =	sadd.s32 $0x5780, s7;
	[smem:$0x7FD] =	sst s24  }
0x21: {  	s21 =	simm.s32 $0x2;
	[dreg:$0xb] =	wrdreg s6;
	s17 =	sadd.s32 s9, s1  }
0x22: {  	s14 =	simm.s32 $0x13880;
	s23 =	sadd.s32 $0xED80, s7;
	[dreg:$0x13] =	wrdreg s17  }
0x23: {  	s25 =	simm.s32 $0x3;
	s24 =	sadd.s32 $0xFA00, s7;
	[dreg:$0x19] =	wrdreg s23  }
0x24: {  	v0 =	vimm.f32 $0.0e+00;
	[dreg:$0x1a] =	wrdreg s24;
	s23 =	simm.s32 $0x4;
	s17 =	simm.s32 $0x0  }
.LBB2_1:
0x25: {  	s19 =	simm.s32 $0x0;
	s22 =	simm.s32 $0x200  }
.LBB2_2:
0x26: {  	p0 =	sne.s32 s22, $0x3000;
	[tilespmem:s19+$0x1E340] =	vst v0  }
0x27: {  	[tilespmem:s19+$0x1E2D0] =	vst v0  }
0x28: {  	[tilespmem:s19+$0x1E2E0] =	vst v0  }
.Ltmp0:
0x29: {  	[tilespmem:s19+$0x1E2F0] =	vst v0;
	(pc) =	sbr.rel @p0 .LBB2_2-.Ltmp0, $4  }
0x2a: {  	[tilespmem:s19+$0x1E300] =	vst v0  }
0x2b: {  	[tilespmem:s19+$0x1E310] =	vst v0  }
0x2c: {  	[tilespmem:s19+$0x1E320] =	vst v0  }
0x2d: {  	[tilespmem:s19+$0x1E330] =	vst v0;
	s19 =	sshra.s32 s22, $0x2;
	s22 =	sadd.s32 $0x200, s22  }
0x2e: {  	[tilespmem:s19+$0x1E340] =	vst v0  }
0x2f: {  	[tilespmem:s19+$0x1E2D0] =	vst v0  }
0x30: {  	[tilespmem:s19+$0x1E2E0] =	vst v0  }
0x31: {  	[tilespmem:s19+$0x1E2F0] =	vst v0  }
0x32: {  	[tilespmem:s19+$0x1E300] =	vst v0  }
0x33: {  	[tilespmem:s19+$0x1E310] =	vst v0  }
0x34: {  	[tilespmem:s19+$0x1E320] =	vst v0  }
0x35: {  	[tilespmem:s19+$0x1E330] =	vst v0;
	s3 =	rddreg [dreg:$0x3]  }
0x36: {  	[spmem:s3] =	stream.linear.scatter [tilespmem:s10], [sflag:$0x1], $0xC80, $0x38;
	[tilespmem:$0x1EF50] =	vst v63  }
0x37: {  	s5 =	rddreg [dreg:$0x5]  }
0x38: {  	[spmem:s5] =	stream.linear.scatter [tilespmem:s10], [sflag:$0x1], $0xC80, $0x38;
	[tilespmem:$0x1EF50] =	vst v63  }
0x39: {  	s6 =	rddreg [dreg:$0x6]  }
0x3a: {  	[spmem:s6] =	stream.linear.scatter [tilespmem:s10], [sflag:$0x1], $0xC80, $0x38;
	[tilespmem:$0x1EF50] =	vst v63  }
0x3b: {  	s7 =	rddreg [dreg:$0x7]  }
0x3c: {  	[spmem:s7] =	stream.linear.scatter [tilespmem:s10], [sflag:$0x1], $0xC80, $0x38;
	[tilespmem:$0x1EF50] =	vst v63  }
0x3d: {  	s8 =	rddreg [dreg:$0x8]  }
0x3e: {  	[spmem:s8] =	stream.linear.scatter [tilespmem:s10], [sflag:$0x1], $0xC80, $0x38;
	[tilespmem:$0x1EF50] =	vst v63  }
0x3f: {  	s9 =	rddreg [dreg:$0x9]  }
0x40: {  	[spmem:s9] =	stream.linear.scatter [tilespmem:s10], [sflag:$0x1], $0xC80, $0x38;
	[tilespmem:$0x1EF50] =	vst v63  }
0x41: {  	s12 =	rddreg [dreg:$0xa]  }
0x42: {  	[spmem:s12] =	stream.linear.scatter [tilespmem:s10], [sflag:$0x1], $0xC80, $0x38;
	[tilespmem:$0x1EF50] =	vst v63  }
0x43: {  	s22 =	rddreg [dreg:$0xb]  }
0x44: {  	[spmem:s22] =	stream.linear.scatter [tilespmem:s10], [sflag:$0x1], $0xC80, $0x38;
	[tilespmem:$0x1EF50] =	vst v63  }
0x45: {  	s24 =	rddreg [dreg:$0xc]  }
0x46: {  	[spmem:s24] =	stream.linear.scatter [tilespmem:s10], [sflag:$0x1], $0xC80, $0x38;
	[tilespmem:$0x1EF50] =	vst v63  }
0x47: {  	s26 =	rddreg [dreg:$0xd]  }
0x48: {  	[spmem:s26] =	stream.linear.scatter [tilespmem:s10], [sflag:$0x1], $0xC80, $0x38;
	[tilespmem:$0x1EF50] =	vst v63  }
0x49: {  	s29 =	rddreg [dreg:$0xe]  }
0x4a: {  	[spmem:s29] =	stream.linear.scatter [tilespmem:s10], [sflag:$0x1], $0xC80, $0x38;
	[tilespmem:$0x1EF50] =	vst v63  }
0x4b: {  	s30 =	rddreg [dreg:$0xf]  }
0x4c: {  	[spmem:s30] =	stream.linear.scatter [tilespmem:s10], [sflag:$0x1], $0xC80, $0x38;
	[tilespmem:$0x1EF50] =	vst v63  }
0x4d: {  	s0 =	rddreg [dreg:$0x10]  }
0x4e: {  	[spmem:s0] =	stream.linear.scatter [tilespmem:s10], [sflag:$0x1], $0xC80, $0x38;
	[tilespmem:$0x1EF50] =	vst v63  }
0x4f: {  	s1 =	rddreg [dreg:$0x11]  }
0x50: {  	[spmem:s1] =	stream.linear.scatter [tilespmem:s10], [sflag:$0x1], $0xC80, $0x38;
	[tilespmem:$0x1EF50] =	vst v63  }
0x51: {  	s3 =	rddreg [dreg:$0x12]  }
0x52: {  	[spmem:s3] =	stream.linear.scatter [tilespmem:s10], [sflag:$0x1], $0xC80, $0x38;
	[tilespmem:$0x1EF50] =	vst v63  }
0x53: {  	s5 =	rddreg [dreg:$0x14]  }
0x54: {  	[spmem:s5] =	stream.linear.scatter [tilespmem:s10], [sflag:$0x1], $0xC80, $0x38;
	[tilespmem:$0x1EF50] =	vst v63  }
0x55: {  	s6 =	rddreg [dreg:$0x16]  }
0x56: {  	[spmem:s6] =	stream.linear.scatter [tilespmem:s10], [sflag:$0x1], $0xC80, $0x38;
	[tilespmem:$0x1EF50] =	vst v63  }
0x57: {  	s7 =	rddreg [dreg:$0x17]  }
0x58: {  	[spmem:s7] =	stream.linear.scatter [tilespmem:s10], [sflag:$0x1], $0xC80, $0x38;
	[tilespmem:$0x1EF50] =	vst v63  }
0x59: {  	s8 =	rddreg [dreg:$0x18]  }
0x5a: {  	[spmem:s8] =	stream.linear.scatter [tilespmem:s10], [sflag:$0x1], $0xC80, $0x38;
	[tilespmem:$0x1EF50] =	vst v63  }
0x5b: {  	s9 =	rddreg [dreg:$0x19]  }
0x5c: {  	[spmem:s9] =	stream.linear.scatter [tilespmem:s10], [sflag:$0x1], $0xC80, $0x38;
	[tilespmem:$0x1EF50] =	vst v63  }
0x5d: {  	s12 =	rddreg [dreg:$0x1a]  }
0x5e: {  	[spmem:s12] =	stream.linear.scatter [tilespmem:s10], [sflag:$0x1], $0xC80, $0x38;
	[tilespmem:$0x1EF50] =	vst v63  }
0x5f: {  	s22 =	rddreg [dreg:$0x1b]  }
0x60: {  	[spmem:s22] =	stream.linear.scatter [tilespmem:s10], [sflag:$0x1], $0xC80, $0x38;
	[tilespmem:$0x1EF50] =	vst v63  }
0x61: {  	s24 =	rddreg [dreg:$0x1c]  }
0x62: {  	[spmem:s24] =	stream.linear.scatter [tilespmem:s10], [sflag:$0x1], $0xC80, $0x38;
	[tilespmem:$0x1EF50] =	vst v63  }
0x63: {  	s26 =	rddreg [dreg:$0x1d]  }
0x64: {  	[spmem:s26] =	stream.linear.scatter [tilespmem:s10], [sflag:$0x1], $0xC80, $0x38;
	[tilespmem:$0x1EF50] =	vst v63  }
0x65: {  	s29 =	rddreg [dreg:$0x1e]  }
0x66: {  	[spmem:s29] =	stream.linear.scatter [tilespmem:s10], [sflag:$0x1], $0xC80, $0x38;
	[tilespmem:$0x1EF50] =	vst v63  }
0x67: {  	_ =	swait.ge [sflag:s11], $0xC80  }
0x68: {  	[sflag:s11] =	ssyncset.done $0x0  }
0x69: {  	[sflag:s11] =	ssyncadd.s32 $0xFFFFF380  }
0x6a: {  	_ =	swait.ge [sflag:s11], $0xC80  }
0x6b: {  	[sflag:s11] =	ssyncset.done $0x0  }
0x6c: {  	[sflag:s11] =	ssyncadd.s32 $0xFFFFF380  }
0x6d: {  	_ =	swait.ge [sflag:s11], $0xC80  }
0x6e: {  	[sflag:s11] =	ssyncset.done $0x0  }
0x6f: {  	[sflag:s11] =	ssyncadd.s32 $0xFFFFF380  }
0x70: {  	_ =	swait.ge [sflag:s11], $0xC80  }
0x71: {  	[sflag:s11] =	ssyncset.done $0x0  }
0x72: {  	[sflag:s11] =	ssyncadd.s32 $0xFFFFF380  }
0x73: {  	_ =	swait.ge [sflag:s11], $0xC80  }
0x74: {  	[sflag:s11] =	ssyncset.done $0x0  }
0x75: {  	[sflag:s11] =	ssyncadd.s32 $0xFFFFF380  }
0x76: {  	_ =	swait.ge [sflag:s11], $0xC80  }
0x77: {  	[sflag:s11] =	ssyncset.done $0x0  }
0x78: {  	[sflag:s11] =	ssyncadd.s32 $0xFFFFF380  }
0x79: {  	_ =	swait.ge [sflag:s11], $0xC80  }
0x7a: {  	[sflag:s11] =	ssyncset.done $0x0  }
0x7b: {  	[sflag:s11] =	ssyncadd.s32 $0xFFFFF380  }
0x7c: {  	_ =	swait.ge [sflag:s11], $0xC80  }
0x7d: {  	[sflag:s11] =	ssyncset.done $0x0  }
0x7e: {  	[sflag:s11] =	ssyncadd.s32 $0xFFFFF380  }
0x7f: {  	_ =	swait.ge [sflag:s11], $0xC80  }
0x80: {  	[sflag:s11] =	ssyncset.done $0x0  }
0x81: {  	[sflag:s11] =	ssyncadd.s32 $0xFFFFF380  }
0x82: {  	_ =	swait.ge [sflag:s11], $0xC80  }
0x83: {  	[sflag:s11] =	ssyncset.done $0x0  }
0x84: {  	[sflag:s11] =	ssyncadd.s32 $0xFFFFF380  }
0x85: {  	_ =	swait.ge [sflag:s11], $0xC80  }
0x86: {  	[sflag:s11] =	ssyncset.done $0x0  }
0x87: {  	[sflag:s11] =	ssyncadd.s32 $0xFFFFF380  }
0x88: {  	_ =	swait.ge [sflag:s11], $0xC80  }
0x89: {  	[sflag:s11] =	ssyncset.done $0x0  }
0x8a: {  	[sflag:s11] =	ssyncadd.s32 $0xFFFFF380  }
0x8b: {  	_ =	swait.ge [sflag:s11], $0xC80  }
0x8c: {  	[sflag:s11] =	ssyncset.done $0x0  }
0x8d: {  	[sflag:s11] =	ssyncadd.s32 $0xFFFFF380  }
0x8e: {  	_ =	swait.ge [sflag:s11], $0xC80  }
0x8f: {  	[sflag:s11] =	ssyncset.done $0x0  }
0x90: {  	[sflag:s11] =	ssyncadd.s32 $0xFFFFF380  }
0x91: {  	_ =	swait.ge [sflag:s11], $0xC80  }
0x92: {  	[sflag:s11] =	ssyncset.done $0x0  }
0x93: {  	[sflag:s11] =	ssyncadd.s32 $0xFFFFF380  }
0x94: {  	_ =	swait.ge [sflag:s11], $0xC80  }
0x95: {  	[sflag:s11] =	ssyncset.done $0x0  }
0x96: {  	[sflag:s11] =	ssyncadd.s32 $0xFFFFF380  }
0x97: {  	_ =	swait.ge [sflag:s11], $0xC80  }
0x98: {  	[sflag:s11] =	ssyncset.done $0x0  }
0x99: {  	[sflag:s11] =	ssyncadd.s32 $0xFFFFF380  }
0x9a: {  	_ =	swait.ge [sflag:s11], $0xC80  }
0x9b: {  	[sflag:s11] =	ssyncset.done $0x0  }
0x9c: {  	[sflag:s11] =	ssyncadd.s32 $0xFFFFF380  }
0x9d: {  	_ =	swait.ge [sflag:s11], $0xC80  }
0x9e: {  	[sflag:s11] =	ssyncset.done $0x0  }
0x9f: {  	[sflag:s11] =	ssyncadd.s32 $0xFFFFF380  }
0xa0: {  	_ =	swait.ge [sflag:s11], $0xC80  }
0xa1: {  	[sflag:s11] =	ssyncset.done $0x0  }
0xa2: {  	[sflag:s11] =	ssyncadd.s32 $0xFFFFF380  }
0xa3: {  	_ =	swait.ge [sflag:s11], $0xC80  }
0xa4: {  	[sflag:s11] =	ssyncset.done $0x0  }
0xa5: {  	[sflag:s11] =	ssyncadd.s32 $0xFFFFF380  }
0xa6: {  	_ =	swait.ge [sflag:s11], $0xC80  }
0xa7: {  	[sflag:s11] =	ssyncset.done $0x0  }
0xa8: {  	[sflag:s11] =	ssyncadd.s32 $0xFFFFF380  }
0xa9: {  	_ =	swait.ge [sflag:s11], $0xC80  }
0xaa: {  	[sflag:s11] =	ssyncset.done $0x0  }
0xab: {  	[sflag:s11] =	ssyncadd.s32 $0xFFFFF380  }
0xac: {  	_ =	swait.ge [sflag:s11], $0xC80  }
0xad: {  	[sflag:s11] =	ssyncset.done $0x0  }
0xae: {  	[sflag:s11] =	ssyncadd.s32 $0xFFFFF380  }
0xaf: {  	_ =	swait.ge [sflag:s11], $0xC80  }
0xb0: {  	[sflag:s11] =	ssyncset.done $0x0  }
0xb1: {  	s5 =	simm.s32 $0x0;
	s6 =	rddreg [dreg:$0x1f];
	[sflag:s11] =	ssyncadd.s32 $0xFFFFF380  }
0xb2: {  	[tilespmem:s14], [sflag:$0x7] =	stream.linear.gather [hbm4b:s6+s5], $0xA28, $0x38;
	[tilespmem:$0x1EF50] =	vst v63  }
0xb3: {  	_ =	swait.ge [sflag:s13], $0xA28  }
0xb4: {  	s12 =	sld [smem:$0x7FD]  }
0xb5: {  	[sflag:s13] =	ssyncset.done $0x0  }
0xb6: {  	s0 =	simm.s32 $0x142A8;
	[sflag:s13] =	ssyncadd.s32 $0xFFFFF5D8  }
0xb7: {  	[tilespmem:s0], [sflag:$0x7] =	stream.linear.gather [hbm4b:s12+s5], $0xA28, $0x38;
	[tilespmem:$0x1EF50] =	vst v63  }
0xb8: {  	_ =	swait.ge [sflag:s13], $0xA28  }
0xb9: {  	[sflag:s13] =	ssyncset.done $0x0  }
0xba: {  	[sflag:s13] =	ssyncadd.s32 $0xFFFFF5D8  }
0xbb: {  	[bflag:$0x0] =	sbarrier.arrive $0xFFFF  }
0xbc: {  	[tilespmem:s16], [sflag:$0x1] =	stream.indirect.gather [hbm4b:s4+s15], $0x80, s14, s15, $0xb8;
	[tilespmem:$0x1EF50] =	vst v63  }
0xbd: {  	s1 =	simm.s32 $0x138E8  }
0xbe: {  	[tilespmem:s18], [sflag:$0x2] =	stream.indirect.gather [hbm4b:s4+s15], $0x80, s1, s15, $0xb8;
	[tilespmem:$0x1EF50] =	vst v63  }
0xbf: {  	_ =	swait.ge [sflag:s11], $0x3200  }
0xc0: {  	[sflag:s11] =	ssyncset.done $0x0  }
0xc1: {  	[sflag:s11] =	ssyncadd.s32 $0xFFFFCE00  }
0xc2: {  	[spmem:s2] =	stream.indirect.scatter.add.f32 [tilespmem:s16], [sflag:$0x4], $0x80, s0, s15, $0xb8;
	[tilespmem:$0x1EF50] =	vst v63  }
0xc3: {  	s30 =	simm.s32 $0x13950  }
0xc4: {  	[tilespmem:s20], [sflag:$0x3] =	stream.indirect.gather [hbm4b:s4+s15], $0x80, s30, s15, $0xb8;
	[tilespmem:$0x1EF50] =	vst v63  }
0xc5: {  	_ =	swait.ge [sflag:s21], $0x3200  }
0xc6: {  	[sflag:s21] =	ssyncset.done $0x0  }
0xc7: {  	s3 =	simm.s32 $0x14310;
	[sflag:s21] =	ssyncadd.s32 $0xFFFFCE00  }
0xc8: {  	[spmem:s2] =	stream.indirect.scatter.add.f32 [tilespmem:s18], [sflag:$0x5], $0x80, s3, s15, $0xb8;
	[tilespmem:$0x1EF50] =	vst v63  }
0xc9: {  	_ =	swait.ge [sflag:s23], $0x3200  }
0xca: {  	[sflag:s23] =	ssyncset.done $0x0  }
0xcb: {  	s9 =	simm.s32 $0x139B8;
	[sflag:s23] =	ssyncadd.s32 $0xFFFFCE00  }
0xcc: {  	[tilespmem:s16], [sflag:$0x1] =	stream.indirect.gather [hbm4b:s4+s15], $0x80, s9, s15, $0xb8;
	[tilespmem:$0x1EF50] =	vst v63  }
0xcd: {  	_ =	swait.ge [sflag:s25], $0x3200  }
0xce: {  	[sflag:s25] =	ssyncset.done $0x0  }
0xcf: {  	s19 =	simm.s32 $0x14378;
	[sflag:s25] =	ssyncadd.s32 $0xFFFFCE00  }
0xd0: {  	[spmem:s2] =	stream.indirect.scatter.add.f32 [tilespmem:s20], [sflag:$0x6], $0x80, s19, s15, $0xb8;
	[tilespmem:$0x1EF50] =	vst v63  }
0xd1: {  	_ =	swait.ge [sflag:s28], $0x3200  }
0xd2: {  	[sflag:s28] =	ssyncset.done $0x0  }
0xd3: {  	s22 =	simm.s32 $0x13A20;
	[sflag:s28] =	ssyncadd.s32 $0xFFFFCE00  }
0xd4: {  	[tilespmem:s18], [sflag:$0x2] =	stream.indirect.gather [hbm4b:s4+s15], $0x80, s22, s15, $0xb8;
	[tilespmem:$0x1EF50] =	vst v63  }
0xd5: {  	_ =	swait.ge [sflag:s11], $0x3200  }
0xd6: {  	[sflag:s11] =	ssyncset.done $0x0  }
0xd7: {  	s3 =	simm.s32 $0x143E0;
	[sflag:s11] =	ssyncadd.s32 $0xFFFFCE00  }
0xd8: {  	[spmem:s2] =	stream.indirect.scatter.add.f32 [tilespmem:s16], [sflag:$0x4], $0x80, s3, s15, $0xb8;
	[tilespmem:$0x1EF50] =	vst v63  }
0xd9: {  	_ =	swait.ge [sflag:s31], $0x3200  }
0xda: {  	[sflag:s31] =	ssyncset.done $0x0  }
0xdb: {  	s24 =	simm.s32 $0x13A88;
	[sflag:s31] =	ssyncadd.s32 $0xFFFFCE00  }
0xdc: {  	[tilespmem:s20], [sflag:$0x3] =	stream.indirect.gather [hbm4b:s4+s15], $0x80, s24, s15, $0xb8;
	[tilespmem:$0x1EF50] =	vst v63  }
0xdd: {  	_ =	swait.ge [sflag:s21], $0x3200  }
0xde: {  	[sflag:s21] =	ssyncset.done $0x0  }
0xdf: {  	s26 =	simm.s32 $0x14448;
	[sflag:s21] =	ssyncadd.s32 $0xFFFFCE00  }
0xe0: {  	[spmem:s2] =	stream.indirect.scatter.add.f32 [tilespmem:s18], [sflag:$0x5], $0x80, s26, s15, $0xb8;
	[tilespmem:$0x1EF50] =	vst v63  }
0xe1: {  	_ =	swait.ge [sflag:s23], $0x3200  }
0xe2: {  	[sflag:s23] =	ssyncset.done $0x0  }
0xe3: {  	s29 =	simm.s32 $0x13AF0;
	[sflag:s23] =	ssyncadd.s32 $0xFFFFCE00  }
0xe4: {  	[tilespmem:s16], [sflag:$0x1] =	stream.indirect.gather [hbm4b:s4+s15], $0x80, s29, s15, $0xb8;
	[tilespmem:$0x1EF50] =	vst v63  }
0xe5: {  	_ =	swait.ge [sflag:s25], $0x3200  }
0xe6: {  	[sflag:s25] =	ssyncset.done $0x0  }
0xe7: {  	s30 =	simm.s32 $0x144B0;
	[sflag:s25] =	ssyncadd.s32 $0xFFFFCE00  }
0xe8: {  	[spmem:s2] =	stream.indirect.scatter.add.f32 [tilespmem:s20], [sflag:$0x6], $0x80, s30, s15, $0xb8;
	[tilespmem:$0x1EF50] =	vst v63  }
0xe9: {  	_ =	swait.ge [sflag:s28], $0x3200  }
0xea: {  	[sflag:s28] =	ssyncset.done $0x0  }
0xeb: {  	s3 =	simm.s32 $0x13B58;
	[sflag:s28] =	ssyncadd.s32 $0xFFFFCE00  }
0xec: {  	[tilespmem:s18], [sflag:$0x2] =	stream.indirect.gather [hbm4b:s4+s15], $0x80, s3, s15, $0xb8;
	[tilespmem:$0x1EF50] =	vst v63  }
0xed: {  	_ =	swait.ge [sflag:s11], $0x3200  }
0xee: {  	[sflag:s11] =	ssyncset.done $0x0  }
0xef: {  	s9 =	simm.s32 $0x14518;
	[sflag:s11] =	ssyncadd.s32 $0xFFFFCE00  }
0xf0: {  	[spmem:s2] =	stream.indirect.scatter.add.f32 [tilespmem:s16], [sflag:$0x4], $0x80, s9, s15, $0xb8;
	[tilespmem:$0x1EF50] =	vst v63  }
0xf1: {  	_ =	swait.ge [sflag:s31], $0x3200  }
0xf2: {  	[sflag:s31] =	ssyncset.done $0x0  }
0xf3: {  	s22 =	simm.s32 $0x13BC0;
	[sflag:s31] =	ssyncadd.s32 $0xFFFFCE00  }
0xf4: {  	[tilespmem:s20], [sflag:$0x3] =	stream.indirect.gather [hbm4b:s4+s15], $0x80, s22, s15, $0xb8;
	[tilespmem:$0x1EF50] =	vst v63  }
0xf5: {  	_ =	swait.ge [sflag:s21], $0x3200  }
0xf6: {  	[sflag:s21] =	ssyncset.done $0x0  }
0xf7: {  	s24 =	simm.s32 $0x14580;
	[sflag:s21] =	ssyncadd.s32 $0xFFFFCE00  }
0xf8: {  	[spmem:s2] =	stream.indirect.scatter.add.f32 [tilespmem:s18], [sflag:$0x5], $0x80, s24, s15, $0xb8;
	[tilespmem:$0x1EF50] =	vst v63  }
0xf9: {  	_ =	swait.ge [sflag:s23], $0x3200  }
0xfa: {  	[sflag:s23] =	ssyncset.done $0x0  }
0xfb: {  	s26 =	simm.s32 $0x13C28;
	[sflag:s23] =	ssyncadd.s32 $0xFFFFCE00  }
0xfc: {  	[tilespmem:s16], [sflag:$0x1] =	stream.indirect.gather [hbm4b:s4+s15], $0x80, s26, s15, $0xb8;
	[tilespmem:$0x1EF50] =	vst v63  }
0xfd: {  	_ =	swait.ge [sflag:s25], $0x3200  }
0xfe: {  	[sflag:s25] =	ssyncset.done $0x0  }
0xff: {  	s29 =	simm.s32 $0x145E8;
	[sflag:s25] =	ssyncadd.s32 $0xFFFFCE00  }
0x100: {  	[spmem:s2] =	stream.indirect.scatter.add.f32 [tilespmem:s20], [sflag:$0x6], $0x80, s29, s15, $0xb8;
	[tilespmem:$0x1EF50] =	vst v63  }
0x101: {  	_ =	swait.ge [sflag:s28], $0x3200  }
0x102: {  	[sflag:s28] =	ssyncset.done $0x0  }
0x103: {  	s30 =	simm.s32 $0x13C90;
	[sflag:s28] =	ssyncadd.s32 $0xFFFFCE00  }
0x104: {  	[tilespmem:s18], [sflag:$0x2] =	stream.indirect.gather [hbm4b:s4+s15], $0x80, s30, s15, $0xb8;
	[tilespmem:$0x1EF50] =	vst v63  }
0x105: {  	_ =	swait.ge [sflag:s11], $0x3200  }
0x106: {  	[sflag:s11] =	ssyncset.done $0x0  }
0x107: {  	s3 =	simm.s32 $0x14650;
	[sflag:s11] =	ssyncadd.s32 $0xFFFFCE00  }
0x108: {  	[spmem:s2] =	stream.indirect.scatter.add.f32 [tilespmem:s16], [sflag:$0x4], $0x80, s3, s15, $0xb8;
	[tilespmem:$0x1EF50] =	vst v63  }
0x109: {  	_ =	swait.ge [sflag:s31], $0x3200  }
0x10a: {  	[sflag:s31] =	ssyncset.done $0x0  }
0x10b: {  	s9 =	simm.s32 $0x13CF8;
	[sflag:s31] =	ssyncadd.s32 $0xFFFFCE00  }
0x10c: {  	[tilespmem:s20], [sflag:$0x3] =	stream.indirect.gather [hbm4b:s4+s15], $0x80, s9, s15, $0xb8;
	[tilespmem:$0x1EF50] =	vst v63  }
0x10d: {  	_ =	swait.ge [sflag:s21], $0x3200  }
0x10e: {  	[sflag:s21] =	ssyncset.done $0x0  }
0x10f: {  	s22 =	simm.s32 $0x146B8;
	[sflag:s21] =	ssyncadd.s32 $0xFFFFCE00  }
0x110: {  	[spmem:s2] =	stream.indirect.scatter.add.f32 [tilespmem:s18], [sflag:$0x5], $0x80, s22, s15, $0xb8;
	[tilespmem:$0x1EF50] =	vst v63  }
0x111: {  	_ =	swait.ge [sflag:s23], $0x3200  }
0x112: {  	[sflag:s23] =	ssyncset.done $0x0  }
0x113: {  	s24 =	simm.s32 $0x13D60;
	[sflag:s23] =	ssyncadd.s32 $0xFFFFCE00  }
0x114: {  	[tilespmem:s16], [sflag:$0x1] =	stream.indirect.gather [hbm4b:s4+s15], $0x80, s24, s15, $0xb8;
	[tilespmem:$0x1EF50] =	vst v63  }
0x115: {  	_ =	swait.ge [sflag:s25], $0x3200  }
0x116: {  	[sflag:s25] =	ssyncset.done $0x0  }
0x117: {  	s3 =	simm.s32 $0x14720;
	[sflag:s25] =	ssyncadd.s32 $0xFFFFCE00  }
0x118: {  	[spmem:s2] =	stream.indirect.scatter.add.f32 [tilespmem:s20], [sflag:$0x6], $0x80, s3, s15, $0xb8;
	[tilespmem:$0x1EF50] =	vst v63  }
0x119: {  	_ =	swait.ge [sflag:s28], $0x3200  }
0x11a: {  	[sflag:s28] =	ssyncset.done $0x0  }
0x11b: {  	s9 =	simm.s32 $0x13DC8;
	[sflag:s28] =	ssyncadd.s32 $0xFFFFCE00  }
0x11c: {  	[tilespmem:s18], [sflag:$0x2] =	stream.indirect.gather [hbm4b:s4+s15], $0x80, s9, s15, $0xb8;
	[tilespmem:$0x1EF50] =	vst v63  }
0x11d: {  	_ =	swait.ge [sflag:s11], $0x3200  }
0x11e: {  	[sflag:s11] =	ssyncset.done $0x0  }
0x11f: {  	s22 =	simm.s32 $0x14788;
	[sflag:s11] =	ssyncadd.s32 $0xFFFFCE00  }
0x120: {  	[spmem:s2] =	stream.indirect.scatter.add.f32 [tilespmem:s16], [sflag:$0x4], $0x80, s22, s15, $0xb8;
	[tilespmem:$0x1EF50] =	vst v63  }
0x121: {  	_ =	swait.ge [sflag:s31], $0x3200  }
0x122: {  	[sflag:s31] =	ssyncset.done $0x0  }
0x123: {  	s24 =	simm.s32 $0x13E30;
	[sflag:s31] =	ssyncadd.s32 $0xFFFFCE00  }
0x124: {  	[tilespmem:s20], [sflag:$0x3] =	stream.indirect.gather [hbm4b:s4+s15], $0x80, s24, s15, $0xb8;
	[tilespmem:$0x1EF50] =	vst v63  }
0x125: {  	_ =	swait.ge [sflag:s21], $0x3200  }
0x126: {  	[sflag:s21] =	ssyncset.done $0x0  }
0x127: {  	s3 =	simm.s32 $0x147F0;
	[sflag:s21] =	ssyncadd.s32 $0xFFFFCE00  }
0x128: {  	[spmem:s2] =	stream.indirect.scatter.add.f32 [tilespmem:s18], [sflag:$0x5], $0x80, s3, s15, $0xb8;
	[tilespmem:$0x1EF50] =	vst v63  }
0x129: {  	_ =	swait.ge [sflag:s23], $0x3200  }
0x12a: {  	[sflag:s23] =	ssyncset.done $0x0  }
0x12b: {  	s9 =	simm.s32 $0x13E98;
	[sflag:s23] =	ssyncadd.s32 $0xFFFFCE00  }
0x12c: {  	[tilespmem:s16], [sflag:$0x1] =	stream.indirect.gather [hbm4b:s4+s15], $0x80, s9, s15, $0xb8;
	[tilespmem:$0x1EF50] =	vst v63  }
0x12d: {  	_ =	swait.ge [sflag:s25], $0x3200  }
0x12e: {  	[sflag:s25] =	ssyncset.done $0x0  }
0x12f: {  	s22 =	simm.s32 $0x14858;
	[sflag:s25] =	ssyncadd.s32 $0xFFFFCE00  }
0x130: {  	[spmem:s2] =	stream.indirect.scatter.add.f32 [tilespmem:s20], [sflag:$0x6], $0x80, s22, s15, $0xb8;
	[tilespmem:$0x1EF50] =	vst v63  }
0x131: {  	_ =	swait.ge [sflag:s28], $0x3200  }
0x132: {  	[sflag:s28] =	ssyncset.done $0x0  }
0x133: {  	s24 =	simm.s32 $0x13F00;
	[sflag:s28] =	ssyncadd.s32 $0xFFFFCE00  }
0x134: {  	[tilespmem:s18], [sflag:$0x2] =	stream.indirect.gather [hbm4b:s4+s15], $0x80, s24, s15, $0xb8;
	[tilespmem:$0x1EF50] =	vst v63  }
0x135: {  	_ =	swait.ge [sflag:s11], $0x3200  }
0x136: {  	[sflag:s11] =	ssyncset.done $0x0  }
0x137: {  	s3 =	simm.s32 $0x148C0;
	[sflag:s11] =	ssyncadd.s32 $0xFFFFCE00  }
0x138: {  	[spmem:s2] =	stream.indirect.scatter.add.f32 [tilespmem:s16], [sflag:$0x4], $0x80, s3, s15, $0xb8;
	[tilespmem:$0x1EF50] =	vst v63  }
0x139: {  	_ =	swait.ge [sflag:s31], $0x3200  }
0x13a: {  	[sflag:s31] =	ssyncset.done $0x0  }
0x13b: {  	s9 =	simm.s32 $0x13F68;
	[sflag:s31] =	ssyncadd.s32 $0xFFFFCE00  }
0x13c: {  	[tilespmem:s20], [sflag:$0x3] =	stream.indirect.gather [hbm4b:s4+s15], $0x80, s9, s15, $0xb8;
	[tilespmem:$0x1EF50] =	vst v63  }
0x13d: {  	_ =	swait.ge [sflag:s21], $0x3200  }
0x13e: {  	[sflag:s21] =	ssyncset.done $0x0  }
0x13f: {  	s22 =	simm.s32 $0x14928;
	[sflag:s21] =	ssyncadd.s32 $0xFFFFCE00  }
0x140: {  	[spmem:s2] =	stream.indirect.scatter.add.f32 [tilespmem:s18], [sflag:$0x5], $0x80, s22, s15, $0xb8;
	[tilespmem:$0x1EF50] =	vst v63  }
0x141: {  	_ =	swait.ge [sflag:s23], $0x3200  }
0x142: {  	[sflag:s23] =	ssyncset.done $0x0  }
0x143: {  	s24 =	simm.s32 $0x13FD0;
	[sflag:s23] =	ssyncadd.s32 $0xFFFFCE00  }
0x144: {  	[tilespmem:s16], [sflag:$0x1] =	stream.indirect.gather [hbm4b:s4+s15], $0x80, s24, s15, $0xb8;
	[tilespmem:$0x1EF50] =	vst v63  }
0x145: {  	_ =	swait.ge [sflag:s25], $0x3200  }
0x146: {  	[sflag:s25] =	ssyncset.done $0x0  }
0x147: {  	s3 =	simm.s32 $0x14990;
	[sflag:s25] =	ssyncadd.s32 $0xFFFFCE00  }
0x148: {  	[spmem:s2] =	stream.indirect.scatter.add.f32 [tilespmem:s20], [sflag:$0x6], $0x80, s3, s15, $0xb8;
	[tilespmem:$0x1EF50] =	vst v63  }
0x149: {  	_ =	swait.ge [sflag:s28], $0x3200  }
0x14a: {  	[sflag:s28] =	ssyncset.done $0x0  }
0x14b: {  	s9 =	simm.s32 $0x14038;
	[sflag:s28] =	ssyncadd.s32 $0xFFFFCE00  }
0x14c: {  	[tilespmem:s18], [sflag:$0x2] =	stream.indirect.gather [hbm4b:s4+s15], $0x80, s9, s15, $0xb8;
	[tilespmem:$0x1EF50] =	vst v63  }
0x14d: {  	_ =	swait.ge [sflag:s11], $0x3200  }
0x14e: {  	[sflag:s11] =	ssyncset.done $0x0  }
0x14f: {  	s22 =	simm.s32 $0x149F8;
	[sflag:s11] =	ssyncadd.s32 $0xFFFFCE00  }
0x150: {  	[spmem:s2] =	stream.indirect.scatter.add.f32 [tilespmem:s16], [sflag:$0x4], $0x80, s22, s15, $0xb8;
	[tilespmem:$0x1EF50] =	vst v63  }
0x151: {  	_ =	swait.ge [sflag:s31], $0x3200  }
0x152: {  	[sflag:s31] =	ssyncset.done $0x0  }
0x153: {  	s24 =	simm.s32 $0x140A0;
	[sflag:s31] =	ssyncadd.s32 $0xFFFFCE00  }
0x154: {  	[tilespmem:s20], [sflag:$0x3] =	stream.indirect.gather [hbm4b:s4+s15], $0x80, s24, s15, $0xb8;
	[tilespmem:$0x1EF50] =	vst v63  }
0x155: {  	_ =	swait.ge [sflag:s21], $0x3200  }
0x156: {  	[sflag:s21] =	ssyncset.done $0x0  }
0x157: {  	s3 =	simm.s32 $0x14A60;
	[sflag:s21] =	ssyncadd.s32 $0xFFFFCE00  }
0x158: {  	[spmem:s2] =	stream.indirect.scatter.add.f32 [tilespmem:s18], [sflag:$0x5], $0x80, s3, s15, $0xb8;
	[tilespmem:$0x1EF50] =	vst v63  }
0x159: {  	_ =	swait.ge [sflag:s23], $0x3200  }
0x15a: {  	[sflag:s23] =	ssyncset.done $0x0  }
0x15b: {  	s9 =	simm.s32 $0x14108;
	[sflag:s23] =	ssyncadd.s32 $0xFFFFCE00  }
0x15c: {  	[tilespmem:s16], [sflag:$0x1] =	stream.indirect.gather [hbm4b:s4+s15], $0x80, s9, s15, $0xb8;
	[tilespmem:$0x1EF50] =	vst v63  }
0x15d: {  	_ =	swait.ge [sflag:s25], $0x3200  }
0x15e: {  	[sflag:s25] =	ssyncset.done $0x0  }
0x15f: {  	s22 =	simm.s32 $0x14AC8;
	[sflag:s25] =	ssyncadd.s32 $0xFFFFCE00  }
0x160: {  	[spmem:s2] =	stream.indirect.scatter.add.f32 [tilespmem:s20], [sflag:$0x6], $0x80, s22, s15, $0xb8;
	[tilespmem:$0x1EF50] =	vst v63  }
0x161: {  	_ =	swait.ge [sflag:s28], $0x3200  }
0x162: {  	[sflag:s28] =	ssyncset.done $0x0  }
0x163: {  	s24 =	simm.s32 $0x14170;
	[sflag:s28] =	ssyncadd.s32 $0xFFFFCE00  }
0x164: {  	[tilespmem:s18], [sflag:$0x2] =	stream.indirect.gather [hbm4b:s4+s15], $0x80, s24, s15, $0xb8;
	[tilespmem:$0x1EF50] =	vst v63  }
0x165: {  	_ =	swait.ge [sflag:s11], $0x3200  }
0x166: {  	[sflag:s11] =	ssyncset.done $0x0  }
0x167: {  	s3 =	simm.s32 $0x14B30;
	[sflag:s11] =	ssyncadd.s32 $0xFFFFCE00  }
0x168: {  	[spmem:s2] =	stream.indirect.scatter.add.f32 [tilespmem:s16], [sflag:$0x4], $0x80, s3, s15, $0xb8;
	[tilespmem:$0x1EF50] =	vst v63  }
0x169: {  	_ =	swait.ge [sflag:s31], $0x3200  }
0x16a: {  	[sflag:s31] =	ssyncset.done $0x0  }
0x16b: {  	s9 =	simm.s32 $0x141D8;
	[sflag:s31] =	ssyncadd.s32 $0xFFFFCE00  }
0x16c: {  	[tilespmem:s20], [sflag:$0x3] =	stream.indirect.gather [hbm4b:s4+s15], $0x80, s9, s15, $0xb8;
	[tilespmem:$0x1EF50] =	vst v63  }
0x16d: {  	_ =	swait.ge [sflag:s21], $0x3200  }
0x16e: {  	[sflag:s21] =	ssyncset.done $0x0  }
0x16f: {  	s22 =	simm.s32 $0x14B98;
	[sflag:s21] =	ssyncadd.s32 $0xFFFFCE00  }
0x170: {  	[spmem:s2] =	stream.indirect.scatter.add.f32 [tilespmem:s18], [sflag:$0x5], $0x80, s22, s15, $0xb8;
	[tilespmem:$0x1EF50] =	vst v63  }
0x171: {  	_ =	swait.ge [sflag:s23], $0x3200  }
0x172: {  	[sflag:s23] =	ssyncset.done $0x0  }
0x173: {  	s24 =	simm.s32 $0x14240;
	[sflag:s23] =	ssyncadd.s32 $0xFFFFCE00  }
0x174: {  	[tilespmem:s16], [sflag:$0x1] =	stream.indirect.gather [hbm4b:s4+s15], $0x80, s24, s15, $0xb8;
	[tilespmem:$0x1EF50] =	vst v63  }
0x175: {  	_ =	swait.ge [sflag:s25], $0x3200  }
0x176: {  	[sflag:s25] =	ssyncset.done $0x0  }
0x177: {  	s3 =	simm.s32 $0x14C00;
	[sflag:s25] =	ssyncadd.s32 $0xFFFFCE00  }
0x178: {  	[spmem:s2] =	stream.indirect.scatter.add.f32 [tilespmem:s20], [sflag:$0x6], $0x80, s3, s15, $0xb8;
	[tilespmem:$0x1EF50] =	vst v63  }
0x179: {  	_ =	swait.ge [sflag:s11], $0x3200  }
0x17a: {  	[sflag:s11] =	ssyncset.done $0x0  }
0x17b: {  	s9 =	simm.s32 $0x14C68;
	[sflag:s11] =	ssyncadd.s32 $0xFFFFCE00  }
0x17c: {  	[spmem:s2] =	stream.indirect.scatter.add.f32 [tilespmem:s16], [sflag:$0x4], $0x80, s9, s15, $0xb8;
	[tilespmem:$0x1EF50] =	vst v63  }
0x17d: {  	_ =	swait.ge [sflag:s28], $0x3200  }
0x17e: {  	[sflag:s28] =	ssyncset.done $0x0  }
0x17f: {  	[sflag:s28] =	ssyncadd.s32 $0xFFFFCE00  }
0x180: {  	_ =	swait.ge [sflag:s31], $0x3200  }
0x181: {  	[sflag:s31] =	ssyncset.done $0x0  }
0x182: {  	[sflag:s31] =	ssyncadd.s32 $0xFFFFCE00  }
0x183: {  	_ =	swait.ge [sflag:s23], $0x3200  }
0x184: {  	[sflag:s23] =	ssyncset.done $0x0  }
0x185: {  	s22 =	sadd.s32 $0x145, s6;
	[sflag:s23] =	ssyncadd.s32 $0xFFFFCE00  }
0x186: {  	[tilespmem:s14], [sflag:$0x7] =	stream.linear.gather [hbm4b:s22+s5], $0xA28, $0x38;
	[tilespmem:$0x1EF50] =	vst v63  }
0x187: {  	_ =	swait.ge [sflag:s13], $0xA28  }
0x188: {  	[sflag:s13] =	ssyncset.done $0x0  }
0x189: {  	s24 =	sadd.s32 $0x145, s12;
	[sflag:s13] =	ssyncadd.s32 $0xFFFFF5D8  }
0x18a: {  	[tilespmem:s0], [sflag:$0x7] =	stream.linear.gather [hbm4b:s24+s5], $0xA28, $0x38;
	[tilespmem:$0x1EF50] =	vst v63  }
0x18b: {  	_ =	swait.ge [sflag:s13], $0xA28  }
0x18c: {  	[sflag:s13] =	ssyncset.done $0x0  }
0x18d: {  	[sflag:s13] =	ssyncadd.s32 $0xFFFFF5D8  }
0x18e: {  	[tilespmem:s16], [sflag:$0x1] =	stream.indirect.gather [hbm4b:s4+s15], $0x80, s14, s15, $0xb8;
	[tilespmem:$0x1EF50] =	vst v63  }
0x18f: {  	s7 =	simm.s32 $0x138E8  }
0x190: {  	[tilespmem:s18], [sflag:$0x2] =	stream.indirect.gather [hbm4b:s4+s15], $0x80, s7, s15, $0xb8;
	[tilespmem:$0x1EF50] =	vst v63  }
0x191: {  	_ =	swait.ge [sflag:s11], $0x3200  }
0x192: {  	[sflag:s11] =	ssyncset.done $0x0  }
0x193: {  	[sflag:s11] =	ssyncadd.s32 $0xFFFFCE00  }
0x194: {  	[spmem:s2] =	stream.indirect.scatter.add.f32 [tilespmem:s16], [sflag:$0x4], $0x80, s0, s15, $0xb8;
	[tilespmem:$0x1EF50] =	vst v63  }
0x195: {  	s8 =	simm.s32 $0x13950  }
0x196: {  	[tilespmem:s20], [sflag:$0x3] =	stream.indirect.gather [hbm4b:s4+s15], $0x80, s8, s15, $0xb8;
	[tilespmem:$0x1EF50] =	vst v63  }
0x197: {  	_ =	swait.ge [sflag:s21], $0x3200  }
0x198: {  	[sflag:s21] =	ssyncset.done $0x0  }
0x199: {  	s9 =	simm.s32 $0x14310;
	[sflag:s21] =	ssyncadd.s32 $0xFFFFCE00  }
0x19a: {  	[spmem:s2] =	stream.indirect.scatter.add.f32 [tilespmem:s18], [sflag:$0x5], $0x80, s9, s15, $0xb8;
	[tilespmem:$0x1EF50] =	vst v63  }
0x19b: {  	_ =	swait.ge [sflag:s23], $0x3200  }
0x19c: {  	[sflag:s23] =	ssyncset.done $0x0  }
0x19d: {  	s22 =	simm.s32 $0x139B8;
	[sflag:s23] =	ssyncadd.s32 $0xFFFFCE00  }
0x19e: {  	[tilespmem:s16], [sflag:$0x1] =	stream.indirect.gather [hbm4b:s4+s15], $0x80, s22, s15, $0xb8;
	[tilespmem:$0x1EF50] =	vst v63  }
0x19f: {  	_ =	swait.ge [sflag:s25], $0x3200  }
0x1a0: {  	[sflag:s25] =	ssyncset.done $0x0  }
0x1a1: {  	s24 =	simm.s32 $0x14378;
	[sflag:s25] =	ssyncadd.s32 $0xFFFFCE00  }
0x1a2: {  	[spmem:s2] =	stream.indirect.scatter.add.f32 [tilespmem:s20], [sflag:$0x6], $0x80, s24, s15, $0xb8;
	[tilespmem:$0x1EF50] =	vst v63  }
0x1a3: {  	_ =	swait.ge [sflag:s28], $0x3200  }
0x1a4: {  	[sflag:s28] =	ssyncset.done $0x0  }
0x1a5: {  	s1 =	simm.s32 $0x13A20;
	[sflag:s28] =	ssyncadd.s32 $0xFFFFCE00  }
0x1a6: {  	[tilespmem:s18], [sflag:$0x2] =	stream.indirect.gather [hbm4b:s4+s15], $0x80, s1, s15, $0xb8;
	[tilespmem:$0x1EF50] =	vst v63  }
0x1a7: {  	_ =	swait.ge [sflag:s11], $0x3200  }
0x1a8: {  	[sflag:s11] =	ssyncset.done $0x0  }
0x1a9: {  	s1 =	simm.s32 $0x143E0;
	[sflag:s11] =	ssyncadd.s32 $0xFFFFCE00  }
0x1aa: {  	[spmem:s2] =	stream.indirect.scatter.add.f32 [tilespmem:s16], [sflag:$0x4], $0x80, s1, s15, $0xb8;
	[tilespmem:$0x1EF50] =	vst v63  }
0x1ab: {  	_ =	swait.ge [sflag:s31], $0x3200  }
0x1ac: {  	[sflag:s31] =	ssyncset.done $0x0  }
0x1ad: {  	s7 =	simm.s32 $0x13A88;
	[sflag:s31] =	ssyncadd.s32 $0xFFFFCE00  }
0x1ae: {  	[tilespmem:s20], [sflag:$0x3] =	stream.indirect.gather [hbm4b:s4+s15], $0x80, s7, s15, $0xb8;
	[tilespmem:$0x1EF50] =	vst v63  }
0x1af: {  	_ =	swait.ge [sflag:s21], $0x3200  }
0x1b0: {  	[sflag:s21] =	ssyncset.done $0x0  }
0x1b1: {  	s8 =	simm.s32 $0x14448;
	[sflag:s21] =	ssyncadd.s32 $0xFFFFCE00  }
0x1b2: {  	[spmem:s2] =	stream.indirect.scatter.add.f32 [tilespmem:s18], [sflag:$0x5], $0x80, s8, s15, $0xb8;
	[tilespmem:$0x1EF50] =	vst v63  }
0x1b3: {  	_ =	swait.ge [sflag:s23], $0x3200  }
0x1b4: {  	[sflag:s23] =	ssyncset.done $0x0  }
0x1b5: {  	s3 =	simm.s32 $0x13AF0;
	[sflag:s23] =	ssyncadd.s32 $0xFFFFCE00  }
0x1b6: {  	[tilespmem:s16], [sflag:$0x1] =	stream.indirect.gather [hbm4b:s4+s15], $0x80, s3, s15, $0xb8;
	[tilespmem:$0x1EF50] =	vst v63  }
0x1b7: {  	_ =	swait.ge [sflag:s25], $0x3200  }
0x1b8: {  	[sflag:s25] =	ssyncset.done $0x0  }
0x1b9: {  	s19 =	simm.s32 $0x144B0;
	[sflag:s25] =	ssyncadd.s32 $0xFFFFCE00  }
0x1ba: {  	[spmem:s2] =	stream.indirect.scatter.add.f32 [tilespmem:s20], [sflag:$0x6], $0x80, s19, s15, $0xb8;
	[tilespmem:$0x1EF50] =	vst v63  }
0x1bb: {  	_ =	swait.ge [sflag:s28], $0x3200  }
0x1bc: {  	[sflag:s28] =	ssyncset.done $0x0  }
0x1bd: {  	s19 =	simm.s32 $0x13B58;
	[sflag:s28] =	ssyncadd.s32 $0xFFFFCE00  }
0x1be: {  	[tilespmem:s18], [sflag:$0x2] =	stream.indirect.gather [hbm4b:s4+s15], $0x80, s19, s15, $0xb8;
	[tilespmem:$0x1EF50] =	vst v63  }
0x1bf: {  	_ =	swait.ge [sflag:s11], $0x3200  }
0x1c0: {  	[sflag:s11] =	ssyncset.done $0x0  }
0x1c1: {  	s19 =	simm.s32 $0x14518;
	[sflag:s11] =	ssyncadd.s32 $0xFFFFCE00  }
0x1c2: {  	[spmem:s2] =	stream.indirect.scatter.add.f32 [tilespmem:s16], [sflag:$0x4], $0x80, s19, s15, $0xb8;
	[tilespmem:$0x1EF50] =	vst v63  }
0x1c3: {  	_ =	swait.ge [sflag:s31], $0x3200  }
0x1c4: {  	[sflag:s31] =	ssyncset.done $0x0  }
0x1c5: {  	s19 =	simm.s32 $0x13BC0;
	[sflag:s31] =	ssyncadd.s32 $0xFFFFCE00  }
0x1c6: {  	[tilespmem:s20], [sflag:$0x3] =	stream.indirect.gather [hbm4b:s4+s15], $0x80, s19, s15, $0xb8;
	[tilespmem:$0x1EF50] =	vst v63  }
0x1c7: {  	_ =	swait.ge [sflag:s21], $0x3200  }
0x1c8: {  	[sflag:s21] =	ssyncset.done $0x0  }
0x1c9: {  	s19 =	simm.s32 $0x14580;
	[sflag:s21] =	ssyncadd.s32 $0xFFFFCE00  }
0x1ca: {  	[spmem:s2] =	stream.indirect.scatter.add.f32 [tilespmem:s18], [sflag:$0x5], $0x80, s19, s15, $0xb8;
	[tilespmem:$0x1EF50] =	vst v63  }
0x1cb: {  	_ =	swait.ge [sflag:s23], $0x3200  }
0x1cc: {  	[sflag:s23] =	ssyncset.done $0x0  }
0x1cd: {  	s19 =	simm.s32 $0x13C28;
	[sflag:s23] =	ssyncadd.s32 $0xFFFFCE00  }
0x1ce: {  	[tilespmem:s16], [sflag:$0x1] =	stream.indirect.gather [hbm4b:s4+s15], $0x80, s19, s15, $0xb8;
	[tilespmem:$0x1EF50] =	vst v63  }
0x1cf: {  	_ =	swait.ge [sflag:s25], $0x3200  }
0x1d0: {  	[sflag:s25] =	ssyncset.done $0x0  }
0x1d1: {  	s19 =	simm.s32 $0x145E8;
	[sflag:s25] =	ssyncadd.s32 $0xFFFFCE00  }
0x1d2: {  	[spmem:s2] =	stream.indirect.scatter.add.f32 [tilespmem:s20], [sflag:$0x6], $0x80, s19, s15, $0xb8;
	[tilespmem:$0x1EF50] =	vst v63  }
0x1d3: {  	_ =	swait.ge [sflag:s28], $0x3200  }
0x1d4: {  	[sflag:s28] =	ssyncset.done $0x0  }
0x1d5: {  	s26 =	simm.s32 $0x13C90;
	[sflag:s28] =	ssyncadd.s32 $0xFFFFCE00  }
0x1d6: {  	[tilespmem:s18], [sflag:$0x2] =	stream.indirect.gather [hbm4b:s4+s15], $0x80, s26, s15, $0xb8;
	[tilespmem:$0x1EF50] =	vst v63  }
0x1d7: {  	_ =	swait.ge [sflag:s11], $0x3200  }
0x1d8: {  	[sflag:s11] =	ssyncset.done $0x0  }
0x1d9: {  	s29 =	simm.s32 $0x14650;
	[sflag:s11] =	ssyncadd.s32 $0xFFFFCE00  }
0x1da: {  	[spmem:s2] =	stream.indirect.scatter.add.f32 [tilespmem:s16], [sflag:$0x4], $0x80, s29, s15, $0xb8;
	[tilespmem:$0x1EF50] =	vst v63  }
0x1db: {  	_ =	swait.ge [sflag:s31], $0x3200  }
0x1dc: {  	[sflag:s31] =	ssyncset.done $0x0  }
0x1dd: {  	s30 =	simm.s32 $0x13CF8;
	[sflag:s31] =	ssyncadd.s32 $0xFFFFCE00  }
0x1de: {  	[tilespmem:s20], [sflag:$0x3] =	stream.indirect.gather [hbm4b:s4+s15], $0x80, s30, s15, $0xb8;
	[tilespmem:$0x1EF50] =	vst v63  }
0x1df: {  	_ =	swait.ge [sflag:s21], $0x3200  }
0x1e0: {  	[sflag:s21] =	ssyncset.done $0x0  }
0x1e1: {  	s30 =	simm.s32 $0x146B8;
	[sflag:s21] =	ssyncadd.s32 $0xFFFFCE00  }
0x1e2: {  	[spmem:s2] =	stream.indirect.scatter.add.f32 [tilespmem:s18], [sflag:$0x5], $0x80, s30, s15, $0xb8;
	[tilespmem:$0x1EF50] =	vst v63  }
0x1e3: {  	_ =	swait.ge [sflag:s23], $0x3200  }
0x1e4: {  	[sflag:s23] =	ssyncset.done $0x0  }
0x1e5: {  	s26 =	simm.s32 $0x13D60;
	[sflag:s23] =	ssyncadd.s32 $0xFFFFCE00  }
0x1e6: {  	[tilespmem:s16], [sflag:$0x1] =	stream.indirect.gather [hbm4b:s4+s15], $0x80, s26, s15, $0xb8;
	[tilespmem:$0x1EF50] =	vst v63  }
0x1e7: {  	_ =	swait.ge [sflag:s25], $0x3200  }
0x1e8: {  	[sflag:s25] =	ssyncset.done $0x0  }
0x1e9: {  	s29 =	simm.s32 $0x14720;
	[sflag:s25] =	ssyncadd.s32 $0xFFFFCE00  }
0x1ea: {  	[spmem:s2] =	stream.indirect.scatter.add.f32 [tilespmem:s20], [sflag:$0x6], $0x80, s29, s15, $0xb8;
	[tilespmem:$0x1EF50] =	vst v63  }
0x1eb: {  	_ =	swait.ge [sflag:s28], $0x3200  }
0x1ec: {  	[sflag:s28] =	ssyncset.done $0x0  }
0x1ed: {  	s30 =	simm.s32 $0x13DC8;
	[sflag:s28] =	ssyncadd.s32 $0xFFFFCE00  }
0x1ee: {  	[tilespmem:s18], [sflag:$0x2] =	stream.indirect.gather [hbm4b:s4+s15], $0x80, s30, s15, $0xb8;
	[tilespmem:$0x1EF50] =	vst v63  }
0x1ef: {  	_ =	swait.ge [sflag:s11], $0x3200  }
0x1f0: {  	[sflag:s11] =	ssyncset.done $0x0  }
0x1f1: {  	s26 =	simm.s32 $0x14788;
	[sflag:s11] =	ssyncadd.s32 $0xFFFFCE00  }
0x1f2: {  	[spmem:s2] =	stream.indirect.scatter.add.f32 [tilespmem:s16], [sflag:$0x4], $0x80, s26, s15, $0xb8;
	[tilespmem:$0x1EF50] =	vst v63  }
0x1f3: {  	_ =	swait.ge [sflag:s31], $0x3200  }
0x1f4: {  	[sflag:s31] =	ssyncset.done $0x0  }
0x1f5: {  	s29 =	simm.s32 $0x13E30;
	[sflag:s31] =	ssyncadd.s32 $0xFFFFCE00  }
0x1f6: {  	[tilespmem:s20], [sflag:$0x3] =	stream.indirect.gather [hbm4b:s4+s15], $0x80, s29, s15, $0xb8;
	[tilespmem:$0x1EF50] =	vst v63  }
0x1f7: {  	_ =	swait.ge [sflag:s21], $0x3200  }
0x1f8: {  	[sflag:s21] =	ssyncset.done $0x0  }
0x1f9: {  	s30 =	simm.s32 $0x147F0;
	[sflag:s21] =	ssyncadd.s32 $0xFFFFCE00  }
0x1fa: {  	[spmem:s2] =	stream.indirect.scatter.add.f32 [tilespmem:s18], [sflag:$0x5], $0x80, s30, s15, $0xb8;
	[tilespmem:$0x1EF50] =	vst v63  }
0x1fb: {  	_ =	swait.ge [sflag:s23], $0x3200  }
0x1fc: {  	[sflag:s23] =	ssyncset.done $0x0  }
0x1fd: {  	s26 =	simm.s32 $0x13E98;
	[sflag:s23] =	ssyncadd.s32 $0xFFFFCE00  }
0x1fe: {  	[tilespmem:s16], [sflag:$0x1] =	stream.indirect.gather [hbm4b:s4+s15], $0x80, s26, s15, $0xb8;
	[tilespmem:$0x1EF50] =	vst v63  }
0x1ff: {  	_ =	swait.ge [sflag:s25], $0x3200  }
0x200: {  	[sflag:s25] =	ssyncset.done $0x0  }
0x201: {  	s29 =	simm.s32 $0x14858;
	[sflag:s25] =	ssyncadd.s32 $0xFFFFCE00  }
0x202: {  	[spmem:s2] =	stream.indirect.scatter.add.f32 [tilespmem:s20], [sflag:$0x6], $0x80, s29, s15, $0xb8;
	[tilespmem:$0x1EF50] =	vst v63  }
0x203: {  	_ =	swait.ge [sflag:s28], $0x3200  }
0x204: {  	[sflag:s28] =	ssyncset.done $0x0  }
0x205: {  	s30 =	simm.s32 $0x13F00;
	[sflag:s28] =	ssyncadd.s32 $0xFFFFCE00  }
0x206: {  	[tilespmem:s18], [sflag:$0x2] =	stream.indirect.gather [hbm4b:s4+s15], $0x80, s30, s15, $0xb8;
	[tilespmem:$0x1EF50] =	vst v63  }
0x207: {  	_ =	swait.ge [sflag:s11], $0x3200  }
0x208: {  	[sflag:s11] =	ssyncset.done $0x0  }
0x209: {  	s26 =	simm.s32 $0x148C0;
	[sflag:s11] =	ssyncadd.s32 $0xFFFFCE00  }
0x20a: {  	[spmem:s2] =	stream.indirect.scatter.add.f32 [tilespmem:s16], [sflag:$0x4], $0x80, s26, s15, $0xb8;
	[tilespmem:$0x1EF50] =	vst v63  }
0x20b: {  	_ =	swait.ge [sflag:s31], $0x3200  }
0x20c: {  	[sflag:s31] =	ssyncset.done $0x0  }
0x20d: {  	s29 =	simm.s32 $0x13F68;
	[sflag:s31] =	ssyncadd.s32 $0xFFFFCE00  }
0x20e: {  	[tilespmem:s20], [sflag:$0x3] =	stream.indirect.gather [hbm4b:s4+s15], $0x80, s29, s15, $0xb8;
	[tilespmem:$0x1EF50] =	vst v63  }
0x20f: {  	_ =	swait.ge [sflag:s21], $0x3200  }
0x210: {  	[sflag:s21] =	ssyncset.done $0x0  }
0x211: {  	s30 =	simm.s32 $0x14928;
	[sflag:s21] =	ssyncadd.s32 $0xFFFFCE00  }
0x212: {  	[spmem:s2] =	stream.indirect.scatter.add.f32 [tilespmem:s18], [sflag:$0x5], $0x80, s30, s15, $0xb8;
	[tilespmem:$0x1EF50] =	vst v63  }
0x213: {  	_ =	swait.ge [sflag:s23], $0x3200  }
0x214: {  	[sflag:s23] =	ssyncset.done $0x0  }
0x215: {  	s26 =	simm.s32 $0x13FD0;
	[sflag:s23] =	ssyncadd.s32 $0xFFFFCE00  }
0x216: {  	[tilespmem:s16], [sflag:$0x1] =	stream.indirect.gather [hbm4b:s4+s15], $0x80, s26, s15, $0xb8;
	[tilespmem:$0x1EF50] =	vst v63  }
0x217: {  	_ =	swait.ge [sflag:s25], $0x3200  }
0x218: {  	[sflag:s25] =	ssyncset.done $0x0  }
0x219: {  	s29 =	simm.s32 $0x14990;
	[sflag:s25] =	ssyncadd.s32 $0xFFFFCE00  }
0x21a: {  	[spmem:s2] =	stream.indirect.scatter.add.f32 [tilespmem:s20], [sflag:$0x6], $0x80, s29, s15, $0xb8;
	[tilespmem:$0x1EF50] =	vst v63  }
0x21b: {  	_ =	swait.ge [sflag:s28], $0x3200  }
0x21c: {  	[sflag:s28] =	ssyncset.done $0x0  }
0x21d: {  	s30 =	simm.s32 $0x14038;
	[sflag:s28] =	ssyncadd.s32 $0xFFFFCE00  }
0x21e: {  	[tilespmem:s18], [sflag:$0x2] =	stream.indirect.gather [hbm4b:s4+s15], $0x80, s30, s15, $0xb8;
	[tilespmem:$0x1EF50] =	vst v63  }
0x21f: {  	_ =	swait.ge [sflag:s11], $0x3200  }
0x220: {  	[sflag:s11] =	ssyncset.done $0x0  }
0x221: {  	s26 =	simm.s32 $0x149F8;
	[sflag:s11] =	ssyncadd.s32 $0xFFFFCE00  }
0x222: {  	[spmem:s2] =	stream.indirect.scatter.add.f32 [tilespmem:s16], [sflag:$0x4], $0x80, s26, s15, $0xb8;
	[tilespmem:$0x1EF50] =	vst v63  }
0x223: {  	_ =	swait.ge [sflag:s31], $0x3200  }
0x224: {  	[sflag:s31] =	ssyncset.done $0x0  }
0x225: {  	s29 =	simm.s32 $0x140A0;
	[sflag:s31] =	ssyncadd.s32 $0xFFFFCE00  }
0x226: {  	[tilespmem:s20], [sflag:$0x3] =	stream.indirect.gather [hbm4b:s4+s15], $0x80, s29, s15, $0xb8;
	[tilespmem:$0x1EF50] =	vst v63  }
0x227: {  	_ =	swait.ge [sflag:s21], $0x3200  }
0x228: {  	[sflag:s21] =	ssyncset.done $0x0  }
0x229: {  	s30 =	simm.s32 $0x14A60;
	[sflag:s21] =	ssyncadd.s32 $0xFFFFCE00  }
0x22a: {  	[spmem:s2] =	stream.indirect.scatter.add.f32 [tilespmem:s18], [sflag:$0x5], $0x80, s30, s15, $0xb8;
	[tilespmem:$0x1EF50] =	vst v63  }
0x22b: {  	_ =	swait.ge [sflag:s23], $0x3200  }
0x22c: {  	[sflag:s23] =	ssyncset.done $0x0  }
0x22d: {  	s26 =	simm.s32 $0x14108;
	[sflag:s23] =	ssyncadd.s32 $0xFFFFCE00  }
0x22e: {  	[tilespmem:s16], [sflag:$0x1] =	stream.indirect.gather [hbm4b:s4+s15], $0x80, s26, s15, $0xb8;
	[tilespmem:$0x1EF50] =	vst v63  }
0x22f: {  	_ =	swait.ge [sflag:s25], $0x3200  }
0x230: {  	[sflag:s25] =	ssyncset.done $0x0  }
0x231: {  	s29 =	simm.s32 $0x14AC8;
	[sflag:s25] =	ssyncadd.s32 $0xFFFFCE00  }
0x232: {  	[spmem:s2] =	stream.indirect.scatter.add.f32 [tilespmem:s20], [sflag:$0x6], $0x80, s29, s15, $0xb8;
	[tilespmem:$0x1EF50] =	vst v63  }
0x233: {  	_ =	swait.ge [sflag:s28], $0x3200  }
0x234: {  	[sflag:s28] =	ssyncset.done $0x0  }
0x235: {  	s30 =	simm.s32 $0x14170;
	[sflag:s28] =	ssyncadd.s32 $0xFFFFCE00  }
0x236: {  	[tilespmem:s18], [sflag:$0x2] =	stream.indirect.gather [hbm4b:s4+s15], $0x80, s30, s15, $0xb8;
	[tilespmem:$0x1EF50] =	vst v63  }
0x237: {  	_ =	swait.ge [sflag:s11], $0x3200  }
0x238: {  	[sflag:s11] =	ssyncset.done $0x0  }
0x239: {  	s26 =	simm.s32 $0x14B30;
	[sflag:s11] =	ssyncadd.s32 $0xFFFFCE00  }
0x23a: {  	[spmem:s2] =	stream.indirect.scatter.add.f32 [tilespmem:s16], [sflag:$0x4], $0x80, s26, s15, $0xb8;
	[tilespmem:$0x1EF50] =	vst v63  }
0x23b: {  	_ =	swait.ge [sflag:s31], $0x3200  }
0x23c: {  	[sflag:s31] =	ssyncset.done $0x0  }
0x23d: {  	s29 =	simm.s32 $0x141D8;
	[sflag:s31] =	ssyncadd.s32 $0xFFFFCE00  }
0x23e: {  	[tilespmem:s20], [sflag:$0x3] =	stream.indirect.gather [hbm4b:s4+s15], $0x80, s29, s15, $0xb8;
	[tilespmem:$0x1EF50] =	vst v63  }
0x23f: {  	_ =	swait.ge [sflag:s21], $0x3200  }
0x240: {  	[sflag:s21] =	ssyncset.done $0x0  }
0x241: {  	s30 =	simm.s32 $0x14B98;
	[sflag:s21] =	ssyncadd.s32 $0xFFFFCE00  }
0x242: {  	[spmem:s2] =	stream.indirect.scatter.add.f32 [tilespmem:s18], [sflag:$0x5], $0x80, s30, s15, $0xb8;
	[tilespmem:$0x1EF50] =	vst v63  }
0x243: {  	_ =	swait.ge [sflag:s23], $0x3200  }
0x244: {  	[sflag:s23] =	ssyncset.done $0x0  }
0x245: {  	s26 =	simm.s32 $0x14240;
	[sflag:s23] =	ssyncadd.s32 $0xFFFFCE00  }
0x246: {  	[tilespmem:s16], [sflag:$0x1] =	stream.indirect.gather [hbm4b:s4+s15], $0x80, s26, s15, $0xb8;
	[tilespmem:$0x1EF50] =	vst v63  }
0x247: {  	_ =	swait.ge [sflag:s25], $0x3200  }
0x248: {  	[sflag:s25] =	ssyncset.done $0x0  }
0x249: {  	s29 =	simm.s32 $0x14C00;
	[sflag:s25] =	ssyncadd.s32 $0xFFFFCE00  }
0x24a: {  	[spmem:s2] =	stream.indirect.scatter.add.f32 [tilespmem:s20], [sflag:$0x6], $0x80, s29, s15, $0xb8;
	[tilespmem:$0x1EF50] =	vst v63  }
0x24b: {  	_ =	swait.ge [sflag:s11], $0x3200  }
0x24c: {  	[sflag:s11] =	ssyncset.done $0x0  }
0x24d: {  	s30 =	simm.s32 $0x14C68;
	[sflag:s11] =	ssyncadd.s32 $0xFFFFCE00  }
0x24e: {  	[spmem:s2] =	stream.indirect.scatter.add.f32 [tilespmem:s16], [sflag:$0x4], $0x80, s30, s15, $0xb8;
	[tilespmem:$0x1EF50] =	vst v63  }
0x24f: {  	_ =	swait.ge [sflag:s28], $0x3200  }
0x250: {  	[sflag:s28] =	ssyncset.done $0x0  }
0x251: {  	[sflag:s28] =	ssyncadd.s32 $0xFFFFCE00  }
0x252: {  	_ =	swait.ge [sflag:s31], $0x3200  }
0x253: {  	[sflag:s31] =	ssyncset.done $0x0  }
0x254: {  	[sflag:s31] =	ssyncadd.s32 $0xFFFFCE00  }
0x255: {  	_ =	swait.ge [sflag:s23], $0x3200  }
0x256: {  	[sflag:s23] =	ssyncset.done $0x0  }
0x257: {  	s26 =	sadd.s32 $0x28A, s6;
	[sflag:s23] =	ssyncadd.s32 $0xFFFFCE00  }
0x258: {  	[tilespmem:s14], [sflag:$0x7] =	stream.linear.gather [hbm4b:s26+s5], $0xA28, $0x38;
	[tilespmem:$0x1EF50] =	vst v63  }
0x259: {  	_ =	swait.ge [sflag:s13], $0xA28  }
0x25a: {  	[sflag:s13] =	ssyncset.done $0x0  }
0x25b: {  	s29 =	sadd.s32 $0x28A, s12;
	[sflag:s13] =	ssyncadd.s32 $0xFFFFF5D8  }
0x25c: {  	[tilespmem:s0], [sflag:$0x7] =	stream.linear.gather [hbm4b:s29+s5], $0xA28, $0x38;
	[tilespmem:$0x1EF50] =	vst v63  }
0x25d: {  	_ =	swait.ge [sflag:s13], $0xA28  }
0x25e: {  	[sflag:s13] =	ssyncset.done $0x0  }
0x25f: {  	[sflag:s13] =	ssyncadd.s32 $0xFFFFF5D8  }
0x260: {  	[tilespmem:s16], [sflag:$0x1] =	stream.indirect.gather [hbm4b:s4+s15], $0x80, s14, s15, $0xb8;
	[tilespmem:$0x1EF50] =	vst v63  }
0x261: {  	s30 =	simm.s32 $0x138E8  }
0x262: {  	[tilespmem:s18], [sflag:$0x2] =	stream.indirect.gather [hbm4b:s4+s15], $0x80, s30, s15, $0xb8;
	[tilespmem:$0x1EF50] =	vst v63  }
0x263: {  	_ =	swait.ge [sflag:s11], $0x3200  }
0x264: {  	[sflag:s11] =	ssyncset.done $0x0  }
0x265: {  	[sflag:s11] =	ssyncadd.s32 $0xFFFFCE00  }
0x266: {  	[spmem:s2] =	stream.indirect.scatter.add.f32 [tilespmem:s16], [sflag:$0x4], $0x80, s0, s15, $0xb8;
	[tilespmem:$0x1EF50] =	vst v63  }
0x267: {  	s26 =	simm.s32 $0x13950  }
0x268: {  	[tilespmem:s20], [sflag:$0x3] =	stream.indirect.gather [hbm4b:s4+s15], $0x80, s26, s15, $0xb8;
	[tilespmem:$0x1EF50] =	vst v63  }
0x269: {  	_ =	swait.ge [sflag:s21], $0x3200  }
0x26a: {  	[sflag:s21] =	ssyncset.done $0x0  }
0x26b: {  	[sflag:s21] =	ssyncadd.s32 $0xFFFFCE00  }
0x26c: {  	[spmem:s2] =	stream.indirect.scatter.add.f32 [tilespmem:s18], [sflag:$0x5], $0x80, s9, s15, $0xb8;
	[tilespmem:$0x1EF50] =	vst v63  }
0x26d: {  	_ =	swait.ge [sflag:s23], $0x3200  }
0x26e: {  	[sflag:s23] =	ssyncset.done $0x0  }
0x26f: {  	[sflag:s23] =	ssyncadd.s32 $0xFFFFCE00  }
0x270: {  	[tilespmem:s16], [sflag:$0x1] =	stream.indirect.gather [hbm4b:s4+s15], $0x80, s22, s15, $0xb8;
	[tilespmem:$0x1EF50] =	vst v63  }
0x271: {  	_ =	swait.ge [sflag:s25], $0x3200  }
0x272: {  	[sflag:s25] =	ssyncset.done $0x0  }
0x273: {  	[sflag:s25] =	ssyncadd.s32 $0xFFFFCE00  }
0x274: {  	[spmem:s2] =	stream.indirect.scatter.add.f32 [tilespmem:s20], [sflag:$0x6], $0x80, s24, s15, $0xb8;
	[tilespmem:$0x1EF50] =	vst v63  }
0x275: {  	_ =	swait.ge [sflag:s28], $0x3200  }
0x276: {  	[sflag:s28] =	ssyncset.done $0x0  }
0x277: {  	s29 =	simm.s32 $0x13A20;
	[sflag:s28] =	ssyncadd.s32 $0xFFFFCE00  }
0x278: {  	[tilespmem:s18], [sflag:$0x2] =	stream.indirect.gather [hbm4b:s4+s15], $0x80, s29, s15, $0xb8;
	[tilespmem:$0x1EF50] =	vst v63  }
0x279: {  	_ =	swait.ge [sflag:s11], $0x3200  }
0x27a: {  	[sflag:s11] =	ssyncset.done $0x0  }
0x27b: {  	[sflag:s11] =	ssyncadd.s32 $0xFFFFCE00  }
0x27c: {  	[spmem:s2] =	stream.indirect.scatter.add.f32 [tilespmem:s16], [sflag:$0x4], $0x80, s1, s15, $0xb8;
	[tilespmem:$0x1EF50] =	vst v63  }
0x27d: {  	_ =	swait.ge [sflag:s31], $0x3200  }
0x27e: {  	[sflag:s31] =	ssyncset.done $0x0  }
0x27f: {  	[sflag:s31] =	ssyncadd.s32 $0xFFFFCE00  }
0x280: {  	[tilespmem:s20], [sflag:$0x3] =	stream.indirect.gather [hbm4b:s4+s15], $0x80, s7, s15, $0xb8;
	[tilespmem:$0x1EF50] =	vst v63  }
0x281: {  	_ =	swait.ge [sflag:s21], $0x3200  }
0x282: {  	[sflag:s21] =	ssyncset.done $0x0  }
0x283: {  	[sflag:s21] =	ssyncadd.s32 $0xFFFFCE00  }
0x284: {  	[spmem:s2] =	stream.indirect.scatter.add.f32 [tilespmem:s18], [sflag:$0x5], $0x80, s8, s15, $0xb8;
	[tilespmem:$0x1EF50] =	vst v63  }
0x285: {  	_ =	swait.ge [sflag:s23], $0x3200  }
0x286: {  	[sflag:s23] =	ssyncset.done $0x0  }
0x287: {  	[sflag:s23] =	ssyncadd.s32 $0xFFFFCE00  }
0x288: {  	[tilespmem:s16], [sflag:$0x1] =	stream.indirect.gather [hbm4b:s4+s15], $0x80, s3, s15, $0xb8;
	[tilespmem:$0x1EF50] =	vst v63  }
0x289: {  	_ =	swait.ge [sflag:s25], $0x3200  }
0x28a: {  	[sflag:s25] =	ssyncset.done $0x0  }
0x28b: {  	s30 =	simm.s32 $0x144B0;
	[sflag:s25] =	ssyncadd.s32 $0xFFFFCE00  }
0x28c: {  	[spmem:s2] =	stream.indirect.scatter.add.f32 [tilespmem:s20], [sflag:$0x6], $0x80, s30, s15, $0xb8;
	[tilespmem:$0x1EF50] =	vst v63  }
0x28d: {  	_ =	swait.ge [sflag:s28], $0x3200  }
0x28e: {  	[sflag:s28] =	ssyncset.done $0x0  }
0x28f: {  	s29 =	simm.s32 $0x13B58;
	[sflag:s28] =	ssyncadd.s32 $0xFFFFCE00  }
0x290: {  	[tilespmem:s18], [sflag:$0x2] =	stream.indirect.gather [hbm4b:s4+s15], $0x80, s29, s15, $0xb8;
	[tilespmem:$0x1EF50] =	vst v63  }
0x291: {  	_ =	swait.ge [sflag:s11], $0x3200  }
0x292: {  	[sflag:s11] =	ssyncset.done $0x0  }
0x293: {  	s30 =	simm.s32 $0x14518;
	[sflag:s11] =	ssyncadd.s32 $0xFFFFCE00  }
0x294: {  	[spmem:s2] =	stream.indirect.scatter.add.f32 [tilespmem:s16], [sflag:$0x4], $0x80, s30, s15, $0xb8;
	[tilespmem:$0x1EF50] =	vst v63  }
0x295: {  	_ =	swait.ge [sflag:s31], $0x3200  }
0x296: {  	[sflag:s31] =	ssyncset.done $0x0  }
0x297: {  	s19 =	simm.s32 $0x13BC0;
	[sflag:s31] =	ssyncadd.s32 $0xFFFFCE00  }
0x298: {  	[tilespmem:s20], [sflag:$0x3] =	stream.indirect.gather [hbm4b:s4+s15], $0x80, s19, s15, $0xb8;
	[tilespmem:$0x1EF50] =	vst v63  }
0x299: {  	_ =	swait.ge [sflag:s21], $0x3200  }
0x29a: {  	[sflag:s21] =	ssyncset.done $0x0  }
0x29b: {  	s19 =	simm.s32 $0x14580;
	[sflag:s21] =	ssyncadd.s32 $0xFFFFCE00  }
0x29c: {  	[spmem:s2] =	stream.indirect.scatter.add.f32 [tilespmem:s18], [sflag:$0x5], $0x80, s19, s15, $0xb8;
	[tilespmem:$0x1EF50] =	vst v63  }
0x29d: {  	_ =	swait.ge [sflag:s23], $0x3200  }
0x29e: {  	[sflag:s23] =	ssyncset.done $0x0  }
0x29f: {  	s19 =	simm.s32 $0x13C28;
	[sflag:s23] =	ssyncadd.s32 $0xFFFFCE00  }
0x2a0: {  	[tilespmem:s16], [sflag:$0x1] =	stream.indirect.gather [hbm4b:s4+s15], $0x80, s19, s15, $0xb8;
	[tilespmem:$0x1EF50] =	vst v63  }
0x2a1: {  	_ =	swait.ge [sflag:s25], $0x3200  }
0x2a2: {  	[sflag:s25] =	ssyncset.done $0x0  }
0x2a3: {  	s19 =	simm.s32 $0x145E8;
	[sflag:s25] =	ssyncadd.s32 $0xFFFFCE00  }
0x2a4: {  	[spmem:s2] =	stream.indirect.scatter.add.f32 [tilespmem:s20], [sflag:$0x6], $0x80, s19, s15, $0xb8;
	[tilespmem:$0x1EF50] =	vst v63  }
0x2a5: {  	_ =	swait.ge [sflag:s28], $0x3200  }
0x2a6: {  	[sflag:s28] =	ssyncset.done $0x0  }
0x2a7: {  	s19 =	simm.s32 $0x13C90;
	[sflag:s28] =	ssyncadd.s32 $0xFFFFCE00  }
0x2a8: {  	[tilespmem:s18], [sflag:$0x2] =	stream.indirect.gather [hbm4b:s4+s15], $0x80, s19, s15, $0xb8;
	[tilespmem:$0x1EF50] =	vst v63  }
0x2a9: {  	_ =	swait.ge [sflag:s11], $0x3200  }
0x2aa: {  	[sflag:s11] =	ssyncset.done $0x0  }
0x2ab: {  	s19 =	simm.s32 $0x14650;
	[sflag:s11] =	ssyncadd.s32 $0xFFFFCE00  }
0x2ac: {  	[spmem:s2] =	stream.indirect.scatter.add.f32 [tilespmem:s16], [sflag:$0x4], $0x80, s19, s15, $0xb8;
	[tilespmem:$0x1EF50] =	vst v63  }
0x2ad: {  	_ =	swait.ge [sflag:s31], $0x3200  }
0x2ae: {  	[sflag:s31] =	ssyncset.done $0x0  }
0x2af: {  	s19 =	simm.s32 $0x13CF8;
	[sflag:s31] =	ssyncadd.s32 $0xFFFFCE00  }
0x2b0: {  	[tilespmem:s20], [sflag:$0x3] =	stream.indirect.gather [hbm4b:s4+s15], $0x80, s19, s15, $0xb8;
	[tilespmem:$0x1EF50] =	vst v63  }
0x2b1: {  	_ =	swait.ge [sflag:s21], $0x3200  }
0x2b2: {  	[sflag:s21] =	ssyncset.done $0x0  }
0x2b3: {  	s19 =	simm.s32 $0x146B8;
	[sflag:s21] =	ssyncadd.s32 $0xFFFFCE00  }
0x2b4: {  	[spmem:s2] =	stream.indirect.scatter.add.f32 [tilespmem:s18], [sflag:$0x5], $0x80, s19, s15, $0xb8;
	[tilespmem:$0x1EF50] =	vst v63  }
0x2b5: {  	_ =	swait.ge [sflag:s23], $0x3200  }
0x2b6: {  	[sflag:s23] =	ssyncset.done $0x0  }
0x2b7: {  	s19 =	simm.s32 $0x13D60;
	[sflag:s23] =	ssyncadd.s32 $0xFFFFCE00  }
0x2b8: {  	[tilespmem:s16], [sflag:$0x1] =	stream.indirect.gather [hbm4b:s4+s15], $0x80, s19, s15, $0xb8;
	[tilespmem:$0x1EF50] =	vst v63  }
0x2b9: {  	_ =	swait.ge [sflag:s25], $0x3200  }
0x2ba: {  	[sflag:s25] =	ssyncset.done $0x0  }
0x2bb: {  	s19 =	simm.s32 $0x14720;
	[sflag:s25] =	ssyncadd.s32 $0xFFFFCE00  }
0x2bc: {  	[spmem:s2] =	stream.indirect.scatter.add.f32 [tilespmem:s20], [sflag:$0x6], $0x80, s19, s15, $0xb8;
	[tilespmem:$0x1EF50] =	vst v63  }
0x2bd: {  	_ =	swait.ge [sflag:s28], $0x3200  }
0x2be: {  	[sflag:s28] =	ssyncset.done $0x0  }
0x2bf: {  	s19 =	simm.s32 $0x13DC8;
	[sflag:s28] =	ssyncadd.s32 $0xFFFFCE00  }
0x2c0: {  	[tilespmem:s18], [sflag:$0x2] =	stream.indirect.gather [hbm4b:s4+s15], $0x80, s19, s15, $0xb8;
	[tilespmem:$0x1EF50] =	vst v63  }
0x2c1: {  	_ =	swait.ge [sflag:s11], $0x3200  }
0x2c2: {  	[sflag:s11] =	ssyncset.done $0x0  }
0x2c3: {  	s19 =	simm.s32 $0x14788;
	[sflag:s11] =	ssyncadd.s32 $0xFFFFCE00  }
0x2c4: {  	[spmem:s2] =	stream.indirect.scatter.add.f32 [tilespmem:s16], [sflag:$0x4], $0x80, s19, s15, $0xb8;
	[tilespmem:$0x1EF50] =	vst v63  }
0x2c5: {  	_ =	swait.ge [sflag:s31], $0x3200  }
0x2c6: {  	[sflag:s31] =	ssyncset.done $0x0  }
0x2c7: {  	s19 =	simm.s32 $0x13E30;
	[sflag:s31] =	ssyncadd.s32 $0xFFFFCE00  }
0x2c8: {  	[tilespmem:s20], [sflag:$0x3] =	stream.indirect.gather [hbm4b:s4+s15], $0x80, s19, s15, $0xb8;
	[tilespmem:$0x1EF50] =	vst v63  }
0x2c9: {  	_ =	swait.ge [sflag:s21], $0x3200  }
0x2ca: {  	[sflag:s21] =	ssyncset.done $0x0  }
0x2cb: {  	s19 =	simm.s32 $0x147F0;
	[sflag:s21] =	ssyncadd.s32 $0xFFFFCE00  }
0x2cc: {  	[spmem:s2] =	stream.indirect.scatter.add.f32 [tilespmem:s18], [sflag:$0x5], $0x80, s19, s15, $0xb8;
	[tilespmem:$0x1EF50] =	vst v63  }
0x2cd: {  	_ =	swait.ge [sflag:s23], $0x3200  }
0x2ce: {  	[sflag:s23] =	ssyncset.done $0x0  }
0x2cf: {  	s19 =	simm.s32 $0x13E98;
	[sflag:s23] =	ssyncadd.s32 $0xFFFFCE00  }
0x2d0: {  	[tilespmem:s16], [sflag:$0x1] =	stream.indirect.gather [hbm4b:s4+s15], $0x80, s19, s15, $0xb8;
	[tilespmem:$0x1EF50] =	vst v63  }
0x2d1: {  	_ =	swait.ge [sflag:s25], $0x3200  }
0x2d2: {  	[sflag:s25] =	ssyncset.done $0x0  }
0x2d3: {  	s19 =	simm.s32 $0x14858;
	[sflag:s25] =	ssyncadd.s32 $0xFFFFCE00  }
0x2d4: {  	[spmem:s2] =	stream.indirect.scatter.add.f32 [tilespmem:s20], [sflag:$0x6], $0x80, s19, s15, $0xb8;
	[tilespmem:$0x1EF50] =	vst v63  }
0x2d5: {  	_ =	swait.ge [sflag:s28], $0x3200  }
0x2d6: {  	[sflag:s28] =	ssyncset.done $0x0  }
0x2d7: {  	s19 =	simm.s32 $0x13F00;
	[sflag:s28] =	ssyncadd.s32 $0xFFFFCE00  }
0x2d8: {  	[tilespmem:s18], [sflag:$0x2] =	stream.indirect.gather [hbm4b:s4+s15], $0x80, s19, s15, $0xb8;
	[tilespmem:$0x1EF50] =	vst v63  }
0x2d9: {  	_ =	swait.ge [sflag:s11], $0x3200  }
0x2da: {  	[sflag:s11] =	ssyncset.done $0x0  }
0x2db: {  	s19 =	simm.s32 $0x148C0;
	[sflag:s11] =	ssyncadd.s32 $0xFFFFCE00  }
0x2dc: {  	[spmem:s2] =	stream.indirect.scatter.add.f32 [tilespmem:s16], [sflag:$0x4], $0x80, s19, s15, $0xb8;
	[tilespmem:$0x1EF50] =	vst v63  }
0x2dd: {  	_ =	swait.ge [sflag:s31], $0x3200  }
0x2de: {  	[sflag:s31] =	ssyncset.done $0x0  }
0x2df: {  	s19 =	simm.s32 $0x13F68;
	[sflag:s31] =	ssyncadd.s32 $0xFFFFCE00  }
0x2e0: {  	[tilespmem:s20], [sflag:$0x3] =	stream.indirect.gather [hbm4b:s4+s15], $0x80, s19, s15, $0xb8;
	[tilespmem:$0x1EF50] =	vst v63  }
0x2e1: {  	_ =	swait.ge [sflag:s21], $0x3200  }
0x2e2: {  	[sflag:s21] =	ssyncset.done $0x0  }
0x2e3: {  	s19 =	simm.s32 $0x14928;
	[sflag:s21] =	ssyncadd.s32 $0xFFFFCE00  }
0x2e4: {  	[spmem:s2] =	stream.indirect.scatter.add.f32 [tilespmem:s18], [sflag:$0x5], $0x80, s19, s15, $0xb8;
	[tilespmem:$0x1EF50] =	vst v63  }
0x2e5: {  	_ =	swait.ge [sflag:s23], $0x3200  }
0x2e6: {  	[sflag:s23] =	ssyncset.done $0x0  }
0x2e7: {  	s19 =	simm.s32 $0x13FD0;
	[sflag:s23] =	ssyncadd.s32 $0xFFFFCE00  }
0x2e8: {  	[tilespmem:s16], [sflag:$0x1] =	stream.indirect.gather [hbm4b:s4+s15], $0x80, s19, s15, $0xb8;
	[tilespmem:$0x1EF50] =	vst v63  }
0x2e9: {  	_ =	swait.ge [sflag:s25], $0x3200  }
0x2ea: {  	[sflag:s25] =	ssyncset.done $0x0  }
0x2eb: {  	s19 =	simm.s32 $0x14990;
	[sflag:s25] =	ssyncadd.s32 $0xFFFFCE00  }
0x2ec: {  	[spmem:s2] =	stream.indirect.scatter.add.f32 [tilespmem:s20], [sflag:$0x6], $0x80, s19, s15, $0xb8;
	[tilespmem:$0x1EF50] =	vst v63  }
0x2ed: {  	_ =	swait.ge [sflag:s28], $0x3200  }
0x2ee: {  	[sflag:s28] =	ssyncset.done $0x0  }
0x2ef: {  	s19 =	simm.s32 $0x14038;
	[sflag:s28] =	ssyncadd.s32 $0xFFFFCE00  }
0x2f0: {  	[tilespmem:s18], [sflag:$0x2] =	stream.indirect.gather [hbm4b:s4+s15], $0x80, s19, s15, $0xb8;
	[tilespmem:$0x1EF50] =	vst v63  }
0x2f1: {  	_ =	swait.ge [sflag:s11], $0x3200  }
0x2f2: {  	[sflag:s11] =	ssyncset.done $0x0  }
0x2f3: {  	s19 =	simm.s32 $0x149F8;
	[sflag:s11] =	ssyncadd.s32 $0xFFFFCE00  }
0x2f4: {  	[spmem:s2] =	stream.indirect.scatter.add.f32 [tilespmem:s16], [sflag:$0x4], $0x80, s19, s15, $0xb8;
	[tilespmem:$0x1EF50] =	vst v63  }
0x2f5: {  	_ =	swait.ge [sflag:s31], $0x3200  }
0x2f6: {  	[sflag:s31] =	ssyncset.done $0x0  }
0x2f7: {  	s19 =	simm.s32 $0x140A0;
	[sflag:s31] =	ssyncadd.s32 $0xFFFFCE00  }
0x2f8: {  	[tilespmem:s20], [sflag:$0x3] =	stream.indirect.gather [hbm4b:s4+s15], $0x80, s19, s15, $0xb8;
	[tilespmem:$0x1EF50] =	vst v63  }
0x2f9: {  	_ =	swait.ge [sflag:s21], $0x3200  }
0x2fa: {  	[sflag:s21] =	ssyncset.done $0x0  }
0x2fb: {  	s19 =	simm.s32 $0x14A60;
	[sflag:s21] =	ssyncadd.s32 $0xFFFFCE00  }
0x2fc: {  	[spmem:s2] =	stream.indirect.scatter.add.f32 [tilespmem:s18], [sflag:$0x5], $0x80, s19, s15, $0xb8;
	[tilespmem:$0x1EF50] =	vst v63  }
0x2fd: {  	_ =	swait.ge [sflag:s23], $0x3200  }
0x2fe: {  	[sflag:s23] =	ssyncset.done $0x0  }
0x2ff: {  	s19 =	simm.s32 $0x14108;
	[sflag:s23] =	ssyncadd.s32 $0xFFFFCE00  }
0x300: {  	[tilespmem:s16], [sflag:$0x1] =	stream.indirect.gather [hbm4b:s4+s15], $0x80, s19, s15, $0xb8;
	[tilespmem:$0x1EF50] =	vst v63  }
0x301: {  	_ =	swait.ge [sflag:s25], $0x3200  }
0x302: {  	[sflag:s25] =	ssyncset.done $0x0  }
0x303: {  	s19 =	simm.s32 $0x14AC8;
	[sflag:s25] =	ssyncadd.s32 $0xFFFFCE00  }
0x304: {  	[spmem:s2] =	stream.indirect.scatter.add.f32 [tilespmem:s20], [sflag:$0x6], $0x80, s19, s15, $0xb8;
	[tilespmem:$0x1EF50] =	vst v63  }
0x305: {  	_ =	swait.ge [sflag:s28], $0x3200  }
0x306: {  	[sflag:s28] =	ssyncset.done $0x0  }
0x307: {  	s19 =	simm.s32 $0x14170;
	[sflag:s28] =	ssyncadd.s32 $0xFFFFCE00  }
0x308: {  	[tilespmem:s18], [sflag:$0x2] =	stream.indirect.gather [hbm4b:s4+s15], $0x80, s19, s15, $0xb8;
	[tilespmem:$0x1EF50] =	vst v63  }
0x309: {  	_ =	swait.ge [sflag:s11], $0x3200  }
0x30a: {  	[sflag:s11] =	ssyncset.done $0x0  }
0x30b: {  	s19 =	simm.s32 $0x14B30;
	[sflag:s11] =	ssyncadd.s32 $0xFFFFCE00  }
0x30c: {  	[spmem:s2] =	stream.indirect.scatter.add.f32 [tilespmem:s16], [sflag:$0x4], $0x80, s19, s15, $0xb8;
	[tilespmem:$0x1EF50] =	vst v63  }
0x30d: {  	_ =	swait.ge [sflag:s31], $0x3200  }
0x30e: {  	[sflag:s31] =	ssyncset.done $0x0  }
0x30f: {  	s19 =	simm.s32 $0x141D8;
	[sflag:s31] =	ssyncadd.s32 $0xFFFFCE00  }
0x310: {  	[tilespmem:s20], [sflag:$0x3] =	stream.indirect.gather [hbm4b:s4+s15], $0x80, s19, s15, $0xb8;
	[tilespmem:$0x1EF50] =	vst v63  }
0x311: {  	_ =	swait.ge [sflag:s21], $0x3200  }
0x312: {  	[sflag:s21] =	ssyncset.done $0x0  }
0x313: {  	s19 =	simm.s32 $0x14B98;
	[sflag:s21] =	ssyncadd.s32 $0xFFFFCE00  }
0x314: {  	[spmem:s2] =	stream.indirect.scatter.add.f32 [tilespmem:s18], [sflag:$0x5], $0x80, s19, s15, $0xb8;
	[tilespmem:$0x1EF50] =	vst v63  }
0x315: {  	_ =	swait.ge [sflag:s23], $0x3200  }
0x316: {  	[sflag:s23] =	ssyncset.done $0x0  }
0x317: {  	s19 =	simm.s32 $0x14240;
	[sflag:s23] =	ssyncadd.s32 $0xFFFFCE00  }
0x318: {  	[tilespmem:s16], [sflag:$0x1] =	stream.indirect.gather [hbm4b:s4+s15], $0x80, s19, s15, $0xb8;
	[tilespmem:$0x1EF50] =	vst v63  }
0x319: {  	_ =	swait.ge [sflag:s25], $0x3200  }
0x31a: {  	[sflag:s25] =	ssyncset.done $0x0  }
0x31b: {  	s19 =	simm.s32 $0x14C00;
	[sflag:s25] =	ssyncadd.s32 $0xFFFFCE00  }
0x31c: {  	[spmem:s2] =	stream.indirect.scatter.add.f32 [tilespmem:s20], [sflag:$0x6], $0x80, s19, s15, $0xb8;
	[tilespmem:$0x1EF50] =	vst v63  }
0x31d: {  	_ =	swait.ge [sflag:s11], $0x3200  }
0x31e: {  	[sflag:s11] =	ssyncset.done $0x0  }
0x31f: {  	s19 =	simm.s32 $0x14C68;
	[sflag:s11] =	ssyncadd.s32 $0xFFFFCE00  }
0x320: {  	[spmem:s2] =	stream.indirect.scatter.add.f32 [tilespmem:s16], [sflag:$0x4], $0x80, s19, s15, $0xb8;
	[tilespmem:$0x1EF50] =	vst v63  }
0x321: {  	_ =	swait.ge [sflag:s28], $0x3200  }
0x322: {  	[sflag:s28] =	ssyncset.done $0x0  }
0x323: {  	[sflag:s28] =	ssyncadd.s32 $0xFFFFCE00  }
0x324: {  	_ =	swait.ge [sflag:s31], $0x3200  }
0x325: {  	[sflag:s31] =	ssyncset.done $0x0  }
0x326: {  	[sflag:s31] =	ssyncadd.s32 $0xFFFFCE00  }
0x327: {  	_ =	swait.ge [sflag:s23], $0x3200  }
0x328: {  	[sflag:s23] =	ssyncset.done $0x0  }
0x329: {  	s6 =	sadd.s32 $0x3CF, s6;
	[sflag:s23] =	ssyncadd.s32 $0xFFFFCE00  }
0x32a: {  	[tilespmem:s14], [sflag:$0x7] =	stream.linear.gather [hbm4b:s6+s5], $0xA28, $0x38;
	[tilespmem:$0x1EF50] =	vst v63  }
0x32b: {  	_ =	swait.ge [sflag:s13], $0xA28  }
0x32c: {  	[sflag:s13] =	ssyncset.done $0x0  }
0x32d: {  	s6 =	sadd.s32 $0x3CF, s12;
	[sflag:s13] =	ssyncadd.s32 $0xFFFFF5D8  }
0x32e: {  	[tilespmem:s0], [sflag:$0x7] =	stream.linear.gather [hbm4b:s6+s5], $0xA28, $0x38;
	[tilespmem:$0x1EF50] =	vst v63  }
0x32f: {  	_ =	swait.ge [sflag:s13], $0xA28  }
0x330: {  	[sflag:s13] =	ssyncset.done $0x0  }
0x331: {  	[sflag:s13] =	ssyncadd.s32 $0xFFFFF5D8  }
0x332: {  	[tilespmem:s16], [sflag:$0x1] =	stream.indirect.gather [hbm4b:s4+s15], $0x80, s14, s15, $0xb8;
	[tilespmem:$0x1EF50] =	vst v63  }
0x333: {  	s12 =	simm.s32 $0x138E8  }
0x334: {  	[tilespmem:s18], [sflag:$0x2] =	stream.indirect.gather [hbm4b:s4+s15], $0x80, s12, s15, $0xb8;
	[tilespmem:$0x1EF50] =	vst v63  }
0x335: {  	_ =	swait.ge [sflag:s11], $0x3200  }
0x336: {  	[sflag:s11] =	ssyncset.done $0x0  }
0x337: {  	[sflag:s11] =	ssyncadd.s32 $0xFFFFCE00  }
0x338: {  	[spmem:s2] =	stream.indirect.scatter.add.f32 [tilespmem:s16], [sflag:$0x4], $0x80, s0, s15, $0xb8;
	[tilespmem:$0x1EF50] =	vst v63  }
0x339: {  	s19 =	simm.s32 $0x13950  }
0x33a: {  	[tilespmem:s20], [sflag:$0x3] =	stream.indirect.gather [hbm4b:s4+s15], $0x80, s19, s15, $0xb8;
	[tilespmem:$0x1EF50] =	vst v63  }
0x33b: {  	_ =	swait.ge [sflag:s21], $0x3200  }
0x33c: {  	[sflag:s21] =	ssyncset.done $0x0  }
0x33d: {  	s9 =	simm.s32 $0x14310;
	[sflag:s21] =	ssyncadd.s32 $0xFFFFCE00  }
0x33e: {  	[spmem:s2] =	stream.indirect.scatter.add.f32 [tilespmem:s18], [sflag:$0x5], $0x80, s9, s15, $0xb8;
	[tilespmem:$0x1EF50] =	vst v63  }
0x33f: {  	_ =	swait.ge [sflag:s23], $0x3200  }
0x340: {  	[sflag:s23] =	ssyncset.done $0x0  }
0x341: {  	s22 =	simm.s32 $0x139B8;
	[sflag:s23] =	ssyncadd.s32 $0xFFFFCE00  }
0x342: {  	[tilespmem:s16], [sflag:$0x1] =	stream.indirect.gather [hbm4b:s4+s15], $0x80, s22, s15, $0xb8;
	[tilespmem:$0x1EF50] =	vst v63  }
0x343: {  	_ =	swait.ge [sflag:s25], $0x3200  }
0x344: {  	[sflag:s25] =	ssyncset.done $0x0  }
0x345: {  	s24 =	simm.s32 $0x14378;
	[sflag:s25] =	ssyncadd.s32 $0xFFFFCE00  }
0x346: {  	[spmem:s2] =	stream.indirect.scatter.add.f32 [tilespmem:s20], [sflag:$0x6], $0x80, s24, s15, $0xb8;
	[tilespmem:$0x1EF50] =	vst v63  }
0x347: {  	_ =	swait.ge [sflag:s28], $0x3200  }
0x348: {  	[sflag:s28] =	ssyncset.done $0x0  }
0x349: {  	s26 =	simm.s32 $0x13A20;
	[sflag:s28] =	ssyncadd.s32 $0xFFFFCE00  }
0x34a: {  	[tilespmem:s18], [sflag:$0x2] =	stream.indirect.gather [hbm4b:s4+s15], $0x80, s26, s15, $0xb8;
	[tilespmem:$0x1EF50] =	vst v63  }
0x34b: {  	_ =	swait.ge [sflag:s11], $0x3200  }
0x34c: {  	[sflag:s11] =	ssyncset.done $0x0  }
0x34d: {  	s1 =	simm.s32 $0x143E0;
	[sflag:s11] =	ssyncadd.s32 $0xFFFFCE00  }
0x34e: {  	[spmem:s2] =	stream.indirect.scatter.add.f32 [tilespmem:s16], [sflag:$0x4], $0x80, s1, s15, $0xb8;
	[tilespmem:$0x1EF50] =	vst v63  }
0x34f: {  	_ =	swait.ge [sflag:s31], $0x3200  }
0x350: {  	[sflag:s31] =	ssyncset.done $0x0  }
0x351: {  	s7 =	simm.s32 $0x13A88;
	[sflag:s31] =	ssyncadd.s32 $0xFFFFCE00  }
0x352: {  	[tilespmem:s20], [sflag:$0x3] =	stream.indirect.gather [hbm4b:s4+s15], $0x80, s7, s15, $0xb8;
	[tilespmem:$0x1EF50] =	vst v63  }
0x353: {  	_ =	swait.ge [sflag:s21], $0x3200  }
0x354: {  	[sflag:s21] =	ssyncset.done $0x0  }
0x355: {  	s8 =	simm.s32 $0x14448;
	[sflag:s21] =	ssyncadd.s32 $0xFFFFCE00  }
0x356: {  	[spmem:s2] =	stream.indirect.scatter.add.f32 [tilespmem:s18], [sflag:$0x5], $0x80, s8, s15, $0xb8;
	[tilespmem:$0x1EF50] =	vst v63  }
0x357: {  	_ =	swait.ge [sflag:s23], $0x3200  }
0x358: {  	[sflag:s23] =	ssyncset.done $0x0  }
0x359: {  	s3 =	simm.s32 $0x13AF0;
	[sflag:s23] =	ssyncadd.s32 $0xFFFFCE00  }
0x35a: {  	[tilespmem:s16], [sflag:$0x1] =	stream.indirect.gather [hbm4b:s4+s15], $0x80, s3, s15, $0xb8;
	[tilespmem:$0x1EF50] =	vst v63  }
0x35b: {  	_ =	swait.ge [sflag:s25], $0x3200  }
0x35c: {  	[sflag:s25] =	ssyncset.done $0x0  }
0x35d: {  	s5 =	simm.s32 $0x144B0;
	[sflag:s25] =	ssyncadd.s32 $0xFFFFCE00  }
0x35e: {  	[spmem:s2] =	stream.indirect.scatter.add.f32 [tilespmem:s20], [sflag:$0x6], $0x80, s5, s15, $0xb8;
	[tilespmem:$0x1EF50] =	vst v63  }
0x35f: {  	_ =	swait.ge [sflag:s28], $0x3200  }
0x360: {  	[sflag:s28] =	ssyncset.done $0x0  }
0x361: {  	s29 =	simm.s32 $0x13B58;
	[sflag:s28] =	ssyncadd.s32 $0xFFFFCE00  }
0x362: {  	[tilespmem:s18], [sflag:$0x2] =	stream.indirect.gather [hbm4b:s4+s15], $0x80, s29, s15, $0xb8;
	[tilespmem:$0x1EF50] =	vst v63  }
0x363: {  	_ =	swait.ge [sflag:s11], $0x3200  }
0x364: {  	[sflag:s11] =	ssyncset.done $0x0  }
0x365: {  	s30 =	simm.s32 $0x14518;
	[sflag:s11] =	ssyncadd.s32 $0xFFFFCE00  }
0x366: {  	[spmem:s2] =	stream.indirect.scatter.add.f32 [tilespmem:s16], [sflag:$0x4], $0x80, s30, s15, $0xb8;
	[tilespmem:$0x1EF50] =	vst v63  }
0x367: {  	_ =	swait.ge [sflag:s31], $0x3200  }
0x368: {  	[sflag:s31] =	ssyncset.done $0x0  }
0x369: {  	s6 =	simm.s32 $0x13BC0;
	[sflag:s31] =	ssyncadd.s32 $0xFFFFCE00  }
0x36a: {  	[tilespmem:s20], [sflag:$0x3] =	stream.indirect.gather [hbm4b:s4+s15], $0x80, s6, s15, $0xb8;
	[tilespmem:$0x1EF50] =	vst v63  }
0x36b: {  	_ =	swait.ge [sflag:s21], $0x3200  }
0x36c: {  	[sflag:s21] =	ssyncset.done $0x0  }
0x36d: {  	s7 =	simm.s32 $0x14580;
	[sflag:s21] =	ssyncadd.s32 $0xFFFFCE00  }
0x36e: {  	[spmem:s2] =	stream.indirect.scatter.add.f32 [tilespmem:s18], [sflag:$0x5], $0x80, s7, s15, $0xb8;
	[tilespmem:$0x1EF50] =	vst v63  }
0x36f: {  	_ =	swait.ge [sflag:s23], $0x3200  }
0x370: {  	[sflag:s23] =	ssyncset.done $0x0  }
0x371: {  	s8 =	simm.s32 $0x13C28;
	[sflag:s23] =	ssyncadd.s32 $0xFFFFCE00  }
0x372: {  	[tilespmem:s16], [sflag:$0x1] =	stream.indirect.gather [hbm4b:s4+s15], $0x80, s8, s15, $0xb8;
	[tilespmem:$0x1EF50] =	vst v63  }
0x373: {  	_ =	swait.ge [sflag:s25], $0x3200  }
0x374: {  	[sflag:s25] =	ssyncset.done $0x0  }
0x375: {  	s9 =	simm.s32 $0x145E8;
	[sflag:s25] =	ssyncadd.s32 $0xFFFFCE00  }
0x376: {  	[spmem:s2] =	stream.indirect.scatter.add.f32 [tilespmem:s20], [sflag:$0x6], $0x80, s9, s15, $0xb8;
	[tilespmem:$0x1EF50] =	vst v63  }
0x377: {  	_ =	swait.ge [sflag:s28], $0x3200  }
0x378: {  	[sflag:s28] =	ssyncset.done $0x0  }
0x379: {  	s12 =	simm.s32 $0x13C90;
	[sflag:s28] =	ssyncadd.s32 $0xFFFFCE00  }
0x37a: {  	[tilespmem:s18], [sflag:$0x2] =	stream.indirect.gather [hbm4b:s4+s15], $0x80, s12, s15, $0xb8;
	[tilespmem:$0x1EF50] =	vst v63  }
0x37b: {  	_ =	swait.ge [sflag:s11], $0x3200  }
0x37c: {  	[sflag:s11] =	ssyncset.done $0x0  }
0x37d: {  	s19 =	simm.s32 $0x14650;
	[sflag:s11] =	ssyncadd.s32 $0xFFFFCE00  }
0x37e: {  	[spmem:s2] =	stream.indirect.scatter.add.f32 [tilespmem:s16], [sflag:$0x4], $0x80, s19, s15, $0xb8;
	[tilespmem:$0x1EF50] =	vst v63  }
0x37f: {  	_ =	swait.ge [sflag:s31], $0x3200  }
0x380: {  	[sflag:s31] =	ssyncset.done $0x0  }
0x381: {  	s22 =	simm.s32 $0x13CF8;
	[sflag:s31] =	ssyncadd.s32 $0xFFFFCE00  }
0x382: {  	[tilespmem:s20], [sflag:$0x3] =	stream.indirect.gather [hbm4b:s4+s15], $0x80, s22, s15, $0xb8;
	[tilespmem:$0x1EF50] =	vst v63  }
0x383: {  	_ =	swait.ge [sflag:s21], $0x3200  }
0x384: {  	[sflag:s21] =	ssyncset.done $0x0  }
0x385: {  	s24 =	simm.s32 $0x146B8;
	[sflag:s21] =	ssyncadd.s32 $0xFFFFCE00  }
0x386: {  	[spmem:s2] =	stream.indirect.scatter.add.f32 [tilespmem:s18], [sflag:$0x5], $0x80, s24, s15, $0xb8;
	[tilespmem:$0x1EF50] =	vst v63  }
0x387: {  	_ =	swait.ge [sflag:s23], $0x3200  }
0x388: {  	[sflag:s23] =	ssyncset.done $0x0  }
0x389: {  	s26 =	simm.s32 $0x13D60;
	[sflag:s23] =	ssyncadd.s32 $0xFFFFCE00  }
0x38a: {  	[tilespmem:s16], [sflag:$0x1] =	stream.indirect.gather [hbm4b:s4+s15], $0x80, s26, s15, $0xb8;
	[tilespmem:$0x1EF50] =	vst v63  }
0x38b: {  	_ =	swait.ge [sflag:s25], $0x3200  }
0x38c: {  	[sflag:s25] =	ssyncset.done $0x0  }
0x38d: {  	s29 =	simm.s32 $0x14720;
	[sflag:s25] =	ssyncadd.s32 $0xFFFFCE00  }
0x38e: {  	[spmem:s2] =	stream.indirect.scatter.add.f32 [tilespmem:s20], [sflag:$0x6], $0x80, s29, s15, $0xb8;
	[tilespmem:$0x1EF50] =	vst v63  }
0x38f: {  	_ =	swait.ge [sflag:s28], $0x3200  }
0x390: {  	[sflag:s28] =	ssyncset.done $0x0  }
0x391: {  	s30 =	simm.s32 $0x13DC8;
	[sflag:s28] =	ssyncadd.s32 $0xFFFFCE00  }
0x392: {  	[tilespmem:s18], [sflag:$0x2] =	stream.indirect.gather [hbm4b:s4+s15], $0x80, s30, s15, $0xb8;
	[tilespmem:$0x1EF50] =	vst v63  }
0x393: {  	_ =	swait.ge [sflag:s11], $0x3200  }
0x394: {  	[sflag:s11] =	ssyncset.done $0x0  }
0x395: {  	s1 =	simm.s32 $0x14788;
	[sflag:s11] =	ssyncadd.s32 $0xFFFFCE00  }
0x396: {  	[spmem:s2] =	stream.indirect.scatter.add.f32 [tilespmem:s16], [sflag:$0x4], $0x80, s1, s15, $0xb8;
	[tilespmem:$0x1EF50] =	vst v63  }
0x397: {  	_ =	swait.ge [sflag:s31], $0x3200  }
0x398: {  	[sflag:s31] =	ssyncset.done $0x0  }
0x399: {  	s3 =	simm.s32 $0x13E30;
	[sflag:s31] =	ssyncadd.s32 $0xFFFFCE00  }
0x39a: {  	[tilespmem:s20], [sflag:$0x3] =	stream.indirect.gather [hbm4b:s4+s15], $0x80, s3, s15, $0xb8;
	[tilespmem:$0x1EF50] =	vst v63  }
0x39b: {  	_ =	swait.ge [sflag:s21], $0x3200  }
0x39c: {  	[sflag:s21] =	ssyncset.done $0x0  }
0x39d: {  	s5 =	simm.s32 $0x147F0;
	[sflag:s21] =	ssyncadd.s32 $0xFFFFCE00  }
0x39e: {  	[spmem:s2] =	stream.indirect.scatter.add.f32 [tilespmem:s18], [sflag:$0x5], $0x80, s5, s15, $0xb8;
	[tilespmem:$0x1EF50] =	vst v63  }
0x39f: {  	_ =	swait.ge [sflag:s23], $0x3200  }
0x3a0: {  	[sflag:s23] =	ssyncset.done $0x0  }
0x3a1: {  	s6 =	simm.s32 $0x13E98;
	[sflag:s23] =	ssyncadd.s32 $0xFFFFCE00  }
0x3a2: {  	[tilespmem:s16], [sflag:$0x1] =	stream.indirect.gather [hbm4b:s4+s15], $0x80, s6, s15, $0xb8;
	[tilespmem:$0x1EF50] =	vst v63  }
0x3a3: {  	_ =	swait.ge [sflag:s25], $0x3200  }
0x3a4: {  	[sflag:s25] =	ssyncset.done $0x0  }
0x3a5: {  	s7 =	simm.s32 $0x14858;
	[sflag:s25] =	ssyncadd.s32 $0xFFFFCE00  }
0x3a6: {  	[spmem:s2] =	stream.indirect.scatter.add.f32 [tilespmem:s20], [sflag:$0x6], $0x80, s7, s15, $0xb8;
	[tilespmem:$0x1EF50] =	vst v63  }
0x3a7: {  	_ =	swait.ge [sflag:s28], $0x3200  }
0x3a8: {  	[sflag:s28] =	ssyncset.done $0x0  }
0x3a9: {  	s8 =	simm.s32 $0x13F00;
	[sflag:s28] =	ssyncadd.s32 $0xFFFFCE00  }
0x3aa: {  	[tilespmem:s18], [sflag:$0x2] =	stream.indirect.gather [hbm4b:s4+s15], $0x80, s8, s15, $0xb8;
	[tilespmem:$0x1EF50] =	vst v63  }
0x3ab: {  	_ =	swait.ge [sflag:s11], $0x3200  }
0x3ac: {  	[sflag:s11] =	ssyncset.done $0x0  }
0x3ad: {  	s9 =	simm.s32 $0x148C0;
	[sflag:s11] =	ssyncadd.s32 $0xFFFFCE00  }
0x3ae: {  	[spmem:s2] =	stream.indirect.scatter.add.f32 [tilespmem:s16], [sflag:$0x4], $0x80, s9, s15, $0xb8;
	[tilespmem:$0x1EF50] =	vst v63  }
0x3af: {  	_ =	swait.ge [sflag:s31], $0x3200  }
0x3b0: {  	[sflag:s31] =	ssyncset.done $0x0  }
0x3b1: {  	s12 =	simm.s32 $0x13F68;
	[sflag:s31] =	ssyncadd.s32 $0xFFFFCE00  }
0x3b2: {  	[tilespmem:s20], [sflag:$0x3] =	stream.indirect.gather [hbm4b:s4+s15], $0x80, s12, s15, $0xb8;
	[tilespmem:$0x1EF50] =	vst v63  }
0x3b3: {  	_ =	swait.ge [sflag:s21], $0x3200  }
0x3b4: {  	[sflag:s21] =	ssyncset.done $0x0  }
0x3b5: {  	s19 =	simm.s32 $0x14928;
	[sflag:s21] =	ssyncadd.s32 $0xFFFFCE00  }
0x3b6: {  	[spmem:s2] =	stream.indirect.scatter.add.f32 [tilespmem:s18], [sflag:$0x5], $0x80, s19, s15, $0xb8;
	[tilespmem:$0x1EF50] =	vst v63  }
0x3b7: {  	_ =	swait.ge [sflag:s23], $0x3200  }
0x3b8: {  	[sflag:s23] =	ssyncset.done $0x0  }
0x3b9: {  	s22 =	simm.s32 $0x13FD0;
	[sflag:s23] =	ssyncadd.s32 $0xFFFFCE00  }
0x3ba: {  	[tilespmem:s16], [sflag:$0x1] =	stream.indirect.gather [hbm4b:s4+s15], $0x80, s22, s15, $0xb8;
	[tilespmem:$0x1EF50] =	vst v63  }
0x3bb: {  	_ =	swait.ge [sflag:s25], $0x3200  }
0x3bc: {  	[sflag:s25] =	ssyncset.done $0x0  }
0x3bd: {  	s24 =	simm.s32 $0x14990;
	[sflag:s25] =	ssyncadd.s32 $0xFFFFCE00  }
0x3be: {  	[spmem:s2] =	stream.indirect.scatter.add.f32 [tilespmem:s20], [sflag:$0x6], $0x80, s24, s15, $0xb8;
	[tilespmem:$0x1EF50] =	vst v63  }
0x3bf: {  	_ =	swait.ge [sflag:s28], $0x3200  }
0x3c0: {  	[sflag:s28] =	ssyncset.done $0x0  }
0x3c1: {  	s26 =	simm.s32 $0x14038;
	[sflag:s28] =	ssyncadd.s32 $0xFFFFCE00  }
0x3c2: {  	[tilespmem:s18], [sflag:$0x2] =	stream.indirect.gather [hbm4b:s4+s15], $0x80, s26, s15, $0xb8;
	[tilespmem:$0x1EF50] =	vst v63  }
0x3c3: {  	_ =	swait.ge [sflag:s11], $0x3200  }
0x3c4: {  	[sflag:s11] =	ssyncset.done $0x0  }
0x3c5: {  	s29 =	simm.s32 $0x149F8;
	[sflag:s11] =	ssyncadd.s32 $0xFFFFCE00  }
0x3c6: {  	[spmem:s2] =	stream.indirect.scatter.add.f32 [tilespmem:s16], [sflag:$0x4], $0x80, s29, s15, $0xb8;
	[tilespmem:$0x1EF50] =	vst v63  }
0x3c7: {  	_ =	swait.ge [sflag:s31], $0x3200  }
0x3c8: {  	[sflag:s31] =	ssyncset.done $0x0  }
0x3c9: {  	s30 =	simm.s32 $0x140A0;
	[sflag:s31] =	ssyncadd.s32 $0xFFFFCE00  }
0x3ca: {  	[tilespmem:s20], [sflag:$0x3] =	stream.indirect.gather [hbm4b:s4+s15], $0x80, s30, s15, $0xb8;
	[tilespmem:$0x1EF50] =	vst v63  }
0x3cb: {  	_ =	swait.ge [sflag:s21], $0x3200  }
0x3cc: {  	[sflag:s21] =	ssyncset.done $0x0  }
0x3cd: {  	s1 =	simm.s32 $0x14A60;
	[sflag:s21] =	ssyncadd.s32 $0xFFFFCE00  }
0x3ce: {  	[spmem:s2] =	stream.indirect.scatter.add.f32 [tilespmem:s18], [sflag:$0x5], $0x80, s1, s15, $0xb8;
	[tilespmem:$0x1EF50] =	vst v63  }
0x3cf: {  	_ =	swait.ge [sflag:s23], $0x3200  }
0x3d0: {  	[sflag:s23] =	ssyncset.done $0x0  }
0x3d1: {  	s3 =	simm.s32 $0x14108;
	[sflag:s23] =	ssyncadd.s32 $0xFFFFCE00  }
0x3d2: {  	[tilespmem:s16], [sflag:$0x1] =	stream.indirect.gather [hbm4b:s4+s15], $0x80, s3, s15, $0xb8;
	[tilespmem:$0x1EF50] =	vst v63  }
0x3d3: {  	_ =	swait.ge [sflag:s25], $0x3200  }
0x3d4: {  	[sflag:s25] =	ssyncset.done $0x0  }
0x3d5: {  	s5 =	simm.s32 $0x14AC8;
	[sflag:s25] =	ssyncadd.s32 $0xFFFFCE00  }
0x3d6: {  	[spmem:s2] =	stream.indirect.scatter.add.f32 [tilespmem:s20], [sflag:$0x6], $0x80, s5, s15, $0xb8;
	[tilespmem:$0x1EF50] =	vst v63  }
0x3d7: {  	_ =	swait.ge [sflag:s28], $0x3200  }
0x3d8: {  	[sflag:s28] =	ssyncset.done $0x0  }
0x3d9: {  	s6 =	simm.s32 $0x14170;
	[sflag:s28] =	ssyncadd.s32 $0xFFFFCE00  }
0x3da: {  	[tilespmem:s18], [sflag:$0x2] =	stream.indirect.gather [hbm4b:s4+s15], $0x80, s6, s15, $0xb8;
	[tilespmem:$0x1EF50] =	vst v63  }
0x3db: {  	_ =	swait.ge [sflag:s11], $0x3200  }
0x3dc: {  	[sflag:s11] =	ssyncset.done $0x0  }
0x3dd: {  	s7 =	simm.s32 $0x14B30;
	[sflag:s11] =	ssyncadd.s32 $0xFFFFCE00  }
0x3de: {  	[spmem:s2] =	stream.indirect.scatter.add.f32 [tilespmem:s16], [sflag:$0x4], $0x80, s7, s15, $0xb8;
	[tilespmem:$0x1EF50] =	vst v63  }
0x3df: {  	_ =	swait.ge [sflag:s31], $0x3200  }
0x3e0: {  	[sflag:s31] =	ssyncset.done $0x0  }
0x3e1: {  	s8 =	simm.s32 $0x141D8;
	[sflag:s31] =	ssyncadd.s32 $0xFFFFCE00  }
0x3e2: {  	[tilespmem:s20], [sflag:$0x3] =	stream.indirect.gather [hbm4b:s4+s15], $0x80, s8, s15, $0xb8;
	[tilespmem:$0x1EF50] =	vst v63  }
0x3e3: {  	_ =	swait.ge [sflag:s21], $0x3200  }
0x3e4: {  	[sflag:s21] =	ssyncset.done $0x0  }
0x3e5: {  	s9 =	simm.s32 $0x14B98;
	[sflag:s21] =	ssyncadd.s32 $0xFFFFCE00  }
0x3e6: {  	[spmem:s2] =	stream.indirect.scatter.add.f32 [tilespmem:s18], [sflag:$0x5], $0x80, s9, s15, $0xb8;
	[tilespmem:$0x1EF50] =	vst v63  }
0x3e7: {  	_ =	swait.ge [sflag:s23], $0x3200  }
0x3e8: {  	[sflag:s23] =	ssyncset.done $0x0  }
0x3e9: {  	s12 =	simm.s32 $0x14240;
	[sflag:s23] =	ssyncadd.s32 $0xFFFFCE00  }
0x3ea: {  	[tilespmem:s16], [sflag:$0x1] =	stream.indirect.gather [hbm4b:s4+s15], $0x80, s12, s15, $0xb8;
	[tilespmem:$0x1EF50] =	vst v63  }
0x3eb: {  	_ =	swait.ge [sflag:s25], $0x3200  }
0x3ec: {  	[sflag:s25] =	ssyncset.done $0x0  }
0x3ed: {  	s19 =	simm.s32 $0x14C00;
	[sflag:s25] =	ssyncadd.s32 $0xFFFFCE00  }
0x3ee: {  	[spmem:s2] =	stream.indirect.scatter.add.f32 [tilespmem:s20], [sflag:$0x6], $0x80, s19, s15, $0xb8;
	[tilespmem:$0x1EF50] =	vst v63  }
0x3ef: {  	_ =	swait.ge [sflag:s11], $0x3200  }
0x3f0: {  	[sflag:s11] =	ssyncset.done $0x0  }
0x3f1: {  	s22 =	simm.s32 $0x14C68;
	[sflag:s11] =	ssyncadd.s32 $0xFFFFCE00  }
0x3f2: {  	[spmem:s2] =	stream.indirect.scatter.add.f32 [tilespmem:s16], [sflag:$0x4], $0x80, s22, s15, $0xb8;
	[tilespmem:$0x1EF50] =	vst v63  }
0x3f3: {  	_ =	swait.ge [sflag:s28], $0x3200  }
0x3f4: {  	[sflag:s28] =	ssyncset.done $0x0  }
0x3f5: {  	[sflag:s28] =	ssyncadd.s32 $0xFFFFCE00  }
0x3f6: {  	_ =	swait.ge [sflag:s31], $0x3200  }
0x3f7: {  	[sflag:s31] =	ssyncset.done $0x0  }
0x3f8: {  	[sflag:s31] =	ssyncadd.s32 $0xFFFFCE00  }
0x3f9: {  	_ =	swait.ge [sflag:s23], $0x3200  }
0x3fa: {  	[sflag:s23] =	ssyncset.done $0x0  }
0x3fb: {  	[sflag:s23] =	ssyncadd.s32 $0xFFFFCE00  }
0x3fc: {  	s24 =	stileid.u32;
	[bflag:$0x0] =	sbarrier.arrive $0xFFFF  }
0x3fd: {  	s19 =	sshll.u32 s24, $0x6;
	s26 =	rddreg [dreg:$0x13]  }
0x3fe: {  	s19 =	sor.u32 $0x1C07, s19;
	s29 =	rddreg [dreg:$0x15]  }
0x3ff: {  	[hbm:s26], [sflag:s19] =	dma.local [spmem:s29], $0x2710  }
0x400: {  	_ =	swait.ge [sflag:s13], $0x2710  }
0x401: {  	s17 =	sadd.s32 $0x1, s17;
	s30 =	rddreg [dreg:$0x4]  }
0x402: {  	p0 =	sne.s32 s17, s30  }
.Ltmp1:
0x403: {  	_ = 	snop;
	(pc) =	sbr.rel @p0 .LBB2_1-.Ltmp1, $3  }
0x404: {  	_ =	sdelay $0x1  }
0x405: {  	[sflag:s13] =	ssyncset.done $0x0  }
0x406: {  	[sflag:s13] =	ssyncadd.s32 $0xFFFFD8F0  }
0x407: {  	_ =	sfence.sel $0x180000  }
0x408: {  	[bflag:$0x0] =	sbarrier.arrive $0xFFFF  }
0x409: {  	_ =	strace $0x9000004A  }
0x40a: {  	s0 =	stileid.u32;
	[bflag:$0x2] =	sbarrier.arrive $0xFFFF  }
0x40b: {  	p0 =	sne.s32 s0, $0x0;
	s0 =	rddreg [dreg:$0x2]  }
0x40c: {  	s0 =	sadd.s32 @!p0 $0x100000, s0  }
0x40d: {  	[sflag:s0] =	ssyncadd.tile.s32 @!p0 $0x1;
	_ =	shalt  }
.Lfunc_end2:
_tile_overlayer_lowered:
.L_overlay_start_2:
0x40e: {  	(tag) =	ssettag $0x2  }
0x40f: {  	s0 =	rddreg [dreg:$0x0];
	s2 =	stileid.u32  }
0x410: {  	s1 =	rddreg [dreg:$0x1];
	p0 =	sne.s32 s2, $0x0  }
0x411: {  	s3 =	rddreg [dreg:$0x2];
	[bflag:$0x3] =	sbarrier.arrive $0xFFFF;
	s2 =	simm.s32 @!p0 $0x1C07  }
0x412: {  	[timem:s3], [sflag:s2] =	dma.local @!p0 [hbm:s0], s1  }
0x413: {  	s0 =	simm.s32 @!p0 $0x7  }
0x414: {  	_ =	swait.ge @!p0 [sflag:s0], s1  }
0x415: {  	s1 =	ssub.s32 @!p0 $0x0, s1;
	[sflag:s0] =	ssyncset.done @!p0 $0x0  }
0x416: {  	[sflag:s0] =	ssyncadd.s32 @!p0 s1  }
0x417: {  	[bflag:$0x3] =	sbarrier.arrive $0xFFFF  }
0x418: {  	_ =	shalt  }

// kernel: kernel.14.cloned.1.call-start
scs
__scs_entry_jumppad:
0x0: {  	(pc) =	sbr.rel $0x88, $3  }
0x1: {  	(tag) =	ssettag $0x0;
	lr =	simm.s32 $0x1  }
0x2: {  	[smem:$0x3F9B] =	sst lr;
	_ =	strace $0xD0000000  }
0x3: {  	_ = 	snop  }
0x4: {  	_ = 	snop  }
0x5: {  	_ = 	snop  }
0x6: {  	_ = 	snop  }
0x7: {  	_ = 	snop  }
__scs_overlays_trampoline_lowered:
0x8: {  	[smem:$0x3FAA] =	sst s0  }
0x9: {  	[smem:$0x3FAB] =	sst s1  }
0xa: {  	[smem:$0x3FAC] =	sst s2  }
0xb: {  	[smem:$0x3FAD] =	sst s3  }
0xc: {  	[smem:$0x3FAE] =	sst s4  }
0xd: {  	[smem:$0x3FAF] =	sst s5  }
0xe: {  	[smem:$0x3FB0] =	sst s6  }
0xf: {  	[smem:$0x3FB1] =	sst s7  }
0x10: {  	[smem:$0x3FB2] =	sst s8  }
0x11: {  	[smem:$0x3FB3] =	sst s9;
	s0 =	simm.s32 @!p0 $0x0  }
0x12: {  	s1 =	sld [smem:$0x3F99];
	s0 =	simm.s32 @p0 $0x1  }
0x13: {  	[smem:$0x3FB4] =	sst s0;
	s0 =	simm.s32 @!p1 $0x0  }
0x14: {  	s2 =	sld [smem:$0x3F98];
	s0 =	simm.s32 @p1 $0x1  }
0x15: {  	[smem:$0x3FB5] =	sst s0;
	s0 =	simm.s32 @!p2 $0x0  }
0x16: {  	s3 =	sld [smem:$0x3FDB];
	s0 =	simm.s32 @p2 $0x1  }
0x17: {  	s4 =	simm.s32 $0x1BF5;
	[smem:$0x3FB7] =	sst s0  }
0x18: {  	s0 =	sld [smem:$0x3F9A];
	_ =	swait.ge [sflag:s4], $0x0  }
0x19: {  	s7 =	sld [smem:$0x3F9B]  }
0x1a: {  	s8 =	sadd.s32 $0xFFFFE003, lr  }
0x1b: {  	s9 =	sadd.s32 $0xFFFFFEF7, lr;
	s5 =	simm.s32 $0xFFFFFFFF;
	p2 =	slt.u32 s8, $0xFFFFF086  }
0x1c: {  	p1 =	slt.u32 s9, $0xF7A;
	s5 =	simm.s32 @!p2 $0x0  }
0x1d: {  	s5 =	simm.s32 @p1 $0x1;
	p0 =	seq.s32 s7, s2  }
0x1e: {  	s7 =	smul.u32 @!p0 $0xF7A, s2;
	p2 =	seq.s32 @!p0 s5, $0x0  }
0x1f: {  	s9 =	smul.u32 $0xF7A, s1;
	s8 =	simm.s32 @!p0 $0x1BF5;
	p2 =	por !p2, p0  }
0x20: {  	[sflag:s8] =	ssyncset.s32 @!p0 $0xFFFFF086;
	s6 =	sadd.s32 @!p0 s3, s7;
	s7 =	simm.s32 @!p0 $0x108  }
0x21: {  	s3 =	sadd.s32 s3, s9;
	s6 =	sadd.s32 @!p0 $0x88, s6;
	s7 =	simm.s32 @p2 $0x1082  }
0x22: {  	[simem:s7], [sflag:s8] =	dma.local @!p0 [hbm:s6], $0xF7A  }
0x23: {  	s9 =	sor.u32 $0xD0000000, s2;
	s6 =	simm.s32 $0x108;
	_ =	swait.ge @!p0 [sflag:s8], $0x0  }
0x24: {  	s3 =	sadd.s32 $0x88, s3;
	s6 =	simm.s32 @!p1 $0x1082;
	[sflag:s4] =	ssyncset.s32 $0xFFFFF086  }
0x25: {  	[simem:s6], [sflag:s4] =	dma.local [hbm:s3], $0xF7A  }
0x26: {  	[smem:$0x3F9B] =	sst s1;
	(tag) =	ssettag s2;
	_ =	strace s9  }
0x27: {  	s1 =	sld [smem:$0x3FAB]  }
0x28: {  	s2 =	sld [smem:$0x3FAC]  }
0x29: {  	s4 =	sld [smem:$0x3FAE]  }
0x2a: {  	p0 =	seq.s32 s5, $0x0;
	s5 =	sld [smem:$0x3FAF]  }
0x2b: {  	s6 =	sld [smem:$0x3FB0]  }
0x2c: {  	s7 =	sld [smem:$0x3FB1]  }
0x2d: {  	s3 =	simm.s32 $0x108;
	s8 =	sld [smem:$0x3FB2]  }
0x2e: {  	s3 =	simm.s32 @!p0 $0x1082;
	s9 =	sld [smem:$0x3FB3]  }
0x2f: {  	lr =	sadd.s32 s0, s3;
	s0 =	sld [smem:$0x3FAA]  }
0x30: {  	s3 =	sld [smem:$0x3FAD]  }
0x31: {  	[smem:$0x3FB6] =	sst s10  }
0x32: {  	s10 =	sld [smem:$0x3FB4];
	_ =	sdelay $0x3  }
0x33: {  	p0 =	seq.s32 s10, $0x1;
	s10 =	sld [smem:$0x3FB6];
	_ =	sdelay $0x3  }
0x34: {  	[smem:$0x3FB6] =	sst s10  }
0x35: {  	s10 =	sld [smem:$0x3FB5];
	_ =	sdelay $0x3  }
0x36: {  	p1 =	seq.s32 s10, $0x1;
	s10 =	sld [smem:$0x3FB6];
	_ =	sdelay $0x3  }
0x37: {  	[smem:$0x3FB6] =	sst s10  }
0x38: {  	s10 =	sld [smem:$0x3FB7]  }
0x39: {  	_ = 	snop;
	(pc) =	sbr.ind lr, $3  }
0x3a: {  	_ = 	snop  }
0x3b: {  	_ = 	snop  }
0x3c: {  	p2 =	seq.s32 s10, $0x1;
	s10 =	sld [smem:$0x3FB6]  }
0x3d: {  	_ =	shalt  }
0x3e: {  	_ =	shalt  }
0x3f: {  	_ =	shalt  }
0x40: {  	_ =	shalt  }
0x41: {  	_ =	shalt  }
0x42: {  	_ =	shalt  }
0x43: {  	_ =	shalt  }
0x44: {  	_ =	shalt  }
0x45: {  	_ =	shalt  }
0x46: {  	_ =	shalt  }
0x47: {  	_ =	shalt  }
0x48: {  	_ =	shalt  }
0x49: {  	_ =	shalt  }
0x4a: {  	_ =	shalt  }
0x4b: {  	_ =	shalt  }
0x4c: {  	_ =	shalt  }
0x4d: {  	_ =	shalt  }
0x4e: {  	_ =	shalt  }
0x4f: {  	_ =	shalt  }
0x50: {  	_ =	shalt  }
0x51: {  	_ =	shalt  }
0x52: {  	_ =	shalt  }
0x53: {  	_ =	shalt  }
0x54: {  	_ =	shalt  }
0x55: {  	_ =	shalt  }
0x56: {  	_ =	shalt  }
0x57: {  	_ =	shalt  }
0x58: {  	_ =	shalt  }
0x59: {  	_ =	shalt  }
0x5a: {  	_ =	shalt  }
0x5b: {  	_ =	shalt  }
0x5c: {  	_ =	shalt  }
0x5d: {  	_ =	shalt  }
0x5e: {  	_ =	shalt  }
0x5f: {  	_ =	shalt  }
0x60: {  	_ =	shalt  }
0x61: {  	_ =	shalt  }
0x62: {  	_ =	shalt  }
0x63: {  	_ =	shalt  }
0x64: {  	_ =	shalt  }
0x65: {  	_ =	shalt  }
0x66: {  	_ =	shalt  }
0x67: {  	_ =	shalt  }
0x68: {  	_ =	shalt  }
0x69: {  	_ =	shalt  }
0x6a: {  	_ =	shalt  }
0x6b: {  	_ =	shalt  }
0x6c: {  	_ =	shalt  }
0x6d: {  	_ =	shalt  }
0x6e: {  	_ =	shalt  }
0x6f: {  	_ =	shalt  }
0x70: {  	_ =	shalt  }
0x71: {  	_ =	shalt  }
0x72: {  	_ =	shalt  }
0x73: {  	_ =	shalt  }
0x74: {  	_ =	shalt  }
0x75: {  	_ =	shalt  }
0x76: {  	_ =	shalt  }
0x77: {  	_ =	shalt  }
0x78: {  	_ =	shalt  }
0x79: {  	_ =	shalt  }
0x7a: {  	_ =	shalt  }
0x7b: {  	_ =	shalt  }
0x7c: {  	_ =	shalt  }
0x7d: {  	_ =	shalt  }
0x7e: {  	_ =	shalt  }
0x7f: {  	_ =	shalt  }
0x80: {  	_ =	shalt  }
0x81: {  	_ =	shalt  }
0x82: {  	_ =	shalt  }
0x83: {  	_ =	shalt  }
0x84: {  	_ =	shalt  }
0x85: {  	_ =	shalt  }
0x86: {  	_ =	shalt  }
0x87: {  	_ =	shalt  }
.Lfunc_end0:
.L_simem_size_0:
called_computation.2_lowered:
.L_overlay_start_0:
0x88: {  	s2 =	sld [smem:$0x3FD9]  }
0x89: {  	s3 =	sld [smem:$0x3FFE];
	_ =	sdelay $0x1  }
0x8a: {  	s1 =	srdreg.scid  }
0x8b: {  	s0 =	sand.u32 $0x1, s1  }
0x8c: {  	s17 =	sshll.u32 s0, $0xA;
	s2 =	sadd.s32 s3, s2  }
0x8d: {  	s2 =	sadd.s32 s2, s17  }
0x8e: {  	[smem:$0x3FC2] =	sst s2  }
0x8f: {  	_ = 	snop  }
0x90: {  	s2 =	sld [smem:$0x3FD0];
	(tm) =	ssettm $0x1  }
0x91: {  	s18 =	sld [smem:$0x3FFB];
	_ =	sdelay $0x3  }
0x92: {  	_ =	strace s18  }
0x93: {  	s3 =	sld [smem:$0x3FFC];
	_ =	sdelay $0x3  }
0x94: {  	_ =	strace s3  }
0x95: {  	s3 =	sld [smem:$0x3FFD];
	_ =	sdelay $0x3  }
0x96: {  	_ =	strace s3  }
0x97: {  	_ =	strace $0x8FFFFFFF  }
0x98: {  	s19 =	sld [smem:$0x3FDB];
	_ =	sdelay $0x1  }
0x99: {  	s4 =	simm.s32 $_scs_section_size  }
0x9a: {  	s5 =	simm.s32 $_size__tile_overlayer_lowered;
	s6 =	simm.s32 $_tile_overlayer_lowered  }
0x9b: {  	s22 =	simm.s32 $0x1BFF;
	s21 =	sshll.u32 s6, $0x1;
	s3 =	sadd.s32 s4, s19  }
0x9c: {  	s7 =	simm.s32 $0x0;
	s20 =	sshll.u32 s5, $0x1;
	s5 =	sadd.s32 s21, s3  }
0x9d: {  	[timem:s7], [sflag:s22] =	dma.local [hbm:s5], s20  }
0x9e: {  	_ =	swait.ge [sflag:s22], s20  }
0x9f: {  	s4 =	ssub.s32 $0x0, s20;
	[sflag:s22] =	ssyncset.done $0x0  }
0xa0: {  	[sflag:s22] =	ssyncadd.s32 s4;
	_ =	sdelay $0x1  }
0xa1: {  	s23 =	simm.s32 $0x1B8B  }
0xa2: {  	_ =	swait.ge [sflag:s23], $0x1  }
0xa3: {  	[sflag:s23] =	ssyncset.done $0x0  }
0xa4: {  	s25 =	simm.s32 $0x1B8E;
	s24 =	sld [smem:$0x3FFE];
	[sflag:s23] =	ssyncadd.s32 $0xFFFFFFFF  }
0xa5: {  	s26 =	simm.s32 $execute0_lowered;
	[smem:$0x3FD2] =	sst s25  }
0xa6: {  	s5 =	sshll.u32 s26, $0x1;
	_ =	strace $0x8000004C;
	[dreg:$0x1] =	wrdreg $0xFFFFFFFF  }
0xa7: {  	s28 =	simm.s32 $_size_execute0_lowered;
	s3 =	sadd.s32 s3, s5;
	[dreg:$0x0] =	wrdreg $0x0  }
0xa8: {  	s5 =	sshll.u32 s28, $0x1;
	[dreg:$0x2] =	wrdreg s3  }
0xa9: {  	[dreg:$0x3] =	wrdreg s5  }
0xaa: {  	[dreg:$0x4] =	wrdreg $0xC0  }
0xab: {  	_ =	task [dreg:s7], $0x5FFFF  }
0xac: {  	[dreg:$0x1] =	wrdreg $0xFFFFFFFF  }
0xad: {  	[dreg:$0x0] =	wrdreg $0x60  }
0xae: {  	[dreg:$0x2] =	wrdreg s24  }
0xaf: {  	[dreg:$0x3] =	wrdreg s2  }
0xb0: {  	[dreg:$0x4] =	wrdreg $0x0  }
0xb1: {  	[dreg:$0x5] =	wrdreg $0x9  }
0xb2: {  	_ =	task.clear_ibuf [dreg:s7], $0x6FFFF;
	_ =	strace $0x9000004C  }
0xb3: {  	s29 =	simm.s32 $0x9;
	_ =	strace $0x8000004E  }
0xb4: {  	_ =	swait.ge [sflag:s29], $0x1  }
0xb5: {  	[sflag:s29] =	ssyncadd.s32 $0xFFFFFFFF  }
0xb6: {  	_ =	strace $0x9000004E  }
0xb7: {  	_ =	sfence  }
0xb8: {  	s30 =	sld [smem:$0x0];
	_ =	sdelay $0x2  }
0xb9: {  	s31 =	sshll.u32 s1, $0xD;
	s1 =	sshrl.u32 s1, $0x2  }
0xba: {  	s3 =	sand.u32 $0x4000, s31;
	s1 =	sadd.s32 s1, s30  }
0xbb: {  	s0 =	sor.u32 s3, s0;
	s1 =	sshll.u32 s1, $0x11  }
0xbc: {  	s0 =	sor.u32 s1, s0  }
0xbd: {  	s0 =	sadd.s32 $0x8F2B, s0  }
0xbe: {  	[sflag:s0] =	ssyncadd.remote.s32 $0x1  }
0xbf: {  	_ =	sfence.sel $0xFFFF  }
0xc0: {  	[dreg:$0x0] =	wrdreg $0xFFFFFFFF;
	(pc) =	sbr.abs _section_cstart, $3  }
0xc1: {  	[dreg:$0x1] =	wrdreg $0xFFFFFFFF  }
0xc2: {  	_ =	task.clear_ibuf [dreg:s7], $0x2FFFF;
	_ =	strace $0x9FFFFFFF  }
0xc3: {  	(tm) =	ssettm $0x7FFFFFFF  }
tec
execute0_lowered:
.L_overlay_start_1:
0x0: {  	(tag) =	ssettag $0x1  }
0x1: {  	s0 =	srdreg.scid  }
0x2: {  	s28 =	sand.u32 $0x1, s0  }
0x3: {  	s0 =	stileid.u32;
	s1 =	sshll.u32 s28, $0x4  }
0x4: {  	s26 =	rddreg [dreg:$0x0];
	s1 =	sor.u32 s0, s1  }
0x5: {  	s2 =	rddreg [dreg:$0x1];
	s5 =	smul.u32 $0x4E2, s1  }
0x6: {  	s3 =	rddreg [dreg:$0x2];
	s4 =	simm.s32 $0x0;
	s6 =	smul.u32 $0x9C40, s0  }
0x7: {  	[smem:$0x7FF] =	sst s4;
	s5 =	sadd.s32 s5, s26  }
0x8: {  	_ =	strace $0x8000004D;
	s6 =	sshrl.u32 s6, $0x2;
	s7 =	sadd.s32 $0xC200, s5  }
0x9: {  	s19 =	sadd.s32 $0x2400, s5;
	s5 =	sadd.s32 s6, s3;
	[dreg:$0x4] =	wrdreg s7  }
0xa: {  	[dreg:$0x5] =	wrdreg s19;
	s6 =	sadd.s32 $0x190, s5  }
0xb: {  	v0 =	vimm.f32 $0.0e+00;
	s20 =	sadd.s32 $0x320, s5;
	[dreg:$0x6] =	wrdreg s6  }
0xc: {  	[tilespmem:$0x1EC50] =	vst v0;
	s21 =	sadd.s32 $0x4B0, s5;
	[dreg:$0x7] =	wrdreg s20  }
0xd: {  	[tilespmem:$0x1EC60] =	vst v0;
	s22 =	sadd.s32 $0x640, s5;
	[dreg:$0x8] =	wrdreg s21  }
0xe: {  	[tilespmem:$0x1EC70] =	vst v0;
	s23 =	sadd.s32 $0x7D0, s5;
	[dreg:$0x9] =	wrdreg s22  }
0xf: {  	[tilespmem:$0x1EC80] =	vst v0;
	s24 =	sadd.s32 $0x960, s5;
	[dreg:$0xa] =	wrdreg s23  }
0x10: {  	[tilespmem:$0x1EC90] =	vst v0;
	s25 =	sadd.s32 $0xAF0, s5;
	[dreg:$0xb] =	wrdreg s24  }
0x11: {  	[tilespmem:$0x1ECA0] =	vst v0;
	s31 =	sadd.s32 $0xC80, s5;
	[dreg:$0xc] =	wrdreg s25  }
0x12: {  	[tilespmem:$0x1ECB0] =	vst v0;
	s1 =	sadd.s32 $0xE10, s5;
	[dreg:$0xd] =	wrdreg s31  }
0x13: {  	[tilespmem:$0x1ECC0] =	vst v0;
	s7 =	sadd.s32 $0xFA0, s5;
	[dreg:$0xe] =	wrdreg s1  }
0x14: {  	[tilespmem:$0x1ECD0] =	vst v0;
	s8 =	sadd.s32 $0x1130, s5;
	[dreg:$0xf] =	wrdreg s7  }
0x15: {  	[tilespmem:$0x1ECE0] =	vst v0;
	s9 =	sadd.s32 $0x12C0, s5;
	[dreg:$0x10] =	wrdreg s8  }
0x16: {  	[tilespmem:$0x1ECF0] =	vst v0;
	s10 =	sadd.s32 $0x1450, s5;
	[dreg:$0x11] =	wrdreg s9  }
0x17: {  	[tilespmem:$0x1EC30] =	vst v0;
	s11 =	sadd.s32 $0x15E0, s5;
	[dreg:$0x12] =	wrdreg s10  }
0x18: {  	[tilespmem:$0x1EDB0] =	vst v0;
	s12 =	sadd.s32 $0x1770, s5;
	[dreg:$0x13] =	wrdreg s11  }
0x19: {  	[tilespmem:$0x1EDA0] =	vst v0;
	s13 =	sadd.s32 $0x1900, s5;
	[dreg:$0x14] =	wrdreg s12  }
0x1a: {  	[tilespmem:$0x1ED90] =	vst v0;
	s14 =	sadd.s32 $0x1A90, s5;
	[dreg:$0x15] =	wrdreg s13  }
0x1b: {  	[tilespmem:$0x1ED80] =	vst v0;
	s15 =	sadd.s32 $0x1C20, s5;
	[dreg:$0x16] =	wrdreg s14  }
0x1c: {  	[tilespmem:$0x1ED70] =	vst v0;
	s16 =	sadd.s32 $0x1DB0, s5;
	[dreg:$0x17] =	wrdreg s15  }
0x1d: {  	[tilespmem:$0x1ED60] =	vst v0;
	s17 =	sadd.s32 $0x1F40, s5;
	[dreg:$0x18] =	wrdreg s16  }
0x1e: {  	[tilespmem:$0x1ED50] =	vst v0;
	s18 =	sadd.s32 $0x20D0, s5;
	[dreg:$0x19] =	wrdreg s17  }
0x1f: {  	[tilespmem:$0x1ED40] =	vst v0;
	s19 =	sadd.s32 $0x2260, s5;
	[dreg:$0x1a] =	wrdreg s18  }
0x20: {  	[tilespmem:$0x1ED30] =	vst v0;
	[dreg:$0x1b] =	wrdreg s19;
	s20 =	sadd.s32 $0x23F0, s5  }
0x21: {  	[tilespmem:$0x1ED20] =	vst v0;
	s21 =	sadd.s32 $0x2580, s5;
	[dreg:$0x1c] =	wrdreg s20  }
0x22: {  	[tilespmem:$0x1ED10] =	vst v0;
	s22 =	simm.s32 $0x2EE0;
	[dreg:$0x1d] =	wrdreg s21  }
0x23: {  	[tilespmem:$0x1ED00] =	vst v0;
	[dreg:$0x1e] =	wrdreg s22  }
0x24: {  	[tilespmem:$0x1EC40] =	vst v0;
	s6 =	simm.s32 $0x1EC30;
	s23 =	rddreg [dreg:$0x6]  }
0x25: {  	[spmem:s5] =	stream.linear.scatter [tilespmem:s6], [sflag:$0x1], $0x190, $0x38;
	[tilespmem:$0x1EDC0] =	vst v63  }
0x26: {  	s8 =	rddreg [dreg:$0x7]  }
0x27: {  	[spmem:s23] =	stream.linear.scatter [tilespmem:s6], [sflag:$0x1], $0x190, $0x38;
	[tilespmem:$0x1EDC0] =	vst v63  }
0x28: {  	s24 =	rddreg [dreg:$0x8]  }
0x29: {  	[spmem:s8] =	stream.linear.scatter [tilespmem:s6], [sflag:$0x1], $0x190, $0x38;
	[tilespmem:$0x1EDC0] =	vst v63  }
0x2a: {  	s25 =	rddreg [dreg:$0x9]  }
0x2b: {  	[spmem:s24] =	stream.linear.scatter [tilespmem:s6], [sflag:$0x1], $0x190, $0x38;
	[tilespmem:$0x1EDC0] =	vst v63  }
0x2c: {  	s31 =	rddreg [dreg:$0xa]  }
0x2d: {  	[spmem:s25] =	stream.linear.scatter [tilespmem:s6], [sflag:$0x1], $0x190, $0x38;
	[tilespmem:$0x1EDC0] =	vst v63  }
0x2e: {  	s1 =	rddreg [dreg:$0xb]  }
0x2f: {  	[spmem:s31] =	stream.linear.scatter [tilespmem:s6], [sflag:$0x1], $0x190, $0x38;
	[tilespmem:$0x1EDC0] =	vst v63  }
0x30: {  	s9 =	rddreg [dreg:$0xc]  }
0x31: {  	[spmem:s1] =	stream.linear.scatter [tilespmem:s6], [sflag:$0x1], $0x190, $0x38;
	[tilespmem:$0x1EDC0] =	vst v63  }
0x32: {  	s10 =	rddreg [dreg:$0xd]  }
0x33: {  	[spmem:s9] =	stream.linear.scatter [tilespmem:s6], [sflag:$0x1], $0x190, $0x38;
	[tilespmem:$0x1EDC0] =	vst v63  }
0x34: {  	s11 =	rddreg [dreg:$0xe]  }
0x35: {  	[spmem:s10] =	stream.linear.scatter [tilespmem:s6], [sflag:$0x1], $0x190, $0x38;
	[tilespmem:$0x1EDC0] =	vst v63  }
0x36: {  	s12 =	rddreg [dreg:$0xf]  }
0x37: {  	[spmem:s11] =	stream.linear.scatter [tilespmem:s6], [sflag:$0x1], $0x190, $0x38;
	[tilespmem:$0x1EDC0] =	vst v63  }
0x38: {  	s13 =	rddreg [dreg:$0x10]  }
0x39: {  	[spmem:s12] =	stream.linear.scatter [tilespmem:s6], [sflag:$0x1], $0x190, $0x38;
	[tilespmem:$0x1EDC0] =	vst v63  }
0x3a: {  	s14 =	rddreg [dreg:$0x11]  }
0x3b: {  	[spmem:s13] =	stream.linear.scatter [tilespmem:s6], [sflag:$0x1], $0x190, $0x38;
	[tilespmem:$0x1EDC0] =	vst v63  }
0x3c: {  	s15 =	rddreg [dreg:$0x12]  }
0x3d: {  	[spmem:s14] =	stream.linear.scatter [tilespmem:s6], [sflag:$0x1], $0x190, $0x38;
	[tilespmem:$0x1EDC0] =	vst v63  }
0x3e: {  	s16 =	rddreg [dreg:$0x13]  }
0x3f: {  	[spmem:s15] =	stream.linear.scatter [tilespmem:s6], [sflag:$0x1], $0x190, $0x38;
	[tilespmem:$0x1EDC0] =	vst v63  }
0x40: {  	s17 =	rddreg [dreg:$0x14]  }
0x41: {  	[spmem:s16] =	stream.linear.scatter [tilespmem:s6], [sflag:$0x1], $0x190, $0x38;
	[tilespmem:$0x1EDC0] =	vst v63  }
0x42: {  	s18 =	rddreg [dreg:$0x15]  }
0x43: {  	[spmem:s17] =	stream.linear.scatter [tilespmem:s6], [sflag:$0x1], $0x190, $0x38;
	[tilespmem:$0x1EDC0] =	vst v63  }
0x44: {  	s19 =	rddreg [dreg:$0x16]  }
0x45: {  	[spmem:s18] =	stream.linear.scatter [tilespmem:s6], [sflag:$0x1], $0x190, $0x38;
	[tilespmem:$0x1EDC0] =	vst v63  }
0x46: {  	s20 =	rddreg [dreg:$0x17]  }
0x47: {  	[spmem:s19] =	stream.linear.scatter [tilespmem:s6], [sflag:$0x1], $0x190, $0x38;
	[tilespmem:$0x1EDC0] =	vst v63  }
0x48: {  	s21 =	rddreg [dreg:$0x18]  }
0x49: {  	[spmem:s20] =	stream.linear.scatter [tilespmem:s6], [sflag:$0x1], $0x190, $0x38;
	[tilespmem:$0x1EDC0] =	vst v63  }
0x4a: {  	s22 =	rddreg [dreg:$0x19]  }
0x4b: {  	[spmem:s21] =	stream.linear.scatter [tilespmem:s6], [sflag:$0x1], $0x190, $0x38;
	[tilespmem:$0x1EDC0] =	vst v63  }
0x4c: {  	s23 =	rddreg [dreg:$0x1a]  }
0x4d: {  	[spmem:s22] =	stream.linear.scatter [tilespmem:s6], [sflag:$0x1], $0x190, $0x38;
	[tilespmem:$0x1EDC0] =	vst v63  }
0x4e: {  	s24 =	rddreg [dreg:$0x1b]  }
0x4f: {  	[spmem:s23] =	stream.linear.scatter [tilespmem:s6], [sflag:$0x1], $0x190, $0x38;
	[tilespmem:$0x1EDC0] =	vst v63  }
0x50: {  	s25 =	rddreg [dreg:$0x1c];
	s31 =	simm.s32 $0x36B0  }
0x51: {  	[spmem:s24] =	stream.linear.scatter [tilespmem:s6], [sflag:$0x1], $0x190, $0x38;
	[tilespmem:$0x1EDC0] =	vst v63  }
0x52: {  	[dreg:$0x1f] =	wrdreg s31  }
0x53: {  	[spmem:s25] =	stream.linear.scatter [tilespmem:s6], [sflag:$0x1], $0x190, $0x38;
	[tilespmem:$0x1EDC0] =	vst v63  }
0x54: {  	s7 =	simm.s32 $0x1;
	s9 =	rddreg [dreg:$0x1d]  }
0x55: {  	[spmem:s9] =	stream.linear.scatter [tilespmem:s6], [sflag:$0x1], $0x190, $0x38;
	[tilespmem:$0x1EDC0] =	vst v63  }
0x56: {  	_ =	swait.ge [sflag:s7], $0x190  }
0x57: {  	[sflag:s7] =	ssyncset.done $0x0  }
0x58: {  	[sflag:s7] =	ssyncadd.s32 $0xFFFFFE70  }
0x59: {  	_ =	swait.ge [sflag:s7], $0x190  }
0x5a: {  	[sflag:s7] =	ssyncset.done $0x0  }
0x5b: {  	[sflag:s7] =	ssyncadd.s32 $0xFFFFFE70  }
0x5c: {  	_ =	swait.ge [sflag:s7], $0x190  }
0x5d: {  	[sflag:s7] =	ssyncset.done $0x0  }
0x5e: {  	[sflag:s7] =	ssyncadd.s32 $0xFFFFFE70  }
0x5f: {  	_ =	swait.ge [sflag:s7], $0x190  }
0x60: {  	[sflag:s7] =	ssyncset.done $0x0  }
0x61: {  	[sflag:s7] =	ssyncadd.s32 $0xFFFFFE70  }
0x62: {  	_ =	swait.ge [sflag:s7], $0x190  }
0x63: {  	[sflag:s7] =	ssyncset.done $0x0  }
0x64: {  	[sflag:s7] =	ssyncadd.s32 $0xFFFFFE70  }
0x65: {  	_ =	swait.ge [sflag:s7], $0x190  }
0x66: {  	[sflag:s7] =	ssyncset.done $0x0  }
0x67: {  	[sflag:s7] =	ssyncadd.s32 $0xFFFFFE70  }
0x68: {  	_ =	swait.ge [sflag:s7], $0x190  }
0x69: {  	[sflag:s7] =	ssyncset.done $0x0  }
0x6a: {  	[sflag:s7] =	ssyncadd.s32 $0xFFFFFE70  }
0x6b: {  	_ =	swait.ge [sflag:s7], $0x190  }
0x6c: {  	[sflag:s7] =	ssyncset.done $0x0  }
0x6d: {  	[sflag:s7] =	ssyncadd.s32 $0xFFFFFE70  }
0x6e: {  	_ =	swait.ge [sflag:s7], $0x190  }
0x6f: {  	[sflag:s7] =	ssyncset.done $0x0  }
0x70: {  	[sflag:s7] =	ssyncadd.s32 $0xFFFFFE70  }
0x71: {  	_ =	swait.ge [sflag:s7], $0x190  }
0x72: {  	[sflag:s7] =	ssyncset.done $0x0  }
0x73: {  	[sflag:s7] =	ssyncadd.s32 $0xFFFFFE70  }
0x74: {  	_ =	swait.ge [sflag:s7], $0x190  }
0x75: {  	[sflag:s7] =	ssyncset.done $0x0  }
0x76: {  	[sflag:s7] =	ssyncadd.s32 $0xFFFFFE70  }
0x77: {  	_ =	swait.ge [sflag:s7], $0x190  }
0x78: {  	[sflag:s7] =	ssyncset.done $0x0  }
0x79: {  	[sflag:s7] =	ssyncadd.s32 $0xFFFFFE70  }
0x7a: {  	_ =	swait.ge [sflag:s7], $0x190  }
0x7b: {  	[sflag:s7] =	ssyncset.done $0x0  }
0x7c: {  	[sflag:s7] =	ssyncadd.s32 $0xFFFFFE70  }
0x7d: {  	_ =	swait.ge [sflag:s7], $0x190  }
0x7e: {  	[sflag:s7] =	ssyncset.done $0x0  }
0x7f: {  	[sflag:s7] =	ssyncadd.s32 $0xFFFFFE70  }
0x80: {  	_ =	swait.ge [sflag:s7], $0x190  }
0x81: {  	[sflag:s7] =	ssyncset.done $0x0  }
0x82: {  	[sflag:s7] =	ssyncadd.s32 $0xFFFFFE70  }
0x83: {  	_ =	swait.ge [sflag:s7], $0x190  }
0x84: {  	[sflag:s7] =	ssyncset.done $0x0  }
0x85: {  	[sflag:s7] =	ssyncadd.s32 $0xFFFFFE70  }
0x86: {  	_ =	swait.ge [sflag:s7], $0x190  }
0x87: {  	[sflag:s7] =	ssyncset.done $0x0  }
0x88: {  	[sflag:s7] =	ssyncadd.s32 $0xFFFFFE70  }
0x89: {  	_ =	swait.ge [sflag:s7], $0x190  }
0x8a: {  	[sflag:s7] =	ssyncset.done $0x0  }
0x8b: {  	[sflag:s7] =	ssyncadd.s32 $0xFFFFFE70  }
0x8c: {  	_ =	swait.ge [sflag:s7], $0x190  }
0x8d: {  	[sflag:s7] =	ssyncset.done $0x0  }
0x8e: {  	[sflag:s7] =	ssyncadd.s32 $0xFFFFFE70  }
0x8f: {  	_ =	swait.ge [sflag:s7], $0x190  }
0x90: {  	[sflag:s7] =	ssyncset.done $0x0  }
0x91: {  	[sflag:s7] =	ssyncadd.s32 $0xFFFFFE70  }
0x92: {  	_ =	swait.ge [sflag:s7], $0x190  }
0x93: {  	[sflag:s7] =	ssyncset.done $0x0  }
0x94: {  	[sflag:s7] =	ssyncadd.s32 $0xFFFFFE70  }
0x95: {  	_ =	swait.ge [sflag:s7], $0x190  }
0x96: {  	[sflag:s7] =	ssyncset.done $0x0  }
0x97: {  	[sflag:s7] =	ssyncadd.s32 $0xFFFFFE70  }
0x98: {  	_ =	swait.ge [sflag:s7], $0x190  }
0x99: {  	[sflag:s7] =	ssyncset.done $0x0  }
0x9a: {  	[sflag:s7] =	ssyncadd.s32 $0xFFFFFE70  }
0x9b: {  	_ =	swait.ge [sflag:s7], $0x190  }
0x9c: {  	[sflag:s7] =	ssyncset.done $0x0  }
0x9d: {  	[sflag:s7] =	ssyncadd.s32 $0xFFFFFE70  }
0x9e: {  	_ =	swait.ge [sflag:s7], $0x190  }
0x9f: {  	s8 =	simm.s32 $0x7;
	[sflag:s7] =	ssyncset.done $0x0  }
0xa0: {  	s9 =	simm.s32 $0x2710;
	s10 =	rddreg [dreg:$0x4];
	[sflag:s7] =	ssyncadd.s32 $0xFFFFFE70  }
0xa1: {  	[tilespmem:s9], [sflag:$0x7] =	stream.linear.gather [hbm4b:s10+s4], $0x2710, $0x38;
	[tilespmem:$0x1EDC0] =	vst v63  }
0xa2: {  	_ =	swait.ge [sflag:s8], $0x2710  }
0xa3: {  	[sflag:s8] =	ssyncset.done $0x0  }
0xa4: {  	s10 =	simm.s32 $0x4E20;
	s11 =	rddreg [dreg:$0x5];
	[sflag:s8] =	ssyncadd.s32 $0xFFFFD8F0  }
0xa5: {  	[tilespmem:s10], [sflag:$0x7] =	stream.linear.gather [hbm4b:s11+s4], $0x2710, $0x38;
	[tilespmem:$0x1EDC0] =	vst v63  }
0xa6: {  	_ =	swait.ge [sflag:s8], $0x2710  }
0xa7: {  	[sflag:s8] =	ssyncset.done $0x0  }
0xa8: {  	[sflag:s8] =	ssyncadd.s32 $0xFFFFD8F0  }
0xa9: {  	s12 =	simm.s32 $0x7530;
	s11 =	simm.s32 $0x7D0;
	[bflag:$0x0] =	sbarrier.arrive $0xFFFF  }
0xaa: {  	[tilespmem:s12], [sflag:$0x1] =	stream.indirect.gather [hbm4b:s2+s11], $0x10, s9, s11, $0xb8;
	[tilespmem:$0x1EDC0] =	vst v63  }
0xab: {  	s13 =	simm.s32 $0xF230;
	s14 =	rddreg [dreg:$0x1e]  }
0xac: {  	[tilespmem:s13], [sflag:$0x2] =	stream.indirect.gather [hbm4b:s2+s11], $0x10, s14, s11, $0xb8;
	[tilespmem:$0x1EDC0] =	vst v63  }
0xad: {  	_ =	swait.ge [sflag:s7], $0x7D00  }
0xae: {  	[sflag:s7] =	ssyncset.done $0x0  }
0xaf: {  	[sflag:s7] =	ssyncadd.s32 $0xFFFF8300  }
0xb0: {  	[spmem:s3] =	stream.indirect.scatter.add.f32 [tilespmem:s12], [sflag:$0x4], $0x10, s10, s11, $0xb8;
	[tilespmem:$0x1EDC0] =	vst v63  }
0xb1: {  	s15 =	simm.s32 $0x2;
	s14 =	simm.s32 $0x16F30;
	s16 =	rddreg [dreg:$0x1f]  }
0xb2: {  	[tilespmem:s14], [sflag:$0x3] =	stream.indirect.gather [hbm4b:s2+s11], $0x10, s16, s11, $0xb8;
	[tilespmem:$0x1EDC0] =	vst v63  }
0xb3: {  	_ =	swait.ge [sflag:s15], $0x7D00  }
0xb4: {  	[sflag:s15] =	ssyncset.done $0x0  }
0xb5: {  	s17 =	simm.s32 $0x4;
	s16 =	simm.s32 $0x55F0;
	[sflag:s15] =	ssyncadd.s32 $0xFFFF8300  }
0xb6: {  	[spmem:s3] =	stream.indirect.scatter.add.f32 [tilespmem:s13], [sflag:$0x5], $0x10, s16, s11, $0xb8;
	[tilespmem:$0x1EDC0] =	vst v63  }
0xb7: {  	_ =	swait.ge [sflag:s17], $0x7D00  }
0xb8: {  	[sflag:s17] =	ssyncset.done $0x0  }
0xb9: {  	s18 =	simm.s32 $0x3E80;
	s19 =	simm.s32 $0x3;
	[sflag:s17] =	ssyncadd.s32 $0xFFFF8300  }
0xba: {  	[tilespmem:s12], [sflag:$0x1] =	stream.indirect.gather [hbm4b:s2+s11], $0x10, s18, s11, $0xb8;
	[tilespmem:$0x1EDC0] =	vst v63  }
0xbb: {  	_ =	swait.ge [sflag:s19], $0x7D00  }
0xbc: {  	[sflag:s19] =	ssyncset.done $0x0  }
0xbd: {  	s20 =	simm.s32 $0x5DC0;
	s21 =	simm.s32 $0x5;
	[sflag:s19] =	ssyncadd.s32 $0xFFFF8300  }
0xbe: {  	[spmem:s3] =	stream.indirect.scatter.add.f32 [tilespmem:s14], [sflag:$0x6], $0x10, s20, s11, $0xb8;
	[tilespmem:$0x1EDC0] =	vst v63  }
0xbf: {  	_ =	swait.ge [sflag:s21], $0x7D00  }
0xc0: {  	[sflag:s21] =	ssyncset.done $0x0  }
0xc1: {  	s22 =	simm.s32 $0x4650;
	[sflag:s21] =	ssyncadd.s32 $0xFFFF8300  }
0xc2: {  	[tilespmem:s13], [sflag:$0x2] =	stream.indirect.gather [hbm4b:s2+s11], $0x10, s22, s11, $0xb8;
	[tilespmem:$0x1EDC0] =	vst v63  }
0xc3: {  	_ =	swait.ge [sflag:s7], $0x7D00  }
0xc4: {  	[sflag:s7] =	ssyncset.done $0x0  }
0xc5: {  	s23 =	simm.s32 $0x6590;
	[sflag:s7] =	ssyncadd.s32 $0xFFFF8300  }
0xc6: {  	[spmem:s3] =	stream.indirect.scatter.add.f32 [tilespmem:s12], [sflag:$0x4], $0x10, s23, s11, $0xb8;
	[tilespmem:$0x1EDC0] =	vst v63  }
0xc7: {  	_ =	swait.ge [sflag:s15], $0x7D00  }
0xc8: {  	[sflag:s15] =	ssyncset.done $0x0  }
0xc9: {  	s24 =	simm.s32 $0x6D60;
	s25 =	simm.s32 $0x6;
	[sflag:s15] =	ssyncadd.s32 $0xFFFF8300  }
0xca: {  	[spmem:s3] =	stream.indirect.scatter.add.f32 [tilespmem:s13], [sflag:$0x5], $0x10, s24, s11, $0xb8;
	[tilespmem:$0x1EDC0] =	vst v63  }
0xcb: {  	_ =	swait.ge [sflag:s25], $0x7D00  }
0xcc: {  	s29 =	smul.u32 $0x4E20, s28;
	s28 =	ssub.s32 $0x2, s28;
	[sflag:s25] =	ssyncset.done $0x0  }
0xcd: {  	s30 =	sshrl.u32 s28, $0x1;
	[sflag:s25] =	ssyncadd.s32 $0xFFFF8300  }
0xce: {  	s28 =	ssub.s32 s28, s30;
	_ =	swait.ge [sflag:s17], $0x7D00  }
0xcf: {  	s30 =	smax.u32 s28, $0x1;
	s31 =	smul.u32 $0x2710, s0;
	[sflag:s17] =	ssyncset.done $0x0  }
0xd0: {  	s26 =	sadd.s32 s29, s26;
	p0 =	sne.s32 s30, $0x1;
	[sflag:s17] =	ssyncadd.s32 $0xFFFF8300  }
0xd1: {  	s26 =	sadd.s32 $0x16000, s26;
	s29 =	sshrl.u32 s31, $0x3;
	_ =	swait.ge [sflag:s21], $0x7D00  }
0xd2: {  	s1 =	sshll.u32 s0, $0x6;
	s26 =	sadd.s32 s29, s26;
	[sflag:s21] =	ssyncset.done $0x0  }
.Ltmp0:
0xd3: {  	s29 =	sadd.s32 s31, s3;
	[sflag:s21] =	ssyncadd.s32 $0xFFFF8300;
	(pc) =	sbr.rel @!p0 .LBB2_2-.Ltmp0, $4  }
0xd4: {  	s28 =	sshrl.u32 s29, $0x3;
	s29 =	sor.u32 $0x1C07, s1;
	[bflag:$0x0] =	sbarrier.arrive $0xFFFF  }
0xd5: {  	[hbm:s26], [sflag:s29] =	dma.local [spmem:s28], $0x4E2  }
0xd6: {  	_ =	swait.ge [sflag:s8], $0x4E2  }
0xd7: {  	s30 =	sadd.s32 $0xFFFFFFFF, s30;
	[sflag:s8] =	ssyncset.done $0x0  }
.LBB2_1:
0xd8: {  	[sflag:s8] =	ssyncadd.s32 $0xFFFFFB1E  }
0xd9: {  	[tilespmem:$0x1EC50] =	vst v0  }
0xda: {  	[tilespmem:$0x1EC60] =	vst v0  }
0xdb: {  	[tilespmem:$0x1EC70] =	vst v0  }
0xdc: {  	[tilespmem:$0x1EC80] =	vst v0  }
0xdd: {  	[tilespmem:$0x1EC90] =	vst v0  }
0xde: {  	[tilespmem:$0x1ECA0] =	vst v0  }
0xdf: {  	[tilespmem:$0x1ECB0] =	vst v0  }
0xe0: {  	[tilespmem:$0x1ECC0] =	vst v0  }
0xe1: {  	[tilespmem:$0x1ECD0] =	vst v0  }
0xe2: {  	[tilespmem:$0x1ECE0] =	vst v0  }
0xe3: {  	[tilespmem:$0x1ECF0] =	vst v0  }
0xe4: {  	[tilespmem:$0x1EC30] =	vst v0  }
0xe5: {  	[tilespmem:$0x1EDB0] =	vst v0  }
0xe6: {  	[tilespmem:$0x1EDA0] =	vst v0  }
0xe7: {  	[tilespmem:$0x1ED90] =	vst v0  }
0xe8: {  	[tilespmem:$0x1ED80] =	vst v0  }
0xe9: {  	[tilespmem:$0x1ED70] =	vst v0  }
0xea: {  	[tilespmem:$0x1ED60] =	vst v0  }
0xeb: {  	[tilespmem:$0x1ED50] =	vst v0  }
0xec: {  	[tilespmem:$0x1ED40] =	vst v0  }
0xed: {  	[tilespmem:$0x1ED30] =	vst v0  }
0xee: {  	[tilespmem:$0x1ED20] =	vst v0  }
0xef: {  	[tilespmem:$0x1ED10] =	vst v0  }
0xf0: {  	[tilespmem:$0x1ED00] =	vst v0  }
0xf1: {  	[tilespmem:$0x1EC40] =	vst v0  }
0xf2: {  	[spmem:s5] =	stream.linear.scatter [tilespmem:s6], [sflag:$0x1], $0x190, $0x38;
	[tilespmem:$0x1EDC0] =	vst v63  }
0xf3: {  	s31 =	rddreg [dreg:$0x6]  }
0xf4: {  	[spmem:s31] =	stream.linear.scatter [tilespmem:s6], [sflag:$0x1], $0x190, $0x38;
	[tilespmem:$0x1EDC0] =	vst v63  }
0xf5: {  	s1 =	rddreg [dreg:$0x7]  }
0xf6: {  	[spmem:s1] =	stream.linear.scatter [tilespmem:s6], [sflag:$0x1], $0x190, $0x38;
	[tilespmem:$0x1EDC0] =	vst v63  }
0xf7: {  	s31 =	rddreg [dreg:$0x8]  }
0xf8: {  	[spmem:s31] =	stream.linear.scatter [tilespmem:s6], [sflag:$0x1], $0x190, $0x38;
	[tilespmem:$0x1EDC0] =	vst v63  }
0xf9: {  	s1 =	rddreg [dreg:$0x9]  }
0xfa: {  	[spmem:s1] =	stream.linear.scatter [tilespmem:s6], [sflag:$0x1], $0x190, $0x38;
	[tilespmem:$0x1EDC0] =	vst v63  }
0xfb: {  	s31 =	rddreg [dreg:$0xa]  }
0xfc: {  	[spmem:s31] =	stream.linear.scatter [tilespmem:s6], [sflag:$0x1], $0x190, $0x38;
	[tilespmem:$0x1EDC0] =	vst v63  }
0xfd: {  	s1 =	rddreg [dreg:$0xb]  }
0xfe: {  	[spmem:s1] =	stream.linear.scatter [tilespmem:s6], [sflag:$0x1], $0x190, $0x38;
	[tilespmem:$0x1EDC0] =	vst v63  }
0xff: {  	s31 =	rddreg [dreg:$0xc]  }
0x100: {  	[spmem:s31] =	stream.linear.scatter [tilespmem:s6], [sflag:$0x1], $0x190, $0x38;
	[tilespmem:$0x1EDC0] =	vst v63  }
0x101: {  	s1 =	rddreg [dreg:$0xd]  }
0x102: {  	[spmem:s1] =	stream.linear.scatter [tilespmem:s6], [sflag:$0x1], $0x190, $0x38;
	[tilespmem:$0x1EDC0] =	vst v63  }
0x103: {  	s31 =	rddreg [dreg:$0xe]  }
0x104: {  	[spmem:s31] =	stream.linear.scatter [tilespmem:s6], [sflag:$0x1], $0x190, $0x38;
	[tilespmem:$0x1EDC0] =	vst v63  }
0x105: {  	s1 =	rddreg [dreg:$0xf]  }
0x106: {  	[spmem:s1] =	stream.linear.scatter [tilespmem:s6], [sflag:$0x1], $0x190, $0x38;
	[tilespmem:$0x1EDC0] =	vst v63  }
0x107: {  	s31 =	rddreg [dreg:$0x10]  }
0x108: {  	[spmem:s31] =	stream.linear.scatter [tilespmem:s6], [sflag:$0x1], $0x190, $0x38;
	[tilespmem:$0x1EDC0] =	vst v63  }
0x109: {  	s1 =	rddreg [dreg:$0x11]  }
0x10a: {  	[spmem:s1] =	stream.linear.scatter [tilespmem:s6], [sflag:$0x1], $0x190, $0x38;
	[tilespmem:$0x1EDC0] =	vst v63  }
0x10b: {  	s31 =	rddreg [dreg:$0x12]  }
0x10c: {  	[spmem:s31] =	stream.linear.scatter [tilespmem:s6], [sflag:$0x1], $0x190, $0x38;
	[tilespmem:$0x1EDC0] =	vst v63  }
0x10d: {  	s1 =	rddreg [dreg:$0x13]  }
0x10e: {  	[spmem:s1] =	stream.linear.scatter [tilespmem:s6], [sflag:$0x1], $0x190, $0x38;
	[tilespmem:$0x1EDC0] =	vst v63  }
0x10f: {  	s31 =	rddreg [dreg:$0x14]  }
0x110: {  	[spmem:s31] =	stream.linear.scatter [tilespmem:s6], [sflag:$0x1], $0x190, $0x38;
	[tilespmem:$0x1EDC0] =	vst v63  }
0x111: {  	s1 =	rddreg [dreg:$0x15]  }
0x112: {  	[spmem:s1] =	stream.linear.scatter [tilespmem:s6], [sflag:$0x1], $0x190, $0x38;
	[tilespmem:$0x1EDC0] =	vst v63  }
0x113: {  	s31 =	rddreg [dreg:$0x16]  }
0x114: {  	[spmem:s31] =	stream.linear.scatter [tilespmem:s6], [sflag:$0x1], $0x190, $0x38;
	[tilespmem:$0x1EDC0] =	vst v63  }
0x115: {  	s1 =	rddreg [dreg:$0x17]  }
0x116: {  	[spmem:s1] =	stream.linear.scatter [tilespmem:s6], [sflag:$0x1], $0x190, $0x38;
	[tilespmem:$0x1EDC0] =	vst v63  }
0x117: {  	s31 =	rddreg [dreg:$0x18]  }
0x118: {  	[spmem:s31] =	stream.linear.scatter [tilespmem:s6], [sflag:$0x1], $0x190, $0x38;
	[tilespmem:$0x1EDC0] =	vst v63  }
0x119: {  	s1 =	rddreg [dreg:$0x19]  }
0x11a: {  	[spmem:s1] =	stream.linear.scatter [tilespmem:s6], [sflag:$0x1], $0x190, $0x38;
	[tilespmem:$0x1EDC0] =	vst v63  }
0x11b: {  	s31 =	rddreg [dreg:$0x1a]  }
0x11c: {  	[spmem:s31] =	stream.linear.scatter [tilespmem:s6], [sflag:$0x1], $0x190, $0x38;
	[tilespmem:$0x1EDC0] =	vst v63  }
0x11d: {  	s1 =	rddreg [dreg:$0x1b]  }
0x11e: {  	[spmem:s1] =	stream.linear.scatter [tilespmem:s6], [sflag:$0x1], $0x190, $0x38;
	[tilespmem:$0x1EDC0] =	vst v63  }
0x11f: {  	s31 =	rddreg [dreg:$0x1c]  }
0x120: {  	[spmem:s31] =	stream.linear.scatter [tilespmem:s6], [sflag:$0x1], $0x190, $0x38;
	[tilespmem:$0x1EDC0] =	vst v63  }
0x121: {  	s1 =	rddreg [dreg:$0x1d]  }
0x122: {  	[spmem:s1] =	stream.linear.scatter [tilespmem:s6], [sflag:$0x1], $0x190, $0x38;
	[tilespmem:$0x1EDC0] =	vst v63  }
0x123: {  	_ =	swait.ge [sflag:s7], $0x190  }
0x124: {  	[sflag:s7] =	ssyncset.done $0x0  }
0x125: {  	[sflag:s7] =	ssyncadd.s32 $0xFFFFFE70  }
0x126: {  	_ =	swait.ge [sflag:s7], $0x190  }
0x127: {  	[sflag:s7] =	ssyncset.done $0x0  }
0x128: {  	[sflag:s7] =	ssyncadd.s32 $0xFFFFFE70  }
0x129: {  	_ =	swait.ge [sflag:s7], $0x190  }
0x12a: {  	[sflag:s7] =	ssyncset.done $0x0  }
0x12b: {  	[sflag:s7] =	ssyncadd.s32 $0xFFFFFE70  }
0x12c: {  	_ =	swait.ge [sflag:s7], $0x190  }
0x12d: {  	[sflag:s7] =	ssyncset.done $0x0  }
0x12e: {  	[sflag:s7] =	ssyncadd.s32 $0xFFFFFE70  }
0x12f: {  	_ =	swait.ge [sflag:s7], $0x190  }
0x130: {  	[sflag:s7] =	ssyncset.done $0x0  }
0x131: {  	[sflag:s7] =	ssyncadd.s32 $0xFFFFFE70  }
0x132: {  	_ =	swait.ge [sflag:s7], $0x190  }
0x133: {  	[sflag:s7] =	ssyncset.done $0x0  }
0x134: {  	[sflag:s7] =	ssyncadd.s32 $0xFFFFFE70  }
0x135: {  	_ =	swait.ge [sflag:s7], $0x190  }
0x136: {  	[sflag:s7] =	ssyncset.done $0x0  }
0x137: {  	[sflag:s7] =	ssyncadd.s32 $0xFFFFFE70  }
0x138: {  	_ =	swait.ge [sflag:s7], $0x190  }
0x139: {  	[sflag:s7] =	ssyncset.done $0x0  }
0x13a: {  	[sflag:s7] =	ssyncadd.s32 $0xFFFFFE70  }
0x13b: {  	_ =	swait.ge [sflag:s7], $0x190  }
0x13c: {  	[sflag:s7] =	ssyncset.done $0x0  }
0x13d: {  	[sflag:s7] =	ssyncadd.s32 $0xFFFFFE70  }
0x13e: {  	_ =	swait.ge [sflag:s7], $0x190  }
0x13f: {  	[sflag:s7] =	ssyncset.done $0x0  }
0x140: {  	[sflag:s7] =	ssyncadd.s32 $0xFFFFFE70  }
0x141: {  	_ =	swait.ge [sflag:s7], $0x190  }
0x142: {  	[sflag:s7] =	ssyncset.done $0x0  }
0x143: {  	[sflag:s7] =	ssyncadd.s32 $0xFFFFFE70  }
0x144: {  	_ =	swait.ge [sflag:s7], $0x190  }
0x145: {  	[sflag:s7] =	ssyncset.done $0x0  }
0x146: {  	[sflag:s7] =	ssyncadd.s32 $0xFFFFFE70  }
0x147: {  	_ =	swait.ge [sflag:s7], $0x190  }
0x148: {  	[sflag:s7] =	ssyncset.done $0x0  }
0x149: {  	[sflag:s7] =	ssyncadd.s32 $0xFFFFFE70  }
0x14a: {  	_ =	swait.ge [sflag:s7], $0x190  }
0x14b: {  	[sflag:s7] =	ssyncset.done $0x0  }
0x14c: {  	[sflag:s7] =	ssyncadd.s32 $0xFFFFFE70  }
0x14d: {  	_ =	swait.ge [sflag:s7], $0x190  }
0x14e: {  	[sflag:s7] =	ssyncset.done $0x0  }
0x14f: {  	[sflag:s7] =	ssyncadd.s32 $0xFFFFFE70  }
0x150: {  	_ =	swait.ge [sflag:s7], $0x190  }
0x151: {  	[sflag:s7] =	ssyncset.done $0x0  }
0x152: {  	[sflag:s7] =	ssyncadd.s32 $0xFFFFFE70  }
0x153: {  	_ =	swait.ge [sflag:s7], $0x190  }
0x154: {  	[sflag:s7] =	ssyncset.done $0x0  }
0x155: {  	[sflag:s7] =	ssyncadd.s32 $0xFFFFFE70  }
0x156: {  	_ =	swait.ge [sflag:s7], $0x190  }
0x157: {  	[sflag:s7] =	ssyncset.done $0x0  }
0x158: {  	[sflag:s7] =	ssyncadd.s32 $0xFFFFFE70  }
0x159: {  	_ =	swait.ge [sflag:s7], $0x190  }
0x15a: {  	[sflag:s7] =	ssyncset.done $0x0  }
0x15b: {  	[sflag:s7] =	ssyncadd.s32 $0xFFFFFE70  }
0x15c: {  	_ =	swait.ge [sflag:s7], $0x190  }
0x15d: {  	[sflag:s7] =	ssyncset.done $0x0  }
0x15e: {  	[sflag:s7] =	ssyncadd.s32 $0xFFFFFE70  }
0x15f: {  	_ =	swait.ge [sflag:s7], $0x190  }
0x160: {  	[sflag:s7] =	ssyncset.done $0x0  }
0x161: {  	[sflag:s7] =	ssyncadd.s32 $0xFFFFFE70  }
0x162: {  	_ =	swait.ge [sflag:s7], $0x190  }
0x163: {  	[sflag:s7] =	ssyncset.done $0x0  }
0x164: {  	[sflag:s7] =	ssyncadd.s32 $0xFFFFFE70  }
0x165: {  	_ =	swait.ge [sflag:s7], $0x190  }
0x166: {  	[sflag:s7] =	ssyncset.done $0x0  }
0x167: {  	[sflag:s7] =	ssyncadd.s32 $0xFFFFFE70  }
0x168: {  	_ =	swait.ge [sflag:s7], $0x190  }
0x169: {  	[sflag:s7] =	ssyncset.done $0x0  }
0x16a: {  	[sflag:s7] =	ssyncadd.s32 $0xFFFFFE70  }
0x16b: {  	_ =	swait.ge [sflag:s7], $0x190  }
0x16c: {  	[sflag:s7] =	ssyncset.done $0x0  }
0x16d: {  	s31 =	rddreg [dreg:$0x4];
	[sflag:s7] =	ssyncadd.s32 $0xFFFFFE70  }
0x16e: {  	[tilespmem:s9], [sflag:$0x7] =	stream.linear.gather [hbm4b:s31+s4], $0x2710, $0x38;
	[tilespmem:$0x1EDC0] =	vst v63  }
0x16f: {  	_ =	swait.ge [sflag:s8], $0x2710  }
0x170: {  	[sflag:s8] =	ssyncset.done $0x0  }
0x171: {  	s31 =	rddreg [dreg:$0x5];
	[sflag:s8] =	ssyncadd.s32 $0xFFFFD8F0  }
0x172: {  	[tilespmem:s10], [sflag:$0x7] =	stream.linear.gather [hbm4b:s31+s4], $0x2710, $0x38;
	[tilespmem:$0x1EDC0] =	vst v63  }
0x173: {  	_ =	swait.ge [sflag:s8], $0x2710  }
0x174: {  	[sflag:s8] =	ssyncset.done $0x0  }
0x175: {  	[sflag:s8] =	ssyncadd.s32 $0xFFFFD8F0  }
0x176: {  	[bflag:$0x0] =	sbarrier.arrive $0xFFFF  }
0x177: {  	[tilespmem:s12], [sflag:$0x1] =	stream.indirect.gather [hbm4b:s2+s11], $0x10, s9, s11, $0xb8;
	[tilespmem:$0x1EDC0] =	vst v63  }
0x178: {  	s31 =	rddreg [dreg:$0x1e]  }
0x179: {  	[tilespmem:s13], [sflag:$0x2] =	stream.indirect.gather [hbm4b:s2+s11], $0x10, s31, s11, $0xb8;
	[tilespmem:$0x1EDC0] =	vst v63  }
0x17a: {  	_ =	swait.ge [sflag:s7], $0x7D00  }
0x17b: {  	[sflag:s7] =	ssyncset.done $0x0  }
0x17c: {  	[sflag:s7] =	ssyncadd.s32 $0xFFFF8300  }
0x17d: {  	[spmem:s3] =	stream.indirect.scatter.add.f32 [tilespmem:s12], [sflag:$0x4], $0x10, s10, s11, $0xb8;
	[tilespmem:$0x1EDC0] =	vst v63  }
0x17e: {  	s31 =	rddreg [dreg:$0x1f]  }
0x17f: {  	[tilespmem:s14], [sflag:$0x3] =	stream.indirect.gather [hbm4b:s2+s11], $0x10, s31, s11, $0xb8;
	[tilespmem:$0x1EDC0] =	vst v63  }
0x180: {  	_ =	swait.ge [sflag:s15], $0x7D00  }
0x181: {  	[sflag:s15] =	ssyncset.done $0x0  }
0x182: {  	[sflag:s15] =	ssyncadd.s32 $0xFFFF8300  }
0x183: {  	[spmem:s3] =	stream.indirect.scatter.add.f32 [tilespmem:s13], [sflag:$0x5], $0x10, s16, s11, $0xb8;
	[tilespmem:$0x1EDC0] =	vst v63  }
0x184: {  	_ =	swait.ge [sflag:s17], $0x7D00  }
0x185: {  	[sflag:s17] =	ssyncset.done $0x0  }
0x186: {  	[sflag:s17] =	ssyncadd.s32 $0xFFFF8300  }
0x187: {  	[tilespmem:s12], [sflag:$0x1] =	stream.indirect.gather [hbm4b:s2+s11], $0x10, s18, s11, $0xb8;
	[tilespmem:$0x1EDC0] =	vst v63  }
0x188: {  	_ =	swait.ge [sflag:s19], $0x7D00  }
0x189: {  	[sflag:s19] =	ssyncset.done $0x0  }
0x18a: {  	[sflag:s19] =	ssyncadd.s32 $0xFFFF8300  }
0x18b: {  	[spmem:s3] =	stream.indirect.scatter.add.f32 [tilespmem:s14], [sflag:$0x6], $0x10, s20, s11, $0xb8;
	[tilespmem:$0x1EDC0] =	vst v63  }
0x18c: {  	_ =	swait.ge [sflag:s21], $0x7D00  }
0x18d: {  	[sflag:s21] =	ssyncset.done $0x0  }
0x18e: {  	[sflag:s21] =	ssyncadd.s32 $0xFFFF8300  }
0x18f: {  	[tilespmem:s13], [sflag:$0x2] =	stream.indirect.gather [hbm4b:s2+s11], $0x10, s22, s11, $0xb8;
	[tilespmem:$0x1EDC0] =	vst v63  }
0x190: {  	_ =	swait.ge [sflag:s7], $0x7D00  }
0x191: {  	[sflag:s7] =	ssyncset.done $0x0  }
0x192: {  	[sflag:s7] =	ssyncadd.s32 $0xFFFF8300  }
0x193: {  	[spmem:s3] =	stream.indirect.scatter.add.f32 [tilespmem:s12], [sflag:$0x4], $0x10, s23, s11, $0xb8;
	[tilespmem:$0x1EDC0] =	vst v63  }
0x194: {  	_ =	swait.ge [sflag:s15], $0x7D00  }
0x195: {  	[sflag:s15] =	ssyncset.done $0x0  }
0x196: {  	[sflag:s15] =	ssyncadd.s32 $0xFFFF8300  }
0x197: {  	[spmem:s3] =	stream.indirect.scatter.add.f32 [tilespmem:s13], [sflag:$0x5], $0x10, s24, s11, $0xb8;
	[tilespmem:$0x1EDC0] =	vst v63  }
0x198: {  	_ =	swait.ge [sflag:s25], $0x7D00  }
0x199: {  	[sflag:s25] =	ssyncset.done $0x0  }
0x19a: {  	[sflag:s25] =	ssyncadd.s32 $0xFFFF8300  }
0x19b: {  	_ =	swait.ge [sflag:s17], $0x7D00  }
0x19c: {  	[sflag:s17] =	ssyncset.done $0x0  }
0x19d: {  	[sflag:s17] =	ssyncadd.s32 $0xFFFF8300  }
0x19e: {  	_ =	swait.ge [sflag:s21], $0x7D00  }
0x19f: {  	p0 =	sne.s32 s30, $0x1;
	[sflag:s21] =	ssyncset.done $0x0  }
.Ltmp1:
0x1a0: {  	[sflag:s21] =	ssyncadd.s32 $0xFFFF8300;
	(pc) =	sbr.rel @p0 .LBB2_1-.Ltmp1, $4  }
0x1a1: {  	[bflag:$0x0] =	sbarrier.arrive $0xFFFF  }
0x1a2: {  	[hbm:s26], [sflag:s29] =	dma.local [spmem:s28], $0x4E2  }
0x1a3: {  	_ =	swait.ge [sflag:s8], $0x4E2  }
0x1a4: {  	s30 =	sadd.s32 $0xFFFFFFFF, s30;
	[sflag:s8] =	ssyncset.done $0x0  }
.LBB2_2:
0x1a5: {  	[sflag:s8] =	ssyncadd.s32 $0xFFFFFB1E  }
0x1a6: {  	_ =	sfence.sel $0x180000  }
0x1a7: {  	[bflag:$0x0] =	sbarrier.arrive $0xFFFF  }
0x1a8: {  	_ =	strace $0x9000004D  }
0x1a9: {  	[bflag:$0x2] =	sbarrier.arrive $0xFFFF  }
0x1aa: {  	p0 =	sne.s32 s0, $0x0;
	s0 =	rddreg [dreg:$0x3]  }
0x1ab: {  	s0 =	sadd.s32 @!p0 $0x100000, s0  }
0x1ac: {  	[sflag:s0] =	ssyncadd.tile.s32 @!p0 $0x1;
	_ =	shalt  }
.Lfunc_end2:
_tile_overlayer_lowered:
.L_overlay_start_2:
0x1ad: {  	(tag) =	ssettag $0x2  }
0x1ae: {  	s0 =	rddreg [dreg:$0x0];
	s2 =	stileid.u32  }
0x1af: {  	s1 =	rddreg [dreg:$0x1];
	p0 =	sne.s32 s2, $0x0  }
0x1b0: {  	s3 =	rddreg [dreg:$0x2];
	[bflag:$0x3] =	sbarrier.arrive $0xFFFF;
	s2 =	simm.s32 @!p0 $0x1C07  }
0x1b1: {  	[timem:s3], [sflag:s2] =	dma.local @!p0 [hbm:s0], s1  }
0x1b2: {  	s0 =	simm.s32 @!p0 $0x7  }
0x1b3: {  	_ =	swait.ge @!p0 [sflag:s0], s1  }
0x1b4: {  	s1 =	ssub.s32 @!p0 $0x0, s1;
	[sflag:s0] =	ssyncset.done @!p0 $0x0  }
0x1b5: {  	[sflag:s0] =	ssyncadd.s32 @!p0 s1  }
0x1b6: {  	[bflag:$0x3] =	sbarrier.arrive $0xFFFF  }
0x1b7: {  	_ =	shalt  }

// kernel: kernel.8.cloned.1.call-start
scs
__scs_entry_jumppad:
0x0: {  	(pc) =	sbr.rel $0x88, $3  }
0x1: {  	(tag) =	ssettag $0x0;
	lr =	simm.s32 $0x1  }
0x2: {  	[smem:$0x3F9B] =	sst lr;
	_ =	strace $0xD0000000  }
0x3: {  	_ = 	snop  }
0x4: {  	_ = 	snop  }
0x5: {  	_ = 	snop  }
0x6: {  	_ = 	snop  }
0x7: {  	_ = 	snop  }
__scs_overlays_trampoline_lowered:
0x8: {  	[smem:$0x3FAA] =	sst s0  }
0x9: {  	[smem:$0x3FAB] =	sst s1  }
0xa: {  	[smem:$0x3FAC] =	sst s2  }
0xb: {  	[smem:$0x3FAD] =	sst s3  }
0xc: {  	[smem:$0x3FAE] =	sst s4  }
0xd: {  	[smem:$0x3FAF] =	sst s5  }
0xe: {  	[smem:$0x3FB0] =	sst s6  }
0xf: {  	[smem:$0x3FB1] =	sst s7  }
0x10: {  	[smem:$0x3FB2] =	sst s8  }
0x11: {  	[smem:$0x3FB3] =	sst s9;
	s0 =	simm.s32 @!p0 $0x0  }
0x12: {  	s1 =	sld [smem:$0x3F99];
	s0 =	simm.s32 @p0 $0x1  }
0x13: {  	[smem:$0x3FB4] =	sst s0;
	s0 =	simm.s32 @!p1 $0x0  }
0x14: {  	s2 =	sld [smem:$0x3F98];
	s0 =	simm.s32 @p1 $0x1  }
0x15: {  	[smem:$0x3FB5] =	sst s0;
	s0 =	simm.s32 @!p2 $0x0  }
0x16: {  	s3 =	sld [smem:$0x3FDB];
	s0 =	simm.s32 @p2 $0x1  }
0x17: {  	s4 =	simm.s32 $0x1BF5;
	[smem:$0x3FB7] =	sst s0  }
0x18: {  	s0 =	sld [smem:$0x3F9A];
	_ =	swait.ge [sflag:s4], $0x0  }
0x19: {  	s7 =	sld [smem:$0x3F9B]  }
0x1a: {  	s8 =	sadd.s32 $0xFFFFE003, lr  }
0x1b: {  	s9 =	sadd.s32 $0xFFFFFEF7, lr;
	s5 =	simm.s32 $0xFFFFFFFF;
	p2 =	slt.u32 s8, $0xFFFFF086  }
0x1c: {  	p1 =	slt.u32 s9, $0xF7A;
	s5 =	simm.s32 @!p2 $0x0  }
0x1d: {  	s5 =	simm.s32 @p1 $0x1;
	p0 =	seq.s32 s7, s2  }
0x1e: {  	s7 =	smul.u32 @!p0 $0xF7A, s2;
	p2 =	seq.s32 @!p0 s5, $0x0  }
0x1f: {  	s9 =	smul.u32 $0xF7A, s1;
	s8 =	simm.s32 @!p0 $0x1BF5;
	p2 =	por !p2, p0  }
0x20: {  	[sflag:s8] =	ssyncset.s32 @!p0 $0xFFFFF086;
	s6 =	sadd.s32 @!p0 s3, s7;
	s7 =	simm.s32 @!p0 $0x108  }
0x21: {  	s3 =	sadd.s32 s3, s9;
	s6 =	sadd.s32 @!p0 $0x88, s6;
	s7 =	simm.s32 @p2 $0x1082  }
0x22: {  	[simem:s7], [sflag:s8] =	dma.local @!p0 [hbm:s6], $0xF7A  }
0x23: {  	s9 =	sor.u32 $0xD0000000, s2;
	s6 =	simm.s32 $0x108;
	_ =	swait.ge @!p0 [sflag:s8], $0x0  }
0x24: {  	s3 =	sadd.s32 $0x88, s3;
	s6 =	simm.s32 @!p1 $0x1082;
	[sflag:s4] =	ssyncset.s32 $0xFFFFF086  }
0x25: {  	[simem:s6], [sflag:s4] =	dma.local [hbm:s3], $0xF7A  }
0x26: {  	[smem:$0x3F9B] =	sst s1;
	(tag) =	ssettag s2;
	_ =	strace s9  }
0x27: {  	s1 =	sld [smem:$0x3FAB]  }
0x28: {  	s2 =	sld [smem:$0x3FAC]  }
0x29: {  	s4 =	sld [smem:$0x3FAE]  }
0x2a: {  	p0 =	seq.s32 s5, $0x0;
	s5 =	sld [smem:$0x3FAF]  }
0x2b: {  	s6 =	sld [smem:$0x3FB0]  }
0x2c: {  	s7 =	sld [smem:$0x3FB1]  }
0x2d: {  	s3 =	simm.s32 $0x108;
	s8 =	sld [smem:$0x3FB2]  }
0x2e: {  	s3 =	simm.s32 @!p0 $0x1082;
	s9 =	sld [smem:$0x3FB3]  }
0x2f: {  	lr =	sadd.s32 s0, s3;
	s0 =	sld [smem:$0x3FAA]  }
0x30: {  	s3 =	sld [smem:$0x3FAD]  }
0x31: {  	[smem:$0x3FB6] =	sst s10  }
0x32: {  	s10 =	sld [smem:$0x3FB4];
	_ =	sdelay $0x3  }
0x33: {  	p0 =	seq.s32 s10, $0x1;
	s10 =	sld [smem:$0x3FB6];
	_ =	sdelay $0x3  }
0x34: {  	[smem:$0x3FB6] =	sst s10  }
0x35: {  	s10 =	sld [smem:$0x3FB5];
	_ =	sdelay $0x3  }
0x36: {  	p1 =	seq.s32 s10, $0x1;
	s10 =	sld [smem:$0x3FB6];
	_ =	sdelay $0x3  }
0x37: {  	[smem:$0x3FB6] =	sst s10  }
0x38: {  	s10 =	sld [smem:$0x3FB7]  }
0x39: {  	_ = 	snop;
	(pc) =	sbr.ind lr, $3  }
0x3a: {  	_ = 	snop  }
0x3b: {  	_ = 	snop  }
0x3c: {  	p2 =	seq.s32 s10, $0x1;
	s10 =	sld [smem:$0x3FB6]  }
0x3d: {  	_ =	shalt  }
0x3e: {  	_ =	shalt  }
0x3f: {  	_ =	shalt  }
0x40: {  	_ =	shalt  }
0x41: {  	_ =	shalt  }
0x42: {  	_ =	shalt  }
0x43: {  	_ =	shalt  }
0x44: {  	_ =	shalt  }
0x45: {  	_ =	shalt  }
0x46: {  	_ =	shalt  }
0x47: {  	_ =	shalt  }
0x48: {  	_ =	shalt  }
0x49: {  	_ =	shalt  }
0x4a: {  	_ =	shalt  }
0x4b: {  	_ =	shalt  }
0x4c: {  	_ =	shalt  }
0x4d: {  	_ =	shalt  }
0x4e: {  	_ =	shalt  }
0x4f: {  	_ =	shalt  }
0x50: {  	_ =	shalt  }
0x51: {  	_ =	shalt  }
0x52: {  	_ =	shalt  }
0x53: {  	_ =	shalt  }
0x54: {  	_ =	shalt  }
0x55: {  	_ =	shalt  }
0x56: {  	_ =	shalt  }
0x57: {  	_ =	shalt  }
0x58: {  	_ =	shalt  }
0x59: {  	_ =	shalt  }
0x5a: {  	_ =	shalt  }
0x5b: {  	_ =	shalt  }
0x5c: {  	_ =	shalt  }
0x5d: {  	_ =	shalt  }
0x5e: {  	_ =	shalt  }
0x5f: {  	_ =	shalt  }
0x60: {  	_ =	shalt  }
0x61: {  	_ =	shalt  }
0x62: {  	_ =	shalt  }
0x63: {  	_ =	shalt  }
0x64: {  	_ =	shalt  }
0x65: {  	_ =	shalt  }
0x66: {  	_ =	shalt  }
0x67: {  	_ =	shalt  }
0x68: {  	_ =	shalt  }
0x69: {  	_ =	shalt  }
0x6a: {  	_ =	shalt  }
0x6b: {  	_ =	shalt  }
0x6c: {  	_ =	shalt  }
0x6d: {  	_ =	shalt  }
0x6e: {  	_ =	shalt  }
0x6f: {  	_ =	shalt  }
0x70: {  	_ =	shalt  }
0x71: {  	_ =	shalt  }
0x72: {  	_ =	shalt  }
0x73: {  	_ =	shalt  }
0x74: {  	_ =	shalt  }
0x75: {  	_ =	shalt  }
0x76: {  	_ =	shalt  }
0x77: {  	_ =	shalt  }
0x78: {  	_ =	shalt  }
0x79: {  	_ =	shalt  }
0x7a: {  	_ =	shalt  }
0x7b: {  	_ =	shalt  }
0x7c: {  	_ =	shalt  }
0x7d: {  	_ =	shalt  }
0x7e: {  	_ =	shalt  }
0x7f: {  	_ =	shalt  }
0x80: {  	_ =	shalt  }
0x81: {  	_ =	shalt  }
0x82: {  	_ =	shalt  }
0x83: {  	_ =	shalt  }
0x84: {  	_ =	shalt  }
0x85: {  	_ =	shalt  }
0x86: {  	_ =	shalt  }
0x87: {  	_ =	shalt  }
.Lfunc_end0:
.L_simem_size_0:
called_computation_lowered:
.L_overlay_start_0:
0x88: {  	s2 =	sld [smem:$0x3FD9]  }
0x89: {  	s3 =	sld [smem:$0x3FFE];
	_ =	sdelay $0x1  }
0x8a: {  	s1 =	srdreg.scid  }
0x8b: {  	s0 =	sand.u32 $0x1, s1  }
0x8c: {  	s16 =	sshll.u32 s0, $0xA;
	s2 =	sadd.s32 s3, s2  }
0x8d: {  	s2 =	sadd.s32 s2, s16  }
0x8e: {  	[smem:$0x3FC2] =	sst s2  }
0x8f: {  	_ = 	snop  }
0x90: {  	(tm) =	ssettm $0x1  }
0x91: {  	s17 =	sld [smem:$0x3FFB];
	_ =	sdelay $0x3  }
0x92: {  	_ =	strace s17  }
0x93: {  	s2 =	sld [smem:$0x3FFC];
	_ =	sdelay $0x3  }
0x94: {  	_ =	strace s2  }
0x95: {  	s2 =	sld [smem:$0x3FFD];
	_ =	sdelay $0x3  }
0x96: {  	_ =	strace s2  }
0x97: {  	_ =	strace $0x8FFFFFFF  }
0x98: {  	s18 =	sld [smem:$0x3FDB];
	_ =	sdelay $0x1  }
0x99: {  	s19 =	simm.s32 $_scs_section_size  }
0x9a: {  	s4 =	simm.s32 $_size__tile_overlayer_lowered;
	s5 =	simm.s32 $_tile_overlayer_lowered  }
0x9b: {  	s22 =	simm.s32 $0x1BFF;
	s21 =	sshll.u32 s5, $0x1;
	s2 =	sadd.s32 s19, s18  }
0x9c: {  	s6 =	simm.s32 $0x0;
	s20 =	sshll.u32 s4, $0x1;
	s4 =	sadd.s32 s21, s2  }
0x9d: {  	[timem:s6], [sflag:s22] =	dma.local [hbm:s4], s20  }
0x9e: {  	_ =	swait.ge [sflag:s22], s20  }
0x9f: {  	s3 =	ssub.s32 $0x0, s20;
	[sflag:s22] =	ssyncset.done $0x0  }
0xa0: {  	[sflag:s22] =	ssyncadd.s32 s3;
	_ =	sdelay $0x1  }
0xa1: {  	s23 =	simm.s32 $0x1B8B  }
0xa2: {  	_ =	swait.ge [sflag:s23], $0x1  }
0xa3: {  	[sflag:s23] =	ssyncset.done $0x0  }
0xa4: {  	s25 =	simm.s32 $0x1B8E;
	s24 =	sld [smem:$0x3FFE];
	[sflag:s23] =	ssyncadd.s32 $0xFFFFFFFF  }
0xa5: {  	s26 =	simm.s32 $execute0_lowered;
	[smem:$0x3FD2] =	sst s25  }
0xa6: {  	s4 =	sshll.u32 s26, $0x1;
	_ =	strace $0x80000046;
	[dreg:$0x1] =	wrdreg $0xFFFFFFFF  }
0xa7: {  	s28 =	simm.s32 $_size_execute0_lowered;
	s2 =	sadd.s32 s2, s4;
	[dreg:$0x0] =	wrdreg $0x0  }
0xa8: {  	s4 =	sshll.u32 s28, $0x1;
	[dreg:$0x2] =	wrdreg s2  }
0xa9: {  	[dreg:$0x3] =	wrdreg s4  }
0xaa: {  	[dreg:$0x4] =	wrdreg $0xC0  }
0xab: {  	_ =	task [dreg:s6], $0x5FFFF  }
0xac: {  	[dreg:$0x1] =	wrdreg $0xFFFFFFFF  }
0xad: {  	[dreg:$0x0] =	wrdreg $0x60  }
0xae: {  	[dreg:$0x2] =	wrdreg s24  }
0xaf: {  	[dreg:$0x3] =	wrdreg $0x0  }
0xb0: {  	[dreg:$0x4] =	wrdreg $0x9  }
0xb1: {  	_ =	task.clear_ibuf [dreg:s6], $0x5FFFF;
	_ =	strace $0x90000046  }
0xb2: {  	s29 =	simm.s32 $0x9;
	_ =	strace $0x80000048  }
0xb3: {  	_ =	swait.ge [sflag:s29], $0x1  }
0xb4: {  	[sflag:s29] =	ssyncadd.s32 $0xFFFFFFFF  }
0xb5: {  	_ =	strace $0x90000048  }
0xb6: {  	_ =	sfence  }
0xb7: {  	s30 =	sld [smem:$0x0];
	_ =	sdelay $0x2  }
0xb8: {  	s31 =	sshll.u32 s1, $0xD;
	s1 =	sshrl.u32 s1, $0x2  }
0xb9: {  	s3 =	sand.u32 $0x4000, s31;
	s1 =	sadd.s32 s1, s30  }
0xba: {  	s0 =	sor.u32 s3, s0;
	s1 =	sshll.u32 s1, $0x11  }
0xbb: {  	s0 =	sor.u32 s1, s0  }
0xbc: {  	s0 =	sadd.s32 $0x8F2B, s0  }
0xbd: {  	[sflag:s0] =	ssyncadd.remote.s32 $0x1  }
0xbe: {  	_ =	sfence.sel $0xFFFF  }
0xbf: {  	[dreg:$0x0] =	wrdreg $0xFFFFFFFF;
	(pc) =	sbr.abs _section_cstart, $3  }
0xc0: {  	[dreg:$0x1] =	wrdreg $0xFFFFFFFF  }
0xc1: {  	_ =	task.clear_ibuf [dreg:s6], $0x2FFFF;
	_ =	strace $0x9FFFFFFF  }
0xc2: {  	(tm) =	ssettm $0x7FFFFFFF  }
0xc3: {  	_ =	shalt  }
tec
execute0_lowered:
.L_overlay_start_1:
0x0: {  	(tag) =	ssettag $0x1  }
0x1: {  	s5 =	rddreg [dreg:$0x0]  }
0x2: {  	s0 =	srdreg.scid;
	s2 =	rddreg [dreg:$0x1]  }
0x3: {  	s3 =	simm.s32 $0x0;
	s10 =	simm.s32 $0x7D0;
	s11 =	simm.s32 $0x4E20  }
0x4: {  	s12 =	simm.s32 $0x2EE0;
	s13 =	simm.s32 $0x36B0;
	s14 =	simm.s32 $0x3E80  }
0x5: {  	s15 =	simm.s32 $0x4650;
	s4 =	sand.u32 $0x1, s0;
	s0 =	stileid.u32  }
0x6: {  	s16 =	simm.s32 $0x1;
	[smem:$0x7FF] =	sst s3;
	s7 =	smul.u32 $0x4E20, s4  }
0x7: {  	s1 =	sshll.u32 s4, $0x4;
	s4 =	ssub.s32 $0x2, s4;
	s8 =	smul.u32 $0x2710, s0  }
0x8: {  	s6 =	sor.u32 s0, s1;
	s1 =	rddreg [dreg:$0x2];
	_ =	strace $0x80000047  }
0x9: {  	s31 =	sshrl.u32 s4, $0x1;
	s6 =	smul.u32 $0x4E2, s6;
	s7 =	sadd.s32 s7, s5  }
0xa: {  	s9 =	ssub.s32 s4, s31;
	s18 =	sshrl.u32 s8, $0x3;
	s17 =	sadd.s32 $0x16000, s7  }
0xb: {  	s7 =	simm.s32 $0x2710;
	s6 =	sadd.s32 s6, s5;
	s5 =	sadd.s32 s8, s2  }
0xc: {  	s8 =	simm.s32 $0x2;
	s17 =	sadd.s32 s18, s17;
	s18 =	simm.s32 $0x0  }
0xd: {  	v0 =	vimm.f32 $1.000000000e+00;
	v1 =	vimm.f32 $0.0e+00;
	s4 =	sadd.s32 $0x2400, s6;
	s6 =	smax.u32 s9, $0x1;
	s9 =	simm.s32 $0xCB20  }
.LBB2_1:
0xe: {  	s19 =	simm.s32 $0x0  }
.LBB2_2:
0xf: {  	p0 =	sne.s32 s19, $0x1F300  }
.Ltmp0:
0x10: {  	s20 =	sshra.s32 s19, $0x2;
	(pc) =	sbr.rel @p0 .LBB2_2-.Ltmp0, $4  }
0x11: {  	[tilespmem:s20+$0x4E20] =	vst v0  }
0x12: {  	[tilespmem:s20+$0x4E30] =	vst v0  }
0x13: {  	[tilespmem:s20+$0x4E40] =	vst v0  }
0x14: {  	s19 =	sadd.s32 $0x100, s19;
	[tilespmem:s20+$0x4E50] =	vst v0  }
0x15: {  	s20 =	simm.s32 $0x140;
	s19 =	simm.s32 $0x0  }
.LBB2_4:
0x16: {  	p0 =	sne.s32 s20, $0x9B00;
	[tilespmem:s19+$0xCB60] =	vst v1;
	s21 =	smov.u32 s20;
	s20 =	sadd.s32 $0x140, s20  }
.Ltmp1:
0x17: {  	[tilespmem:s19+$0xCB50] =	vst v1;
	(pc) =	sbr.rel @p0 .LBB2_4-.Ltmp1, $4  }
0x18: {  	[tilespmem:s19+$0xCB40] =	vst v1  }
0x19: {  	[tilespmem:s19+$0xCB20] =	vst v1  }
0x1a: {  	[tilespmem:s19+$0xCB30] =	vst v1  }
0x1b: {  	s19 =	sshra.s32 s21, $0x2  }
0x1c: {  	[tilespmem:s19+$0xCB60] =	vst v1  }
0x1d: {  	[tilespmem:s19+$0xCB50] =	vst v1  }
0x1e: {  	[tilespmem:s19+$0xCB40] =	vst v1  }
0x1f: {  	[tilespmem:s19+$0xCB20] =	vst v1  }
0x20: {  	[tilespmem:s19+$0xCB30] =	vst v1  }
0x21: {  	[tilespmem:s7], [sflag:$0x2] =	stream.linear.gather [hbm4b:s4+s3], $0x2710, $0x38;
	[tilespmem:$0xF230] =	vst v63  }
0x22: {  	_ =	swait.ge [sflag:s8], $0x2710  }
0x23: {  	[sflag:s8] =	ssyncset.done $0x0  }
0x24: {  	[sflag:s8] =	ssyncadd.s32 $0xFFFFD8F0  }
0x25: {  	[spmem:s5] =	stream.linear.scatter [tilespmem:s9], [sflag:$0x2], $0x2710, $0x38;
	[tilespmem:$0xF230] =	vst v63  }
0x26: {  	_ =	swait.ge [sflag:s8], $0x2710  }
0x27: {  	[sflag:s8] =	ssyncset.done $0x0  }
0x28: {  	[sflag:s8] =	ssyncadd.s32 $0xFFFFD8F0  }
0x29: {  	[bflag:$0x0] =	sbarrier.arrive $0xFFFF  }
0x2a: {  	[spmem:s2] =	stream.indirect.scatter.add.f32 [tilespmem:s11], [sflag:$0x1], $0x10, s7, s10, $0xb8;
	[tilespmem:$0xF230] =	vst v63  }
0x2b: {  	_ = 	snop  }
0x2c: {  	[spmem:s2] =	stream.indirect.scatter.add.f32 [tilespmem:s11], [sflag:$0x1], $0x10, s12, s10, $0xb8;
	[tilespmem:$0xF230] =	vst v63  }
0x2d: {  	_ = 	snop  }
0x2e: {  	[spmem:s2] =	stream.indirect.scatter.add.f32 [tilespmem:s11], [sflag:$0x1], $0x10, s13, s10, $0xb8;
	[tilespmem:$0xF230] =	vst v63  }
0x2f: {  	_ = 	snop  }
0x30: {  	[spmem:s2] =	stream.indirect.scatter.add.f32 [tilespmem:s11], [sflag:$0x1], $0x10, s14, s10, $0xb8;
	[tilespmem:$0xF230] =	vst v63  }
0x31: {  	_ = 	snop  }
0x32: {  	[spmem:s2] =	stream.indirect.scatter.add.f32 [tilespmem:s11], [sflag:$0x1], $0x10, s15, s10, $0xb8;
	[tilespmem:$0xF230] =	vst v63  }
0x33: {  	_ =	swait.ge [sflag:s16], $0x7D00  }
0x34: {  	[sflag:s16] =	ssyncset.done $0x0  }
0x35: {  	[sflag:s16] =	ssyncadd.s32 $0xFFFF8300  }
0x36: {  	_ =	swait.ge [sflag:s16], $0x7D00  }
0x37: {  	[sflag:s16] =	ssyncset.done $0x0  }
0x38: {  	[sflag:s16] =	ssyncadd.s32 $0xFFFF8300  }
0x39: {  	_ =	swait.ge [sflag:s16], $0x7D00  }
0x3a: {  	[sflag:s16] =	ssyncset.done $0x0  }
0x3b: {  	[sflag:s16] =	ssyncadd.s32 $0xFFFF8300  }
0x3c: {  	_ =	swait.ge [sflag:s16], $0x7D00  }
0x3d: {  	[sflag:s16] =	ssyncset.done $0x0  }
0x3e: {  	[sflag:s16] =	ssyncadd.s32 $0xFFFF8300  }
0x3f: {  	_ =	swait.ge [sflag:s16], $0x7D00  }
0x40: {  	s31 =	sshll.u32 s0, $0x6;
	s18 =	sadd.s32 $0x1, s18;
	[sflag:s16] =	ssyncset.done $0x0  }
0x41: {  	s20 =	sshrl.u32 s5, $0x3;
	p0 =	sne.s32 s18, s6;
	[sflag:s16] =	ssyncadd.s32 $0xFFFF8300  }
.Ltmp2:
0x42: {  	s19 =	sor.u32 $0x1C02, s31;
	[bflag:$0x0] =	sbarrier.arrive $0xFFFF;
	(pc) =	sbr.rel @p0 .LBB2_1-.Ltmp2, $4  }
0x43: {  	[hbm:s17], [sflag:s19] =	dma.local [spmem:s20], $0x4E2  }
0x44: {  	_ =	swait.ge [sflag:s8], $0x4E2  }
0x45: {  	[sflag:s8] =	ssyncset.done $0x0  }
0x46: {  	[sflag:s8] =	ssyncadd.s32 $0xFFFFFB1E  }
0x47: {  	_ =	sfence.sel $0x180000  }
0x48: {  	[bflag:$0x0] =	sbarrier.arrive $0xFFFF  }
0x49: {  	p0 =	sne.s32 s0, $0x0;
	_ =	strace $0x90000047  }
0x4a: {  	s0 =	sadd.s32 @!p0 $0x100000, s1;
	[bflag:$0x2] =	sbarrier.arrive $0xFFFF  }
0x4b: {  	[sflag:s0] =	ssyncadd.tile.s32 @!p0 $0x1;
	_ =	shalt  }
.Lfunc_end2:
_tile_overlayer_lowered:
.L_overlay_start_2:
0x4c: {  	(tag) =	ssettag $0x2  }
0x4d: {  	s0 =	rddreg [dreg:$0x0];
	s2 =	stileid.u32  }
0x4e: {  	s1 =	rddreg [dreg:$0x1];
	p0 =	sne.s32 s2, $0x0  }
0x4f: {  	s3 =	rddreg [dreg:$0x2];
	[bflag:$0x3] =	sbarrier.arrive $0xFFFF;
	s2 =	simm.s32 @!p0 $0x1C02  }
0x50: {  	[timem:s3], [sflag:s2] =	dma.local @!p0 [hbm:s0], s1  }
0x51: {  	s0 =	simm.s32 @!p0 $0x2  }
0x52: {  	_ =	swait.ge @!p0 [sflag:s0], s1  }
0x53: {  	s1 =	ssub.s32 @!p0 $0x0, s1;
	[sflag:s0] =	ssyncset.done @!p0 $0x0  }
0x54: {  	[sflag:s0] =	ssyncadd.s32 @!p0 s1  }
0x55: {  	[bflag:$0x3] =	sbarrier.arrive $0xFFFF  }
0x56: {  	_ =	shalt  }

</sc_bundles>
